<compile_context>
chip_gen: v7x
topology: tpu7x:2x2x1
jax: 0.10.2.dev20260603
libtpu: 0.0.44.dev20260713+nightly
codegen_flags: <defaults>
</compile_context>

<pallas_src>
import functools

import jax
import jax.numpy as jnp
from jax import lax
from jax.experimental import pallas as pl
from jax.experimental.pallas import tpu as pltpu
from jax.experimental.pallas import tpu_sc as plsc

NC, NS = 2, 16
CB = 20480
BB = 128


def _t1_table_to_rowmajor(V, E):
    nblk = (V + CB - 1) // CB
    CBH = CB // 2

    def body(x_ref, o_ref):
        eye = jnp.eye(E, dtype=jnp.float32)
        xt = jax.lax.dot_general(
            x_ref[...], eye, (((0,), (0,)), ((), ())),
            preferred_element_type=jnp.float32)
        o_ref[...] = jnp.concatenate([xt[:CBH], xt[CBH:]], axis=-1)

    return pl.pallas_call(
        body,
        grid=(nblk,),
        in_specs=[pl.BlockSpec((E, CB), lambda i: (0, i))],
        out_specs=pl.BlockSpec((CBH, 2 * E), lambda i: (i, 0)),
        out_shape=jax.ShapeDtypeStruct((nblk * CBH, 2 * E), jnp.float32),
    )


def _sc_gather(BL, V, E, per_w, chunk):
    n_chunks = per_w // chunk
    mesh = plsc.VectorSubcoreMesh(core_axis_name="c", subcore_axis_name="s")

    @functools.partial(
        pl.kernel,
        out_type=jax.ShapeDtypeStruct((BL, E), jnp.float32),
        mesh=mesh,
        scratch_types=[
            pltpu.VMEM((2, chunk), jnp.int32),
            pltpu.VMEM((2, chunk, E), jnp.float32),
            pltpu.SemaphoreType.DMA((2,)),
            pltpu.SemaphoreType.DMA((2,)),
            pltpu.SemaphoreType.DMA((2,)),
        ],
        compiler_params=pltpu.CompilerParams(use_tc_tiling_on_sc=False),
    )
    def k(seq_hbm, table_hbm, out_hbm, idx2, rows2, si, sg, ss):
        wid = lax.axis_index("s") * NC + lax.axis_index("c")
        w_base = wid * per_w

        def start_idx(g, b):
            pltpu.async_copy(
                seq_hbm.at[pl.ds(w_base + g * chunk, chunk)], idx2.at[b],
                si.at[b])

        def wait_idx(b):
            pltpu.make_async_copy(
                seq_hbm.at[pl.ds(0, chunk)], idx2.at[b], si.at[b]).wait()

        def start_gather(b):
            pltpu.async_copy(table_hbm.at[idx2.at[b]], rows2.at[b], sg.at[b])

        def wait_gather(b):
            pltpu.make_async_copy(
                table_hbm.at[idx2.at[b]], rows2.at[b], sg.at[b]).wait()

        def start_store(g, b):
            pltpu.async_copy(
                rows2.at[b], out_hbm.at[pl.ds(w_base + g * chunk, chunk)],
                ss.at[b])

        def wait_store(b):
            pltpu.make_async_copy(
                rows2.at[b], out_hbm.at[pl.ds(0, chunk)], ss.at[b]).wait()

        start_idx(0, 0)
        wait_idx(0)
        start_gather(0)
        start_idx(1, 1)

        def half(g, b):
            wait_idx(b)
            start_gather(b)
            wait_gather(1 - b)

            @pl.when(g + 1 < n_chunks)
            def _():
                start_idx(g + 1, 1 - b)

            start_store(g - 1, 1 - b)

        half(1, 1)

        def pair_body(p, carry):
            g = 2 * p
            wait_store(0)
            half(g, 0)
            wait_store(1)
            half(g + 1, 1)
            return carry

        lax.fori_loop(1, n_chunks // 2, pair_body, 0)

        b_last = (n_chunks - 1) % 2
        wait_gather(b_last)
        start_store(n_chunks - 1, b_last)
        wait_store(1 - b_last)
        wait_store(b_last)

    return k


def _t2_to_native_plus_pe(B, L, E):
    P = L // 2

    def body(x_ref, pe_ref, o_ref):
        x3 = x_ref[...].reshape(BB, P, 2 * E)
        pe_v = pe_ref[...]
        for p in range(P):
            xp = x3[:, p, :].T
            o_ref[2 * p] = xp[:E, :] + pe_v[2 * p][:, None]
            o_ref[2 * p + 1] = xp[E:, :] + pe_v[2 * p + 1][:, None]

    return pl.pallas_call(
        body,
        grid=(B // BB,),
        in_specs=[
            pl.BlockSpec((BB * P, 2 * E), lambda bi: (bi, 0)),
            pl.BlockSpec((L, E), lambda bi: (0, 0)),
        ],
        out_specs=pl.BlockSpec((L, E, BB), lambda bi: (0, 0, bi)),
        out_shape=jax.ShapeDtypeStruct((L, E, B), jnp.float32),
    )


def kernel(sequence, token_table, pe):
    B, L = sequence.shape
    V, E = token_table.shape
    BL = B * L
    n_workers = NC * NS
    per_w = BL // n_workers
    chunk = 800
    assert BL % n_workers == 0 and per_w % (2 * chunk) == 0
    assert B % BB == 0 and L % 2 == 0

    nblk = (V + CB - 1) // CB
    table_rm = _t1_table_to_rowmajor(V, E)(token_table.T)
    table_lin = table_rm.reshape(nblk * CB, E)

    t = sequence.astype(jnp.int32)
    c, j = t // CB, t % CB
    gidx = c * CB + 2 * (j % (CB // 2)) + j // (CB // 2)
    seq_flat = gidx.reshape(BL)
    flat = _sc_gather(BL, V, E, per_w, chunk)(seq_flat, table_lin)

    t2in = flat.reshape(B * L // 2, 2 * E)
    out_T = _t2_to_native_plus_pe(B, L, E)(t2in, pe[:L])
    return out_T.transpose(2, 0, 1)

# --- scband reference (transcript-rebuilt; emitter-appended) ---
"""Pipeline reference for scband-bertembedding-9723805958601 (READ-ONLY COPY).

The authoritative reference and input builder live on the scoring server;
editing this copy changes nothing except your own understanding.
"""

import jax, jax.numpy as jnp
import numpy as np

VOCAB = 1000000
EMBED = 64
MAX_LEN = 512
B, L = 4096, 200


def _positional_embedding(max_len, d_model):
    pos = np.arange(max_len, dtype=np.float32)[:, None]
    i = np.arange(0, d_model, 2, dtype=np.float32)
    div_term = np.exp(-(np.log(10000.0)) * i / d_model)
    pe = np.zeros((max_len, d_model), dtype=np.float32)
    pe[:, 0::2] = np.sin(pos * div_term)
    pe[:, 1::2] = np.cos(pos * div_term)
    return jnp.asarray(pe)


def setup_inputs(seed: int = 0) -> dict:
    key = jax.random.key(seed)
    k1, k2 = jax.random.split(key)
    sequence = jax.random.randint(k1, (B, L), 0, VOCAB)
    token_table = jax.random.normal(k2, (VOCAB, EMBED), dtype=jnp.float32) * 0.02
    pe = _positional_embedding(MAX_LEN, EMBED)
    return {"sequence": sequence, "token_table": token_table, "pe": pe}


def reference(sequence, token_table, pe):
    # TokenEmbedding: gather rows from the token table
    tok = jnp.take(token_table, sequence, axis=0)  # [B, L, EMBED]
    # PositionalEmbedding: fixed sinusoidal table sliced to sequence length
    pos = pe[: sequence.shape[1]][None, :, :]  # [1, L, EMBED]
    x = tok + pos
    # Dropout in eval mode is identity (deterministic reference)
    return x

if __name__ == "__main__":
    import jax
    _d = setup_inputs()
    print(jax.jit(kernel)(*tuple(_d.values())))

</pallas_src>

<mosaic_0001>
#map = affine_map<(d0, d1) -> (0)>
#map1 = affine_map<(d0, d1) -> (0, 0)>
module attributes {stable_mosaic.version = 14 : i64} {
  func.func @k(%arg0: i32, %arg1: i32, %arg2: memref<819200xi32, #tpu.memory_space<hbm>>, %arg3: memref<1003520x64xf32, #tpu.memory_space<hbm>>, %arg4: memref<819200x64xf32, #tpu.memory_space<hbm>>, %arg5: memref<2x800xi32, #tpu.memory_space<vmem>>, %arg6: memref<2x800x64xf32, #tpu.memory_space<vmem>>, %arg7: memref<2x!tpu.dma_semaphore, #tpu.memory_space<semaphore_mem>>, %arg8: memref<2x!tpu.dma_semaphore, #tpu.memory_space<semaphore_mem>>, %arg9: memref<2x!tpu.dma_semaphore, #tpu.memory_space<semaphore_mem>>) attributes {dimension_semantics = [#tpu.dimension_semantics<core_parallel>, #tpu.dimension_semantics<subcore_parallel>], iteration_bounds = array<i64: 2, 16>, scalar_prefetch = 0 : i64, scratch_operands = 5 : i64, tpu.core_type = #tpu.core_type<sc_vector_subcore>, window_params = [{transform_indices = #map}, {transform_indices = #map1}, {transform_indices = #map1}]} {
    %mul3A = arith.constant 2 : i32
    %mul3A_0 = arith.muli %arg1, %mul3A : i32
    %add3A = arith.addi %mul3A_0, %arg0 : i32
    %mul3A_1 = arith.constant 25600 : i32
    %mul3A_2 = arith.muli %add3A, %mul3A_1 : i32
    %add3A_3 = arith.constant 0 : i32
    %add3A_4 = arith.addi %mul3A_2, %add3A_3 : i32
    %dma_start3A = arith.constant 0 : i32
    %dma_start3A_5 = arith.constant 0 : i32
    %dma_start3A_6 = arith.constant 0 : i32
    %dma_start3A_7 = tpu.memref_slice %arg5[%dma_start3A, %dma_start3A_6] : memref<2x800xi32, #tpu.memory_space<vmem>> -> memref<1x800xi32, #tpu.memory_space<vmem>>
    %dma_start3A_8 = tpu.memref_squeeze %dma_start3A_7 : memref<1x800xi32, #tpu.memory_space<vmem>> -> memref<800xi32, #tpu.memory_space<vmem>>
    %dma_start3A_9 = tpu.memref_slice %arg2[%add3A_4] : memref<819200xi32, #tpu.memory_space<hbm>> -> memref<800xi32, #tpu.memory_space<hbm>>
    %dma_start3A_10 = tpu.memref_slice %arg7[%dma_start3A_5] : memref<2x!tpu.dma_semaphore, #tpu.memory_space<semaphore_mem>> -> memref<1x!tpu.dma_semaphore, #tpu.memory_space<semaphore_mem>>
    %dma_start3A_11 = tpu.memref_squeeze %dma_start3A_10 : memref<1x!tpu.dma_semaphore, #tpu.memory_space<semaphore_mem>> -> memref<!tpu.dma_semaphore, #tpu.memory_space<semaphore_mem>>
    %dma_start3A_12 = arith.constant 0 : i32
    %dma_start3A_13 = tpu.memref_slice %arg5[%dma_start3A, %dma_start3A_12] : memref<2x800xi32, #tpu.memory_space<vmem>> -> memref<1x800xi32, #tpu.memory_space<vmem>>
    %dma_start3A_14 = tpu.memref_squeeze %dma_start3A_13 : memref<1x800xi32, #tpu.memory_space<vmem>> -> memref<800xi32, #tpu.memory_space<vmem>>
    %dma_start3A_15 = tpu.memref_slice %arg2[%add3A_4] : memref<819200xi32, #tpu.memory_space<hbm>> -> memref<800xi32, #tpu.memory_space<hbm>>
    tpu.enqueue_dma source(%dma_start3A_15 : memref<800xi32, #tpu.memory_space<hbm>>) target(%dma_start3A_14 : memref<800xi32, #tpu.memory_space<vmem>>) target_semaphore(%dma_start3A_11 : memref<!tpu.dma_semaphore, #tpu.memory_space<semaphore_mem>>)
    %dma_wait3A = arith.constant 0 : i32
    %dma_wait3A_16 = arith.constant 0 : i32
    %dma_wait3A_17 = arith.constant 0 : i32
    %dma_wait3A_18 = tpu.memref_slice %arg5[%dma_wait3A, %dma_wait3A_17] : memref<2x800xi32, #tpu.memory_space<vmem>> -> memref<1x800xi32, #tpu.memory_space<vmem>>
    %dma_wait3A_19 = tpu.memref_squeeze %dma_wait3A_18 : memref<1x800xi32, #tpu.memory_space<vmem>> -> memref<800xi32, #tpu.memory_space<vmem>>
    %dma_wait3A_20 = arith.constant 0 : i32
    %dma_wait3A_21 = tpu.memref_slice %arg2[%dma_wait3A_20] : memref<819200xi32, #tpu.memory_space<hbm>> -> memref<800xi32, #tpu.memory_space<hbm>>
    %dma_wait3A_22 = tpu.memref_slice %arg7[%dma_wait3A_16] : memref<2x!tpu.dma_semaphore, #tpu.memory_space<semaphore_mem>> -> memref<1x!tpu.dma_semaphore, #tpu.memory_space<semaphore_mem>>
    %dma_wait3A_23 = tpu.memref_squeeze %dma_wait3A_22 : memref<1x!tpu.dma_semaphore, #tpu.memory_space<semaphore_mem>> -> memref<!tpu.dma_semaphore, #tpu.memory_space<semaphore_mem>>
    %dma_wait3A_24 = arith.constant 0 : i32
    %dma_wait3A_25 = tpu.memref_slice %arg5[%dma_wait3A, %dma_wait3A_24] : memref<2x800xi32, #tpu.memory_space<vmem>> -> memref<1x800xi32, #tpu.memory_space<vmem>>
    %dma_wait3A_26 = tpu.memref_squeeze %dma_wait3A_25 : memref<1x800xi32, #tpu.memory_space<vmem>> -> memref<800xi32, #tpu.memory_space<vmem>>
    %dma_wait3A_27 = arith.constant 0 : i32
    %dma_wait3A_28 = tpu.memref_slice %arg2[%dma_wait3A_27] : memref<819200xi32, #tpu.memory_space<hbm>> -> memref<800xi32, #tpu.memory_space<hbm>>
    tpu.wait_dma2 semaphore(%dma_wait3A_23 : memref<!tpu.dma_semaphore, #tpu.memory_space<semaphore_mem>>) src(%dma_wait3A_28 : memref<800xi32, #tpu.memory_space<hbm>>) dst(%dma_wait3A_26 : memref<800xi32, #tpu.memory_space<vmem>>)
    %dma_start3A_29 = arith.constant 0 : i32
    %dma_start3A_30 = arith.constant 0 : i32
    %dma_start3A_31 = arith.constant 0 : i32
    %dma_start3A_32 = arith.constant 0 : i32
    %dma_start3A_33 = arith.constant 0 : i32
    %dma_start3A_34 = tpu.memref_slice %arg6[%dma_start3A_30, %dma_start3A_32, %dma_start3A_33] : memref<2x800x64xf32, #tpu.memory_space<vmem>> -> memref<1x800x64xf32, #tpu.memory_space<vmem>>
    %dma_start3A_35 = tpu.memref_squeeze %dma_start3A_34 : memref<1x800x64xf32, #tpu.memory_space<vmem>> -> memref<800x64xf32, #tpu.memory_space<vmem>>
    %dma_start3A_36 = arith.constant 0 : i32
    %dma_start3A_37 = tpu.memref_slice %arg5[%dma_start3A_29, %dma_start3A_36] : memref<2x800xi32, #tpu.memory_space<vmem>> -> memref<1x800xi32, #tpu.memory_space<vmem>>
    %dma_start3A_38 = tpu.memref_squeeze %dma_start3A_37 : memref<1x800xi32, #tpu.memory_space<vmem>> -> memref<800xi32, #tpu.memory_space<vmem>>
    %dma_start3A_39 = arith.constant 0 : i32
    %dma_start3A_40 = arith.constant 0 : i32
    %dma_start3A_41 = tpu.memref_slice %arg3[%dma_start3A_39, %dma_start3A_40] : memref<1003520x64xf32, #tpu.memory_space<hbm>> -> memref<1003520x64xf32, #tpu.memory_space<hbm>>
    %dma_start3A_42 = tpu.memref_slice %arg8[%dma_start3A_31] : memref<2x!tpu.dma_semaphore, #tpu.memory_space<semaphore_mem>> -> memref<1x!tpu.dma_semaphore, #tpu.memory_space<semaphore_mem>>
    %dma_start3A_43 = tpu.memref_squeeze %dma_start3A_42 : memref<1x!tpu.dma_semaphore, #tpu.memory_space<semaphore_mem>> -> memref<!tpu.dma_semaphore, #tpu.memory_space<semaphore_mem>>
    tpu.enqueue_indirect_dma source(%dma_start3A_41 : memref<1003520x64xf32, #tpu.memory_space<hbm>>) target(%dma_start3A_35 : memref<800x64xf32, #tpu.memory_space<vmem>>) offsets(%dma_start3A_38 : memref<800xi32, #tpu.memory_space<vmem>>) semaphore(%dma_start3A_43 : memref<!tpu.dma_semaphore, #tpu.memory_space<semaphore_mem>>)
    %add3A_44 = arith.constant 800 : i32
    %add3A_45 = arith.addi %mul3A_2, %add3A_44 : i32
    %dma_start3A_46 = arith.constant 1 : i32
    %dma_start3A_47 = arith.constant 1 : i32
    %dma_start3A_48 = arith.constant 0 : i32
    %dma_start3A_49 = tpu.memref_slice %arg5[%dma_start3A_46, %dma_start3A_48] : memref<2x800xi32, #tpu.memory_space<vmem>> -> memref<1x800xi32, #tpu.memory_space<vmem>>
    %dma_start3A_50 = tpu.memref_squeeze %dma_start3A_49 : memref<1x800xi32, #tpu.memory_space<vmem>> -> memref<800xi32, #tpu.memory_space<vmem>>
    %dma_start3A_51 = tpu.memref_slice %arg2[%add3A_45] : memref<819200xi32, #tpu.memory_space<hbm>> -> memref<800xi32, #tpu.memory_space<hbm>>
    %dma_start3A_52 = tpu.memref_slice %arg7[%dma_start3A_47] : memref<2x!tpu.dma_semaphore, #tpu.memory_space<semaphore_mem>> -> memref<1x!tpu.dma_semaphore, #tpu.memory_space<semaphore_mem>>
    %dma_start3A_53 = tpu.memref_squeeze %dma_start3A_52 : memref<1x!tpu.dma_semaphore, #tpu.memory_space<semaphore_mem>> -> memref<!tpu.dma_semaphore, #tpu.memory_space<semaphore_mem>>
    %dma_start3A_54 = arith.constant 0 : i32
    %dma_start3A_55 = tpu.memref_slice %arg5[%dma_start3A_46, %dma_start3A_54] : memref<2x800xi32, #tpu.memory_space<vmem>> -> memref<1x800xi32, #tpu.memory_space<vmem>>
    %dma_start3A_56 = tpu.memref_squeeze %dma_start3A_55 : memref<1x800xi32, #tpu.memory_space<vmem>> -> memref<800xi32, #tpu.memory_space<vmem>>
    %dma_start3A_57 = tpu.memref_slice %arg2[%add3A_45] : memref<819200xi32, #tpu.memory_space<hbm>> -> memref<800xi32, #tpu.memory_space<hbm>>
    tpu.enqueue_dma source(%dma_start3A_57 : memref<800xi32, #tpu.memory_space<hbm>>) target(%dma_start3A_56 : memref<800xi32, #tpu.memory_space<vmem>>) target_semaphore(%dma_start3A_53 : memref<!tpu.dma_semaphore, #tpu.memory_space<semaphore_mem>>)
    %dma_wait3A_58 = arith.constant 1 : i32
    %dma_wait3A_59 = arith.constant 1 : i32
    %dma_wait3A_60 = arith.constant 0 : i32
    %dma_wait3A_61 = tpu.memref_slice %arg5[%dma_wait3A_58, %dma_wait3A_60] : memref<2x800xi32, #tpu.memory_space<vmem>> -> memref<1x800xi32, #tpu.memory_space<vmem>>
    %dma_wait3A_62 = tpu.memref_squeeze %dma_wait3A_61 : memref<1x800xi32, #tpu.memory_space<vmem>> -> memref<800xi32, #tpu.memory_space<vmem>>
    %dma_wait3A_63 = arith.constant 0 : i32
    %dma_wait3A_64 = tpu.memref_slice %arg2[%dma_wait3A_63] : memref<819200xi32, #tpu.memory_space<hbm>> -> memref<800xi32, #tpu.memory_space<hbm>>
    %dma_wait3A_65 = tpu.memref_slice %arg7[%dma_wait3A_59] : memref<2x!tpu.dma_semaphore, #tpu.memory_space<semaphore_mem>> -> memref<1x!tpu.dma_semaphore, #tpu.memory_space<semaphore_mem>>
    %dma_wait3A_66 = tpu.memref_squeeze %dma_wait3A_65 : memref<1x!tpu.dma_semaphore, #tpu.memory_space<semaphore_mem>> -> memref<!tpu.dma_semaphore, #tpu.memory_space<semaphore_mem>>
    %dma_wait3A_67 = arith.constant 0 : i32
    %dma_wait3A_68 = tpu.memref_slice %arg5[%dma_wait3A_58, %dma_wait3A_67] : memref<2x800xi32, #tpu.memory_space<vmem>> -> memref<1x800xi32, #tpu.memory_space<vmem>>
    %dma_wait3A_69 = tpu.memref_squeeze %dma_wait3A_68 : memref<1x800xi32, #tpu.memory_space<vmem>> -> memref<800xi32, #tpu.memory_space<vmem>>
    %dma_wait3A_70 = arith.constant 0 : i32
    %dma_wait3A_71 = tpu.memref_slice %arg2[%dma_wait3A_70] : memref<819200xi32, #tpu.memory_space<hbm>> -> memref<800xi32, #tpu.memory_space<hbm>>
    tpu.wait_dma2 semaphore(%dma_wait3A_66 : memref<!tpu.dma_semaphore, #tpu.memory_space<semaphore_mem>>) src(%dma_wait3A_71 : memref<800xi32, #tpu.memory_space<hbm>>) dst(%dma_wait3A_69 : memref<800xi32, #tpu.memory_space<vmem>>)
    %dma_start3A_72 = arith.constant 1 : i32
    %dma_start3A_73 = arith.constant 1 : i32
    %dma_start3A_74 = arith.constant 1 : i32
    %dma_start3A_75 = arith.constant 0 : i32
    %dma_start3A_76 = arith.constant 0 : i32
    %dma_start3A_77 = tpu.memref_slice %arg6[%dma_start3A_73, %dma_start3A_75, %dma_start3A_76] : memref<2x800x64xf32, #tpu.memory_space<vmem>> -> memref<1x800x64xf32, #tpu.memory_space<vmem>>
    %dma_start3A_78 = tpu.memref_squeeze %dma_start3A_77 : memref<1x800x64xf32, #tpu.memory_space<vmem>> -> memref<800x64xf32, #tpu.memory_space<vmem>>
    %dma_start3A_79 = arith.constant 0 : i32
    %dma_start3A_80 = tpu.memref_slice %arg5[%dma_start3A_72, %dma_start3A_79] : memref<2x800xi32, #tpu.memory_space<vmem>> -> memref<1x800xi32, #tpu.memory_space<vmem>>
    %dma_start3A_81 = tpu.memref_squeeze %dma_start3A_80 : memref<1x800xi32, #tpu.memory_space<vmem>> -> memref<800xi32, #tpu.memory_space<vmem>>
    %dma_start3A_82 = arith.constant 0 : i32
    %dma_start3A_83 = arith.constant 0 : i32
    %dma_start3A_84 = tpu.memref_slice %arg3[%dma_start3A_82, %dma_start3A_83] : memref<1003520x64xf32, #tpu.memory_space<hbm>> -> memref<1003520x64xf32, #tpu.memory_space<hbm>>
    %dma_start3A_85 = tpu.memref_slice %arg8[%dma_start3A_74] : memref<2x!tpu.dma_semaphore, #tpu.memory_space<semaphore_mem>> -> memref<1x!tpu.dma_semaphore, #tpu.memory_space<semaphore_mem>>
    %dma_start3A_86 = tpu.memref_squeeze %dma_start3A_85 : memref<1x!tpu.dma_semaphore, #tpu.memory_space<semaphore_mem>> -> memref<!tpu.dma_semaphore, #tpu.memory_space<semaphore_mem>>
    tpu.enqueue_indirect_dma source(%dma_start3A_84 : memref<1003520x64xf32, #tpu.memory_space<hbm>>) target(%dma_start3A_78 : memref<800x64xf32, #tpu.memory_space<vmem>>) offsets(%dma_start3A_81 : memref<800xi32, #tpu.memory_space<vmem>>) semaphore(%dma_start3A_86 : memref<!tpu.dma_semaphore, #tpu.memory_space<semaphore_mem>>)
    %dma_wait3A_87 = arith.constant 0 : i32
    %dma_wait3A_88 = arith.constant 0 : i32
    %dma_wait3A_89 = arith.constant 0 : i32
    %dma_wait3A_90 = arith.constant 0 : i32
    %dma_wait3A_91 = arith.constant 0 : i32
    %dma_wait3A_92 = tpu.memref_slice %arg6[%dma_wait3A_88, %dma_wait3A_90, %dma_wait3A_91] : memref<2x800x64xf32, #tpu.memory_space<vmem>> -> memref<1x800x64xf32, #tpu.memory_space<vmem>>
    %dma_wait3A_93 = tpu.memref_squeeze %dma_wait3A_92 : memref<1x800x64xf32, #tpu.memory_space<vmem>> -> memref<800x64xf32, #tpu.memory_space<vmem>>
    %dma_wait3A_94 = arith.constant 0 : i32
    %dma_wait3A_95 = tpu.memref_slice %arg5[%dma_wait3A_87, %dma_wait3A_94] : memref<2x800xi32, #tpu.memory_space<vmem>> -> memref<1x800xi32, #tpu.memory_space<vmem>>
    %dma_wait3A_96 = tpu.memref_squeeze %dma_wait3A_95 : memref<1x800xi32, #tpu.memory_space<vmem>> -> memref<800xi32, #tpu.memory_space<vmem>>
    %dma_wait3A_97 = arith.constant 0 : i32
    %dma_wait3A_98 = arith.constant 0 : i32
    %dma_wait3A_99 = tpu.memref_slice %arg3[%dma_wait3A_97, %dma_wait3A_98] : memref<1003520x64xf32, #tpu.memory_space<hbm>> -> memref<1003520x64xf32, #tpu.memory_space<hbm>>
    %dma_wait3A_100 = tpu.memref_slice %arg8[%dma_wait3A_89] : memref<2x!tpu.dma_semaphore, #tpu.memory_space<semaphore_mem>> -> memref<1x!tpu.dma_semaphore, #tpu.memory_space<semaphore_mem>>
    %dma_wait3A_101 = tpu.memref_squeeze %dma_wait3A_100 : memref<1x!tpu.dma_semaphore, #tpu.memory_space<semaphore_mem>> -> memref<!tpu.dma_semaphore, #tpu.memory_space<semaphore_mem>>
    tpu.wait_indirect_dma semaphore(%dma_wait3A_101 : memref<!tpu.dma_semaphore, #tpu.memory_space<semaphore_mem>>) src(%dma_wait3A_99 : memref<1003520x64xf32, #tpu.memory_space<hbm>>) dst(%dma_wait3A_93 : memref<800x64xf32, #tpu.memory_space<vmem>>)
    %add3A_102 = arith.constant 1600 : i32
    %add3A_103 = arith.addi %mul3A_2, %add3A_102 : i32
    %dma_start3A_104 = arith.constant 0 : i32
    %dma_start3A_105 = arith.constant 0 : i32
    %dma_start3A_106 = arith.constant 0 : i32
    %dma_start3A_107 = tpu.memref_slice %arg5[%dma_start3A_104, %dma_start3A_106] : memref<2x800xi32, #tpu.memory_space<vmem>> -> memref<1x800xi32, #tpu.memory_space<vmem>>
    %dma_start3A_108 = tpu.memref_squeeze %dma_start3A_107 : memref<1x800xi32, #tpu.memory_space<vmem>> -> memref<800xi32, #tpu.memory_space<vmem>>
    %dma_start3A_109 = tpu.memref_slice %arg2[%add3A_103] : memref<819200xi32, #tpu.memory_space<hbm>> -> memref<800xi32, #tpu.memory_space<hbm>>
    %dma_start3A_110 = tpu.memref_slice %arg7[%dma_start3A_105] : memref<2x!tpu.dma_semaphore, #tpu.memory_space<semaphore_mem>> -> memref<1x!tpu.dma_semaphore, #tpu.memory_space<semaphore_mem>>
    %dma_start3A_111 = tpu.memref_squeeze %dma_start3A_110 : memref<1x!tpu.dma_semaphore, #tpu.memory_space<semaphore_mem>> -> memref<!tpu.dma_semaphore, #tpu.memory_space<semaphore_mem>>
    %dma_start3A_112 = arith.constant 0 : i32
    %dma_start3A_113 = tpu.memref_slice %arg5[%dma_start3A_104, %dma_start3A_112] : memref<2x800xi32, #tpu.memory_space<vmem>> -> memref<1x800xi32, #tpu.memory_space<vmem>>
    %dma_start3A_114 = tpu.memref_squeeze %dma_start3A_113 : memref<1x800xi32, #tpu.memory_space<vmem>> -> memref<800xi32, #tpu.memory_space<vmem>>
    %dma_start3A_115 = tpu.memref_slice %arg2[%add3A_103] : memref<819200xi32, #tpu.memory_space<hbm>> -> memref<800xi32, #tpu.memory_space<hbm>>
    tpu.enqueue_dma source(%dma_start3A_115 : memref<800xi32, #tpu.memory_space<hbm>>) target(%dma_start3A_114 : memref<800xi32, #tpu.memory_space<vmem>>) target_semaphore(%dma_start3A_111 : memref<!tpu.dma_semaphore, #tpu.memory_space<semaphore_mem>>)
    %add3A_116 = arith.constant 0 : i32
    %add3A_117 = arith.addi %mul3A_2, %add3A_116 : i32
    %dma_start3A_118 = arith.constant 0 : i32
    %dma_start3A_119 = arith.constant 0 : i32
    %dma_start3A_120 = arith.constant 0 : i32
    %dma_start3A_121 = arith.constant 0 : i32
    %dma_start3A_122 = tpu.memref_slice %arg6[%dma_start3A_118, %dma_start3A_120, %dma_start3A_121] : memref<2x800x64xf32, #tpu.memory_space<vmem>> -> memref<1x800x64xf32, #tpu.memory_space<vmem>>
    %dma_start3A_123 = tpu.memref_squeeze %dma_start3A_122 : memref<1x800x64xf32, #tpu.memory_space<vmem>> -> memref<800x64xf32, #tpu.memory_space<vmem>>
    %dma_start3A_124 = arith.constant 0 : i32
    %dma_start3A_125 = tpu.memref_slice %arg4[%add3A_117, %dma_start3A_124] : memref<819200x64xf32, #tpu.memory_space<hbm>> -> memref<800x64xf32, #tpu.memory_space<hbm>>
    %dma_start3A_126 = tpu.memref_slice %arg9[%dma_start3A_119] : memref<2x!tpu.dma_semaphore, #tpu.memory_space<semaphore_mem>> -> memref<1x!tpu.dma_semaphore, #tpu.memory_space<semaphore_mem>>
    %dma_start3A_127 = tpu.memref_squeeze %dma_start3A_126 : memref<1x!tpu.dma_semaphore, #tpu.memory_space<semaphore_mem>> -> memref<!tpu.dma_semaphore, #tpu.memory_space<semaphore_mem>>
    %dma_start3A_128 = arith.constant 0 : i32
    %dma_start3A_129 = tpu.memref_slice %arg4[%add3A_117, %dma_start3A_128] : memref<819200x64xf32, #tpu.memory_space<hbm>> -> memref<800x64xf32, #tpu.memory_space<hbm>>
    %dma_start3A_130 = arith.constant 0 : i32
    %dma_start3A_131 = arith.constant 0 : i32
    %dma_start3A_132 = tpu.memref_slice %arg6[%dma_start3A_118, %dma_start3A_130, %dma_start3A_131] : memref<2x800x64xf32, #tpu.memory_space<vmem>> -> memref<1x800x64xf32, #tpu.memory_space<vmem>>
    %dma_start3A_133 = tpu.memref_squeeze %dma_start3A_132 : memref<1x800x64xf32, #tpu.memory_space<vmem>> -> memref<800x64xf32, #tpu.memory_space<vmem>>
    tpu.enqueue_dma source(%dma_start3A_133 : memref<800x64xf32, #tpu.memory_space<vmem>>) target(%dma_start3A_129 : memref<800x64xf32, #tpu.memory_space<hbm>>) target_semaphore(%dma_start3A_127 : memref<!tpu.dma_semaphore, #tpu.memory_space<semaphore_mem>>)
    %scan3A = arith.constant 0 : i32
    %scan3A_134 = arith.constant 1 : i32
    %scan3A_135 = arith.constant 15 : i32
    %scan3A_136 = arith.addi %scan3A_134, %scan3A_135 : i32
    %scan3A_137 = arith.constant 1 : i32
    scf.for %scan3A_208 = %scan3A_134 to %scan3A_136 step %scan3A_137  : i32 {
      %mul3A_209 = arith.constant 2 : i32
      %mul3A_210 = arith.muli %mul3A_209, %scan3A_208 : i32
      %dma_wait3A_211 = arith.constant 0 : i32
      %dma_wait3A_212 = arith.constant 0 : i32
      %dma_wait3A_213 = arith.constant 0 : i32
      %dma_wait3A_214 = arith.constant 0 : i32
      %dma_wait3A_215 = tpu.memref_slice %arg6[%dma_wait3A_211, %dma_wait3A_213, %dma_wait3A_214] : memref<2x800x64xf32, #tpu.memory_space<vmem>> -> memref<1x800x64xf32, #tpu.memory_space<vmem>>
      %dma_wait3A_216 = tpu.memref_squeeze %dma_wait3A_215 : memref<1x800x64xf32, #tpu.memory_space<vmem>> -> memref<800x64xf32, #tpu.memory_space<vmem>>
      %dma_wait3A_217 = arith.constant 0 : i32
      %dma_wait3A_218 = arith.constant 0 : i32
      %dma_wait3A_219 = tpu.memref_slice %arg4[%dma_wait3A_217, %dma_wait3A_218] : memref<819200x64xf32, #tpu.memory_space<hbm>> -> memref<800x64xf32, #tpu.memory_space<hbm>>
      %dma_wait3A_220 = tpu.memref_slice %arg9[%dma_wait3A_212] : memref<2x!tpu.dma_semaphore, #tpu.memory_space<semaphore_mem>> -> memref<1x!tpu.dma_semaphore, #tpu.memory_space<semaphore_mem>>
      %dma_wait3A_221 = tpu.memref_squeeze %dma_wait3A_220 : memref<1x!tpu.dma_semaphore, #tpu.memory_space<semaphore_mem>> -> memref<!tpu.dma_semaphore, #tpu.memory_space<semaphore_mem>>
      %dma_wait3A_222 = arith.constant 0 : i32
      %dma_wait3A_223 = arith.constant 0 : i32
      %dma_wait3A_224 = tpu.memref_slice %arg4[%dma_wait3A_222, %dma_wait3A_223] : memref<819200x64xf32, #tpu.memory_space<hbm>> -> memref<800x64xf32, #tpu.memory_space<hbm>>
      %dma_wait3A_225 = arith.constant 0 : i32
      %dma_wait3A_226 = arith.constant 0 : i32
      %dma_wait3A_227 = tpu.memref_slice %arg6[%dma_wait3A_211, %dma_wait3A_225, %dma_wait3A_226] : memref<2x800x64xf32, #tpu.memory_space<vmem>> -> memref<1x800x64xf32, #tpu.memory_space<vmem>>
      %dma_wait3A_228 = tpu.memref_squeeze %dma_wait3A_227 : memref<1x800x64xf32, #tpu.memory_space<vmem>> -> memref<800x64xf32, #tpu.memory_space<vmem>>
      tpu.wait_dma2 semaphore(%dma_wait3A_221 : memref<!tpu.dma_semaphore, #tpu.memory_space<semaphore_mem>>) src(%dma_wait3A_228 : memref<800x64xf32, #tpu.memory_space<vmem>>) dst(%dma_wait3A_224 : memref<800x64xf32, #tpu.memory_space<hbm>>)
      %dma_wait3A_229 = arith.constant 0 : i32
      %dma_wait3A_230 = arith.constant 0 : i32
      %dma_wait3A_231 = arith.constant 0 : i32
      %dma_wait3A_232 = tpu.memref_slice %arg5[%dma_wait3A_229, %dma_wait3A_231] : memref<2x800xi32, #tpu.memory_space<vmem>> -> memref<1x800xi32, #tpu.memory_space<vmem>>
      %dma_wait3A_233 = tpu.memref_squeeze %dma_wait3A_232 : memref<1x800xi32, #tpu.memory_space<vmem>> -> memref<800xi32, #tpu.memory_space<vmem>>
      %dma_wait3A_234 = arith.constant 0 : i32
      %dma_wait3A_235 = tpu.memref_slice %arg2[%dma_wait3A_234] : memref<819200xi32, #tpu.memory_space<hbm>> -> memref<800xi32, #tpu.memory_space<hbm>>
      %dma_wait3A_236 = tpu.memref_slice %arg7[%dma_wait3A_230] : memref<2x!tpu.dma_semaphore, #tpu.memory_space<semaphore_mem>> -> memref<1x!tpu.dma_semaphore, #tpu.memory_space<semaphore_mem>>
      %dma_wait3A_237 = tpu.memref_squeeze %dma_wait3A_236 : memref<1x!tpu.dma_semaphore, #tpu.memory_space<semaphore_mem>> -> memref<!tpu.dma_semaphore, #tpu.memory_space<semaphore_mem>>
      %dma_wait3A_238 = arith.constant 0 : i32
      %dma_wait3A_239 = tpu.memref_slice %arg5[%dma_wait3A_229, %dma_wait3A_238] : memref<2x800xi32, #tpu.memory_space<vmem>> -> memref<1x800xi32, #tpu.memory_space<vmem>>
      %dma_wait3A_240 = tpu.memref_squeeze %dma_wait3A_239 : memref<1x800xi32, #tpu.memory_space<vmem>> -> memref<800xi32, #tpu.memory_space<vmem>>
      %dma_wait3A_241 = arith.constant 0 : i32
      %dma_wait3A_242 = tpu.memref_slice %arg2[%dma_wait3A_241] : memref<819200xi32, #tpu.memory_space<hbm>> -> memref<800xi32, #tpu.memory_space<hbm>>
      tpu.wait_dma2 semaphore(%dma_wait3A_237 : memref<!tpu.dma_semaphore, #tpu.memory_space<semaphore_mem>>) src(%dma_wait3A_242 : memref<800xi32, #tpu.memory_space<hbm>>) dst(%dma_wait3A_240 : memref<800xi32, #tpu.memory_space<vmem>>)
      %dma_start3A_243 = arith.constant 0 : i32
      %dma_start3A_244 = arith.constant 0 : i32
      %dma_start3A_245 = arith.constant 0 : i32
      %dma_start3A_246 = arith.constant 0 : i32
      %dma_start3A_247 = arith.constant 0 : i32
      %dma_start3A_248 = tpu.memref_slice %arg6[%dma_start3A_244, %dma_start3A_246, %dma_start3A_247] : memref<2x800x64xf32, #tpu.memory_space<vmem>> -> memref<1x800x64xf32, #tpu.memory_space<vmem>>
      %dma_start3A_249 = tpu.memref_squeeze %dma_start3A_248 : memref<1x800x64xf32, #tpu.memory_space<vmem>> -> memref<800x64xf32, #tpu.memory_space<vmem>>
      %dma_start3A_250 = arith.constant 0 : i32
      %dma_start3A_251 = tpu.memref_slice %arg5[%dma_start3A_243, %dma_start3A_250] : memref<2x800xi32, #tpu.memory_space<vmem>> -> memref<1x800xi32, #tpu.memory_space<vmem>>
      %dma_start3A_252 = tpu.memref_squeeze %dma_start3A_251 : memref<1x800xi32, #tpu.memory_space<vmem>> -> memref<800xi32, #tpu.memory_space<vmem>>
      %dma_start3A_253 = arith.constant 0 : i32
      %dma_start3A_254 = arith.constant 0 : i32
      %dma_start3A_255 = tpu.memref_slice %arg3[%dma_start3A_253, %dma_start3A_254] : memref<1003520x64xf32, #tpu.memory_space<hbm>> -> memref<1003520x64xf32, #tpu.memory_space<hbm>>
      %dma_start3A_256 = tpu.memref_slice %arg8[%dma_start3A_245] : memref<2x!tpu.dma_semaphore, #tpu.memory_space<semaphore_mem>> -> memref<1x!tpu.dma_semaphore, #tpu.memory_space<semaphore_mem>>
      %dma_start3A_257 = tpu.memref_squeeze %dma_start3A_256 : memref<1x!tpu.dma_semaphore, #tpu.memory_space<semaphore_mem>> -> memref<!tpu.dma_semaphore, #tpu.memory_space<semaphore_mem>>
      tpu.enqueue_indirect_dma source(%dma_start3A_255 : memref<1003520x64xf32, #tpu.memory_space<hbm>>) target(%dma_start3A_249 : memref<800x64xf32, #tpu.memory_space<vmem>>) offsets(%dma_start3A_252 : memref<800xi32, #tpu.memory_space<vmem>>) semaphore(%dma_start3A_257 : memref<!tpu.dma_semaphore, #tpu.memory_space<semaphore_mem>>)
      %dma_wait3A_258 = arith.constant 1 : i32
      %dma_wait3A_259 = arith.constant 1 : i32
      %dma_wait3A_260 = arith.constant 1 : i32
      %dma_wait3A_261 = arith.constant 0 : i32
      %dma_wait3A_262 = arith.constant 0 : i32
      %dma_wait3A_263 = tpu.memref_slice %arg6[%dma_wait3A_259, %dma_wait3A_261, %dma_wait3A_262] : memref<2x800x64xf32, #tpu.memory_space<vmem>> -> memref<1x800x64xf32, #tpu.memory_space<vmem>>
      %dma_wait3A_264 = tpu.memref_squeeze %dma_wait3A_263 : memref<1x800x64xf32, #tpu.memory_space<vmem>> -> memref<800x64xf32, #tpu.memory_space<vmem>>
      %dma_wait3A_265 = arith.constant 0 : i32
      %dma_wait3A_266 = tpu.memref_slice %arg5[%dma_wait3A_258, %dma_wait3A_265] : memref<2x800xi32, #tpu.memory_space<vmem>> -> memref<1x800xi32, #tpu.memory_space<vmem>>
      %dma_wait3A_267 = tpu.memref_squeeze %dma_wait3A_266 : memref<1x800xi32, #tpu.memory_space<vmem>> -> memref<800xi32, #tpu.memory_space<vmem>>
      %dma_wait3A_268 = arith.constant 0 : i32
      %dma_wait3A_269 = arith.constant 0 : i32
      %dma_wait3A_270 = tpu.memref_slice %arg3[%dma_wait3A_268, %dma_wait3A_269] : memref<1003520x64xf32, #tpu.memory_space<hbm>> -> memref<1003520x64xf32, #tpu.memory_space<hbm>>
      %dma_wait3A_271 = tpu.memref_slice %arg8[%dma_wait3A_260] : memref<2x!tpu.dma_semaphore, #tpu.memory_space<semaphore_mem>> -> memref<1x!tpu.dma_semaphore, #tpu.memory_space<semaphore_mem>>
      %dma_wait3A_272 = tpu.memref_squeeze %dma_wait3A_271 : memref<1x!tpu.dma_semaphore, #tpu.memory_space<semaphore_mem>> -> memref<!tpu.dma_semaphore, #tpu.memory_space<semaphore_mem>>
      tpu.wait_indirect_dma semaphore(%dma_wait3A_272 : memref<!tpu.dma_semaphore, #tpu.memory_space<semaphore_mem>>) src(%dma_wait3A_270 : memref<1003520x64xf32, #tpu.memory_space<hbm>>) dst(%dma_wait3A_264 : memref<800x64xf32, #tpu.memory_space<vmem>>)
      %add3A_273 = arith.constant 1 : i32
      %add3A_274 = arith.addi %mul3A_210, %add3A_273 : i32
      %lt3A = arith.constant 32 : i32
      %lt3A_275 = arith.cmpi slt, %add3A_274, %lt3A : i32
      %convert_element_type3A = arith.extui %lt3A_275 : i1 to i32
      %cond3A = arith.constant 0 : i32
      %cond3A_276 = arith.cmpi ne, %convert_element_type3A, %cond3A : i32
      scf.if %cond3A_276 {
        %add3A_389 = arith.constant 1 : i32
        %add3A_390 = arith.addi %mul3A_210, %add3A_389 : i32
        %mul3A_391 = arith.constant 800 : i32
        %mul3A_392 = arith.muli %add3A_390, %mul3A_391 : i32
        %add3A_393 = arith.addi %mul3A_2, %mul3A_392 : i32
        %dma_start3A_394 = arith.constant 1 : i32
        %dma_start3A_395 = arith.constant 1 : i32
        %dma_start3A_396 = arith.constant 0 : i32
        %dma_start3A_397 = tpu.memref_slice %arg5[%dma_start3A_394, %dma_start3A_396] : memref<2x800xi32, #tpu.memory_space<vmem>> -> memref<1x800xi32, #tpu.memory_space<vmem>>
        %dma_start3A_398 = tpu.memref_squeeze %dma_start3A_397 : memref<1x800xi32, #tpu.memory_space<vmem>> -> memref<800xi32, #tpu.memory_space<vmem>>
        %dma_start3A_399 = tpu.memref_slice %arg2[%add3A_393] : memref<819200xi32, #tpu.memory_space<hbm>> -> memref<800xi32, #tpu.memory_space<hbm>>
        %dma_start3A_400 = tpu.memref_slice %arg7[%dma_start3A_395] : memref<2x!tpu.dma_semaphore, #tpu.memory_space<semaphore_mem>> -> memref<1x!tpu.dma_semaphore, #tpu.memory_space<semaphore_mem>>
        %dma_start3A_401 = tpu.memref_squeeze %dma_start3A_400 : memref<1x!tpu.dma_semaphore, #tpu.memory_space<semaphore_mem>> -> memref<!tpu.dma_semaphore, #tpu.memory_space<semaphore_mem>>
        %dma_start3A_402 = arith.constant 0 : i32
        %dma_start3A_403 = tpu.memref_slice %arg5[%dma_start3A_394, %dma_start3A_402] : memref<2x800xi32, #tpu.memory_space<vmem>> -> memref<1x800xi32, #tpu.memory_space<vmem>>
        %dma_start3A_404 = tpu.memref_squeeze %dma_start3A_403 : memref<1x800xi32, #tpu.memory_space<vmem>> -> memref<800xi32, #tpu.memory_space<vmem>>
        %dma_start3A_405 = tpu.memref_slice %arg2[%add3A_393] : memref<819200xi32, #tpu.memory_space<hbm>> -> memref<800xi32, #tpu.memory_space<hbm>>
        tpu.enqueue_dma source(%dma_start3A_405 : memref<800xi32, #tpu.memory_space<hbm>>) target(%dma_start3A_404 : memref<800xi32, #tpu.memory_space<vmem>>) target_semaphore(%dma_start3A_401 : memref<!tpu.dma_semaphore, #tpu.memory_space<semaphore_mem>>)
      } else {
      }
      %sub3A = arith.constant 1 : i32
      %sub3A_277 = arith.subi %mul3A_210, %sub3A : i32
      %mul3A_278 = arith.constant 800 : i32
      %mul3A_279 = arith.muli %sub3A_277, %mul3A_278 : i32
      %add3A_280 = arith.addi %mul3A_2, %mul3A_279 : i32
      %dma_start3A_281 = arith.constant 1 : i32
      %dma_start3A_282 = arith.constant 1 : i32
      %dma_start3A_283 = arith.constant 0 : i32
      %dma_start3A_284 = arith.constant 0 : i32
      %dma_start3A_285 = tpu.memref_slice %arg6[%dma_start3A_281, %dma_start3A_283, %dma_start3A_284] : memref<2x800x64xf32, #tpu.memory_space<vmem>> -> memref<1x800x64xf32, #tpu.memory_space<vmem>>
      %dma_start3A_286 = tpu.memref_squeeze %dma_start3A_285 : memref<1x800x64xf32, #tpu.memory_space<vmem>> -> memref<800x64xf32, #tpu.memory_space<vmem>>
      %dma_start3A_287 = arith.constant 0 : i32
      %dma_start3A_288 = tpu.memref_slice %arg4[%add3A_280, %dma_start3A_287] : memref<819200x64xf32, #tpu.memory_space<hbm>> -> memref<800x64xf32, #tpu.memory_space<hbm>>
      %dma_start3A_289 = tpu.memref_slice %arg9[%dma_start3A_282] : memref<2x!tpu.dma_semaphore, #tpu.memory_space<semaphore_mem>> -> memref<1x!tpu.dma_semaphore, #tpu.memory_space<semaphore_mem>>
      %dma_start3A_290 = tpu.memref_squeeze %dma_start3A_289 : memref<1x!tpu.dma_semaphore, #tpu.memory_space<semaphore_mem>> -> memref<!tpu.dma_semaphore, #tpu.memory_space<semaphore_mem>>
      %dma_start3A_291 = arith.constant 0 : i32
      %dma_start3A_292 = tpu.memref_slice %arg4[%add3A_280, %dma_start3A_291] : memref<819200x64xf32, #tpu.memory_space<hbm>> -> memref<800x64xf32, #tpu.memory_space<hbm>>
      %dma_start3A_293 = arith.constant 0 : i32
      %dma_start3A_294 = arith.constant 0 : i32
      %dma_start3A_295 = tpu.memref_slice %arg6[%dma_start3A_281, %dma_start3A_293, %dma_start3A_294] : memref<2x800x64xf32, #tpu.memory_space<vmem>> -> memref<1x800x64xf32, #tpu.memory_space<vmem>>
      %dma_start3A_296 = tpu.memref_squeeze %dma_start3A_295 : memref<1x800x64xf32, #tpu.memory_space<vmem>> -> memref<800x64xf32, #tpu.memory_space<vmem>>
      tpu.enqueue_dma source(%dma_start3A_296 : memref<800x64xf32, #tpu.memory_space<vmem>>) target(%dma_start3A_292 : memref<800x64xf32, #tpu.memory_space<hbm>>) target_semaphore(%dma_start3A_290 : memref<!tpu.dma_semaphore, #tpu.memory_space<semaphore_mem>>)
      %dma_wait3A_297 = arith.constant 1 : i32
      %dma_wait3A_298 = arith.constant 1 : i32
      %dma_wait3A_299 = arith.constant 0 : i32
      %dma_wait3A_300 = arith.constant 0 : i32
      %dma_wait3A_301 = tpu.memref_slice %arg6[%dma_wait3A_297, %dma_wait3A_299, %dma_wait3A_300] : memref<2x800x64xf32, #tpu.memory_space<vmem>> -> memref<1x800x64xf32, #tpu.memory_space<vmem>>
      %dma_wait3A_302 = tpu.memref_squeeze %dma_wait3A_301 : memref<1x800x64xf32, #tpu.memory_space<vmem>> -> memref<800x64xf32, #tpu.memory_space<vmem>>
      %dma_wait3A_303 = arith.constant 0 : i32
      %dma_wait3A_304 = arith.constant 0 : i32
      %dma_wait3A_305 = tpu.memref_slice %arg4[%dma_wait3A_303, %dma_wait3A_304] : memref<819200x64xf32, #tpu.memory_space<hbm>> -> memref<800x64xf32, #tpu.memory_space<hbm>>
      %dma_wait3A_306 = tpu.memref_slice %arg9[%dma_wait3A_298] : memref<2x!tpu.dma_semaphore, #tpu.memory_space<semaphore_mem>> -> memref<1x!tpu.dma_semaphore, #tpu.memory_space<semaphore_mem>>
      %dma_wait3A_307 = tpu.memref_squeeze %dma_wait3A_306 : memref<1x!tpu.dma_semaphore, #tpu.memory_space<semaphore_mem>> -> memref<!tpu.dma_semaphore, #tpu.memory_space<semaphore_mem>>
      %dma_wait3A_308 = arith.constant 0 : i32
      %dma_wait3A_309 = arith.constant 0 : i32
      %dma_wait3A_310 = tpu.memref_slice %arg4[%dma_wait3A_308, %dma_wait3A_309] : memref<819200x64xf32, #tpu.memory_space<hbm>> -> memref<800x64xf32, #tpu.memory_space<hbm>>
      %dma_wait3A_311 = arith.constant 0 : i32
      %dma_wait3A_312 = arith.constant 0 : i32
      %dma_wait3A_313 = tpu.memref_slice %arg6[%dma_wait3A_297, %dma_wait3A_311, %dma_wait3A_312] : memref<2x800x64xf32, #tpu.memory_space<vmem>> -> memref<1x800x64xf32, #tpu.memory_space<vmem>>
      %dma_wait3A_314 = tpu.memref_squeeze %dma_wait3A_313 : memref<1x800x64xf32, #tpu.memory_space<vmem>> -> memref<800x64xf32, #tpu.memory_space<vmem>>
      tpu.wait_dma2 semaphore(%dma_wait3A_307 : memref<!tpu.dma_semaphore, #tpu.memory_space<semaphore_mem>>) src(%dma_wait3A_314 : memref<800x64xf32, #tpu.memory_space<vmem>>) dst(%dma_wait3A_310 : memref<800x64xf32, #tpu.memory_space<hbm>>)
      %add3A_315 = arith.constant 1 : i32
      %add3A_316 = arith.addi %mul3A_210, %add3A_315 : i32
      %dma_wait3A_317 = arith.constant 1 : i32
      %dma_wait3A_318 = arith.constant 1 : i32
      %dma_wait3A_319 = arith.constant 0 : i32
      %dma_wait3A_320 = tpu.memref_slice %arg5[%dma_wait3A_317, %dma_wait3A_319] : memref<2x800xi32, #tpu.memory_space<vmem>> -> memref<1x800xi32, #tpu.memory_space<vmem>>
      %dma_wait3A_321 = tpu.memref_squeeze %dma_wait3A_320 : memref<1x800xi32, #tpu.memory_space<vmem>> -> memref<800xi32, #tpu.memory_space<vmem>>
      %dma_wait3A_322 = arith.constant 0 : i32
      %dma_wait3A_323 = tpu.memref_slice %arg2[%dma_wait3A_322] : memref<819200xi32, #tpu.memory_space<hbm>> -> memref<800xi32, #tpu.memory_space<hbm>>
      %dma_wait3A_324 = tpu.memref_slice %arg7[%dma_wait3A_318] : memref<2x!tpu.dma_semaphore, #tpu.memory_space<semaphore_mem>> -> memref<1x!tpu.dma_semaphore, #tpu.memory_space<semaphore_mem>>
      %dma_wait3A_325 = tpu.memref_squeeze %dma_wait3A_324 : memref<1x!tpu.dma_semaphore, #tpu.memory_space<semaphore_mem>> -> memref<!tpu.dma_semaphore, #tpu.memory_space<semaphore_mem>>
      %dma_wait3A_326 = arith.constant 0 : i32
      %dma_wait3A_327 = tpu.memref_slice %arg5[%dma_wait3A_317, %dma_wait3A_326] : memref<2x800xi32, #tpu.memory_space<vmem>> -> memref<1x800xi32, #tpu.memory_space<vmem>>
      %dma_wait3A_328 = tpu.memref_squeeze %dma_wait3A_327 : memref<1x800xi32, #tpu.memory_space<vmem>> -> memref<800xi32, #tpu.memory_space<vmem>>
      %dma_wait3A_329 = arith.constant 0 : i32
      %dma_wait3A_330 = tpu.memref_slice %arg2[%dma_wait3A_329] : memref<819200xi32, #tpu.memory_space<hbm>> -> memref<800xi32, #tpu.memory_space<hbm>>
      tpu.wait_dma2 semaphore(%dma_wait3A_325 : memref<!tpu.dma_semaphore, #tpu.memory_space<semaphore_mem>>) src(%dma_wait3A_330 : memref<800xi32, #tpu.memory_space<hbm>>) dst(%dma_wait3A_328 : memref<800xi32, #tpu.memory_space<vmem>>)
      %dma_start3A_331 = arith.constant 1 : i32
      %dma_start3A_332 = arith.constant 1 : i32
      %dma_start3A_333 = arith.constant 1 : i32
      %dma_start3A_334 = arith.constant 0 : i32
      %dma_start3A_335 = arith.constant 0 : i32
      %dma_start3A_336 = tpu.memref_slice %arg6[%dma_start3A_332, %dma_start3A_334, %dma_start3A_335] : memref<2x800x64xf32, #tpu.memory_space<vmem>> -> memref<1x800x64xf32, #tpu.memory_space<vmem>>
      %dma_start3A_337 = tpu.memref_squeeze %dma_start3A_336 : memref<1x800x64xf32, #tpu.memory_space<vmem>> -> memref<800x64xf32, #tpu.memory_space<vmem>>
      %dma_start3A_338 = arith.constant 0 : i32
      %dma_start3A_339 = tpu.memref_slice %arg5[%dma_start3A_331, %dma_start3A_338] : memref<2x800xi32, #tpu.memory_space<vmem>> -> memref<1x800xi32, #tpu.memory_space<vmem>>
      %dma_start3A_340 = tpu.memref_squeeze %dma_start3A_339 : memref<1x800xi32, #tpu.memory_space<vmem>> -> memref<800xi32, #tpu.memory_space<vmem>>
      %dma_start3A_341 = arith.constant 0 : i32
      %dma_start3A_342 = arith.constant 0 : i32
      %dma_start3A_343 = tpu.memref_slice %arg3[%dma_start3A_341, %dma_start3A_342] : memref<1003520x64xf32, #tpu.memory_space<hbm>> -> memref<1003520x64xf32, #tpu.memory_space<hbm>>
      %dma_start3A_344 = tpu.memref_slice %arg8[%dma_start3A_333] : memref<2x!tpu.dma_semaphore, #tpu.memory_space<semaphore_mem>> -> memref<1x!tpu.dma_semaphore, #tpu.memory_space<semaphore_mem>>
      %dma_start3A_345 = tpu.memref_squeeze %dma_start3A_344 : memref<1x!tpu.dma_semaphore, #tpu.memory_space<semaphore_mem>> -> memref<!tpu.dma_semaphore, #tpu.memory_space<semaphore_mem>>
      tpu.enqueue_indirect_dma source(%dma_start3A_343 : memref<1003520x64xf32, #tpu.memory_space<hbm>>) target(%dma_start3A_337 : memref<800x64xf32, #tpu.memory_space<vmem>>) offsets(%dma_start3A_340 : memref<800xi32, #tpu.memory_space<vmem>>) semaphore(%dma_start3A_345 : memref<!tpu.dma_semaphore, #tpu.memory_space<semaphore_mem>>)
      %dma_wait3A_346 = arith.constant 0 : i32
      %dma_wait3A_347 = arith.constant 0 : i32
      %dma_wait3A_348 = arith.constant 0 : i32
      %dma_wait3A_349 = arith.constant 0 : i32
      %dma_wait3A_350 = arith.constant 0 : i32
      %dma_wait3A_351 = tpu.memref_slice %arg6[%dma_wait3A_347, %dma_wait3A_349, %dma_wait3A_350] : memref<2x800x64xf32, #tpu.memory_space<vmem>> -> memref<1x800x64xf32, #tpu.memory_space<vmem>>
      %dma_wait3A_352 = tpu.memref_squeeze %dma_wait3A_351 : memref<1x800x64xf32, #tpu.memory_space<vmem>> -> memref<800x64xf32, #tpu.memory_space<vmem>>
      %dma_wait3A_353 = arith.constant 0 : i32
      %dma_wait3A_354 = tpu.memref_slice %arg5[%dma_wait3A_346, %dma_wait3A_353] : memref<2x800xi32, #tpu.memory_space<vmem>> -> memref<1x800xi32, #tpu.memory_space<vmem>>
      %dma_wait3A_355 = tpu.memref_squeeze %dma_wait3A_354 : memref<1x800xi32, #tpu.memory_space<vmem>> -> memref<800xi32, #tpu.memory_space<vmem>>
      %dma_wait3A_356 = arith.constant 0 : i32
      %dma_wait3A_357 = arith.constant 0 : i32
      %dma_wait3A_358 = tpu.memref_slice %arg3[%dma_wait3A_356, %dma_wait3A_357] : memref<1003520x64xf32, #tpu.memory_space<hbm>> -> memref<1003520x64xf32, #tpu.memory_space<hbm>>
      %dma_wait3A_359 = tpu.memref_slice %arg8[%dma_wait3A_348] : memref<2x!tpu.dma_semaphore, #tpu.memory_space<semaphore_mem>> -> memref<1x!tpu.dma_semaphore, #tpu.memory_space<semaphore_mem>>
      %dma_wait3A_360 = tpu.memref_squeeze %dma_wait3A_359 : memref<1x!tpu.dma_semaphore, #tpu.memory_space<semaphore_mem>> -> memref<!tpu.dma_semaphore, #tpu.memory_space<semaphore_mem>>
      tpu.wait_indirect_dma semaphore(%dma_wait3A_360 : memref<!tpu.dma_semaphore, #tpu.memory_space<semaphore_mem>>) src(%dma_wait3A_358 : memref<1003520x64xf32, #tpu.memory_space<hbm>>) dst(%dma_wait3A_352 : memref<800x64xf32, #tpu.memory_space<vmem>>)
      %add3A_361 = arith.constant 1 : i32
      %add3A_362 = arith.addi %add3A_316, %add3A_361 : i32
      %lt3A_363 = arith.constant 32 : i32
      %lt3A_364 = arith.cmpi slt, %add3A_362, %lt3A_363 : i32
      %convert_element_type3A_365 = arith.extui %lt3A_364 : i1 to i32
      %cond3A_366 = arith.constant 0 : i32
      %cond3A_367 = arith.cmpi ne, %convert_element_type3A_365, %cond3A_366 : i32
      scf.if %cond3A_367 {
        %add3A_389 = arith.constant 1 : i32
        %add3A_390 = arith.addi %add3A_316, %add3A_389 : i32
        %mul3A_391 = arith.constant 800 : i32
        %mul3A_392 = arith.muli %add3A_390, %mul3A_391 : i32
        %add3A_393 = arith.addi %mul3A_2, %mul3A_392 : i32
        %dma_start3A_394 = arith.constant 0 : i32
        %dma_start3A_395 = arith.constant 0 : i32
        %dma_start3A_396 = arith.constant 0 : i32
        %dma_start3A_397 = tpu.memref_slice %arg5[%dma_start3A_394, %dma_start3A_396] : memref<2x800xi32, #tpu.memory_space<vmem>> -> memref<1x800xi32, #tpu.memory_space<vmem>>
        %dma_start3A_398 = tpu.memref_squeeze %dma_start3A_397 : memref<1x800xi32, #tpu.memory_space<vmem>> -> memref<800xi32, #tpu.memory_space<vmem>>
        %dma_start3A_399 = tpu.memref_slice %arg2[%add3A_393] : memref<819200xi32, #tpu.memory_space<hbm>> -> memref<800xi32, #tpu.memory_space<hbm>>
        %dma_start3A_400 = tpu.memref_slice %arg7[%dma_start3A_395] : memref<2x!tpu.dma_semaphore, #tpu.memory_space<semaphore_mem>> -> memref<1x!tpu.dma_semaphore, #tpu.memory_space<semaphore_mem>>
        %dma_start3A_401 = tpu.memref_squeeze %dma_start3A_400 : memref<1x!tpu.dma_semaphore, #tpu.memory_space<semaphore_mem>> -> memref<!tpu.dma_semaphore, #tpu.memory_space<semaphore_mem>>
        %dma_start3A_402 = arith.constant 0 : i32
        %dma_start3A_403 = tpu.memref_slice %arg5[%dma_start3A_394, %dma_start3A_402] : memref<2x800xi32, #tpu.memory_space<vmem>> -> memref<1x800xi32, #tpu.memory_space<vmem>>
        %dma_start3A_404 = tpu.memref_squeeze %dma_start3A_403 : memref<1x800xi32, #tpu.memory_space<vmem>> -> memref<800xi32, #tpu.memory_space<vmem>>
        %dma_start3A_405 = tpu.memref_slice %arg2[%add3A_393] : memref<819200xi32, #tpu.memory_space<hbm>> -> memref<800xi32, #tpu.memory_space<hbm>>
        tpu.enqueue_dma source(%dma_start3A_405 : memref<800xi32, #tpu.memory_space<hbm>>) target(%dma_start3A_404 : memref<800xi32, #tpu.memory_space<vmem>>) target_semaphore(%dma_start3A_401 : memref<!tpu.dma_semaphore, #tpu.memory_space<semaphore_mem>>)
      } else {
      }
      %sub3A_368 = arith.constant 1 : i32
      %sub3A_369 = arith.subi %add3A_316, %sub3A_368 : i32
      %mul3A_370 = arith.constant 800 : i32
      %mul3A_371 = arith.muli %sub3A_369, %mul3A_370 : i32
      %add3A_372 = arith.addi %mul3A_2, %mul3A_371 : i32
      %dma_start3A_373 = arith.constant 0 : i32
      %dma_start3A_374 = arith.constant 0 : i32
      %dma_start3A_375 = arith.constant 0 : i32
      %dma_start3A_376 = arith.constant 0 : i32
      %dma_start3A_377 = tpu.memref_slice %arg6[%dma_start3A_373, %dma_start3A_375, %dma_start3A_376] : memref<2x800x64xf32, #tpu.memory_space<vmem>> -> memref<1x800x64xf32, #tpu.memory_space<vmem>>
      %dma_start3A_378 = tpu.memref_squeeze %dma_start3A_377 : memref<1x800x64xf32, #tpu.memory_space<vmem>> -> memref<800x64xf32, #tpu.memory_space<vmem>>
      %dma_start3A_379 = arith.constant 0 : i32
      %dma_start3A_380 = tpu.memref_slice %arg4[%add3A_372, %dma_start3A_379] : memref<819200x64xf32, #tpu.memory_space<hbm>> -> memref<800x64xf32, #tpu.memory_space<hbm>>
      %dma_start3A_381 = tpu.memref_slice %arg9[%dma_start3A_374] : memref<2x!tpu.dma_semaphore, #tpu.memory_space<semaphore_mem>> -> memref<1x!tpu.dma_semaphore, #tpu.memory_space<semaphore_mem>>
      %dma_start3A_382 = tpu.memref_squeeze %dma_start3A_381 : memref<1x!tpu.dma_semaphore, #tpu.memory_space<semaphore_mem>> -> memref<!tpu.dma_semaphore, #tpu.memory_space<semaphore_mem>>
      %dma_start3A_383 = arith.constant 0 : i32
      %dma_start3A_384 = tpu.memref_slice %arg4[%add3A_372, %dma_start3A_383] : memref<819200x64xf32, #tpu.memory_space<hbm>> -> memref<800x64xf32, #tpu.memory_space<hbm>>
      %dma_start3A_385 = arith.constant 0 : i32
      %dma_start3A_386 = arith.constant 0 : i32
      %dma_start3A_387 = tpu.memref_slice %arg6[%dma_start3A_373, %dma_start3A_385, %dma_start3A_386] : memref<2x800x64xf32, #tpu.memory_space<vmem>> -> memref<1x800x64xf32, #tpu.memory_space<vmem>>
      %dma_start3A_388 = tpu.memref_squeeze %dma_start3A_387 : memref<1x800x64xf32, #tpu.memory_space<vmem>> -> memref<800x64xf32, #tpu.memory_space<vmem>>
      tpu.enqueue_dma source(%dma_start3A_388 : memref<800x64xf32, #tpu.memory_space<vmem>>) target(%dma_start3A_384 : memref<800x64xf32, #tpu.memory_space<hbm>>) target_semaphore(%dma_start3A_382 : memref<!tpu.dma_semaphore, #tpu.memory_space<semaphore_mem>>)
    }
    %scan3A_138 = arith.constant 15 : i32
    %dma_wait3A_139 = arith.constant 1 : i32
    %dma_wait3A_140 = arith.constant 1 : i32
    %dma_wait3A_141 = arith.constant 1 : i32
    %dma_wait3A_142 = arith.constant 0 : i32
    %dma_wait3A_143 = arith.constant 0 : i32
    %dma_wait3A_144 = tpu.memref_slice %arg6[%dma_wait3A_140, %dma_wait3A_142, %dma_wait3A_143] : memref<2x800x64xf32, #tpu.memory_space<vmem>> -> memref<1x800x64xf32, #tpu.memory_space<vmem>>
    %dma_wait3A_145 = tpu.memref_squeeze %dma_wait3A_144 : memref<1x800x64xf32, #tpu.memory_space<vmem>> -> memref<800x64xf32, #tpu.memory_space<vmem>>
    %dma_wait3A_146 = arith.constant 0 : i32
    %dma_wait3A_147 = tpu.memref_slice %arg5[%dma_wait3A_139, %dma_wait3A_146] : memref<2x800xi32, #tpu.memory_space<vmem>> -> memref<1x800xi32, #tpu.memory_space<vmem>>
    %dma_wait3A_148 = tpu.memref_squeeze %dma_wait3A_147 : memref<1x800xi32, #tpu.memory_space<vmem>> -> memref<800xi32, #tpu.memory_space<vmem>>
    %dma_wait3A_149 = arith.constant 0 : i32
    %dma_wait3A_150 = arith.constant 0 : i32
    %dma_wait3A_151 = tpu.memref_slice %arg3[%dma_wait3A_149, %dma_wait3A_150] : memref<1003520x64xf32, #tpu.memory_space<hbm>> -> memref<1003520x64xf32, #tpu.memory_space<hbm>>
    %dma_wait3A_152 = tpu.memref_slice %arg8[%dma_wait3A_141] : memref<2x!tpu.dma_semaphore, #tpu.memory_space<semaphore_mem>> -> memref<1x!tpu.dma_semaphore, #tpu.memory_space<semaphore_mem>>
    %dma_wait3A_153 = tpu.memref_squeeze %dma_wait3A_152 : memref<1x!tpu.dma_semaphore, #tpu.memory_space<semaphore_mem>> -> memref<!tpu.dma_semaphore, #tpu.memory_space<semaphore_mem>>
    tpu.wait_indirect_dma semaphore(%dma_wait3A_153 : memref<!tpu.dma_semaphore, #tpu.memory_space<semaphore_mem>>) src(%dma_wait3A_151 : memref<1003520x64xf32, #tpu.memory_space<hbm>>) dst(%dma_wait3A_145 : memref<800x64xf32, #tpu.memory_space<vmem>>)
    %add3A_154 = arith.constant 24800 : i32
    %add3A_155 = arith.addi %mul3A_2, %add3A_154 : i32
    %dma_start3A_156 = arith.constant 1 : i32
    %dma_start3A_157 = arith.constant 1 : i32
    %dma_start3A_158 = arith.constant 0 : i32
    %dma_start3A_159 = arith.constant 0 : i32
    %dma_start3A_160 = tpu.memref_slice %arg6[%dma_start3A_156, %dma_start3A_158, %dma_start3A_159] : memref<2x800x64xf32, #tpu.memory_space<vmem>> -> memref<1x800x64xf32, #tpu.memory_space<vmem>>
    %dma_start3A_161 = tpu.memref_squeeze %dma_start3A_160 : memref<1x800x64xf32, #tpu.memory_space<vmem>> -> memref<800x64xf32, #tpu.memory_space<vmem>>
    %dma_start3A_162 = arith.constant 0 : i32
    %dma_start3A_163 = tpu.memref_slice %arg4[%add3A_155, %dma_start3A_162] : memref<819200x64xf32, #tpu.memory_space<hbm>> -> memref<800x64xf32, #tpu.memory_space<hbm>>
    %dma_start3A_164 = tpu.memref_slice %arg9[%dma_start3A_157] : memref<2x!tpu.dma_semaphore, #tpu.memory_space<semaphore_mem>> -> memref<1x!tpu.dma_semaphore, #tpu.memory_space<semaphore_mem>>
    %dma_start3A_165 = tpu.memref_squeeze %dma_start3A_164 : memref<1x!tpu.dma_semaphore, #tpu.memory_space<semaphore_mem>> -> memref<!tpu.dma_semaphore, #tpu.memory_space<semaphore_mem>>
    %dma_start3A_166 = arith.constant 0 : i32
    %dma_start3A_167 = tpu.memref_slice %arg4[%add3A_155, %dma_start3A_166] : memref<819200x64xf32, #tpu.memory_space<hbm>> -> memref<800x64xf32, #tpu.memory_space<hbm>>
    %dma_start3A_168 = arith.constant 0 : i32
    %dma_start3A_169 = arith.constant 0 : i32
    %dma_start3A_170 = tpu.memref_slice %arg6[%dma_start3A_156, %dma_start3A_168, %dma_start3A_169] : memref<2x800x64xf32, #tpu.memory_space<vmem>> -> memref<1x800x64xf32, #tpu.memory_space<vmem>>
    %dma_start3A_171 = tpu.memref_squeeze %dma_start3A_170 : memref<1x800x64xf32, #tpu.memory_space<vmem>> -> memref<800x64xf32, #tpu.memory_space<vmem>>
    tpu.enqueue_dma source(%dma_start3A_171 : memref<800x64xf32, #tpu.memory_space<vmem>>) target(%dma_start3A_167 : memref<800x64xf32, #tpu.memory_space<hbm>>) target_semaphore(%dma_start3A_165 : memref<!tpu.dma_semaphore, #tpu.memory_space<semaphore_mem>>)
    %dma_wait3A_172 = arith.constant 0 : i32
    %dma_wait3A_173 = arith.constant 0 : i32
    %dma_wait3A_174 = arith.constant 0 : i32
    %dma_wait3A_175 = arith.constant 0 : i32
    %dma_wait3A_176 = tpu.memref_slice %arg6[%dma_wait3A_172, %dma_wait3A_174, %dma_wait3A_175] : memref<2x800x64xf32, #tpu.memory_space<vmem>> -> memref<1x800x64xf32, #tpu.memory_space<vmem>>
    %dma_wait3A_177 = tpu.memref_squeeze %dma_wait3A_176 : memref<1x800x64xf32, #tpu.memory_space<vmem>> -> memref<800x64xf32, #tpu.memory_space<vmem>>
    %dma_wait3A_178 = arith.constant 0 : i32
    %dma_wait3A_179 = arith.constant 0 : i32
    %dma_wait3A_180 = tpu.memref_slice %arg4[%dma_wait3A_178, %dma_wait3A_179] : memref<819200x64xf32, #tpu.memory_space<hbm>> -> memref<800x64xf32, #tpu.memory_space<hbm>>
    %dma_wait3A_181 = tpu.memref_slice %arg9[%dma_wait3A_173] : memref<2x!tpu.dma_semaphore, #tpu.memory_space<semaphore_mem>> -> memref<1x!tpu.dma_semaphore, #tpu.memory_space<semaphore_mem>>
    %dma_wait3A_182 = tpu.memref_squeeze %dma_wait3A_181 : memref<1x!tpu.dma_semaphore, #tpu.memory_space<semaphore_mem>> -> memref<!tpu.dma_semaphore, #tpu.memory_space<semaphore_mem>>
    %dma_wait3A_183 = arith.constant 0 : i32
    %dma_wait3A_184 = arith.constant 0 : i32
    %dma_wait3A_185 = tpu.memref_slice %arg4[%dma_wait3A_183, %dma_wait3A_184] : memref<819200x64xf32, #tpu.memory_space<hbm>> -> memref<800x64xf32, #tpu.memory_space<hbm>>
    %dma_wait3A_186 = arith.constant 0 : i32
    %dma_wait3A_187 = arith.constant 0 : i32
    %dma_wait3A_188 = tpu.memref_slice %arg6[%dma_wait3A_172, %dma_wait3A_186, %dma_wait3A_187] : memref<2x800x64xf32, #tpu.memory_space<vmem>> -> memref<1x800x64xf32, #tpu.memory_space<vmem>>
    %dma_wait3A_189 = tpu.memref_squeeze %dma_wait3A_188 : memref<1x800x64xf32, #tpu.memory_space<vmem>> -> memref<800x64xf32, #tpu.memory_space<vmem>>
    tpu.wait_dma2 semaphore(%dma_wait3A_182 : memref<!tpu.dma_semaphore, #tpu.memory_space<semaphore_mem>>) src(%dma_wait3A_189 : memref<800x64xf32, #tpu.memory_space<vmem>>) dst(%dma_wait3A_185 : memref<800x64xf32, #tpu.memory_space<hbm>>)
    %dma_wait3A_190 = arith.constant 1 : i32
    %dma_wait3A_191 = arith.constant 1 : i32
    %dma_wait3A_192 = arith.constant 0 : i32
    %dma_wait3A_193 = arith.constant 0 : i32
    %dma_wait3A_194 = tpu.memref_slice %arg6[%dma_wait3A_190, %dma_wait3A_192, %dma_wait3A_193] : memref<2x800x64xf32, #tpu.memory_space<vmem>> -> memref<1x800x64xf32, #tpu.memory_space<vmem>>
    %dma_wait3A_195 = tpu.memref_squeeze %dma_wait3A_194 : memref<1x800x64xf32, #tpu.memory_space<vmem>> -> memref<800x64xf32, #tpu.memory_space<vmem>>
    %dma_wait3A_196 = arith.constant 0 : i32
    %dma_wait3A_197 = arith.constant 0 : i32
    %dma_wait3A_198 = tpu.memref_slice %arg4[%dma_wait3A_196, %dma_wait3A_197] : memref<819200x64xf32, #tpu.memory_space<hbm>> -> memref<800x64xf32, #tpu.memory_space<hbm>>
    %dma_wait3A_199 = tpu.memref_slice %arg9[%dma_wait3A_191] : memref<2x!tpu.dma_semaphore, #tpu.memory_space<semaphore_mem>> -> memref<1x!tpu.dma_semaphore, #tpu.memory_space<semaphore_mem>>
    %dma_wait3A_200 = tpu.memref_squeeze %dma_wait3A_199 : memref<1x!tpu.dma_semaphore, #tpu.memory_space<semaphore_mem>> -> memref<!tpu.dma_semaphore, #tpu.memory_space<semaphore_mem>>
    %dma_wait3A_201 = arith.constant 0 : i32
    %dma_wait3A_202 = arith.constant 0 : i32
    %dma_wait3A_203 = tpu.memref_slice %arg4[%dma_wait3A_201, %dma_wait3A_202] : memref<819200x64xf32, #tpu.memory_space<hbm>> -> memref<800x64xf32, #tpu.memory_space<hbm>>
    %dma_wait3A_204 = arith.constant 0 : i32
    %dma_wait3A_205 = arith.constant 0 : i32
    %dma_wait3A_206 = tpu.memref_slice %arg6[%dma_wait3A_190, %dma_wait3A_204, %dma_wait3A_205] : memref<2x800x64xf32, #tpu.memory_space<vmem>> -> memref<1x800x64xf32, #tpu.memory_space<vmem>>
    %dma_wait3A_207 = tpu.memref_squeeze %dma_wait3A_206 : memref<1x800x64xf32, #tpu.memory_space<vmem>> -> memref<800x64xf32, #tpu.memory_space<vmem>>
    tpu.wait_dma2 semaphore(%dma_wait3A_200 : memref<!tpu.dma_semaphore, #tpu.memory_space<semaphore_mem>>) src(%dma_wait3A_207 : memref<800x64xf32, #tpu.memory_space<vmem>>) dst(%dma_wait3A_203 : memref<800x64xf32, #tpu.memory_space<hbm>>)
    return
  }
}

module attributes {stable_mosaic.version = 14 : i64} {
  func.func @body(%arg0: i32, %arg1: memref<64x20480xf32, #tpu.memory_space<vmem>>, %arg2: memref<10240x128xf32, #tpu.memory_space<vmem>>) attributes {dimension_semantics = [#tpu.dimension_semantics<arbitrary>], iteration_bounds = array<i64: 49>, scalar_prefetch = 0 : i64, scratch_operands = 0 : i64, tpu.core_type = #tpu.core_type<tc>, window_params = [{transform_indices = @transform_0, window_bounds = array<i64: 64, 20480>}, {transform_indices = @transform_1, window_bounds = array<i64: 10240, 128>}]} {
    %iota3A = tpu.iota {dimensions = array<i32: 0>} : vector<64x64xi32>
    %iota3A_0 = tpu.iota {dimensions = array<i32: 1>} : vector<64x64xi32>
    %add3A = arith.constant 0 : i32
    %add3A_1 = vector.broadcast %add3A : i32 to vector<64x64xi32>
    %add3A_2 = arith.addi %iota3A, %add3A_1 : vector<64x64xi32>
    %eq3A = arith.cmpi eq, %add3A_2, %iota3A_0 : vector<64x64xi32>
    %convert_element_type3A = arith.extui %eq3A : vector<64x64xi1> to vector<64x64xi32>
    %convert_element_type3A_3 = arith.sitofp %convert_element_type3A : vector<64x64xi32> to vector<64x64xf32>
    %get3A = arith.constant 0 : index
    %get3A_4 = arith.constant 0 : index
    %get3A_5 = vector.load %arg1[%get3A, %get3A_4] : memref<64x20480xf32, #tpu.memory_space<vmem>>, vector<64x20480xf32>
    %dot_general3A = arith.constant dense<0.000000e+00> : vector<20480x64xf32>
    %dot_general3A_6 = tpu.matmul %get3A_5, %convert_element_type3A_3, %dot_general3A {dimension_numbers = #tpu.dot_dimension_numbers<[0], [0], [1], [1], [0, 1, 1, 1], [], []>, transpose_lhs_hint = false} : vector<64x20480xf32>, vector<64x64xf32>, vector<20480x64xf32> -> vector<20480x64xf32>
    %slice3A = vector.extract_strided_slice %dot_general3A_6 {offsets = [0, 0], sizes = [10240, 64], strides = [1, 1]} : vector<20480x64xf32> to vector<10240x64xf32>
    %slice3A_7 = vector.extract_strided_slice %dot_general3A_6 {offsets = [10240, 0], sizes = [10240, 64], strides = [1, 1]} : vector<20480x64xf32> to vector<10240x64xf32>
    %concatenate3A = tpu.concatenate %slice3A, %slice3A_7 in 1 : vector<10240x64xf32>, vector<10240x64xf32> -> vector<10240x128xf32>
    %swap3A = arith.constant 0 : index
    %swap3A_8 = arith.constant 0 : index
    %swap3A_9 = vector.load %arg2[%swap3A, %swap3A_8] : memref<10240x128xf32, #tpu.memory_space<vmem>>, vector<10240x128xf32>
    tpu.vector_store %arg2[%swap3A, %swap3A_8], %concatenate3A {strides = array<i32>} : memref<10240x128xf32, #tpu.memory_space<vmem>>, vector<10240x128xf32>,
    return
  }
  func.func @transform_0(%arg0: i32) -> (i32, i32) {
    %c0_i32 = arith.constant 0 : i32
    %c0_i32_0 = arith.constant 0 : i32
    return %c0_i32, %arg0 : i32, i32
  }
  func.func @transform_1(%arg0: i32) -> (i32, i32) {
    %c0_i32 = arith.constant 0 : i32
    %c0_i32_0 = arith.constant 0 : i32
    return %arg0, %c0_i32 : i32, i32
  }
}

module attributes {stable_mosaic.version = 14 : i64} {
  func.func @body(%arg0: i32, %arg1: memref<12800x128xf32, #tpu.memory_space<vmem>>, %arg2: memref<200x64xf32, #tpu.memory_space<vmem>>, %arg3: memref<200x64x128xf32, #tpu.memory_space<vmem>>) attributes {dimension_semantics = [#tpu.dimension_semantics<arbitrary>], iteration_bounds = array<i64: 32>, scalar_prefetch = 0 : i64, scratch_operands = 0 : i64, tpu.core_type = #tpu.core_type<tc>, window_params = [{transform_indices = @transform_0, window_bounds = array<i64: 12800, 128>}, {pipeline_mode = #tpu.pipeline_mode<synchronous>, transform_indices = @transform_1, window_bounds = array<i64: 200, 64>}, {transform_indices = @transform_2, window_bounds = array<i64: 200, 64, 128>}]} {
    %get3A = arith.constant 0 : index
    %get3A_0 = arith.constant 0 : index
    %get3A_1 = vector.load %arg1[%get3A, %get3A_0] : memref<12800x128xf32, #tpu.memory_space<vmem>>, vector<12800x128xf32>
    %reshape3A = vector.shape_cast %get3A_1 : vector<12800x128xf32> to vector<128x100x128xf32>
    %get3A_2 = arith.constant 0 : index
    %get3A_3 = arith.constant 0 : index
    %get3A_4 = vector.load %arg2[%get3A_2, %get3A_3] : memref<200x64xf32, #tpu.memory_space<vmem>>, vector<200x64xf32>
    %slice3A = vector.extract_strided_slice %reshape3A {offsets = [0, 0, 0], sizes = [128, 1, 128], strides = [1, 1, 1]} : vector<128x100x128xf32> to vector<128x1x128xf32>
    %squeeze3A = vector.shape_cast %slice3A : vector<128x1x128xf32> to vector<128x128xf32>
    %transpose3A = tpu.transpose %squeeze3A, [1, 0] : vector<128x128xf32> -> vector<128x128xf32>
    %slice3A_5 = vector.extract_strided_slice %transpose3A {offsets = [0, 0], sizes = [64, 128], strides = [1, 1]} : vector<128x128xf32> to vector<64x128xf32>
    %slice3A_6 = vector.extract_strided_slice %get3A_4 {offsets = [0, 0], sizes = [1, 64], strides = [1, 1]} : vector<200x64xf32> to vector<1x64xf32>
    %squeeze3A_7 = vector.shape_cast %slice3A_6 : vector<1x64xf32> to vector<64xf32>
    %broadcast_in_dim3A = vector.shape_cast %squeeze3A_7 : vector<64xf32> to vector<64x1xf32>
    %add3A = vector.broadcast %broadcast_in_dim3A : vector<64x1xf32> to vector<64x128xf32>
    %add3A_8 = arith.addf %slice3A_5, %add3A : vector<64x128xf32>
    %swap3A = arith.constant 0 : index
    %swap3A_9 = arith.constant 0 : index
    %swap3A_10 = arith.constant 0 : index
    %swap3A_11 = vector.load %arg3[%swap3A, %swap3A_9, %swap3A_10] : memref<200x64x128xf32, #tpu.memory_space<vmem>>, vector<1x64x128xf32>
    %swap3A_12 = vector.shape_cast %swap3A_11 : vector<1x64x128xf32> to vector<64x128xf32>
    %swap3A_13 = vector.shape_cast %add3A_8 : vector<64x128xf32> to vector<1x64x128xf32>
    tpu.vector_store %arg3[%swap3A, %swap3A_9, %swap3A_10], %swap3A_13 {strides = array<i32>} : memref<200x64x128xf32, #tpu.memory_space<vmem>>, vector<1x64x128xf32>,
    %slice3A_14 = vector.extract_strided_slice %transpose3A {offsets = [64, 0], sizes = [64, 128], strides = [1, 1]} : vector<128x128xf32> to vector<64x128xf32>
    %slice3A_15 = vector.extract_strided_slice %get3A_4 {offsets = [1, 0], sizes = [1, 64], strides = [1, 1]} : vector<200x64xf32> to vector<1x64xf32>
    %squeeze3A_16 = vector.shape_cast %slice3A_15 : vector<1x64xf32> to vector<64xf32>
    %broadcast_in_dim3A_17 = vector.shape_cast %squeeze3A_16 : vector<64xf32> to vector<64x1xf32>
    %add3A_18 = vector.broadcast %broadcast_in_dim3A_17 : vector<64x1xf32> to vector<64x128xf32>
    %add3A_19 = arith.addf %slice3A_14, %add3A_18 : vector<64x128xf32>
    %swap3A_20 = arith.constant 1 : index
    %swap3A_21 = arith.constant 0 : index
    %swap3A_22 = arith.constant 0 : index
    %swap3A_23 = vector.load %arg3[%swap3A_20, %swap3A_21, %swap3A_22] : memref<200x64x128xf32, #tpu.memory_space<vmem>>, vector<1x64x128xf32>
    %swap3A_24 = vector.shape_cast %swap3A_23 : vector<1x64x128xf32> to vector<64x128xf32>
    %swap3A_25 = vector.shape_cast %add3A_19 : vector<64x128xf32> to vector<1x64x128xf32>
    tpu.vector_store %arg3[%swap3A_20, %swap3A_21, %swap3A_22], %swap3A_25 {strides = array<i32>} : memref<200x64x128xf32, #tpu.memory_space<vmem>>, vector<1x64x128xf32>,
    %slice3A_26 = vector.extract_strided_slice %reshape3A {offsets = [0, 1, 0], sizes = [128, 1, 128], strides = [1, 1, 1]} : vector<128x100x128xf32> to vector<128x1x128xf32>
    %squeeze3A_27 = vector.shape_cast %slice3A_26 : vector<128x1x128xf32> to vector<128x128xf32>
    %transpose3A_28 = tpu.transpose %squeeze3A_27, [1, 0] : vector<128x128xf32> -> vector<128x128xf32>
    %slice3A_29 = vector.extract_strided_slice %transpose3A_28 {offsets = [0, 0], sizes = [64, 128], strides = [1, 1]} : vector<128x128xf32> to vector<64x128xf32>
    %slice3A_30 = vector.extract_strided_slice %get3A_4 {offsets = [2, 0], sizes = [1, 64], strides = [1, 1]} : vector<200x64xf32> to vector<1x64xf32>
    %squeeze3A_31 = vector.shape_cast %slice3A_30 : vector<1x64xf32> to vector<64xf32>
    %broadcast_in_dim3A_32 = vector.shape_cast %squeeze3A_31 : vector<64xf32> to vector<64x1xf32>
    %add3A_33 = vector.broadcast %broadcast_in_dim3A_32 : vector<64x1xf32> to vector<64x128xf32>
    %add3A_34 = arith.addf %slice3A_29, %add3A_33 : vector<64x128xf32>
    %swap3A_35 = arith.constant 2 : index
    %swap3A_36 = arith.constant 0 : index
    %swap3A_37 = arith.constant 0 : index
    %swap3A_38 = vector.load %arg3[%swap3A_35, %swap3A_36, %swap3A_37] : memref<200x64x128xf32, #tpu.memory_space<vmem>>, vector<1x64x128xf32>
    %swap3A_39 = vector.shape_cast %swap3A_38 : vector<1x64x128xf32> to vector<64x128xf32>
    %swap3A_40 = vector.shape_cast %add3A_34 : vector<64x128xf32> to vector<1x64x128xf32>
    tpu.vector_store %arg3[%swap3A_35, %swap3A_36, %swap3A_37], %swap3A_40 {strides = array<i32>} : memref<200x64x128xf32, #tpu.memory_space<vmem>>, vector<1x64x128xf32>,
    %slice3A_41 = vector.extract_strided_slice %transpose3A_28 {offsets = [64, 0], sizes = [64, 128], strides = [1, 1]} : vector<128x128xf32> to vector<64x128xf32>
    %slice3A_42 = vector.extract_strided_slice %get3A_4 {offsets = [3, 0], sizes = [1, 64], strides = [1, 1]} : vector<200x64xf32> to vector<1x64xf32>
    %squeeze3A_43 = vector.shape_cast %slice3A_42 : vector<1x64xf32> to vector<64xf32>
    %broadcast_in_dim3A_44 = vector.shape_cast %squeeze3A_43 : vector<64xf32> to vector<64x1xf32>
    %add3A_45 = vector.broadcast %broadcast_in_dim3A_44 : vector<64x1xf32> to vector<64x128xf32>
    %add3A_46 = arith.addf %slice3A_41, %add3A_45 : vector<64x128xf32>
    %swap3A_47 = arith.constant 3 : index
    %swap3A_48 = arith.constant 0 : index
    %swap3A_49 = arith.constant 0 : index
    %swap3A_50 = vector.load %arg3[%swap3A_47, %swap3A_48, %swap3A_49] : memref<200x64x128xf32, #tpu.memory_space<vmem>>, vector<1x64x128xf32>
    %swap3A_51 = vector.shape_cast %swap3A_50 : vector<1x64x128xf32> to vector<64x128xf32>
    %swap3A_52 = vector.shape_cast %add3A_46 : vector<64x128xf32> to vector<1x64x128xf32>
    tpu.vector_store %arg3[%swap3A_47, %swap3A_48, %swap3A_49], %swap3A_52 {strides = array<i32>} : memref<200x64x128xf32, #tpu.memory_space<vmem>>, vector<1x64x128xf32>,
    %slice3A_53 = vector.extract_strided_slice %reshape3A {offsets = [0, 2, 0], sizes = [128, 1, 128], strides = [1, 1, 1]} : vector<128x100x128xf32> to vector<128x1x128xf32>
    %squeeze3A_54 = vector.shape_cast %slice3A_53 : vector<128x1x128xf32> to vector<128x128xf32>
    %transpose3A_55 = tpu.transpose %squeeze3A_54, [1, 0] : vector<128x128xf32> -> vector<128x128xf32>
    %slice3A_56 = vector.extract_strided_slice %transpose3A_55 {offsets = [0, 0], sizes = [64, 128], strides = [1, 1]} : vector<128x128xf32> to vector<64x128xf32>
    %slice3A_57 = vector.extract_strided_slice %get3A_4 {offsets = [4, 0], sizes = [1, 64], strides = [1, 1]} : vector<200x64xf32> to vector<1x64xf32>
    %squeeze3A_58 = vector.shape_cast %slice3A_57 : vector<1x64xf32> to vector<64xf32>
    %broadcast_in_dim3A_59 = vector.shape_cast %squeeze3A_58 : vector<64xf32> to vector<64x1xf32>
    %add3A_60 = vector.broadcast %broadcast_in_dim3A_59 : vector<64x1xf32> to vector<64x128xf32>
    %add3A_61 = arith.addf %slice3A_56, %add3A_60 : vector<64x128xf32>
    %swap3A_62 = arith.constant 4 : index
    %swap3A_63 = arith.constant 0 : index
    %swap3A_64 = arith.constant 0 : index
    %swap3A_65 = vector.load %arg3[%swap3A_62, %swap3A_63, %swap3A_64] : memref<200x64x128xf32, #tpu.memory_space<vmem>>, vector<1x64x128xf32>
    %swap3A_66 = vector.shape_cast %swap3A_65 : vector<1x64x128xf32> to vector<64x128xf32>
    %swap3A_67 = vector.shape_cast %add3A_61 : vector<64x128xf32> to vector<1x64x128xf32>
    tpu.vector_store %arg3[%swap3A_62, %swap3A_63, %swap3A_64], %swap3A_67 {strides = array<i32>} : memref<200x64x128xf32, #tpu.memory_space<vmem>>, vector<1x64x128xf32>,
    %slice3A_68 = vector.extract_strided_slice %transpose3A_55 {offsets = [64, 0], sizes = [64, 128], strides = [1, 1]} : vector<128x128xf32> to vector<64x128xf32>
    %slice3A_69 = vector.extract_strided_slice %get3A_4 {offsets = [5, 0], sizes = [1, 64], strides = [1, 1]} : vector<200x64xf32> to vector<1x64xf32>
    %squeeze3A_70 = vector.shape_cast %slice3A_69 : vector<1x64xf32> to vector<64xf32>
    %broadcast_in_dim3A_71 = vector.shape_cast %squeeze3A_70 : vector<64xf32> to vector<64x1xf32>
    %add3A_72 = vector.broadcast %broadcast_in_dim3A_71 : vector<64x1xf32> to vector<64x128xf32>
    %add3A_73 = arith.addf %slice3A_68, %add3A_72 : vector<64x128xf32>
    %swap3A_74 = arith.constant 5 : index
    %swap3A_75 = arith.constant 0 : index
    %swap3A_76 = arith.constant 0 : index
    %swap3A_77 = vector.load %arg3[%swap3A_74, %swap3A_75, %swap3A_76] : memref<200x64x128xf32, #tpu.memory_space<vmem>>, vector<1x64x128xf32>
    %swap3A_78 = vector.shape_cast %swap3A_77 : vector<1x64x128xf32> to vector<64x128xf32>
    %swap3A_79 = vector.shape_cast %add3A_73 : vector<64x128xf32> to vector<1x64x128xf32>
    tpu.vector_store %arg3[%swap3A_74, %swap3A_75, %swap3A_76], %swap3A_79 {strides = array<i32>} : memref<200x64x128xf32, #tpu.memory_space<vmem>>, vector<1x64x128xf32>,
    %slice3A_80 = vector.extract_strided_slice %reshape3A {offsets = [0, 3, 0], sizes = [128, 1, 128], strides = [1, 1, 1]} : vector<128x100x128xf32> to vector<128x1x128xf32>
    %squeeze3A_81 = vector.shape_cast %slice3A_80 : vector<128x1x128xf32> to vector<128x128xf32>
    %transpose3A_82 = tpu.transpose %squeeze3A_81, [1, 0] : vector<128x128xf32> -> vector<128x128xf32>
    %slice3A_83 = vector.extract_strided_slice %transpose3A_82 {offsets = [0, 0], sizes = [64, 128], strides = [1, 1]} : vector<128x128xf32> to vector<64x128xf32>
    %slice3A_84 = vector.extract_strided_slice %get3A_4 {offsets = [6, 0], sizes = [1, 64], strides = [1, 1]} : vector<200x64xf32> to vector<1x64xf32>
    %squeeze3A_85 = vector.shape_cast %slice3A_84 : vector<1x64xf32> to vector<64xf32>
    %broadcast_in_dim3A_86 = vector.shape_cast %squeeze3A_85 : vector<64xf32> to vector<64x1xf32>
    %add3A_87 = vector.broadcast %broadcast_in_dim3A_86 : vector<64x1xf32> to vector<64x128xf32>
    %add3A_88 = arith.addf %slice3A_83, %add3A_87 : vector<64x128xf32>
    %swap3A_89 = arith.constant 6 : index
    %swap3A_90 = arith.constant 0 : index
    %swap3A_91 = arith.constant 0 : index
    %swap3A_92 = vector.load %arg3[%swap3A_89, %swap3A_90, %swap3A_91] : memref<200x64x128xf32, #tpu.memory_space<vmem>>, vector<1x64x128xf32>
    %swap3A_93 = vector.shape_cast %swap3A_92 : vector<1x64x128xf32> to vector<64x128xf32>
    %swap3A_94 = vector.shape_cast %add3A_88 : vector<64x128xf32> to vector<1x64x128xf32>
    tpu.vector_store %arg3[%swap3A_89, %swap3A_90, %swap3A_91], %swap3A_94 {strides = array<i32>} : memref<200x64x128xf32, #tpu.memory_space<vmem>>, vector<1x64x128xf32>,
    %slice3A_95 = vector.extract_strided_slice %transpose3A_82 {offsets = [64, 0], sizes = [64, 128], strides = [1, 1]} : vector<128x128xf32> to vector<64x128xf32>
    %slice3A_96 = vector.extract_strided_slice %get3A_4 {offsets = [7, 0], sizes = [1, 64], strides = [1, 1]} : vector<200x64xf32> to vector<1x64xf32>
    %squeeze3A_97 = vector.shape_cast %slice3A_96 : vector<1x64xf32> to vector<64xf32>
    %broadcast_in_dim3A_98 = vector.shape_cast %squeeze3A_97 : vector<64xf32> to vector<64x1xf32>
    %add3A_99 = vector.broadcast %broadcast_in_dim3A_98 : vector<64x1xf32> to vector<64x128xf32>
    %add3A_100 = arith.addf %slice3A_95, %add3A_99 : vector<64x128xf32>
    %swap3A_101 = arith.constant 7 : index
    %swap3A_102 = arith.constant 0 : index
    %swap3A_103 = arith.constant 0 : index
    %swap3A_104 = vector.load %arg3[%swap3A_101, %swap3A_102, %swap3A_103] : memref<200x64x128xf32, #tpu.memory_space<vmem>>, vector<1x64x128xf32>
    %swap3A_105 = vector.shape_cast %swap3A_104 : vector<1x64x128xf32> to vector<64x128xf32>
    %swap3A_106 = vector.shape_cast %add3A_100 : vector<64x128xf32> to vector<1x64x128xf32>
    tpu.vector_store %arg3[%swap3A_101, %swap3A_102, %swap3A_103], %swap3A_106 {strides = array<i32>} : memref<200x64x128xf32, #tpu.memory_space<vmem>>, vector<1x64x128xf32>,
    %slice3A_107 = vector.extract_strided_slice %reshape3A {offsets = [0, 4, 0], sizes = [128, 1, 128], strides = [1, 1, 1]} : vector<128x100x128xf32> to vector<128x1x128xf32>
    %squeeze3A_108 = vector.shape_cast %slice3A_107 : vector<128x1x128xf32> to vector<128x128xf32>
    %transpose3A_109 = tpu.transpose %squeeze3A_108, [1, 0] : vector<128x128xf32> -> vector<128x128xf32>
    %slice3A_110 = vector.extract_strided_slice %transpose3A_109 {offsets = [0, 0], sizes = [64, 128], strides = [1, 1]} : vector<128x128xf32> to vector<64x128xf32>
    %slice3A_111 = vector.extract_strided_slice %get3A_4 {offsets = [8, 0], sizes = [1, 64], strides = [1, 1]} : vector<200x64xf32> to vector<1x64xf32>
    %squeeze3A_112 = vector.shape_cast %slice3A_111 : vector<1x64xf32> to vector<64xf32>
    %broadcast_in_dim3A_113 = vector.shape_cast %squeeze3A_112 : vector<64xf32> to vector<64x1xf32>
    %add3A_114 = vector.broadcast %broadcast_in_dim3A_113 : vector<64x1xf32> to vector<64x128xf32>
    %add3A_115 = arith.addf %slice3A_110, %add3A_114 : vector<64x128xf32>
    %swap3A_116 = arith.constant 8 : index
    %swap3A_117 = arith.constant 0 : index
    %swap3A_118 = arith.constant 0 : index
    %swap3A_119 = vector.load %arg3[%swap3A_116, %swap3A_117, %swap3A_118] : memref<200x64x128xf32, #tpu.memory_space<vmem>>, vector<1x64x128xf32>
    %swap3A_120 = vector.shape_cast %swap3A_119 : vector<1x64x128xf32> to vector<64x128xf32>
    %swap3A_121 = vector.shape_cast %add3A_115 : vector<64x128xf32> to vector<1x64x128xf32>
    tpu.vector_store %arg3[%swap3A_116, %swap3A_117, %swap3A_118], %swap3A_121 {strides = array<i32>} : memref<200x64x128xf32, #tpu.memory_space<vmem>>, vector<1x64x128xf32>,
    %slice3A_122 = vector.extract_strided_slice %transpose3A_109 {offsets = [64, 0], sizes = [64, 128], strides = [1, 1]} : vector<128x128xf32> to vector<64x128xf32>
    %slice3A_123 = vector.extract_strided_slice %get3A_4 {offsets = [9, 0], sizes = [1, 64], strides = [1, 1]} : vector<200x64xf32> to vector<1x64xf32>
    %squeeze3A_124 = vector.shape_cast %slice3A_123 : vector<1x64xf32> to vector<64xf32>
    %broadcast_in_dim3A_125 = vector.shape_cast %squeeze3A_124 : vector<64xf32> to vector<64x1xf32>
    %add3A_126 = vector.broadcast %broadcast_in_dim3A_125 : vector<64x1xf32> to vector<64x128xf32>
    %add3A_127 = arith.addf %slice3A_122, %add3A_126 : vector<64x128xf32>
    %swap3A_128 = arith.constant 9 : index
    %swap3A_129 = arith.constant 0 : index
    %swap3A_130 = arith.constant 0 : index
    %swap3A_131 = vector.load %arg3[%swap3A_128, %swap3A_129, %swap3A_130] : memref<200x64x128xf32, #tpu.memory_space<vmem>>, vector<1x64x128xf32>
    %swap3A_132 = vector.shape_cast %swap3A_131 : vector<1x64x128xf32> to vector<64x128xf32>
    %swap3A_133 = vector.shape_cast %add3A_127 : vector<64x128xf32> to vector<1x64x128xf32>
    tpu.vector_store %arg3[%swap3A_128, %swap3A_129, %swap3A_130], %swap3A_133 {strides = array<i32>} : memref<200x64x128xf32, #tpu.memory_space<vmem>>, vector<1x64x128xf32>,
    %slice3A_134 = vector.extract_strided_slice %reshape3A {offsets = [0, 5, 0], sizes = [128, 1, 128], strides = [1, 1, 1]} : vector<128x100x128xf32> to vector<128x1x128xf32>
    %squeeze3A_135 = vector.shape_cast %slice3A_134 : vector<128x1x128xf32> to vector<128x128xf32>
    %transpose3A_136 = tpu.transpose %squeeze3A_135, [1, 0] : vector<128x128xf32> -> vector<128x128xf32>
    %slice3A_137 = vector.extract_strided_slice %transpose3A_136 {offsets = [0, 0], sizes = [64, 128], strides = [1, 1]} : vector<128x128xf32> to vector<64x128xf32>
    %slice3A_138 = vector.extract_strided_slice %get3A_4 {offsets = [10, 0], sizes = [1, 64], strides = [1, 1]} : vector<200x64xf32> to vector<1x64xf32>
    %squeeze3A_139 = vector.shape_cast %slice3A_138 : vector<1x64xf32> to vector<64xf32>
    %broadcast_in_dim3A_140 = vector.shape_cast %squeeze3A_139 : vector<64xf32> to vector<64x1xf32>
    %add3A_141 = vector.broadcast %broadcast_in_dim3A_140 : vector<64x1xf32> to vector<64x128xf32>
    %add3A_142 = arith.addf %slice3A_137, %add3A_141 : vector<64x128xf32>
    %swap3A_143 = arith.constant 10 : index
    %swap3A_144 = arith.constant 0 : index
    %swap3A_145 = arith.constant 0 : index
    %swap3A_146 = vector.load %arg3[%swap3A_143, %swap3A_144, %swap3A_145] : memref<200x64x128xf32, #tpu.memory_space<vmem>>, vector<1x64x128xf32>
    %swap3A_147 = vector.shape_cast %swap3A_146 : vector<1x64x128xf32> to vector<64x128xf32>
    %swap3A_148 = vector.shape_cast %add3A_142 : vector<64x128xf32> to vector<1x64x128xf32>
    tpu.vector_store %arg3[%swap3A_143, %swap3A_144, %swap3A_145], %swap3A_148 {strides = array<i32>} : memref<200x64x128xf32, #tpu.memory_space<vmem>>, vector<1x64x128xf32>,
    %slice3A_149 = vector.extract_strided_slice %transpose3A_136 {offsets = [64, 0], sizes = [64, 128], strides = [1, 1]} : vector<128x128xf32> to vector<64x128xf32>
    %slice3A_150 = vector.extract_strided_slice %get3A_4 {offsets = [11, 0], sizes = [1, 64], strides = [1, 1]} : vector<200x64xf32> to vector<1x64xf32>
    %squeeze3A_151 = vector.shape_cast %slice3A_150 : vector<1x64xf32> to vector<64xf32>
    %broadcast_in_dim3A_152 = vector.shape_cast %squeeze3A_151 : vector<64xf32> to vector<64x1xf32>
    %add3A_153 = vector.broadcast %broadcast_in_dim3A_152 : vector<64x1xf32> to vector<64x128xf32>
    %add3A_154 = arith.addf %slice3A_149, %add3A_153 : vector<64x128xf32>
    %swap3A_155 = arith.constant 11 : index
    %swap3A_156 = arith.constant 0 : index
    %swap3A_157 = arith.constant 0 : index
    %swap3A_158 = vector.load %arg3[%swap3A_155, %swap3A_156, %swap3A_157] : memref<200x64x128xf32, #tpu.memory_space<vmem>>, vector<1x64x128xf32>
    %swap3A_159 = vector.shape_cast %swap3A_158 : vector<1x64x128xf32> to vector<64x128xf32>
    %swap3A_160 = vector.shape_cast %add3A_154 : vector<64x128xf32> to vector<1x64x128xf32>
    tpu.vector_store %arg3[%swap3A_155, %swap3A_156, %swap3A_157], %swap3A_160 {strides = array<i32>} : memref<200x64x128xf32, #tpu.memory_space<vmem>>, vector<1x64x128xf32>,
    %slice3A_161 = vector.extract_strided_slice %reshape3A {offsets = [0, 6, 0], sizes = [128, 1, 128], strides = [1, 1, 1]} : vector<128x100x128xf32> to vector<128x1x128xf32>
    %squeeze3A_162 = vector.shape_cast %slice3A_161 : vector<128x1x128xf32> to vector<128x128xf32>
    %transpose3A_163 = tpu.transpose %squeeze3A_162, [1, 0] : vector<128x128xf32> -> vector<128x128xf32>
    %slice3A_164 = vector.extract_strided_slice %transpose3A_163 {offsets = [0, 0], sizes = [64, 128], strides = [1, 1]} : vector<128x128xf32> to vector<64x128xf32>
    %slice3A_165 = vector.extract_strided_slice %get3A_4 {offsets = [12, 0], sizes = [1, 64], strides = [1, 1]} : vector<200x64xf32> to vector<1x64xf32>
    %squeeze3A_166 = vector.shape_cast %slice3A_165 : vector<1x64xf32> to vector<64xf32>
    %broadcast_in_dim3A_167 = vector.shape_cast %squeeze3A_166 : vector<64xf32> to vector<64x1xf32>
    %add3A_168 = vector.broadcast %broadcast_in_dim3A_167 : vector<64x1xf32> to vector<64x128xf32>
    %add3A_169 = arith.addf %slice3A_164, %add3A_168 : vector<64x128xf32>
    %swap3A_170 = arith.constant 12 : index
    %swap3A_171 = arith.constant 0 : index
    %swap3A_172 = arith.constant 0 : index
    %swap3A_173 = vector.load %arg3[%swap3A_170, %swap3A_171, %swap3A_172] : memref<200x64x128xf32, #tpu.memory_space<vmem>>, vector<1x64x128xf32>
    %swap3A_174 = vector.shape_cast %swap3A_173 : vector<1x64x128xf32> to vector<64x128xf32>
    %swap3A_175 = vector.shape_cast %add3A_169 : vector<64x128xf32> to vector<1x64x128xf32>
    tpu.vector_store %arg3[%swap3A_170, %swap3A_171, %swap3A_172], %swap3A_175 {strides = array<i32>} : memref<200x64x128xf32, #tpu.memory_space<vmem>>, vector<1x64x128xf32>,
    %slice3A_176 = vector.extract_strided_slice %transpose3A_163 {offsets = [64, 0], sizes = [64, 128], strides = [1, 1]} : vector<128x128xf32> to vector<64x128xf32>
    %slice3A_177 = vector.extract_strided_slice %get3A_4 {offsets = [13, 0], sizes = [1, 64], strides = [1, 1]} : vector<200x64xf32> to vector<1x64xf32>
    %squeeze3A_178 = vector.shape_cast %slice3A_177 : vector<1x64xf32> to vector<64xf32>
    %broadcast_in_dim3A_179 = vector.shape_cast %squeeze3A_178 : vector<64xf32> to vector<64x1xf32>
    %add3A_180 = vector.broadcast %broadcast_in_dim3A_179 : vector<64x1xf32> to vector<64x128xf32>
    %add3A_181 = arith.addf %slice3A_176, %add3A_180 : vector<64x128xf32>
    %swap3A_182 = arith.constant 13 : index
    %swap3A_183 = arith.constant 0 : index
    %swap3A_184 = arith.constant 0 : index
    %swap3A_185 = vector.load %arg3[%swap3A_182, %swap3A_183, %swap3A_184] : memref<200x64x128xf32, #tpu.memory_space<vmem>>, vector<1x64x128xf32>
    %swap3A_186 = vector.shape_cast %swap3A_185 : vector<1x64x128xf32> to vector<64x128xf32>
    %swap3A_187 = vector.shape_cast %add3A_181 : vector<64x128xf32> to vector<1x64x128xf32>
    tpu.vector_store %arg3[%swap3A_182, %swap3A_183, %swap3A_184], %swap3A_187 {strides = array<i32>} : memref<200x64x128xf32, #tpu.memory_space<vmem>>, vector<1x64x128xf32>,
    %slice3A_188 = vector.extract_strided_slice %reshape3A {offsets = [0, 7, 0], sizes = [128, 1, 128], strides = [1, 1, 1]} : vector<128x100x128xf32> to vector<128x1x128xf32>
    %squeeze3A_189 = vector.shape_cast %slice3A_188 : vector<128x1x128xf32> to vector<128x128xf32>
    %transpose3A_190 = tpu.transpose %squeeze3A_189, [1, 0] : vector<128x128xf32> -> vector<128x128xf32>
    %slice3A_191 = vector.extract_strided_slice %transpose3A_190 {offsets = [0, 0], sizes = [64, 128], strides = [1, 1]} : vector<128x128xf32> to vector<64x128xf32>
    %slice3A_192 = vector.extract_strided_slice %get3A_4 {offsets = [14, 0], sizes = [1, 64], strides = [1, 1]} : vector<200x64xf32> to vector<1x64xf32>
    %squeeze3A_193 = vector.shape_cast %slice3A_192 : vector<1x64xf32> to vector<64xf32>
    %broadcast_in_dim3A_194 = vector.shape_cast %squeeze3A_193 : vector<64xf32> to vector<64x1xf32>
    %add3A_195 = vector.broadcast %broadcast_in_dim3A_194 : vector<64x1xf32> to vector<64x128xf32>
    %add3A_196 = arith.addf %slice3A_191, %add3A_195 : vector<64x128xf32>
    %swap3A_197 = arith.constant 14 : index
    %swap3A_198 = arith.constant 0 : index
    %swap3A_199 = arith.constant 0 : index
    %swap3A_200 = vector.load %arg3[%swap3A_197, %swap3A_198, %swap3A_199] : memref<200x64x128xf32, #tpu.memory_space<vmem>>, vector<1x64x128xf32>
    %swap3A_201 = vector.shape_cast %swap3A_200 : vector<1x64x128xf32> to vector<64x128xf32>
    %swap3A_202 = vector.shape_cast %add3A_196 : vector<64x128xf32> to vector<1x64x128xf32>
    tpu.vector_store %arg3[%swap3A_197, %swap3A_198, %swap3A_199], %swap3A_202 {strides = array<i32>} : memref<200x64x128xf32, #tpu.memory_space<vmem>>, vector<1x64x128xf32>,
    %slice3A_203 = vector.extract_strided_slice %transpose3A_190 {offsets = [64, 0], sizes = [64, 128], strides = [1, 1]} : vector<128x128xf32> to vector<64x128xf32>
    %slice3A_204 = vector.extract_strided_slice %get3A_4 {offsets = [15, 0], sizes = [1, 64], strides = [1, 1]} : vector<200x64xf32> to vector<1x64xf32>
    %squeeze3A_205 = vector.shape_cast %slice3A_204 : vector<1x64xf32> to vector<64xf32>
    %broadcast_in_dim3A_206 = vector.shape_cast %squeeze3A_205 : vector<64xf32> to vector<64x1xf32>
    %add3A_207 = vector.broadcast %broadcast_in_dim3A_206 : vector<64x1xf32> to vector<64x128xf32>
    %add3A_208 = arith.addf %slice3A_203, %add3A_207 : vector<64x128xf32>
    %swap3A_209 = arith.constant 15 : index
    %swap3A_210 = arith.constant 0 : index
    %swap3A_211 = arith.constant 0 : index
    %swap3A_212 = vector.load %arg3[%swap3A_209, %swap3A_210, %swap3A_211] : memref<200x64x128xf32, #tpu.memory_space<vmem>>, vector<1x64x128xf32>
    %swap3A_213 = vector.shape_cast %swap3A_212 : vector<1x64x128xf32> to vector<64x128xf32>
    %swap3A_214 = vector.shape_cast %add3A_208 : vector<64x128xf32> to vector<1x64x128xf32>
    tpu.vector_store %arg3[%swap3A_209, %swap3A_210, %swap3A_211], %swap3A_214 {strides = array<i32>} : memref<200x64x128xf32, #tpu.memory_space<vmem>>, vector<1x64x128xf32>,
    %slice3A_215 = vector.extract_strided_slice %reshape3A {offsets = [0, 8, 0], sizes = [128, 1, 128], strides = [1, 1, 1]} : vector<128x100x128xf32> to vector<128x1x128xf32>
    %squeeze3A_216 = vector.shape_cast %slice3A_215 : vector<128x1x128xf32> to vector<128x128xf32>
    %transpose3A_217 = tpu.transpose %squeeze3A_216, [1, 0] : vector<128x128xf32> -> vector<128x128xf32>
    %slice3A_218 = vector.extract_strided_slice %transpose3A_217 {offsets = [0, 0], sizes = [64, 128], strides = [1, 1]} : vector<128x128xf32> to vector<64x128xf32>
    %slice3A_219 = vector.extract_strided_slice %get3A_4 {offsets = [16, 0], sizes = [1, 64], strides = [1, 1]} : vector<200x64xf32> to vector<1x64xf32>
    %squeeze3A_220 = vector.shape_cast %slice3A_219 : vector<1x64xf32> to vector<64xf32>
    %broadcast_in_dim3A_221 = vector.shape_cast %squeeze3A_220 : vector<64xf32> to vector<64x1xf32>
    %add3A_222 = vector.broadcast %broadcast_in_dim3A_221 : vector<64x1xf32> to vector<64x128xf32>
    %add3A_223 = arith.addf %slice3A_218, %add3A_222 : vector<64x128xf32>
    %swap3A_224 = arith.constant 16 : index
    %swap3A_225 = arith.constant 0 : index
    %swap3A_226 = arith.constant 0 : index
    %swap3A_227 = vector.load %arg3[%swap3A_224, %swap3A_225, %swap3A_226] : memref<200x64x128xf32, #tpu.memory_space<vmem>>, vector<1x64x128xf32>
    %swap3A_228 = vector.shape_cast %swap3A_227 : vector<1x64x128xf32> to vector<64x128xf32>
    %swap3A_229 = vector.shape_cast %add3A_223 : vector<64x128xf32> to vector<1x64x128xf32>
    tpu.vector_store %arg3[%swap3A_224, %swap3A_225, %swap3A_226], %swap3A_229 {strides = array<i32>} : memref<200x64x128xf32, #tpu.memory_space<vmem>>, vector<1x64x128xf32>,
    %slice3A_230 = vector.extract_strided_slice %transpose3A_217 {offsets = [64, 0], sizes = [64, 128], strides = [1, 1]} : vector<128x128xf32> to vector<64x128xf32>
    %slice3A_231 = vector.extract_strided_slice %get3A_4 {offsets = [17, 0], sizes = [1, 64], strides = [1, 1]} : vector<200x64xf32> to vector<1x64xf32>
    %squeeze3A_232 = vector.shape_cast %slice3A_231 : vector<1x64xf32> to vector<64xf32>
    %broadcast_in_dim3A_233 = vector.shape_cast %squeeze3A_232 : vector<64xf32> to vector<64x1xf32>
    %add3A_234 = vector.broadcast %broadcast_in_dim3A_233 : vector<64x1xf32> to vector<64x128xf32>
    %add3A_235 = arith.addf %slice3A_230, %add3A_234 : vector<64x128xf32>
    %swap3A_236 = arith.constant 17 : index
    %swap3A_237 = arith.constant 0 : index
    %swap3A_238 = arith.constant 0 : index
    %swap3A_239 = vector.load %arg3[%swap3A_236, %swap3A_237, %swap3A_238] : memref<200x64x128xf32, #tpu.memory_space<vmem>>, vector<1x64x128xf32>
    %swap3A_240 = vector.shape_cast %swap3A_239 : vector<1x64x128xf32> to vector<64x128xf32>
    %swap3A_241 = vector.shape_cast %add3A_235 : vector<64x128xf32> to vector<1x64x128xf32>
    tpu.vector_store %arg3[%swap3A_236, %swap3A_237, %swap3A_238], %swap3A_241 {strides = array<i32>} : memref<200x64x128xf32, #tpu.memory_space<vmem>>, vector<1x64x128xf32>,
    %slice3A_242 = vector.extract_strided_slice %reshape3A {offsets = [0, 9, 0], sizes = [128, 1, 128], strides = [1, 1, 1]} : vector<128x100x128xf32> to vector<128x1x128xf32>
    %squeeze3A_243 = vector.shape_cast %slice3A_242 : vector<128x1x128xf32> to vector<128x128xf32>
    %transpose3A_244 = tpu.transpose %squeeze3A_243, [1, 0] : vector<128x128xf32> -> vector<128x128xf32>
    %slice3A_245 = vector.extract_strided_slice %transpose3A_244 {offsets = [0, 0], sizes = [64, 128], strides = [1, 1]} : vector<128x128xf32> to vector<64x128xf32>
    %slice3A_246 = vector.extract_strided_slice %get3A_4 {offsets = [18, 0], sizes = [1, 64], strides = [1, 1]} : vector<200x64xf32> to vector<1x64xf32>
    %squeeze3A_247 = vector.shape_cast %slice3A_246 : vector<1x64xf32> to vector<64xf32>
    %broadcast_in_dim3A_248 = vector.shape_cast %squeeze3A_247 : vector<64xf32> to vector<64x1xf32>
    %add3A_249 = vector.broadcast %broadcast_in_dim3A_248 : vector<64x1xf32> to vector<64x128xf32>
    %add3A_250 = arith.addf %slice3A_245, %add3A_249 : vector<64x128xf32>
    %swap3A_251 = arith.constant 18 : index
    %swap3A_252 = arith.constant 0 : index
    %swap3A_253 = arith.constant 0 : index
    %swap3A_254 = vector.load %arg3[%swap3A_251, %swap3A_252, %swap3A_253] : memref<200x64x128xf32, #tpu.memory_space<vmem>>, vector<1x64x128xf32>
    %swap3A_255 = vector.shape_cast %swap3A_254 : vector<1x64x128xf32> to vector<64x128xf32>
    %swap3A_256 = vector.shape_cast %add3A_250 : vector<64x128xf32> to vector<1x64x128xf32>
    tpu.vector_store %arg3[%swap3A_251, %swap3A_252, %swap3A_253], %swap3A_256 {strides = array<i32>} : memref<200x64x128xf32, #tpu.memory_space<vmem>>, vector<1x64x128xf32>,
    %slice3A_257 = vector.extract_strided_slice %transpose3A_244 {offsets = [64, 0], sizes = [64, 128], strides = [1, 1]} : vector<128x128xf32> to vector<64x128xf32>
    %slice3A_258 = vector.extract_strided_slice %get3A_4 {offsets = [19, 0], sizes = [1, 64], strides = [1, 1]} : vector<200x64xf32> to vector<1x64xf32>
    %squeeze3A_259 = vector.shape_cast %slice3A_258 : vector<1x64xf32> to vector<64xf32>
    %broadcast_in_dim3A_260 = vector.shape_cast %squeeze3A_259 : vector<64xf32> to vector<64x1xf32>
    %add3A_261 = vector.broadcast %broadcast_in_dim3A_260 : vector<64x1xf32> to vector<64x128xf32>
    %add3A_262 = arith.addf %slice3A_257, %add3A_261 : vector<64x128xf32>
    %swap3A_263 = arith.constant 19 : index
    %swap3A_264 = arith.constant 0 : index
    %swap3A_265 = arith.constant 0 : index
    %swap3A_266 = vector.load %arg3[%swap3A_263, %swap3A_264, %swap3A_265] : memref<200x64x128xf32, #tpu.memory_space<vmem>>, vector<1x64x128xf32>
    %swap3A_267 = vector.shape_cast %swap3A_266 : vector<1x64x128xf32> to vector<64x128xf32>
    %swap3A_268 = vector.shape_cast %add3A_262 : vector<64x128xf32> to vector<1x64x128xf32>
    tpu.vector_store %arg3[%swap3A_263, %swap3A_264, %swap3A_265], %swap3A_268 {strides = array<i32>} : memref<200x64x128xf32, #tpu.memory_space<vmem>>, vector<1x64x128xf32>,
    %slice3A_269 = vector.extract_strided_slice %reshape3A {offsets = [0, 10, 0], sizes = [128, 1, 128], strides = [1, 1, 1]} : vector<128x100x128xf32> to vector<128x1x128xf32>
    %squeeze3A_270 = vector.shape_cast %slice3A_269 : vector<128x1x128xf32> to vector<128x128xf32>
    %transpose3A_271 = tpu.transpose %squeeze3A_270, [1, 0] : vector<128x128xf32> -> vector<128x128xf32>
    %slice3A_272 = vector.extract_strided_slice %transpose3A_271 {offsets = [0, 0], sizes = [64, 128], strides = [1, 1]} : vector<128x128xf32> to vector<64x128xf32>
    %slice3A_273 = vector.extract_strided_slice %get3A_4 {offsets = [20, 0], sizes = [1, 64], strides = [1, 1]} : vector<200x64xf32> to vector<1x64xf32>
    %squeeze3A_274 = vector.shape_cast %slice3A_273 : vector<1x64xf32> to vector<64xf32>
    %broadcast_in_dim3A_275 = vector.shape_cast %squeeze3A_274 : vector<64xf32> to vector<64x1xf32>
    %add3A_276 = vector.broadcast %broadcast_in_dim3A_275 : vector<64x1xf32> to vector<64x128xf32>
    %add3A_277 = arith.addf %slice3A_272, %add3A_276 : vector<64x128xf32>
    %swap3A_278 = arith.constant 20 : index
    %swap3A_279 = arith.constant 0 : index
    %swap3A_280 = arith.constant 0 : index
    %swap3A_281 = vector.load %arg3[%swap3A_278, %swap3A_279, %swap3A_280] : memref<200x64x128xf32, #tpu.memory_space<vmem>>, vector<1x64x128xf32>
    %swap3A_282 = vector.shape_cast %swap3A_281 : vector<1x64x128xf32> to vector<64x128xf32>
    %swap3A_283 = vector.shape_cast %add3A_277 : vector<64x128xf32> to vector<1x64x128xf32>
    tpu.vector_store %arg3[%swap3A_278, %swap3A_279, %swap3A_280], %swap3A_283 {strides = array<i32>} : memref<200x64x128xf32, #tpu.memory_space<vmem>>, vector<1x64x128xf32>,
    %slice3A_284 = vector.extract_strided_slice %transpose3A_271 {offsets = [64, 0], sizes = [64, 128], strides = [1, 1]} : vector<128x128xf32> to vector<64x128xf32>
    %slice3A_285 = vector.extract_strided_slice %get3A_4 {offsets = [21, 0], sizes = [1, 64], strides = [1, 1]} : vector<200x64xf32> to vector<1x64xf32>
    %squeeze3A_286 = vector.shape_cast %slice3A_285 : vector<1x64xf32> to vector<64xf32>
    %broadcast_in_dim3A_287 = vector.shape_cast %squeeze3A_286 : vector<64xf32> to vector<64x1xf32>
    %add3A_288 = vector.broadcast %broadcast_in_dim3A_287 : vector<64x1xf32> to vector<64x128xf32>
    %add3A_289 = arith.addf %slice3A_284, %add3A_288 : vector<64x128xf32>
    %swap3A_290 = arith.constant 21 : index
    %swap3A_291 = arith.constant 0 : index
    %swap3A_292 = arith.constant 0 : index
    %swap3A_293 = vector.load %arg3[%swap3A_290, %swap3A_291, %swap3A_292] : memref<200x64x128xf32, #tpu.memory_space<vmem>>, vector<1x64x128xf32>
    %swap3A_294 = vector.shape_cast %swap3A_293 : vector<1x64x128xf32> to vector<64x128xf32>
    %swap3A_295 = vector.shape_cast %add3A_289 : vector<64x128xf32> to vector<1x64x128xf32>
    tpu.vector_store %arg3[%swap3A_290, %swap3A_291, %swap3A_292], %swap3A_295 {strides = array<i32>} : memref<200x64x128xf32, #tpu.memory_space<vmem>>, vector<1x64x128xf32>,
    %slice3A_296 = vector.extract_strided_slice %reshape3A {offsets = [0, 11, 0], sizes = [128, 1, 128], strides = [1, 1, 1]} : vector<128x100x128xf32> to vector<128x1x128xf32>
    %squeeze3A_297 = vector.shape_cast %slice3A_296 : vector<128x1x128xf32> to vector<128x128xf32>
    %transpose3A_298 = tpu.transpose %squeeze3A_297, [1, 0] : vector<128x128xf32> -> vector<128x128xf32>
    %slice3A_299 = vector.extract_strided_slice %transpose3A_298 {offsets = [0, 0], sizes = [64, 128], strides = [1, 1]} : vector<128x128xf32> to vector<64x128xf32>
    %slice3A_300 = vector.extract_strided_slice %get3A_4 {offsets = [22, 0], sizes = [1, 64], strides = [1, 1]} : vector<200x64xf32> to vector<1x64xf32>
    %squeeze3A_301 = vector.shape_cast %slice3A_300 : vector<1x64xf32> to vector<64xf32>
    %broadcast_in_dim3A_302 = vector.shape_cast %squeeze3A_301 : vector<64xf32> to vector<64x1xf32>
    %add3A_303 = vector.broadcast %broadcast_in_dim3A_302 : vector<64x1xf32> to vector<64x128xf32>
    %add3A_304 = arith.addf %slice3A_299, %add3A_303 : vector<64x128xf32>
    %swap3A_305 = arith.constant 22 : index
    %swap3A_306 = arith.constant 0 : index
    %swap3A_307 = arith.constant 0 : index
    %swap3A_308 = vector.load %arg3[%swap3A_305, %swap3A_306, %swap3A_307] : memref<200x64x128xf32, #tpu.memory_space<vmem>>, vector<1x64x128xf32>
    %swap3A_309 = vector.shape_cast %swap3A_308 : vector<1x64x128xf32> to vector<64x128xf32>
    %swap3A_310 = vector.shape_cast %add3A_304 : vector<64x128xf32> to vector<1x64x128xf32>
    tpu.vector_store %arg3[%swap3A_305, %swap3A_306, %swap3A_307], %swap3A_310 {strides = array<i32>} : memref<200x64x128xf32, #tpu.memory_space<vmem>>, vector<1x64x128xf32>,
    %slice3A_311 = vector.extract_strided_slice %transpose3A_298 {offsets = [64, 0], sizes = [64, 128], strides = [1, 1]} : vector<128x128xf32> to vector<64x128xf32>
    %slice3A_312 = vector.extract_strided_slice %get3A_4 {offsets = [23, 0], sizes = [1, 64], strides = [1, 1]} : vector<200x64xf32> to vector<1x64xf32>
    %squeeze3A_313 = vector.shape_cast %slice3A_312 : vector<1x64xf32> to vector<64xf32>
    %broadcast_in_dim3A_314 = vector.shape_cast %squeeze3A_313 : vector<64xf32> to vector<64x1xf32>
    %add3A_315 = vector.broadcast %broadcast_in_dim3A_314 : vector<64x1xf32> to vector<64x128xf32>
    %add3A_316 = arith.addf %slice3A_311, %add3A_315 : vector<64x128xf32>
    %swap3A_317 = arith.constant 23 : index
    %swap3A_318 = arith.constant 0 : index
    %swap3A_319 = arith.constant 0 : index
    %swap3A_320 = vector.load %arg3[%swap3A_317, %swap3A_318, %swap3A_319] : memref<200x64x128xf32, #tpu.memory_space<vmem>>, vector<1x64x128xf32>
    %swap3A_321 = vector.shape_cast %swap3A_320 : vector<1x64x128xf32> to vector<64x128xf32>
    %swap3A_322 = vector.shape_cast %add3A_316 : vector<64x128xf32> to vector<1x64x128xf32>
    tpu.vector_store %arg3[%swap3A_317, %swap3A_318, %swap3A_319], %swap3A_322 {strides = array<i32>} : memref<200x64x128xf32, #tpu.memory_space<vmem>>, vector<1x64x128xf32>,
    %slice3A_323 = vector.extract_strided_slice %reshape3A {offsets = [0, 12, 0], sizes = [128, 1, 128], strides = [1, 1, 1]} : vector<128x100x128xf32> to vector<128x1x128xf32>
    %squeeze3A_324 = vector.shape_cast %slice3A_323 : vector<128x1x128xf32> to vector<128x128xf32>
    %transpose3A_325 = tpu.transpose %squeeze3A_324, [1, 0] : vector<128x128xf32> -> vector<128x128xf32>
    %slice3A_326 = vector.extract_strided_slice %transpose3A_325 {offsets = [0, 0], sizes = [64, 128], strides = [1, 1]} : vector<128x128xf32> to vector<64x128xf32>
    %slice3A_327 = vector.extract_strided_slice %get3A_4 {offsets = [24, 0], sizes = [1, 64], strides = [1, 1]} : vector<200x64xf32> to vector<1x64xf32>
    %squeeze3A_328 = vector.shape_cast %slice3A_327 : vector<1x64xf32> to vector<64xf32>
    %broadcast_in_dim3A_329 = vector.shape_cast %squeeze3A_328 : vector<64xf32> to vector<64x1xf32>
    %add3A_330 = vector.broadcast %broadcast_in_dim3A_329 : vector<64x1xf32> to vector<64x128xf32>
    %add3A_331 = arith.addf %slice3A_326, %add3A_330 : vector<64x128xf32>
    %swap3A_332 = arith.constant 24 : index
    %swap3A_333 = arith.constant 0 : index
    %swap3A_334 = arith.constant 0 : index
    %swap3A_335 = vector.load %arg3[%swap3A_332, %swap3A_333, %swap3A_334] : memref<200x64x128xf32, #tpu.memory_space<vmem>>, vector<1x64x128xf32>
    %swap3A_336 = vector.shape_cast %swap3A_335 : vector<1x64x128xf32> to vector<64x128xf32>
    %swap3A_337 = vector.shape_cast %add3A_331 : vector<64x128xf32> to vector<1x64x128xf32>
    tpu.vector_store %arg3[%swap3A_332, %swap3A_333, %swap3A_334], %swap3A_337 {strides = array<i32>} : memref<200x64x128xf32, #tpu.memory_space<vmem>>, vector<1x64x128xf32>,
    %slice3A_338 = vector.extract_strided_slice %transpose3A_325 {offsets = [64, 0], sizes = [64, 128], strides = [1, 1]} : vector<128x128xf32> to vector<64x128xf32>
    %slice3A_339 = vector.extract_strided_slice %get3A_4 {offsets = [25, 0], sizes = [1, 64], strides = [1, 1]} : vector<200x64xf32> to vector<1x64xf32>
    %squeeze3A_340 = vector.shape_cast %slice3A_339 : vector<1x64xf32> to vector<64xf32>
    %broadcast_in_dim3A_341 = vector.shape_cast %squeeze3A_340 : vector<64xf32> to vector<64x1xf32>
    %add3A_342 = vector.broadcast %broadcast_in_dim3A_341 : vector<64x1xf32> to vector<64x128xf32>
    %add3A_343 = arith.addf %slice3A_338, %add3A_342 : vector<64x128xf32>
    %swap3A_344 = arith.constant 25 : index
    %swap3A_345 = arith.constant 0 : index
    %swap3A_346 = arith.constant 0 : index
    %swap3A_347 = vector.load %arg3[%swap3A_344, %swap3A_345, %swap3A_346] : memref<200x64x128xf32, #tpu.memory_space<vmem>>, vector<1x64x128xf32>
    %swap3A_348 = vector.shape_cast %swap3A_347 : vector<1x64x128xf32> to vector<64x128xf32>
    %swap3A_349 = vector.shape_cast %add3A_343 : vector<64x128xf32> to vector<1x64x128xf32>
    tpu.vector_store %arg3[%swap3A_344, %swap3A_345, %swap3A_346], %swap3A_349 {strides = array<i32>} : memref<200x64x128xf32, #tpu.memory_space<vmem>>, vector<1x64x128xf32>,
    %slice3A_350 = vector.extract_strided_slice %reshape3A {offsets = [0, 13, 0], sizes = [128, 1, 128], strides = [1, 1, 1]} : vector<128x100x128xf32> to vector<128x1x128xf32>
    %squeeze3A_351 = vector.shape_cast %slice3A_350 : vector<128x1x128xf32> to vector<128x128xf32>
    %transpose3A_352 = tpu.transpose %squeeze3A_351, [1, 0] : vector<128x128xf32> -> vector<128x128xf32>
    %slice3A_353 = vector.extract_strided_slice %transpose3A_352 {offsets = [0, 0], sizes = [64, 128], strides = [1, 1]} : vector<128x128xf32> to vector<64x128xf32>
    %slice3A_354 = vector.extract_strided_slice %get3A_4 {offsets = [26, 0], sizes = [1, 64], strides = [1, 1]} : vector<200x64xf32> to vector<1x64xf32>
    %squeeze3A_355 = vector.shape_cast %slice3A_354 : vector<1x64xf32> to vector<64xf32>
    %broadcast_in_dim3A_356 = vector.shape_cast %squeeze3A_355 : vector<64xf32> to vector<64x1xf32>
    %add3A_357 = vector.broadcast %broadcast_in_dim3A_356 : vector<64x1xf32> to vector<64x128xf32>
    %add3A_358 = arith.addf %slice3A_353, %add3A_357 : vector<64x128xf32>
    %swap3A_359 = arith.constant 26 : index
    %swap3A_360 = arith.constant 0 : index
    %swap3A_361 = arith.constant 0 : index
    %swap3A_362 = vector.load %arg3[%swap3A_359, %swap3A_360, %swap3A_361] : memref<200x64x128xf32, #tpu.memory_space<vmem>>, vector<1x64x128xf32>
    %swap3A_363 = vector.shape_cast %swap3A_362 : vector<1x64x128xf32> to vector<64x128xf32>
    %swap3A_364 = vector.shape_cast %add3A_358 : vector<64x128xf32> to vector<1x64x128xf32>
    tpu.vector_store %arg3[%swap3A_359, %swap3A_360, %swap3A_361], %swap3A_364 {strides = array<i32>} : memref<200x64x128xf32, #tpu.memory_space<vmem>>, vector<1x64x128xf32>,
    %slice3A_365 = vector.extract_strided_slice %transpose3A_352 {offsets = [64, 0], sizes = [64, 128], strides = [1, 1]} : vector<128x128xf32> to vector<64x128xf32>
    %slice3A_366 = vector.extract_strided_slice %get3A_4 {offsets = [27, 0], sizes = [1, 64], strides = [1, 1]} : vector<200x64xf32> to vector<1x64xf32>
    %squeeze3A_367 = vector.shape_cast %slice3A_366 : vector<1x64xf32> to vector<64xf32>
    %broadcast_in_dim3A_368 = vector.shape_cast %squeeze3A_367 : vector<64xf32> to vector<64x1xf32>
    %add3A_369 = vector.broadcast %broadcast_in_dim3A_368 : vector<64x1xf32> to vector<64x128xf32>
    %add3A_370 = arith.addf %slice3A_365, %add3A_369 : vector<64x128xf32>
    %swap3A_371 = arith.constant 27 : index
    %swap3A_372 = arith.constant 0 : index
    %swap3A_373 = arith.constant 0 : index
    %swap3A_374 = vector.load %arg3[%swap3A_371, %swap3A_372, %swap3A_373] : memref<200x64x128xf32, #tpu.memory_space<vmem>>, vector<1x64x128xf32>
    %swap3A_375 = vector.shape_cast %swap3A_374 : vector<1x64x128xf32> to vector<64x128xf32>
    %swap3A_376 = vector.shape_cast %add3A_370 : vector<64x128xf32> to vector<1x64x128xf32>
    tpu.vector_store %arg3[%swap3A_371, %swap3A_372, %swap3A_373], %swap3A_376 {strides = array<i32>} : memref<200x64x128xf32, #tpu.memory_space<vmem>>, vector<1x64x128xf32>,
    %slice3A_377 = vector.extract_strided_slice %reshape3A {offsets = [0, 14, 0], sizes = [128, 1, 128], strides = [1, 1, 1]} : vector<128x100x128xf32> to vector<128x1x128xf32>
    %squeeze3A_378 = vector.shape_cast %slice3A_377 : vector<128x1x128xf32> to vector<128x128xf32>
    %transpose3A_379 = tpu.transpose %squeeze3A_378, [1, 0] : vector<128x128xf32> -> vector<128x128xf32>
    %slice3A_380 = vector.extract_strided_slice %transpose3A_379 {offsets = [0, 0], sizes = [64, 128], strides = [1, 1]} : vector<128x128xf32> to vector<64x128xf32>
    %slice3A_381 = vector.extract_strided_slice %get3A_4 {offsets = [28, 0], sizes = [1, 64], strides = [1, 1]} : vector<200x64xf32> to vector<1x64xf32>
    %squeeze3A_382 = vector.shape_cast %slice3A_381 : vector<1x64xf32> to vector<64xf32>
    %broadcast_in_dim3A_383 = vector.shape_cast %squeeze3A_382 : vector<64xf32> to vector<64x1xf32>
    %add3A_384 = vector.broadcast %broadcast_in_dim3A_383 : vector<64x1xf32> to vector<64x128xf32>
    %add3A_385 = arith.addf %slice3A_380, %add3A_384 : vector<64x128xf32>
    %swap3A_386 = arith.constant 28 : index
    %swap3A_387 = arith.constant 0 : index
    %swap3A_388 = arith.constant 0 : index
    %swap3A_389 = vector.load %arg3[%swap3A_386, %swap3A_387, %swap3A_388] : memref<200x64x128xf32, #tpu.memory_space<vmem>>, vector<1x64x128xf32>
    %swap3A_390 = vector.shape_cast %swap3A_389 : vector<1x64x128xf32> to vector<64x128xf32>
    %swap3A_391 = vector.shape_cast %add3A_385 : vector<64x128xf32> to vector<1x64x128xf32>
    tpu.vector_store %arg3[%swap3A_386, %swap3A_387, %swap3A_388], %swap3A_391 {strides = array<i32>} : memref<200x64x128xf32, #tpu.memory_space<vmem>>, vector<1x64x128xf32>,
    %slice3A_392 = vector.extract_strided_slice %transpose3A_379 {offsets = [64, 0], sizes = [64, 128], strides = [1, 1]} : vector<128x128xf32> to vector<64x128xf32>
    %slice3A_393 = vector.extract_strided_slice %get3A_4 {offsets = [29, 0], sizes = [1, 64], strides = [1, 1]} : vector<200x64xf32> to vector<1x64xf32>
    %squeeze3A_394 = vector.shape_cast %slice3A_393 : vector<1x64xf32> to vector<64xf32>
    %broadcast_in_dim3A_395 = vector.shape_cast %squeeze3A_394 : vector<64xf32> to vector<64x1xf32>
    %add3A_396 = vector.broadcast %broadcast_in_dim3A_395 : vector<64x1xf32> to vector<64x128xf32>
    %add3A_397 = arith.addf %slice3A_392, %add3A_396 : vector<64x128xf32>
    %swap3A_398 = arith.constant 29 : index
    %swap3A_399 = arith.constant 0 : index
    %swap3A_400 = arith.constant 0 : index
    %swap3A_401 = vector.load %arg3[%swap3A_398, %swap3A_399, %swap3A_400] : memref<200x64x128xf32, #tpu.memory_space<vmem>>, vector<1x64x128xf32>
    %swap3A_402 = vector.shape_cast %swap3A_401 : vector<1x64x128xf32> to vector<64x128xf32>
    %swap3A_403 = vector.shape_cast %add3A_397 : vector<64x128xf32> to vector<1x64x128xf32>
    tpu.vector_store %arg3[%swap3A_398, %swap3A_399, %swap3A_400], %swap3A_403 {strides = array<i32>} : memref<200x64x128xf32, #tpu.memory_space<vmem>>, vector<1x64x128xf32>,
    %slice3A_404 = vector.extract_strided_slice %reshape3A {offsets = [0, 15, 0], sizes = [128, 1, 128], strides = [1, 1, 1]} : vector<128x100x128xf32> to vector<128x1x128xf32>
    %squeeze3A_405 = vector.shape_cast %slice3A_404 : vector<128x1x128xf32> to vector<128x128xf32>
    %transpose3A_406 = tpu.transpose %squeeze3A_405, [1, 0] : vector<128x128xf32> -> vector<128x128xf32>
    %slice3A_407 = vector.extract_strided_slice %transpose3A_406 {offsets = [0, 0], sizes = [64, 128], strides = [1, 1]} : vector<128x128xf32> to vector<64x128xf32>
    %slice3A_408 = vector.extract_strided_slice %get3A_4 {offsets = [30, 0], sizes = [1, 64], strides = [1, 1]} : vector<200x64xf32> to vector<1x64xf32>
    %squeeze3A_409 = vector.shape_cast %slice3A_408 : vector<1x64xf32> to vector<64xf32>
    %broadcast_in_dim3A_410 = vector.shape_cast %squeeze3A_409 : vector<64xf32> to vector<64x1xf32>
    %add3A_411 = vector.broadcast %broadcast_in_dim3A_410 : vector<64x1xf32> to vector<64x128xf32>
    %add3A_412 = arith.addf %slice3A_407, %add3A_411 : vector<64x128xf32>
    %swap3A_413 = arith.constant 30 : index
    %swap3A_414 = arith.constant 0 : index
    %swap3A_415 = arith.constant 0 : index
    %swap3A_416 = vector.load %arg3[%swap3A_413, %swap3A_414, %swap3A_415] : memref<200x64x128xf32, #tpu.memory_space<vmem>>, vector<1x64x128xf32>
    %swap3A_417 = vector.shape_cast %swap3A_416 : vector<1x64x128xf32> to vector<64x128xf32>
    %swap3A_418 = vector.shape_cast %add3A_412 : vector<64x128xf32> to vector<1x64x128xf32>
    tpu.vector_store %arg3[%swap3A_413, %swap3A_414, %swap3A_415], %swap3A_418 {strides = array<i32>} : memref<200x64x128xf32, #tpu.memory_space<vmem>>, vector<1x64x128xf32>,
    %slice3A_419 = vector.extract_strided_slice %transpose3A_406 {offsets = [64, 0], sizes = [64, 128], strides = [1, 1]} : vector<128x128xf32> to vector<64x128xf32>
    %slice3A_420 = vector.extract_strided_slice %get3A_4 {offsets = [31, 0], sizes = [1, 64], strides = [1, 1]} : vector<200x64xf32> to vector<1x64xf32>
    %squeeze3A_421 = vector.shape_cast %slice3A_420 : vector<1x64xf32> to vector<64xf32>
    %broadcast_in_dim3A_422 = vector.shape_cast %squeeze3A_421 : vector<64xf32> to vector<64x1xf32>
    %add3A_423 = vector.broadcast %broadcast_in_dim3A_422 : vector<64x1xf32> to vector<64x128xf32>
    %add3A_424 = arith.addf %slice3A_419, %add3A_423 : vector<64x128xf32>
    %swap3A_425 = arith.constant 31 : index
    %swap3A_426 = arith.constant 0 : index
    %swap3A_427 = arith.constant 0 : index
    %swap3A_428 = vector.load %arg3[%swap3A_425, %swap3A_426, %swap3A_427] : memref<200x64x128xf32, #tpu.memory_space<vmem>>, vector<1x64x128xf32>
    %swap3A_429 = vector.shape_cast %swap3A_428 : vector<1x64x128xf32> to vector<64x128xf32>
    %swap3A_430 = vector.shape_cast %add3A_424 : vector<64x128xf32> to vector<1x64x128xf32>
    tpu.vector_store %arg3[%swap3A_425, %swap3A_426, %swap3A_427], %swap3A_430 {strides = array<i32>} : memref<200x64x128xf32, #tpu.memory_space<vmem>>, vector<1x64x128xf32>,
    %slice3A_431 = vector.extract_strided_slice %reshape3A {offsets = [0, 16, 0], sizes = [128, 1, 128], strides = [1, 1, 1]} : vector<128x100x128xf32> to vector<128x1x128xf32>
    %squeeze3A_432 = vector.shape_cast %slice3A_431 : vector<128x1x128xf32> to vector<128x128xf32>
    %transpose3A_433 = tpu.transpose %squeeze3A_432, [1, 0] : vector<128x128xf32> -> vector<128x128xf32>
    %slice3A_434 = vector.extract_strided_slice %transpose3A_433 {offsets = [0, 0], sizes = [64, 128], strides = [1, 1]} : vector<128x128xf32> to vector<64x128xf32>
    %slice3A_435 = vector.extract_strided_slice %get3A_4 {offsets = [32, 0], sizes = [1, 64], strides = [1, 1]} : vector<200x64xf32> to vector<1x64xf32>
    %squeeze3A_436 = vector.shape_cast %slice3A_435 : vector<1x64xf32> to vector<64xf32>
    %broadcast_in_dim3A_437 = vector.shape_cast %squeeze3A_436 : vector<64xf32> to vector<64x1xf32>
    %add3A_438 = vector.broadcast %broadcast_in_dim3A_437 : vector<64x1xf32> to vector<64x128xf32>
    %add3A_439 = arith.addf %slice3A_434, %add3A_438 : vector<64x128xf32>
    %swap3A_440 = arith.constant 32 : index
    %swap3A_441 = arith.constant 0 : index
    %swap3A_442 = arith.constant 0 : index
    %swap3A_443 = vector.load %arg3[%swap3A_440, %swap3A_441, %swap3A_442] : memref<200x64x128xf32, #tpu.memory_space<vmem>>, vector<1x64x128xf32>
    %swap3A_444 = vector.shape_cast %swap3A_443 : vector<1x64x128xf32> to vector<64x128xf32>
    %swap3A_445 = vector.shape_cast %add3A_439 : vector<64x128xf32> to vector<1x64x128xf32>
    tpu.vector_store %arg3[%swap3A_440, %swap3A_441, %swap3A_442], %swap3A_445 {strides = array<i32>} : memref<200x64x128xf32, #tpu.memory_space<vmem>>, vector<1x64x128xf32>,
    %slice3A_446 = vector.extract_strided_slice %transpose3A_433 {offsets = [64, 0], sizes = [64, 128], strides = [1, 1]} : vector<128x128xf32> to vector<64x128xf32>
    %slice3A_447 = vector.extract_strided_slice %get3A_4 {offsets = [33, 0], sizes = [1, 64], strides = [1, 1]} : vector<200x64xf32> to vector<1x64xf32>
    %squeeze3A_448 = vector.shape_cast %slice3A_447 : vector<1x64xf32> to vector<64xf32>
    %broadcast_in_dim3A_449 = vector.shape_cast %squeeze3A_448 : vector<64xf32> to vector<64x1xf32>
    %add3A_450 = vector.broadcast %broadcast_in_dim3A_449 : vector<64x1xf32> to vector<64x128xf32>
    %add3A_451 = arith.addf %slice3A_446, %add3A_450 : vector<64x128xf32>
    %swap3A_452 = arith.constant 33 : index
    %swap3A_453 = arith.constant 0 : index
    %swap3A_454 = arith.constant 0 : index
    %swap3A_455 = vector.load %arg3[%swap3A_452, %swap3A_453, %swap3A_454] : memref<200x64x128xf32, #tpu.memory_space<vmem>>, vector<1x64x128xf32>
    %swap3A_456 = vector.shape_cast %swap3A_455 : vector<1x64x128xf32> to vector<64x128xf32>
    %swap3A_457 = vector.shape_cast %add3A_451 : vector<64x128xf32> to vector<1x64x128xf32>
    tpu.vector_store %arg3[%swap3A_452, %swap3A_453, %swap3A_454], %swap3A_457 {strides = array<i32>} : memref<200x64x128xf32, #tpu.memory_space<vmem>>, vector<1x64x128xf32>,
    %slice3A_458 = vector.extract_strided_slice %reshape3A {offsets = [0, 17, 0], sizes = [128, 1, 128], strides = [1, 1, 1]} : vector<128x100x128xf32> to vector<128x1x128xf32>
    %squeeze3A_459 = vector.shape_cast %slice3A_458 : vector<128x1x128xf32> to vector<128x128xf32>
    %transpose3A_460 = tpu.transpose %squeeze3A_459, [1, 0] : vector<128x128xf32> -> vector<128x128xf32>
    %slice3A_461 = vector.extract_strided_slice %transpose3A_460 {offsets = [0, 0], sizes = [64, 128], strides = [1, 1]} : vector<128x128xf32> to vector<64x128xf32>
    %slice3A_462 = vector.extract_strided_slice %get3A_4 {offsets = [34, 0], sizes = [1, 64], strides = [1, 1]} : vector<200x64xf32> to vector<1x64xf32>
    %squeeze3A_463 = vector.shape_cast %slice3A_462 : vector<1x64xf32> to vector<64xf32>
    %broadcast_in_dim3A_464 = vector.shape_cast %squeeze3A_463 : vector<64xf32> to vector<64x1xf32>
    %add3A_465 = vector.broadcast %broadcast_in_dim3A_464 : vector<64x1xf32> to vector<64x128xf32>
    %add3A_466 = arith.addf %slice3A_461, %add3A_465 : vector<64x128xf32>
    %swap3A_467 = arith.constant 34 : index
    %swap3A_468 = arith.constant 0 : index
    %swap3A_469 = arith.constant 0 : index
    %swap3A_470 = vector.load %arg3[%swap3A_467, %swap3A_468, %swap3A_469] : memref<200x64x128xf32, #tpu.memory_space<vmem>>, vector<1x64x128xf32>
    %swap3A_471 = vector.shape_cast %swap3A_470 : vector<1x64x128xf32> to vector<64x128xf32>
    %swap3A_472 = vector.shape_cast %add3A_466 : vector<64x128xf32> to vector<1x64x128xf32>
    tpu.vector_store %arg3[%swap3A_467, %swap3A_468, %swap3A_469], %swap3A_472 {strides = array<i32>} : memref<200x64x128xf32, #tpu.memory_space<vmem>>, vector<1x64x128xf32>,
    %slice3A_473 = vector.extract_strided_slice %transpose3A_460 {offsets = [64, 0], sizes = [64, 128], strides = [1, 1]} : vector<128x128xf32> to vector<64x128xf32>
    %slice3A_474 = vector.extract_strided_slice %get3A_4 {offsets = [35, 0], sizes = [1, 64], strides = [1, 1]} : vector<200x64xf32> to vector<1x64xf32>
    %squeeze3A_475 = vector.shape_cast %slice3A_474 : vector<1x64xf32> to vector<64xf32>
    %broadcast_in_dim3A_476 = vector.shape_cast %squeeze3A_475 : vector<64xf32> to vector<64x1xf32>
    %add3A_477 = vector.broadcast %broadcast_in_dim3A_476 : vector<64x1xf32> to vector<64x128xf32>
    %add3A_478 = arith.addf %slice3A_473, %add3A_477 : vector<64x128xf32>
    %swap3A_479 = arith.constant 35 : index
    %swap3A_480 = arith.constant 0 : index
    %swap3A_481 = arith.constant 0 : index
    %swap3A_482 = vector.load %arg3[%swap3A_479, %swap3A_480, %swap3A_481] : memref<200x64x128xf32, #tpu.memory_space<vmem>>, vector<1x64x128xf32>
    %swap3A_483 = vector.shape_cast %swap3A_482 : vector<1x64x128xf32> to vector<64x128xf32>
    %swap3A_484 = vector.shape_cast %add3A_478 : vector<64x128xf32> to vector<1x64x128xf32>
    tpu.vector_store %arg3[%swap3A_479, %swap3A_480, %swap3A_481], %swap3A_484 {strides = array<i32>} : memref<200x64x128xf32, #tpu.memory_space<vmem>>, vector<1x64x128xf32>,
    %slice3A_485 = vector.extract_strided_slice %reshape3A {offsets = [0, 18, 0], sizes = [128, 1, 128], strides = [1, 1, 1]} : vector<128x100x128xf32> to vector<128x1x128xf32>
    %squeeze3A_486 = vector.shape_cast %slice3A_485 : vector<128x1x128xf32> to vector<128x128xf32>
    %transpose3A_487 = tpu.transpose %squeeze3A_486, [1, 0] : vector<128x128xf32> -> vector<128x128xf32>
    %slice3A_488 = vector.extract_strided_slice %transpose3A_487 {offsets = [0, 0], sizes = [64, 128], strides = [1, 1]} : vector<128x128xf32> to vector<64x128xf32>
    %slice3A_489 = vector.extract_strided_slice %get3A_4 {offsets = [36, 0], sizes = [1, 64], strides = [1, 1]} : vector<200x64xf32> to vector<1x64xf32>
    %squeeze3A_490 = vector.shape_cast %slice3A_489 : vector<1x64xf32> to vector<64xf32>
    %broadcast_in_dim3A_491 = vector.shape_cast %squeeze3A_490 : vector<64xf32> to vector<64x1xf32>
    %add3A_492 = vector.broadcast %broadcast_in_dim3A_491 : vector<64x1xf32> to vector<64x128xf32>
    %add3A_493 = arith.addf %slice3A_488, %add3A_492 : vector<64x128xf32>
    %swap3A_494 = arith.constant 36 : index
    %swap3A_495 = arith.constant 0 : index
    %swap3A_496 = arith.constant 0 : index
    %swap3A_497 = vector.load %arg3[%swap3A_494, %swap3A_495, %swap3A_496] : memref<200x64x128xf32, #tpu.memory_space<vmem>>, vector<1x64x128xf32>
    %swap3A_498 = vector.shape_cast %swap3A_497 : vector<1x64x128xf32> to vector<64x128xf32>
    %swap3A_499 = vector.shape_cast %add3A_493 : vector<64x128xf32> to vector<1x64x128xf32>
    tpu.vector_store %arg3[%swap3A_494, %swap3A_495, %swap3A_496], %swap3A_499 {strides = array<i32>} : memref<200x64x128xf32, #tpu.memory_space<vmem>>, vector<1x64x128xf32>,
    %slice3A_500 = vector.extract_strided_slice %transpose3A_487 {offsets = [64, 0], sizes = [64, 128], strides = [1, 1]} : vector<128x128xf32> to vector<64x128xf32>
    %slice3A_501 = vector.extract_strided_slice %get3A_4 {offsets = [37, 0], sizes = [1, 64], strides = [1, 1]} : vector<200x64xf32> to vector<1x64xf32>
    %squeeze3A_502 = vector.shape_cast %slice3A_501 : vector<1x64xf32> to vector<64xf32>
    %broadcast_in_dim3A_503 = vector.shape_cast %squeeze3A_502 : vector<64xf32> to vector<64x1xf32>
    %add3A_504 = vector.broadcast %broadcast_in_dim3A_503 : vector<64x1xf32> to vector<64x128xf32>
    %add3A_505 = arith.addf %slice3A_500, %add3A_504 : vector<64x128xf32>
    %swap3A_506 = arith.constant 37 : index
    %swap3A_507 = arith.constant 0 : index
    %swap3A_508 = arith.constant 0 : index
    %swap3A_509 = vector.load %arg3[%swap3A_506, %swap3A_507, %swap3A_508] : memref<200x64x128xf32, #tpu.memory_space<vmem>>, vector<1x64x128xf32>
    %swap3A_510 = vector.shape_cast %swap3A_509 : vector<1x64x128xf32> to vector<64x128xf32>
    %swap3A_511 = vector.shape_cast %add3A_505 : vector<64x128xf32> to vector<1x64x128xf32>
    tpu.vector_store %arg3[%swap3A_506, %swap3A_507, %swap3A_508], %swap3A_511 {strides = array<i32>} : memref<200x64x128xf32, #tpu.memory_space<vmem>>, vector<1x64x128xf32>,
    %slice3A_512 = vector.extract_strided_slice %reshape3A {offsets = [0, 19, 0], sizes = [128, 1, 128], strides = [1, 1, 1]} : vector<128x100x128xf32> to vector<128x1x128xf32>
    %squeeze3A_513 = vector.shape_cast %slice3A_512 : vector<128x1x128xf32> to vector<128x128xf32>
    %transpose3A_514 = tpu.transpose %squeeze3A_513, [1, 0] : vector<128x128xf32> -> vector<128x128xf32>
    %slice3A_515 = vector.extract_strided_slice %transpose3A_514 {offsets = [0, 0], sizes = [64, 128], strides = [1, 1]} : vector<128x128xf32> to vector<64x128xf32>
    %slice3A_516 = vector.extract_strided_slice %get3A_4 {offsets = [38, 0], sizes = [1, 64], strides = [1, 1]} : vector<200x64xf32> to vector<1x64xf32>
    %squeeze3A_517 = vector.shape_cast %slice3A_516 : vector<1x64xf32> to vector<64xf32>
    %broadcast_in_dim3A_518 = vector.shape_cast %squeeze3A_517 : vector<64xf32> to vector<64x1xf32>
    %add3A_519 = vector.broadcast %broadcast_in_dim3A_518 : vector<64x1xf32> to vector<64x128xf32>
    %add3A_520 = arith.addf %slice3A_515, %add3A_519 : vector<64x128xf32>
    %swap3A_521 = arith.constant 38 : index
    %swap3A_522 = arith.constant 0 : index
    %swap3A_523 = arith.constant 0 : index
    %swap3A_524 = vector.load %arg3[%swap3A_521, %swap3A_522, %swap3A_523] : memref<200x64x128xf32, #tpu.memory_space<vmem>>, vector<1x64x128xf32>
    %swap3A_525 = vector.shape_cast %swap3A_524 : vector<1x64x128xf32> to vector<64x128xf32>
    %swap3A_526 = vector.shape_cast %add3A_520 : vector<64x128xf32> to vector<1x64x128xf32>
    tpu.vector_store %arg3[%swap3A_521, %swap3A_522, %swap3A_523], %swap3A_526 {strides = array<i32>} : memref<200x64x128xf32, #tpu.memory_space<vmem>>, vector<1x64x128xf32>,
    %slice3A_527 = vector.extract_strided_slice %transpose3A_514 {offsets = [64, 0], sizes = [64, 128], strides = [1, 1]} : vector<128x128xf32> to vector<64x128xf32>
    %slice3A_528 = vector.extract_strided_slice %get3A_4 {offsets = [39, 0], sizes = [1, 64], strides = [1, 1]} : vector<200x64xf32> to vector<1x64xf32>
    %squeeze3A_529 = vector.shape_cast %slice3A_528 : vector<1x64xf32> to vector<64xf32>
    %broadcast_in_dim3A_530 = vector.shape_cast %squeeze3A_529 : vector<64xf32> to vector<64x1xf32>
    %add3A_531 = vector.broadcast %broadcast_in_dim3A_530 : vector<64x1xf32> to vector<64x128xf32>
    %add3A_532 = arith.addf %slice3A_527, %add3A_531 : vector<64x128xf32>
    %swap3A_533 = arith.constant 39 : index
    %swap3A_534 = arith.constant 0 : index
    %swap3A_535 = arith.constant 0 : index
    %swap3A_536 = vector.load %arg3[%swap3A_533, %swap3A_534, %swap3A_535] : memref<200x64x128xf32, #tpu.memory_space<vmem>>, vector<1x64x128xf32>
    %swap3A_537 = vector.shape_cast %swap3A_536 : vector<1x64x128xf32> to vector<64x128xf32>
    %swap3A_538 = vector.shape_cast %add3A_532 : vector<64x128xf32> to vector<1x64x128xf32>
    tpu.vector_store %arg3[%swap3A_533, %swap3A_534, %swap3A_535], %swap3A_538 {strides = array<i32>} : memref<200x64x128xf32, #tpu.memory_space<vmem>>, vector<1x64x128xf32>,
    %slice3A_539 = vector.extract_strided_slice %reshape3A {offsets = [0, 20, 0], sizes = [128, 1, 128], strides = [1, 1, 1]} : vector<128x100x128xf32> to vector<128x1x128xf32>
    %squeeze3A_540 = vector.shape_cast %slice3A_539 : vector<128x1x128xf32> to vector<128x128xf32>
    %transpose3A_541 = tpu.transpose %squeeze3A_540, [1, 0] : vector<128x128xf32> -> vector<128x128xf32>
    %slice3A_542 = vector.extract_strided_slice %transpose3A_541 {offsets = [0, 0], sizes = [64, 128], strides = [1, 1]} : vector<128x128xf32> to vector<64x128xf32>
    %slice3A_543 = vector.extract_strided_slice %get3A_4 {offsets = [40, 0], sizes = [1, 64], strides = [1, 1]} : vector<200x64xf32> to vector<1x64xf32>
    %squeeze3A_544 = vector.shape_cast %slice3A_543 : vector<1x64xf32> to vector<64xf32>
    %broadcast_in_dim3A_545 = vector.shape_cast %squeeze3A_544 : vector<64xf32> to vector<64x1xf32>
    %add3A_546 = vector.broadcast %broadcast_in_dim3A_545 : vector<64x1xf32> to vector<64x128xf32>
    %add3A_547 = arith.addf %slice3A_542, %add3A_546 : vector<64x128xf32>
    %swap3A_548 = arith.constant 40 : index
    %swap3A_549 = arith.constant 0 : index
    %swap3A_550 = arith.constant 0 : index
    %swap3A_551 = vector.load %arg3[%swap3A_548, %swap3A_549, %swap3A_550] : memref<200x64x128xf32, #tpu.memory_space<vmem>>, vector<1x64x128xf32>
    %swap3A_552 = vector.shape_cast %swap3A_551 : vector<1x64x128xf32> to vector<64x128xf32>
    %swap3A_553 = vector.shape_cast %add3A_547 : vector<64x128xf32> to vector<1x64x128xf32>
    tpu.vector_store %arg3[%swap3A_548, %swap3A_549, %swap3A_550], %swap3A_553 {strides = array<i32>} : memref<200x64x128xf32, #tpu.memory_space<vmem>>, vector<1x64x128xf32>,
    %slice3A_554 = vector.extract_strided_slice %transpose3A_541 {offsets = [64, 0], sizes = [64, 128], strides = [1, 1]} : vector<128x128xf32> to vector<64x128xf32>
    %slice3A_555 = vector.extract_strided_slice %get3A_4 {offsets = [41, 0], sizes = [1, 64], strides = [1, 1]} : vector<200x64xf32> to vector<1x64xf32>
    %squeeze3A_556 = vector.shape_cast %slice3A_555 : vector<1x64xf32> to vector<64xf32>
    %broadcast_in_dim3A_557 = vector.shape_cast %squeeze3A_556 : vector<64xf32> to vector<64x1xf32>
    %add3A_558 = vector.broadcast %broadcast_in_dim3A_557 : vector<64x1xf32> to vector<64x128xf32>
    %add3A_559 = arith.addf %slice3A_554, %add3A_558 : vector<64x128xf32>
    %swap3A_560 = arith.constant 41 : index
    %swap3A_561 = arith.constant 0 : index
    %swap3A_562 = arith.constant 0 : index
    %swap3A_563 = vector.load %arg3[%swap3A_560, %swap3A_561, %swap3A_562] : memref<200x64x128xf32, #tpu.memory_space<vmem>>, vector<1x64x128xf32>
    %swap3A_564 = vector.shape_cast %swap3A_563 : vector<1x64x128xf32> to vector<64x128xf32>
    %swap3A_565 = vector.shape_cast %add3A_559 : vector<64x128xf32> to vector<1x64x128xf32>
    tpu.vector_store %arg3[%swap3A_560, %swap3A_561, %swap3A_562], %swap3A_565 {strides = array<i32>} : memref<200x64x128xf32, #tpu.memory_space<vmem>>, vector<1x64x128xf32>,
    %slice3A_566 = vector.extract_strided_slice %reshape3A {offsets = [0, 21, 0], sizes = [128, 1, 128], strides = [1, 1, 1]} : vector<128x100x128xf32> to vector<128x1x128xf32>
    %squeeze3A_567 = vector.shape_cast %slice3A_566 : vector<128x1x128xf32> to vector<128x128xf32>
    %transpose3A_568 = tpu.transpose %squeeze3A_567, [1, 0] : vector<128x128xf32> -> vector<128x128xf32>
    %slice3A_569 = vector.extract_strided_slice %transpose3A_568 {offsets = [0, 0], sizes = [64, 128], strides = [1, 1]} : vector<128x128xf32> to vector<64x128xf32>
    %slice3A_570 = vector.extract_strided_slice %get3A_4 {offsets = [42, 0], sizes = [1, 64], strides = [1, 1]} : vector<200x64xf32> to vector<1x64xf32>
    %squeeze3A_571 = vector.shape_cast %slice3A_570 : vector<1x64xf32> to vector<64xf32>
    %broadcast_in_dim3A_572 = vector.shape_cast %squeeze3A_571 : vector<64xf32> to vector<64x1xf32>
    %add3A_573 = vector.broadcast %broadcast_in_dim3A_572 : vector<64x1xf32> to vector<64x128xf32>
    %add3A_574 = arith.addf %slice3A_569, %add3A_573 : vector<64x128xf32>
    %swap3A_575 = arith.constant 42 : index
    %swap3A_576 = arith.constant 0 : index
    %swap3A_577 = arith.constant 0 : index
    %swap3A_578 = vector.load %arg3[%swap3A_575, %swap3A_576, %swap3A_577] : memref<200x64x128xf32, #tpu.memory_space<vmem>>, vector<1x64x128xf32>
    %swap3A_579 = vector.shape_cast %swap3A_578 : vector<1x64x128xf32> to vector<64x128xf32>
    %swap3A_580 = vector.shape_cast %add3A_574 : vector<64x128xf32> to vector<1x64x128xf32>
    tpu.vector_store %arg3[%swap3A_575, %swap3A_576, %swap3A_577], %swap3A_580 {strides = array<i32>} : memref<200x64x128xf32, #tpu.memory_space<vmem>>, vector<1x64x128xf32>,
    %slice3A_581 = vector.extract_strided_slice %transpose3A_568 {offsets = [64, 0], sizes = [64, 128], strides = [1, 1]} : vector<128x128xf32> to vector<64x128xf32>
    %slice3A_582 = vector.extract_strided_slice %get3A_4 {offsets = [43, 0], sizes = [1, 64], strides = [1, 1]} : vector<200x64xf32> to vector<1x64xf32>
    %squeeze3A_583 = vector.shape_cast %slice3A_582 : vector<1x64xf32> to vector<64xf32>
    %broadcast_in_dim3A_584 = vector.shape_cast %squeeze3A_583 : vector<64xf32> to vector<64x1xf32>
    %add3A_585 = vector.broadcast %broadcast_in_dim3A_584 : vector<64x1xf32> to vector<64x128xf32>
    %add3A_586 = arith.addf %slice3A_581, %add3A_585 : vector<64x128xf32>
    %swap3A_587 = arith.constant 43 : index
    %swap3A_588 = arith.constant 0 : index
    %swap3A_589 = arith.constant 0 : index
    %swap3A_590 = vector.load %arg3[%swap3A_587, %swap3A_588, %swap3A_589] : memref<200x64x128xf32, #tpu.memory_space<vmem>>, vector<1x64x128xf32>
    %swap3A_591 = vector.shape_cast %swap3A_590 : vector<1x64x128xf32> to vector<64x128xf32>
    %swap3A_592 = vector.shape_cast %add3A_586 : vector<64x128xf32> to vector<1x64x128xf32>
    tpu.vector_store %arg3[%swap3A_587, %swap3A_588, %swap3A_589], %swap3A_592 {strides = array<i32>} : memref<200x64x128xf32, #tpu.memory_space<vmem>>, vector<1x64x128xf32>,
    %slice3A_593 = vector.extract_strided_slice %reshape3A {offsets = [0, 22, 0], sizes = [128, 1, 128], strides = [1, 1, 1]} : vector<128x100x128xf32> to vector<128x1x128xf32>
    %squeeze3A_594 = vector.shape_cast %slice3A_593 : vector<128x1x128xf32> to vector<128x128xf32>
    %transpose3A_595 = tpu.transpose %squeeze3A_594, [1, 0] : vector<128x128xf32> -> vector<128x128xf32>
    %slice3A_596 = vector.extract_strided_slice %transpose3A_595 {offsets = [0, 0], sizes = [64, 128], strides = [1, 1]} : vector<128x128xf32> to vector<64x128xf32>
    %slice3A_597 = vector.extract_strided_slice %get3A_4 {offsets = [44, 0], sizes = [1, 64], strides = [1, 1]} : vector<200x64xf32> to vector<1x64xf32>
    %squeeze3A_598 = vector.shape_cast %slice3A_597 : vector<1x64xf32> to vector<64xf32>
    %broadcast_in_dim3A_599 = vector.shape_cast %squeeze3A_598 : vector<64xf32> to vector<64x1xf32>
    %add3A_600 = vector.broadcast %broadcast_in_dim3A_599 : vector<64x1xf32> to vector<64x128xf32>
    %add3A_601 = arith.addf %slice3A_596, %add3A_600 : vector<64x128xf32>
    %swap3A_602 = arith.constant 44 : index
    %swap3A_603 = arith.constant 0 : index
    %swap3A_604 = arith.constant 0 : index
    %swap3A_605 = vector.load %arg3[%swap3A_602, %swap3A_603, %swap3A_604] : memref<200x64x128xf32, #tpu.memory_space<vmem>>, vector<1x64x128xf32>
    %swap3A_606 = vector.shape_cast %swap3A_605 : vector<1x64x128xf32> to vector<64x128xf32>
    %swap3A_607 = vector.shape_cast %add3A_601 : vector<64x128xf32> to vector<1x64x128xf32>
    tpu.vector_store %arg3[%swap3A_602, %swap3A_603, %swap3A_604], %swap3A_607 {strides = array<i32>} : memref<200x64x128xf32, #tpu.memory_space<vmem>>, vector<1x64x128xf32>,
    %slice3A_608 = vector.extract_strided_slice %transpose3A_595 {offsets = [64, 0], sizes = [64, 128], strides = [1, 1]} : vector<128x128xf32> to vector<64x128xf32>
    %slice3A_609 = vector.extract_strided_slice %get3A_4 {offsets = [45, 0], sizes = [1, 64], strides = [1, 1]} : vector<200x64xf32> to vector<1x64xf32>
    %squeeze3A_610 = vector.shape_cast %slice3A_609 : vector<1x64xf32> to vector<64xf32>
    %broadcast_in_dim3A_611 = vector.shape_cast %squeeze3A_610 : vector<64xf32> to vector<64x1xf32>
    %add3A_612 = vector.broadcast %broadcast_in_dim3A_611 : vector<64x1xf32> to vector<64x128xf32>
    %add3A_613 = arith.addf %slice3A_608, %add3A_612 : vector<64x128xf32>
    %swap3A_614 = arith.constant 45 : index
    %swap3A_615 = arith.constant 0 : index
    %swap3A_616 = arith.constant 0 : index
    %swap3A_617 = vector.load %arg3[%swap3A_614, %swap3A_615, %swap3A_616] : memref<200x64x128xf32, #tpu.memory_space<vmem>>, vector<1x64x128xf32>
    %swap3A_618 = vector.shape_cast %swap3A_617 : vector<1x64x128xf32> to vector<64x128xf32>
    %swap3A_619 = vector.shape_cast %add3A_613 : vector<64x128xf32> to vector<1x64x128xf32>
    tpu.vector_store %arg3[%swap3A_614, %swap3A_615, %swap3A_616], %swap3A_619 {strides = array<i32>} : memref<200x64x128xf32, #tpu.memory_space<vmem>>, vector<1x64x128xf32>,
    %slice3A_620 = vector.extract_strided_slice %reshape3A {offsets = [0, 23, 0], sizes = [128, 1, 128], strides = [1, 1, 1]} : vector<128x100x128xf32> to vector<128x1x128xf32>
    %squeeze3A_621 = vector.shape_cast %slice3A_620 : vector<128x1x128xf32> to vector<128x128xf32>
    %transpose3A_622 = tpu.transpose %squeeze3A_621, [1, 0] : vector<128x128xf32> -> vector<128x128xf32>
    %slice3A_623 = vector.extract_strided_slice %transpose3A_622 {offsets = [0, 0], sizes = [64, 128], strides = [1, 1]} : vector<128x128xf32> to vector<64x128xf32>
    %slice3A_624 = vector.extract_strided_slice %get3A_4 {offsets = [46, 0], sizes = [1, 64], strides = [1, 1]} : vector<200x64xf32> to vector<1x64xf32>
    %squeeze3A_625 = vector.shape_cast %slice3A_624 : vector<1x64xf32> to vector<64xf32>
    %broadcast_in_dim3A_626 = vector.shape_cast %squeeze3A_625 : vector<64xf32> to vector<64x1xf32>
    %add3A_627 = vector.broadcast %broadcast_in_dim3A_626 : vector<64x1xf32> to vector<64x128xf32>
    %add3A_628 = arith.addf %slice3A_623, %add3A_627 : vector<64x128xf32>
    %swap3A_629 = arith.constant 46 : index
    %swap3A_630 = arith.constant 0 : index
    %swap3A_631 = arith.constant 0 : index
    %swap3A_632 = vector.load %arg3[%swap3A_629, %swap3A_630, %swap3A_631] : memref<200x64x128xf32, #tpu.memory_space<vmem>>, vector<1x64x128xf32>
    %swap3A_633 = vector.shape_cast %swap3A_632 : vector<1x64x128xf32> to vector<64x128xf32>
    %swap3A_634 = vector.shape_cast %add3A_628 : vector<64x128xf32> to vector<1x64x128xf32>
    tpu.vector_store %arg3[%swap3A_629, %swap3A_630, %swap3A_631], %swap3A_634 {strides = array<i32>} : memref<200x64x128xf32, #tpu.memory_space<vmem>>, vector<1x64x128xf32>,
    %slice3A_635 = vector.extract_strided_slice %transpose3A_622 {offsets = [64, 0], sizes = [64, 128], strides = [1, 1]} : vector<128x128xf32> to vector<64x128xf32>
    %slice3A_636 = vector.extract_strided_slice %get3A_4 {offsets = [47, 0], sizes = [1, 64], strides = [1, 1]} : vector<200x64xf32> to vector<1x64xf32>
    %squeeze3A_637 = vector.shape_cast %slice3A_636 : vector<1x64xf32> to vector<64xf32>
    %broadcast_in_dim3A_638 = vector.shape_cast %squeeze3A_637 : vector<64xf32> to vector<64x1xf32>
    %add3A_639 = vector.broadcast %broadcast_in_dim3A_638 : vector<64x1xf32> to vector<64x128xf32>
    %add3A_640 = arith.addf %slice3A_635, %add3A_639 : vector<64x128xf32>
    %swap3A_641 = arith.constant 47 : index
    %swap3A_642 = arith.constant 0 : index
    %swap3A_643 = arith.constant 0 : index
    %swap3A_644 = vector.load %arg3[%swap3A_641, %swap3A_642, %swap3A_643] : memref<200x64x128xf32, #tpu.memory_space<vmem>>, vector<1x64x128xf32>
    %swap3A_645 = vector.shape_cast %swap3A_644 : vector<1x64x128xf32> to vector<64x128xf32>
    %swap3A_646 = vector.shape_cast %add3A_640 : vector<64x128xf32> to vector<1x64x128xf32>
    tpu.vector_store %arg3[%swap3A_641, %swap3A_642, %swap3A_643], %swap3A_646 {strides = array<i32>} : memref<200x64x128xf32, #tpu.memory_space<vmem>>, vector<1x64x128xf32>,
    %slice3A_647 = vector.extract_strided_slice %reshape3A {offsets = [0, 24, 0], sizes = [128, 1, 128], strides = [1, 1, 1]} : vector<128x100x128xf32> to vector<128x1x128xf32>
    %squeeze3A_648 = vector.shape_cast %slice3A_647 : vector<128x1x128xf32> to vector<128x128xf32>
    %transpose3A_649 = tpu.transpose %squeeze3A_648, [1, 0] : vector<128x128xf32> -> vector<128x128xf32>
    %slice3A_650 = vector.extract_strided_slice %transpose3A_649 {offsets = [0, 0], sizes = [64, 128], strides = [1, 1]} : vector<128x128xf32> to vector<64x128xf32>
    %slice3A_651 = vector.extract_strided_slice %get3A_4 {offsets = [48, 0], sizes = [1, 64], strides = [1, 1]} : vector<200x64xf32> to vector<1x64xf32>
    %squeeze3A_652 = vector.shape_cast %slice3A_651 : vector<1x64xf32> to vector<64xf32>
    %broadcast_in_dim3A_653 = vector.shape_cast %squeeze3A_652 : vector<64xf32> to vector<64x1xf32>
    %add3A_654 = vector.broadcast %broadcast_in_dim3A_653 : vector<64x1xf32> to vector<64x128xf32>
    %add3A_655 = arith.addf %slice3A_650, %add3A_654 : vector<64x128xf32>
    %swap3A_656 = arith.constant 48 : index
    %swap3A_657 = arith.constant 0 : index
    %swap3A_658 = arith.constant 0 : index
    %swap3A_659 = vector.load %arg3[%swap3A_656, %swap3A_657, %swap3A_658] : memref<200x64x128xf32, #tpu.memory_space<vmem>>, vector<1x64x128xf32>
    %swap3A_660 = vector.shape_cast %swap3A_659 : vector<1x64x128xf32> to vector<64x128xf32>
    %swap3A_661 = vector.shape_cast %add3A_655 : vector<64x128xf32> to vector<1x64x128xf32>
    tpu.vector_store %arg3[%swap3A_656, %swap3A_657, %swap3A_658], %swap3A_661 {strides = array<i32>} : memref<200x64x128xf32, #tpu.memory_space<vmem>>, vector<1x64x128xf32>,
    %slice3A_662 = vector.extract_strided_slice %transpose3A_649 {offsets = [64, 0], sizes = [64, 128], strides = [1, 1]} : vector<128x128xf32> to vector<64x128xf32>
    %slice3A_663 = vector.extract_strided_slice %get3A_4 {offsets = [49, 0], sizes = [1, 64], strides = [1, 1]} : vector<200x64xf32> to vector<1x64xf32>
    %squeeze3A_664 = vector.shape_cast %slice3A_663 : vector<1x64xf32> to vector<64xf32>
    %broadcast_in_dim3A_665 = vector.shape_cast %squeeze3A_664 : vector<64xf32> to vector<64x1xf32>
    %add3A_666 = vector.broadcast %broadcast_in_dim3A_665 : vector<64x1xf32> to vector<64x128xf32>
    %add3A_667 = arith.addf %slice3A_662, %add3A_666 : vector<64x128xf32>
    %swap3A_668 = arith.constant 49 : index
    %swap3A_669 = arith.constant 0 : index
    %swap3A_670 = arith.constant 0 : index
    %swap3A_671 = vector.load %arg3[%swap3A_668, %swap3A_669, %swap3A_670] : memref<200x64x128xf32, #tpu.memory_space<vmem>>, vector<1x64x128xf32>
    %swap3A_672 = vector.shape_cast %swap3A_671 : vector<1x64x128xf32> to vector<64x128xf32>
    %swap3A_673 = vector.shape_cast %add3A_667 : vector<64x128xf32> to vector<1x64x128xf32>
    tpu.vector_store %arg3[%swap3A_668, %swap3A_669, %swap3A_670], %swap3A_673 {strides = array<i32>} : memref<200x64x128xf32, #tpu.memory_space<vmem>>, vector<1x64x128xf32>,
    %slice3A_674 = vector.extract_strided_slice %reshape3A {offsets = [0, 25, 0], sizes = [128, 1, 128], strides = [1, 1, 1]} : vector<128x100x128xf32> to vector<128x1x128xf32>
    %squeeze3A_675 = vector.shape_cast %slice3A_674 : vector<128x1x128xf32> to vector<128x128xf32>
    %transpose3A_676 = tpu.transpose %squeeze3A_675, [1, 0] : vector<128x128xf32> -> vector<128x128xf32>
    %slice3A_677 = vector.extract_strided_slice %transpose3A_676 {offsets = [0, 0], sizes = [64, 128], strides = [1, 1]} : vector<128x128xf32> to vector<64x128xf32>
    %slice3A_678 = vector.extract_strided_slice %get3A_4 {offsets = [50, 0], sizes = [1, 64], strides = [1, 1]} : vector<200x64xf32> to vector<1x64xf32>
    %squeeze3A_679 = vector.shape_cast %slice3A_678 : vector<1x64xf32> to vector<64xf32>
    %broadcast_in_dim3A_680 = vector.shape_cast %squeeze3A_679 : vector<64xf32> to vector<64x1xf32>
    %add3A_681 = vector.broadcast %broadcast_in_dim3A_680 : vector<64x1xf32> to vector<64x128xf32>
    %add3A_682 = arith.addf %slice3A_677, %add3A_681 : vector<64x128xf32>
    %swap3A_683 = arith.constant 50 : index
    %swap3A_684 = arith.constant 0 : index
    %swap3A_685 = arith.constant 0 : index
    %swap3A_686 = vector.load %arg3[%swap3A_683, %swap3A_684, %swap3A_685] : memref<200x64x128xf32, #tpu.memory_space<vmem>>, vector<1x64x128xf32>
    %swap3A_687 = vector.shape_cast %swap3A_686 : vector<1x64x128xf32> to vector<64x128xf32>
    %swap3A_688 = vector.shape_cast %add3A_682 : vector<64x128xf32> to vector<1x64x128xf32>
    tpu.vector_store %arg3[%swap3A_683, %swap3A_684, %swap3A_685], %swap3A_688 {strides = array<i32>} : memref<200x64x128xf32, #tpu.memory_space<vmem>>, vector<1x64x128xf32>,
    %slice3A_689 = vector.extract_strided_slice %transpose3A_676 {offsets = [64, 0], sizes = [64, 128], strides = [1, 1]} : vector<128x128xf32> to vector<64x128xf32>
    %slice3A_690 = vector.extract_strided_slice %get3A_4 {offsets = [51, 0], sizes = [1, 64], strides = [1, 1]} : vector<200x64xf32> to vector<1x64xf32>
    %squeeze3A_691 = vector.shape_cast %slice3A_690 : vector<1x64xf32> to vector<64xf32>
    %broadcast_in_dim3A_692 = vector.shape_cast %squeeze3A_691 : vector<64xf32> to vector<64x1xf32>
    %add3A_693 = vector.broadcast %broadcast_in_dim3A_692 : vector<64x1xf32> to vector<64x128xf32>
    %add3A_694 = arith.addf %slice3A_689, %add3A_693 : vector<64x128xf32>
    %swap3A_695 = arith.constant 51 : index
    %swap3A_696 = arith.constant 0 : index
    %swap3A_697 = arith.constant 0 : index
    %swap3A_698 = vector.load %arg3[%swap3A_695, %swap3A_696, %swap3A_697] : memref<200x64x128xf32, #tpu.memory_space<vmem>>, vector<1x64x128xf32>
    %swap3A_699 = vector.shape_cast %swap3A_698 : vector<1x64x128xf32> to vector<64x128xf32>
    %swap3A_700 = vector.shape_cast %add3A_694 : vector<64x128xf32> to vector<1x64x128xf32>
    tpu.vector_store %arg3[%swap3A_695, %swap3A_696, %swap3A_697], %swap3A_700 {strides = array<i32>} : memref<200x64x128xf32, #tpu.memory_space<vmem>>, vector<1x64x128xf32>,
    %slice3A_701 = vector.extract_strided_slice %reshape3A {offsets = [0, 26, 0], sizes = [128, 1, 128], strides = [1, 1, 1]} : vector<128x100x128xf32> to vector<128x1x128xf32>
    %squeeze3A_702 = vector.shape_cast %slice3A_701 : vector<128x1x128xf32> to vector<128x128xf32>
    %transpose3A_703 = tpu.transpose %squeeze3A_702, [1, 0] : vector<128x128xf32> -> vector<128x128xf32>
    %slice3A_704 = vector.extract_strided_slice %transpose3A_703 {offsets = [0, 0], sizes = [64, 128], strides = [1, 1]} : vector<128x128xf32> to vector<64x128xf32>
    %slice3A_705 = vector.extract_strided_slice %get3A_4 {offsets = [52, 0], sizes = [1, 64], strides = [1, 1]} : vector<200x64xf32> to vector<1x64xf32>
    %squeeze3A_706 = vector.shape_cast %slice3A_705 : vector<1x64xf32> to vector<64xf32>
    %broadcast_in_dim3A_707 = vector.shape_cast %squeeze3A_706 : vector<64xf32> to vector<64x1xf32>
    %add3A_708 = vector.broadcast %broadcast_in_dim3A_707 : vector<64x1xf32> to vector<64x128xf32>
    %add3A_709 = arith.addf %slice3A_704, %add3A_708 : vector<64x128xf32>
    %swap3A_710 = arith.constant 52 : index
    %swap3A_711 = arith.constant 0 : index
    %swap3A_712 = arith.constant 0 : index
    %swap3A_713 = vector.load %arg3[%swap3A_710, %swap3A_711, %swap3A_712] : memref<200x64x128xf32, #tpu.memory_space<vmem>>, vector<1x64x128xf32>
    %swap3A_714 = vector.shape_cast %swap3A_713 : vector<1x64x128xf32> to vector<64x128xf32>
    %swap3A_715 = vector.shape_cast %add3A_709 : vector<64x128xf32> to vector<1x64x128xf32>
    tpu.vector_store %arg3[%swap3A_710, %swap3A_711, %swap3A_712], %swap3A_715 {strides = array<i32>} : memref<200x64x128xf32, #tpu.memory_space<vmem>>, vector<1x64x128xf32>,
    %slice3A_716 = vector.extract_strided_slice %transpose3A_703 {offsets = [64, 0], sizes = [64, 128], strides = [1, 1]} : vector<128x128xf32> to vector<64x128xf32>
    %slice3A_717 = vector.extract_strided_slice %get3A_4 {offsets = [53, 0], sizes = [1, 64], strides = [1, 1]} : vector<200x64xf32> to vector<1x64xf32>
    %squeeze3A_718 = vector.shape_cast %slice3A_717 : vector<1x64xf32> to vector<64xf32>
    %broadcast_in_dim3A_719 = vector.shape_cast %squeeze3A_718 : vector<64xf32> to vector<64x1xf32>
    %add3A_720 = vector.broadcast %broadcast_in_dim3A_719 : vector<64x1xf32> to vector<64x128xf32>
    %add3A_721 = arith.addf %slice3A_716, %add3A_720 : vector<64x128xf32>
    %swap3A_722 = arith.constant 53 : index
    %swap3A_723 = arith.constant 0 : index
    %swap3A_724 = arith.constant 0 : index
    %swap3A_725 = vector.load %arg3[%swap3A_722, %swap3A_723, %swap3A_724] : memref<200x64x128xf32, #tpu.memory_space<vmem>>, vector<1x64x128xf32>
    %swap3A_726 = vector.shape_cast %swap3A_725 : vector<1x64x128xf32> to vector<64x128xf32>
    %swap3A_727 = vector.shape_cast %add3A_721 : vector<64x128xf32> to vector<1x64x128xf32>
    tpu.vector_store %arg3[%swap3A_722, %swap3A_723, %swap3A_724], %swap3A_727 {strides = array<i32>} : memref<200x64x128xf32, #tpu.memory_space<vmem>>, vector<1x64x128xf32>,
    %slice3A_728 = vector.extract_strided_slice %reshape3A {offsets = [0, 27, 0], sizes = [128, 1, 128], strides = [1, 1, 1]} : vector<128x100x128xf32> to vector<128x1x128xf32>
    %squeeze3A_729 = vector.shape_cast %slice3A_728 : vector<128x1x128xf32> to vector<128x128xf32>
    %transpose3A_730 = tpu.transpose %squeeze3A_729, [1, 0] : vector<128x128xf32> -> vector<128x128xf32>
    %slice3A_731 = vector.extract_strided_slice %transpose3A_730 {offsets = [0, 0], sizes = [64, 128], strides = [1, 1]} : vector<128x128xf32> to vector<64x128xf32>
    %slice3A_732 = vector.extract_strided_slice %get3A_4 {offsets = [54, 0], sizes = [1, 64], strides = [1, 1]} : vector<200x64xf32> to vector<1x64xf32>
    %squeeze3A_733 = vector.shape_cast %slice3A_732 : vector<1x64xf32> to vector<64xf32>
    %broadcast_in_dim3A_734 = vector.shape_cast %squeeze3A_733 : vector<64xf32> to vector<64x1xf32>
    %add3A_735 = vector.broadcast %broadcast_in_dim3A_734 : vector<64x1xf32> to vector<64x128xf32>
    %add3A_736 = arith.addf %slice3A_731, %add3A_735 : vector<64x128xf32>
    %swap3A_737 = arith.constant 54 : index
    %swap3A_738 = arith.constant 0 : index
    %swap3A_739 = arith.constant 0 : index
    %swap3A_740 = vector.load %arg3[%swap3A_737, %swap3A_738, %swap3A_739] : memref<200x64x128xf32, #tpu.memory_space<vmem>>, vector<1x64x128xf32>
    %swap3A_741 = vector.shape_cast %swap3A_740 : vector<1x64x128xf32> to vector<64x128xf32>
    %swap3A_742 = vector.shape_cast %add3A_736 : vector<64x128xf32> to vector<1x64x128xf32>
    tpu.vector_store %arg3[%swap3A_737, %swap3A_738, %swap3A_739], %swap3A_742 {strides = array<i32>} : memref<200x64x128xf32, #tpu.memory_space<vmem>>, vector<1x64x128xf32>,
    %slice3A_743 = vector.extract_strided_slice %transpose3A_730 {offsets = [64, 0], sizes = [64, 128], strides = [1, 1]} : vector<128x128xf32> to vector<64x128xf32>
    %slice3A_744 = vector.extract_strided_slice %get3A_4 {offsets = [55, 0], sizes = [1, 64], strides = [1, 1]} : vector<200x64xf32> to vector<1x64xf32>
    %squeeze3A_745 = vector.shape_cast %slice3A_744 : vector<1x64xf32> to vector<64xf32>
    %broadcast_in_dim3A_746 = vector.shape_cast %squeeze3A_745 : vector<64xf32> to vector<64x1xf32>
    %add3A_747 = vector.broadcast %broadcast_in_dim3A_746 : vector<64x1xf32> to vector<64x128xf32>
    %add3A_748 = arith.addf %slice3A_743, %add3A_747 : vector<64x128xf32>
    %swap3A_749 = arith.constant 55 : index
    %swap3A_750 = arith.constant 0 : index
    %swap3A_751 = arith.constant 0 : index
    %swap3A_752 = vector.load %arg3[%swap3A_749, %swap3A_750, %swap3A_751] : memref<200x64x128xf32, #tpu.memory_space<vmem>>, vector<1x64x128xf32>
    %swap3A_753 = vector.shape_cast %swap3A_752 : vector<1x64x128xf32> to vector<64x128xf32>
    %swap3A_754 = vector.shape_cast %add3A_748 : vector<64x128xf32> to vector<1x64x128xf32>
    tpu.vector_store %arg3[%swap3A_749, %swap3A_750, %swap3A_751], %swap3A_754 {strides = array<i32>} : memref<200x64x128xf32, #tpu.memory_space<vmem>>, vector<1x64x128xf32>,
    %slice3A_755 = vector.extract_strided_slice %reshape3A {offsets = [0, 28, 0], sizes = [128, 1, 128], strides = [1, 1, 1]} : vector<128x100x128xf32> to vector<128x1x128xf32>
    %squeeze3A_756 = vector.shape_cast %slice3A_755 : vector<128x1x128xf32> to vector<128x128xf32>
    %transpose3A_757 = tpu.transpose %squeeze3A_756, [1, 0] : vector<128x128xf32> -> vector<128x128xf32>
    %slice3A_758 = vector.extract_strided_slice %transpose3A_757 {offsets = [0, 0], sizes = [64, 128], strides = [1, 1]} : vector<128x128xf32> to vector<64x128xf32>
    %slice3A_759 = vector.extract_strided_slice %get3A_4 {offsets = [56, 0], sizes = [1, 64], strides = [1, 1]} : vector<200x64xf32> to vector<1x64xf32>
    %squeeze3A_760 = vector.shape_cast %slice3A_759 : vector<1x64xf32> to vector<64xf32>
    %broadcast_in_dim3A_761 = vector.shape_cast %squeeze3A_760 : vector<64xf32> to vector<64x1xf32>
    %add3A_762 = vector.broadcast %broadcast_in_dim3A_761 : vector<64x1xf32> to vector<64x128xf32>
    %add3A_763 = arith.addf %slice3A_758, %add3A_762 : vector<64x128xf32>
    %swap3A_764 = arith.constant 56 : index
    %swap3A_765 = arith.constant 0 : index
    %swap3A_766 = arith.constant 0 : index
    %swap3A_767 = vector.load %arg3[%swap3A_764, %swap3A_765, %swap3A_766] : memref<200x64x128xf32, #tpu.memory_space<vmem>>, vector<1x64x128xf32>
    %swap3A_768 = vector.shape_cast %swap3A_767 : vector<1x64x128xf32> to vector<64x128xf32>
    %swap3A_769 = vector.shape_cast %add3A_763 : vector<64x128xf32> to vector<1x64x128xf32>
    tpu.vector_store %arg3[%swap3A_764, %swap3A_765, %swap3A_766], %swap3A_769 {strides = array<i32>} : memref<200x64x128xf32, #tpu.memory_space<vmem>>, vector<1x64x128xf32>,
    %slice3A_770 = vector.extract_strided_slice %transpose3A_757 {offsets = [64, 0], sizes = [64, 128], strides = [1, 1]} : vector<128x128xf32> to vector<64x128xf32>
    %slice3A_771 = vector.extract_strided_slice %get3A_4 {offsets = [57, 0], sizes = [1, 64], strides = [1, 1]} : vector<200x64xf32> to vector<1x64xf32>
    %squeeze3A_772 = vector.shape_cast %slice3A_771 : vector<1x64xf32> to vector<64xf32>
    %broadcast_in_dim3A_773 = vector.shape_cast %squeeze3A_772 : vector<64xf32> to vector<64x1xf32>
    %add3A_774 = vector.broadcast %broadcast_in_dim3A_773 : vector<64x1xf32> to vector<64x128xf32>
    %add3A_775 = arith.addf %slice3A_770, %add3A_774 : vector<64x128xf32>
    %swap3A_776 = arith.constant 57 : index
    %swap3A_777 = arith.constant 0 : index
    %swap3A_778 = arith.constant 0 : index
    %swap3A_779 = vector.load %arg3[%swap3A_776, %swap3A_777, %swap3A_778] : memref<200x64x128xf32, #tpu.memory_space<vmem>>, vector<1x64x128xf32>
    %swap3A_780 = vector.shape_cast %swap3A_779 : vector<1x64x128xf32> to vector<64x128xf32>
    %swap3A_781 = vector.shape_cast %add3A_775 : vector<64x128xf32> to vector<1x64x128xf32>
    tpu.vector_store %arg3[%swap3A_776, %swap3A_777, %swap3A_778], %swap3A_781 {strides = array<i32>} : memref<200x64x128xf32, #tpu.memory_space<vmem>>, vector<1x64x128xf32>,
    %slice3A_782 = vector.extract_strided_slice %reshape3A {offsets = [0, 29, 0], sizes = [128, 1, 128], strides = [1, 1, 1]} : vector<128x100x128xf32> to vector<128x1x128xf32>
    %squeeze3A_783 = vector.shape_cast %slice3A_782 : vector<128x1x128xf32> to vector<128x128xf32>
    %transpose3A_784 = tpu.transpose %squeeze3A_783, [1, 0] : vector<128x128xf32> -> vector<128x128xf32>
    %slice3A_785 = vector.extract_strided_slice %transpose3A_784 {offsets = [0, 0], sizes = [64, 128], strides = [1, 1]} : vector<128x128xf32> to vector<64x128xf32>
    %slice3A_786 = vector.extract_strided_slice %get3A_4 {offsets = [58, 0], sizes = [1, 64], strides = [1, 1]} : vector<200x64xf32> to vector<1x64xf32>
    %squeeze3A_787 = vector.shape_cast %slice3A_786 : vector<1x64xf32> to vector<64xf32>
    %broadcast_in_dim3A_788 = vector.shape_cast %squeeze3A_787 : vector<64xf32> to vector<64x1xf32>
    %add3A_789 = vector.broadcast %broadcast_in_dim3A_788 : vector<64x1xf32> to vector<64x128xf32>
    %add3A_790 = arith.addf %slice3A_785, %add3A_789 : vector<64x128xf32>
    %swap3A_791 = arith.constant 58 : index
    %swap3A_792 = arith.constant 0 : index
    %swap3A_793 = arith.constant 0 : index
    %swap3A_794 = vector.load %arg3[%swap3A_791, %swap3A_792, %swap3A_793] : memref<200x64x128xf32, #tpu.memory_space<vmem>>, vector<1x64x128xf32>
    %swap3A_795 = vector.shape_cast %swap3A_794 : vector<1x64x128xf32> to vector<64x128xf32>
    %swap3A_796 = vector.shape_cast %add3A_790 : vector<64x128xf32> to vector<1x64x128xf32>
    tpu.vector_store %arg3[%swap3A_791, %swap3A_792, %swap3A_793], %swap3A_796 {strides = array<i32>} : memref<200x64x128xf32, #tpu.memory_space<vmem>>, vector<1x64x128xf32>,
    %slice3A_797 = vector.extract_strided_slice %transpose3A_784 {offsets = [64, 0], sizes = [64, 128], strides = [1, 1]} : vector<128x128xf32> to vector<64x128xf32>
    %slice3A_798 = vector.extract_strided_slice %get3A_4 {offsets = [59, 0], sizes = [1, 64], strides = [1, 1]} : vector<200x64xf32> to vector<1x64xf32>
    %squeeze3A_799 = vector.shape_cast %slice3A_798 : vector<1x64xf32> to vector<64xf32>
    %broadcast_in_dim3A_800 = vector.shape_cast %squeeze3A_799 : vector<64xf32> to vector<64x1xf32>
    %add3A_801 = vector.broadcast %broadcast_in_dim3A_800 : vector<64x1xf32> to vector<64x128xf32>
    %add3A_802 = arith.addf %slice3A_797, %add3A_801 : vector<64x128xf32>
    %swap3A_803 = arith.constant 59 : index
    %swap3A_804 = arith.constant 0 : index
    %swap3A_805 = arith.constant 0 : index
    %swap3A_806 = vector.load %arg3[%swap3A_803, %swap3A_804, %swap3A_805] : memref<200x64x128xf32, #tpu.memory_space<vmem>>, vector<1x64x128xf32>
    %swap3A_807 = vector.shape_cast %swap3A_806 : vector<1x64x128xf32> to vector<64x128xf32>
    %swap3A_808 = vector.shape_cast %add3A_802 : vector<64x128xf32> to vector<1x64x128xf32>
    tpu.vector_store %arg3[%swap3A_803, %swap3A_804, %swap3A_805], %swap3A_808 {strides = array<i32>} : memref<200x64x128xf32, #tpu.memory_space<vmem>>, vector<1x64x128xf32>,
    %slice3A_809 = vector.extract_strided_slice %reshape3A {offsets = [0, 30, 0], sizes = [128, 1, 128], strides = [1, 1, 1]} : vector<128x100x128xf32> to vector<128x1x128xf32>
    %squeeze3A_810 = vector.shape_cast %slice3A_809 : vector<128x1x128xf32> to vector<128x128xf32>
    %transpose3A_811 = tpu.transpose %squeeze3A_810, [1, 0] : vector<128x128xf32> -> vector<128x128xf32>
    %slice3A_812 = vector.extract_strided_slice %transpose3A_811 {offsets = [0, 0], sizes = [64, 128], strides = [1, 1]} : vector<128x128xf32> to vector<64x128xf32>
    %slice3A_813 = vector.extract_strided_slice %get3A_4 {offsets = [60, 0], sizes = [1, 64], strides = [1, 1]} : vector<200x64xf32> to vector<1x64xf32>
    %squeeze3A_814 = vector.shape_cast %slice3A_813 : vector<1x64xf32> to vector<64xf32>
    %broadcast_in_dim3A_815 = vector.shape_cast %squeeze3A_814 : vector<64xf32> to vector<64x1xf32>
    %add3A_816 = vector.broadcast %broadcast_in_dim3A_815 : vector<64x1xf32> to vector<64x128xf32>
    %add3A_817 = arith.addf %slice3A_812, %add3A_816 : vector<64x128xf32>
    %swap3A_818 = arith.constant 60 : index
    %swap3A_819 = arith.constant 0 : index
    %swap3A_820 = arith.constant 0 : index
    %swap3A_821 = vector.load %arg3[%swap3A_818, %swap3A_819, %swap3A_820] : memref<200x64x128xf32, #tpu.memory_space<vmem>>, vector<1x64x128xf32>
    %swap3A_822 = vector.shape_cast %swap3A_821 : vector<1x64x128xf32> to vector<64x128xf32>
    %swap3A_823 = vector.shape_cast %add3A_817 : vector<64x128xf32> to vector<1x64x128xf32>
    tpu.vector_store %arg3[%swap3A_818, %swap3A_819, %swap3A_820], %swap3A_823 {strides = array<i32>} : memref<200x64x128xf32, #tpu.memory_space<vmem>>, vector<1x64x128xf32>,
    %slice3A_824 = vector.extract_strided_slice %transpose3A_811 {offsets = [64, 0], sizes = [64, 128], strides = [1, 1]} : vector<128x128xf32> to vector<64x128xf32>
    %slice3A_825 = vector.extract_strided_slice %get3A_4 {offsets = [61, 0], sizes = [1, 64], strides = [1, 1]} : vector<200x64xf32> to vector<1x64xf32>
    %squeeze3A_826 = vector.shape_cast %slice3A_825 : vector<1x64xf32> to vector<64xf32>
    %broadcast_in_dim3A_827 = vector.shape_cast %squeeze3A_826 : vector<64xf32> to vector<64x1xf32>
    %add3A_828 = vector.broadcast %broadcast_in_dim3A_827 : vector<64x1xf32> to vector<64x128xf32>
    %add3A_829 = arith.addf %slice3A_824, %add3A_828 : vector<64x128xf32>
    %swap3A_830 = arith.constant 61 : index
    %swap3A_831 = arith.constant 0 : index
    %swap3A_832 = arith.constant 0 : index
    %swap3A_833 = vector.load %arg3[%swap3A_830, %swap3A_831, %swap3A_832] : memref<200x64x128xf32, #tpu.memory_space<vmem>>, vector<1x64x128xf32>
    %swap3A_834 = vector.shape_cast %swap3A_833 : vector<1x64x128xf32> to vector<64x128xf32>
    %swap3A_835 = vector.shape_cast %add3A_829 : vector<64x128xf32> to vector<1x64x128xf32>
    tpu.vector_store %arg3[%swap3A_830, %swap3A_831, %swap3A_832], %swap3A_835 {strides = array<i32>} : memref<200x64x128xf32, #tpu.memory_space<vmem>>, vector<1x64x128xf32>,
    %slice3A_836 = vector.extract_strided_slice %reshape3A {offsets = [0, 31, 0], sizes = [128, 1, 128], strides = [1, 1, 1]} : vector<128x100x128xf32> to vector<128x1x128xf32>
    %squeeze3A_837 = vector.shape_cast %slice3A_836 : vector<128x1x128xf32> to vector<128x128xf32>
    %transpose3A_838 = tpu.transpose %squeeze3A_837, [1, 0] : vector<128x128xf32> -> vector<128x128xf32>
    %slice3A_839 = vector.extract_strided_slice %transpose3A_838 {offsets = [0, 0], sizes = [64, 128], strides = [1, 1]} : vector<128x128xf32> to vector<64x128xf32>
    %slice3A_840 = vector.extract_strided_slice %get3A_4 {offsets = [62, 0], sizes = [1, 64], strides = [1, 1]} : vector<200x64xf32> to vector<1x64xf32>
    %squeeze3A_841 = vector.shape_cast %slice3A_840 : vector<1x64xf32> to vector<64xf32>
    %broadcast_in_dim3A_842 = vector.shape_cast %squeeze3A_841 : vector<64xf32> to vector<64x1xf32>
    %add3A_843 = vector.broadcast %broadcast_in_dim3A_842 : vector<64x1xf32> to vector<64x128xf32>
    %add3A_844 = arith.addf %slice3A_839, %add3A_843 : vector<64x128xf32>
    %swap3A_845 = arith.constant 62 : index
    %swap3A_846 = arith.constant 0 : index
    %swap3A_847 = arith.constant 0 : index
    %swap3A_848 = vector.load %arg3[%swap3A_845, %swap3A_846, %swap3A_847] : memref<200x64x128xf32, #tpu.memory_space<vmem>>, vector<1x64x128xf32>
    %swap3A_849 = vector.shape_cast %swap3A_848 : vector<1x64x128xf32> to vector<64x128xf32>
    %swap3A_850 = vector.shape_cast %add3A_844 : vector<64x128xf32> to vector<1x64x128xf32>
    tpu.vector_store %arg3[%swap3A_845, %swap3A_846, %swap3A_847], %swap3A_850 {strides = array<i32>} : memref<200x64x128xf32, #tpu.memory_space<vmem>>, vector<1x64x128xf32>,
    %slice3A_851 = vector.extract_strided_slice %transpose3A_838 {offsets = [64, 0], sizes = [64, 128], strides = [1, 1]} : vector<128x128xf32> to vector<64x128xf32>
    %slice3A_852 = vector.extract_strided_slice %get3A_4 {offsets = [63, 0], sizes = [1, 64], strides = [1, 1]} : vector<200x64xf32> to vector<1x64xf32>
    %squeeze3A_853 = vector.shape_cast %slice3A_852 : vector<1x64xf32> to vector<64xf32>
    %broadcast_in_dim3A_854 = vector.shape_cast %squeeze3A_853 : vector<64xf32> to vector<64x1xf32>
    %add3A_855 = vector.broadcast %broadcast_in_dim3A_854 : vector<64x1xf32> to vector<64x128xf32>
    %add3A_856 = arith.addf %slice3A_851, %add3A_855 : vector<64x128xf32>
    %swap3A_857 = arith.constant 63 : index
    %swap3A_858 = arith.constant 0 : index
    %swap3A_859 = arith.constant 0 : index
    %swap3A_860 = vector.load %arg3[%swap3A_857, %swap3A_858, %swap3A_859] : memref<200x64x128xf32, #tpu.memory_space<vmem>>, vector<1x64x128xf32>
    %swap3A_861 = vector.shape_cast %swap3A_860 : vector<1x64x128xf32> to vector<64x128xf32>
    %swap3A_862 = vector.shape_cast %add3A_856 : vector<64x128xf32> to vector<1x64x128xf32>
    tpu.vector_store %arg3[%swap3A_857, %swap3A_858, %swap3A_859], %swap3A_862 {strides = array<i32>} : memref<200x64x128xf32, #tpu.memory_space<vmem>>, vector<1x64x128xf32>,
    %slice3A_863 = vector.extract_strided_slice %reshape3A {offsets = [0, 32, 0], sizes = [128, 1, 128], strides = [1, 1, 1]} : vector<128x100x128xf32> to vector<128x1x128xf32>
    %squeeze3A_864 = vector.shape_cast %slice3A_863 : vector<128x1x128xf32> to vector<128x128xf32>
    %transpose3A_865 = tpu.transpose %squeeze3A_864, [1, 0] : vector<128x128xf32> -> vector<128x128xf32>
    %slice3A_866 = vector.extract_strided_slice %transpose3A_865 {offsets = [0, 0], sizes = [64, 128], strides = [1, 1]} : vector<128x128xf32> to vector<64x128xf32>
    %slice3A_867 = vector.extract_strided_slice %get3A_4 {offsets = [64, 0], sizes = [1, 64], strides = [1, 1]} : vector<200x64xf32> to vector<1x64xf32>
    %squeeze3A_868 = vector.shape_cast %slice3A_867 : vector<1x64xf32> to vector<64xf32>
    %broadcast_in_dim3A_869 = vector.shape_cast %squeeze3A_868 : vector<64xf32> to vector<64x1xf32>
    %add3A_870 = vector.broadcast %broadcast_in_dim3A_869 : vector<64x1xf32> to vector<64x128xf32>
    %add3A_871 = arith.addf %slice3A_866, %add3A_870 : vector<64x128xf32>
    %swap3A_872 = arith.constant 64 : index
    %swap3A_873 = arith.constant 0 : index
    %swap3A_874 = arith.constant 0 : index
    %swap3A_875 = vector.load %arg3[%swap3A_872, %swap3A_873, %swap3A_874] : memref<200x64x128xf32, #tpu.memory_space<vmem>>, vector<1x64x128xf32>
    %swap3A_876 = vector.shape_cast %swap3A_875 : vector<1x64x128xf32> to vector<64x128xf32>
    %swap3A_877 = vector.shape_cast %add3A_871 : vector<64x128xf32> to vector<1x64x128xf32>
    tpu.vector_store %arg3[%swap3A_872, %swap3A_873, %swap3A_874], %swap3A_877 {strides = array<i32>} : memref<200x64x128xf32, #tpu.memory_space<vmem>>, vector<1x64x128xf32>,
    %slice3A_878 = vector.extract_strided_slice %transpose3A_865 {offsets = [64, 0], sizes = [64, 128], strides = [1, 1]} : vector<128x128xf32> to vector<64x128xf32>
    %slice3A_879 = vector.extract_strided_slice %get3A_4 {offsets = [65, 0], sizes = [1, 64], strides = [1, 1]} : vector<200x64xf32> to vector<1x64xf32>
    %squeeze3A_880 = vector.shape_cast %slice3A_879 : vector<1x64xf32> to vector<64xf32>
    %broadcast_in_dim3A_881 = vector.shape_cast %squeeze3A_880 : vector<64xf32> to vector<64x1xf32>
    %add3A_882 = vector.broadcast %broadcast_in_dim3A_881 : vector<64x1xf32> to vector<64x128xf32>
    %add3A_883 = arith.addf %slice3A_878, %add3A_882 : vector<64x128xf32>
    %swap3A_884 = arith.constant 65 : index
    %swap3A_885 = arith.constant 0 : index
    %swap3A_886 = arith.constant 0 : index
    %swap3A_887 = vector.load %arg3[%swap3A_884, %swap3A_885, %swap3A_886] : memref<200x64x128xf32, #tpu.memory_space<vmem>>, vector<1x64x128xf32>
    %swap3A_888 = vector.shape_cast %swap3A_887 : vector<1x64x128xf32> to vector<64x128xf32>
    %swap3A_889 = vector.shape_cast %add3A_883 : vector<64x128xf32> to vector<1x64x128xf32>
    tpu.vector_store %arg3[%swap3A_884, %swap3A_885, %swap3A_886], %swap3A_889 {strides = array<i32>} : memref<200x64x128xf32, #tpu.memory_space<vmem>>, vector<1x64x128xf32>,
    %slice3A_890 = vector.extract_strided_slice %reshape3A {offsets = [0, 33, 0], sizes = [128, 1, 128], strides = [1, 1, 1]} : vector<128x100x128xf32> to vector<128x1x128xf32>
    %squeeze3A_891 = vector.shape_cast %slice3A_890 : vector<128x1x128xf32> to vector<128x128xf32>
    %transpose3A_892 = tpu.transpose %squeeze3A_891, [1, 0] : vector<128x128xf32> -> vector<128x128xf32>
    %slice3A_893 = vector.extract_strided_slice %transpose3A_892 {offsets = [0, 0], sizes = [64, 128], strides = [1, 1]} : vector<128x128xf32> to vector<64x128xf32>
    %slice3A_894 = vector.extract_strided_slice %get3A_4 {offsets = [66, 0], sizes = [1, 64], strides = [1, 1]} : vector<200x64xf32> to vector<1x64xf32>
    %squeeze3A_895 = vector.shape_cast %slice3A_894 : vector<1x64xf32> to vector<64xf32>
    %broadcast_in_dim3A_896 = vector.shape_cast %squeeze3A_895 : vector<64xf32> to vector<64x1xf32>
    %add3A_897 = vector.broadcast %broadcast_in_dim3A_896 : vector<64x1xf32> to vector<64x128xf32>
    %add3A_898 = arith.addf %slice3A_893, %add3A_897 : vector<64x128xf32>
    %swap3A_899 = arith.constant 66 : index
    %swap3A_900 = arith.constant 0 : index
    %swap3A_901 = arith.constant 0 : index
    %swap3A_902 = vector.load %arg3[%swap3A_899, %swap3A_900, %swap3A_901] : memref<200x64x128xf32, #tpu.memory_space<vmem>>, vector<1x64x128xf32>
    %swap3A_903 = vector.shape_cast %swap3A_902 : vector<1x64x128xf32> to vector<64x128xf32>
    %swap3A_904 = vector.shape_cast %add3A_898 : vector<64x128xf32> to vector<1x64x128xf32>
    tpu.vector_store %arg3[%swap3A_899, %swap3A_900, %swap3A_901], %swap3A_904 {strides = array<i32>} : memref<200x64x128xf32, #tpu.memory_space<vmem>>, vector<1x64x128xf32>,
    %slice3A_905 = vector.extract_strided_slice %transpose3A_892 {offsets = [64, 0], sizes = [64, 128], strides = [1, 1]} : vector<128x128xf32> to vector<64x128xf32>
    %slice3A_906 = vector.extract_strided_slice %get3A_4 {offsets = [67, 0], sizes = [1, 64], strides = [1, 1]} : vector<200x64xf32> to vector<1x64xf32>
    %squeeze3A_907 = vector.shape_cast %slice3A_906 : vector<1x64xf32> to vector<64xf32>
    %broadcast_in_dim3A_908 = vector.shape_cast %squeeze3A_907 : vector<64xf32> to vector<64x1xf32>
    %add3A_909 = vector.broadcast %broadcast_in_dim3A_908 : vector<64x1xf32> to vector<64x128xf32>
    %add3A_910 = arith.addf %slice3A_905, %add3A_909 : vector<64x128xf32>
    %swap3A_911 = arith.constant 67 : index
    %swap3A_912 = arith.constant 0 : index
    %swap3A_913 = arith.constant 0 : index
    %swap3A_914 = vector.load %arg3[%swap3A_911, %swap3A_912, %swap3A_913] : memref<200x64x128xf32, #tpu.memory_space<vmem>>, vector<1x64x128xf32>
    %swap3A_915 = vector.shape_cast %swap3A_914 : vector<1x64x128xf32> to vector<64x128xf32>
    %swap3A_916 = vector.shape_cast %add3A_910 : vector<64x128xf32> to vector<1x64x128xf32>
    tpu.vector_store %arg3[%swap3A_911, %swap3A_912, %swap3A_913], %swap3A_916 {strides = array<i32>} : memref<200x64x128xf32, #tpu.memory_space<vmem>>, vector<1x64x128xf32>,
    %slice3A_917 = vector.extract_strided_slice %reshape3A {offsets = [0, 34, 0], sizes = [128, 1, 128], strides = [1, 1, 1]} : vector<128x100x128xf32> to vector<128x1x128xf32>
    %squeeze3A_918 = vector.shape_cast %slice3A_917 : vector<128x1x128xf32> to vector<128x128xf32>
    %transpose3A_919 = tpu.transpose %squeeze3A_918, [1, 0] : vector<128x128xf32> -> vector<128x128xf32>
    %slice3A_920 = vector.extract_strided_slice %transpose3A_919 {offsets = [0, 0], sizes = [64, 128], strides = [1, 1]} : vector<128x128xf32> to vector<64x128xf32>
    %slice3A_921 = vector.extract_strided_slice %get3A_4 {offsets = [68, 0], sizes = [1, 64], strides = [1, 1]} : vector<200x64xf32> to vector<1x64xf32>
    %squeeze3A_922 = vector.shape_cast %slice3A_921 : vector<1x64xf32> to vector<64xf32>
    %broadcast_in_dim3A_923 = vector.shape_cast %squeeze3A_922 : vector<64xf32> to vector<64x1xf32>
    %add3A_924 = vector.broadcast %broadcast_in_dim3A_923 : vector<64x1xf32> to vector<64x128xf32>
    %add3A_925 = arith.addf %slice3A_920, %add3A_924 : vector<64x128xf32>
    %swap3A_926 = arith.constant 68 : index
    %swap3A_927 = arith.constant 0 : index
    %swap3A_928 = arith.constant 0 : index
    %swap3A_929 = vector.load %arg3[%swap3A_926, %swap3A_927, %swap3A_928] : memref<200x64x128xf32, #tpu.memory_space<vmem>>, vector<1x64x128xf32>
    %swap3A_930 = vector.shape_cast %swap3A_929 : vector<1x64x128xf32> to vector<64x128xf32>
    %swap3A_931 = vector.shape_cast %add3A_925 : vector<64x128xf32> to vector<1x64x128xf32>
    tpu.vector_store %arg3[%swap3A_926, %swap3A_927, %swap3A_928], %swap3A_931 {strides = array<i32>} : memref<200x64x128xf32, #tpu.memory_space<vmem>>, vector<1x64x128xf32>,
    %slice3A_932 = vector.extract_strided_slice %transpose3A_919 {offsets = [64, 0], sizes = [64, 128], strides = [1, 1]} : vector<128x128xf32> to vector<64x128xf32>
    %slice3A_933 = vector.extract_strided_slice %get3A_4 {offsets = [69, 0], sizes = [1, 64], strides = [1, 1]} : vector<200x64xf32> to vector<1x64xf32>
    %squeeze3A_934 = vector.shape_cast %slice3A_933 : vector<1x64xf32> to vector<64xf32>
    %broadcast_in_dim3A_935 = vector.shape_cast %squeeze3A_934 : vector<64xf32> to vector<64x1xf32>
    %add3A_936 = vector.broadcast %broadcast_in_dim3A_935 : vector<64x1xf32> to vector<64x128xf32>
    %add3A_937 = arith.addf %slice3A_932, %add3A_936 : vector<64x128xf32>
    %swap3A_938 = arith.constant 69 : index
    %swap3A_939 = arith.constant 0 : index
    %swap3A_940 = arith.constant 0 : index
    %swap3A_941 = vector.load %arg3[%swap3A_938, %swap3A_939, %swap3A_940] : memref<200x64x128xf32, #tpu.memory_space<vmem>>, vector<1x64x128xf32>
    %swap3A_942 = vector.shape_cast %swap3A_941 : vector<1x64x128xf32> to vector<64x128xf32>
    %swap3A_943 = vector.shape_cast %add3A_937 : vector<64x128xf32> to vector<1x64x128xf32>
    tpu.vector_store %arg3[%swap3A_938, %swap3A_939, %swap3A_940], %swap3A_943 {strides = array<i32>} : memref<200x64x128xf32, #tpu.memory_space<vmem>>, vector<1x64x128xf32>,
    %slice3A_944 = vector.extract_strided_slice %reshape3A {offsets = [0, 35, 0], sizes = [128, 1, 128], strides = [1, 1, 1]} : vector<128x100x128xf32> to vector<128x1x128xf32>
    %squeeze3A_945 = vector.shape_cast %slice3A_944 : vector<128x1x128xf32> to vector<128x128xf32>
    %transpose3A_946 = tpu.transpose %squeeze3A_945, [1, 0] : vector<128x128xf32> -> vector<128x128xf32>
    %slice3A_947 = vector.extract_strided_slice %transpose3A_946 {offsets = [0, 0], sizes = [64, 128], strides = [1, 1]} : vector<128x128xf32> to vector<64x128xf32>
    %slice3A_948 = vector.extract_strided_slice %get3A_4 {offsets = [70, 0], sizes = [1, 64], strides = [1, 1]} : vector<200x64xf32> to vector<1x64xf32>
    %squeeze3A_949 = vector.shape_cast %slice3A_948 : vector<1x64xf32> to vector<64xf32>
    %broadcast_in_dim3A_950 = vector.shape_cast %squeeze3A_949 : vector<64xf32> to vector<64x1xf32>
    %add3A_951 = vector.broadcast %broadcast_in_dim3A_950 : vector<64x1xf32> to vector<64x128xf32>
    %add3A_952 = arith.addf %slice3A_947, %add3A_951 : vector<64x128xf32>
    %swap3A_953 = arith.constant 70 : index
    %swap3A_954 = arith.constant 0 : index
    %swap3A_955 = arith.constant 0 : index
    %swap3A_956 = vector.load %arg3[%swap3A_953, %swap3A_954, %swap3A_955] : memref<200x64x128xf32, #tpu.memory_space<vmem>>, vector<1x64x128xf32>
    %swap3A_957 = vector.shape_cast %swap3A_956 : vector<1x64x128xf32> to vector<64x128xf32>
    %swap3A_958 = vector.shape_cast %add3A_952 : vector<64x128xf32> to vector<1x64x128xf32>
    tpu.vector_store %arg3[%swap3A_953, %swap3A_954, %swap3A_955], %swap3A_958 {strides = array<i32>} : memref<200x64x128xf32, #tpu.memory_space<vmem>>, vector<1x64x128xf32>,
    %slice3A_959 = vector.extract_strided_slice %transpose3A_946 {offsets = [64, 0], sizes = [64, 128], strides = [1, 1]} : vector<128x128xf32> to vector<64x128xf32>
    %slice3A_960 = vector.extract_strided_slice %get3A_4 {offsets = [71, 0], sizes = [1, 64], strides = [1, 1]} : vector<200x64xf32> to vector<1x64xf32>
    %squeeze3A_961 = vector.shape_cast %slice3A_960 : vector<1x64xf32> to vector<64xf32>
    %broadcast_in_dim3A_962 = vector.shape_cast %squeeze3A_961 : vector<64xf32> to vector<64x1xf32>
    %add3A_963 = vector.broadcast %broadcast_in_dim3A_962 : vector<64x1xf32> to vector<64x128xf32>
    %add3A_964 = arith.addf %slice3A_959, %add3A_963 : vector<64x128xf32>
    %swap3A_965 = arith.constant 71 : index
    %swap3A_966 = arith.constant 0 : index
    %swap3A_967 = arith.constant 0 : index
    %swap3A_968 = vector.load %arg3[%swap3A_965, %swap3A_966, %swap3A_967] : memref<200x64x128xf32, #tpu.memory_space<vmem>>, vector<1x64x128xf32>
    %swap3A_969 = vector.shape_cast %swap3A_968 : vector<1x64x128xf32> to vector<64x128xf32>
    %swap3A_970 = vector.shape_cast %add3A_964 : vector<64x128xf32> to vector<1x64x128xf32>
    tpu.vector_store %arg3[%swap3A_965, %swap3A_966, %swap3A_967], %swap3A_970 {strides = array<i32>} : memref<200x64x128xf32, #tpu.memory_space<vmem>>, vector<1x64x128xf32>,
    %slice3A_971 = vector.extract_strided_slice %reshape3A {offsets = [0, 36, 0], sizes = [128, 1, 128], strides = [1, 1, 1]} : vector<128x100x128xf32> to vector<128x1x128xf32>
    %squeeze3A_972 = vector.shape_cast %slice3A_971 : vector<128x1x128xf32> to vector<128x128xf32>
    %transpose3A_973 = tpu.transpose %squeeze3A_972, [1, 0] : vector<128x128xf32> -> vector<128x128xf32>
    %slice3A_974 = vector.extract_strided_slice %transpose3A_973 {offsets = [0, 0], sizes = [64, 128], strides = [1, 1]} : vector<128x128xf32> to vector<64x128xf32>
    %slice3A_975 = vector.extract_strided_slice %get3A_4 {offsets = [72, 0], sizes = [1, 64], strides = [1, 1]} : vector<200x64xf32> to vector<1x64xf32>
    %squeeze3A_976 = vector.shape_cast %slice3A_975 : vector<1x64xf32> to vector<64xf32>
    %broadcast_in_dim3A_977 = vector.shape_cast %squeeze3A_976 : vector<64xf32> to vector<64x1xf32>
    %add3A_978 = vector.broadcast %broadcast_in_dim3A_977 : vector<64x1xf32> to vector<64x128xf32>
    %add3A_979 = arith.addf %slice3A_974, %add3A_978 : vector<64x128xf32>
    %swap3A_980 = arith.constant 72 : index
    %swap3A_981 = arith.constant 0 : index
    %swap3A_982 = arith.constant 0 : index
    %swap3A_983 = vector.load %arg3[%swap3A_980, %swap3A_981, %swap3A_982] : memref<200x64x128xf32, #tpu.memory_space<vmem>>, vector<1x64x128xf32>
    %swap3A_984 = vector.shape_cast %swap3A_983 : vector<1x64x128xf32> to vector<64x128xf32>
    %swap3A_985 = vector.shape_cast %add3A_979 : vector<64x128xf32> to vector<1x64x128xf32>
    tpu.vector_store %arg3[%swap3A_980, %swap3A_981, %swap3A_982], %swap3A_985 {strides = array<i32>} : memref<200x64x128xf32, #tpu.memory_space<vmem>>, vector<1x64x128xf32>,
    %slice3A_986 = vector.extract_strided_slice %transpose3A_973 {offsets = [64, 0], sizes = [64, 128], strides = [1, 1]} : vector<128x128xf32> to vector<64x128xf32>
    %slice3A_987 = vector.extract_strided_slice %get3A_4 {offsets = [73, 0], sizes = [1, 64], strides = [1, 1]} : vector<200x64xf32> to vector<1x64xf32>
    %squeeze3A_988 = vector.shape_cast %slice3A_987 : vector<1x64xf32> to vector<64xf32>
    %broadcast_in_dim3A_989 = vector.shape_cast %squeeze3A_988 : vector<64xf32> to vector<64x1xf32>
    %add3A_990 = vector.broadcast %broadcast_in_dim3A_989 : vector<64x1xf32> to vector<64x128xf32>
    %add3A_991 = arith.addf %slice3A_986, %add3A_990 : vector<64x128xf32>
    %swap3A_992 = arith.constant 73 : index
    %swap3A_993 = arith.constant 0 : index
    %swap3A_994 = arith.constant 0 : index
    %swap3A_995 = vector.load %arg3[%swap3A_992, %swap3A_993, %swap3A_994] : memref<200x64x128xf32, #tpu.memory_space<vmem>>, vector<1x64x128xf32>
    %swap3A_996 = vector.shape_cast %swap3A_995 : vector<1x64x128xf32> to vector<64x128xf32>
    %swap3A_997 = vector.shape_cast %add3A_991 : vector<64x128xf32> to vector<1x64x128xf32>
    tpu.vector_store %arg3[%swap3A_992, %swap3A_993, %swap3A_994], %swap3A_997 {strides = array<i32>} : memref<200x64x128xf32, #tpu.memory_space<vmem>>, vector<1x64x128xf32>,
    %slice3A_998 = vector.extract_strided_slice %reshape3A {offsets = [0, 37, 0], sizes = [128, 1, 128], strides = [1, 1, 1]} : vector<128x100x128xf32> to vector<128x1x128xf32>
    %squeeze3A_999 = vector.shape_cast %slice3A_998 : vector<128x1x128xf32> to vector<128x128xf32>
    %transpose3A_1000 = tpu.transpose %squeeze3A_999, [1, 0] : vector<128x128xf32> -> vector<128x128xf32>
    %slice3A_1001 = vector.extract_strided_slice %transpose3A_1000 {offsets = [0, 0], sizes = [64, 128], strides = [1, 1]} : vector<128x128xf32> to vector<64x128xf32>
    %slice3A_1002 = vector.extract_strided_slice %get3A_4 {offsets = [74, 0], sizes = [1, 64], strides = [1, 1]} : vector<200x64xf32> to vector<1x64xf32>
    %squeeze3A_1003 = vector.shape_cast %slice3A_1002 : vector<1x64xf32> to vector<64xf32>
    %broadcast_in_dim3A_1004 = vector.shape_cast %squeeze3A_1003 : vector<64xf32> to vector<64x1xf32>
    %add3A_1005 = vector.broadcast %broadcast_in_dim3A_1004 : vector<64x1xf32> to vector<64x128xf32>
    %add3A_1006 = arith.addf %slice3A_1001, %add3A_1005 : vector<64x128xf32>
    %swap3A_1007 = arith.constant 74 : index
    %swap3A_1008 = arith.constant 0 : index
    %swap3A_1009 = arith.constant 0 : index
    %swap3A_1010 = vector.load %arg3[%swap3A_1007, %swap3A_1008, %swap3A_1009] : memref<200x64x128xf32, #tpu.memory_space<vmem>>, vector<1x64x128xf32>
    %swap3A_1011 = vector.shape_cast %swap3A_1010 : vector<1x64x128xf32> to vector<64x128xf32>
    %swap3A_1012 = vector.shape_cast %add3A_1006 : vector<64x128xf32> to vector<1x64x128xf32>
    tpu.vector_store %arg3[%swap3A_1007, %swap3A_1008, %swap3A_1009], %swap3A_1012 {strides = array<i32>} : memref<200x64x128xf32, #tpu.memory_space<vmem>>, vector<1x64x128xf32>,
    %slice3A_1013 = vector.extract_strided_slice %transpose3A_1000 {offsets = [64, 0], sizes = [64, 128], strides = [1, 1]} : vector<128x128xf32> to vector<64x128xf32>
    %slice3A_1014 = vector.extract_strided_slice %get3A_4 {offsets = [75, 0], sizes = [1, 64], strides = [1, 1]} : vector<200x64xf32> to vector<1x64xf32>
    %squeeze3A_1015 = vector.shape_cast %slice3A_1014 : vector<1x64xf32> to vector<64xf32>
    %broadcast_in_dim3A_1016 = vector.shape_cast %squeeze3A_1015 : vector<64xf32> to vector<64x1xf32>
    %add3A_1017 = vector.broadcast %broadcast_in_dim3A_1016 : vector<64x1xf32> to vector<64x128xf32>
    %add3A_1018 = arith.addf %slice3A_1013, %add3A_1017 : vector<64x128xf32>
    %swap3A_1019 = arith.constant 75 : index
    %swap3A_1020 = arith.constant 0 : index
    %swap3A_1021 = arith.constant 0 : index
    %swap3A_1022 = vector.load %arg3[%swap3A_1019, %swap3A_1020, %swap3A_1021] : memref<200x64x128xf32, #tpu.memory_space<vmem>>, vector<1x64x128xf32>
    %swap3A_1023 = vector.shape_cast %swap3A_1022 : vector<1x64x128xf32> to vector<64x128xf32>
    %swap3A_1024 = vector.shape_cast %add3A_1018 : vector<64x128xf32> to vector<1x64x128xf32>
    tpu.vector_store %arg3[%swap3A_1019, %swap3A_1020, %swap3A_1021], %swap3A_1024 {strides = array<i32>} : memref<200x64x128xf32, #tpu.memory_space<vmem>>, vector<1x64x128xf32>,
    %slice3A_1025 = vector.extract_strided_slice %reshape3A {offsets = [0, 38, 0], sizes = [128, 1, 128], strides = [1, 1, 1]} : vector<128x100x128xf32> to vector<128x1x128xf32>
    %squeeze3A_1026 = vector.shape_cast %slice3A_1025 : vector<128x1x128xf32> to vector<128x128xf32>
    %transpose3A_1027 = tpu.transpose %squeeze3A_1026, [1, 0] : vector<128x128xf32> -> vector<128x128xf32>
    %slice3A_1028 = vector.extract_strided_slice %transpose3A_1027 {offsets = [0, 0], sizes = [64, 128], strides = [1, 1]} : vector<128x128xf32> to vector<64x128xf32>
    %slice3A_1029 = vector.extract_strided_slice %get3A_4 {offsets = [76, 0], sizes = [1, 64], strides = [1, 1]} : vector<200x64xf32> to vector<1x64xf32>
    %squeeze3A_1030 = vector.shape_cast %slice3A_1029 : vector<1x64xf32> to vector<64xf32>
    %broadcast_in_dim3A_1031 = vector.shape_cast %squeeze3A_1030 : vector<64xf32> to vector<64x1xf32>
    %add3A_1032 = vector.broadcast %broadcast_in_dim3A_1031 : vector<64x1xf32> to vector<64x128xf32>
    %add3A_1033 = arith.addf %slice3A_1028, %add3A_1032 : vector<64x128xf32>
    %swap3A_1034 = arith.constant 76 : index
    %swap3A_1035 = arith.constant 0 : index
    %swap3A_1036 = arith.constant 0 : index
    %swap3A_1037 = vector.load %arg3[%swap3A_1034, %swap3A_1035, %swap3A_1036] : memref<200x64x128xf32, #tpu.memory_space<vmem>>, vector<1x64x128xf32>
    %swap3A_1038 = vector.shape_cast %swap3A_1037 : vector<1x64x128xf32> to vector<64x128xf32>
    %swap3A_1039 = vector.shape_cast %add3A_1033 : vector<64x128xf32> to vector<1x64x128xf32>
    tpu.vector_store %arg3[%swap3A_1034, %swap3A_1035, %swap3A_1036], %swap3A_1039 {strides = array<i32>} : memref<200x64x128xf32, #tpu.memory_space<vmem>>, vector<1x64x128xf32>,
    %slice3A_1040 = vector.extract_strided_slice %transpose3A_1027 {offsets = [64, 0], sizes = [64, 128], strides = [1, 1]} : vector<128x128xf32> to vector<64x128xf32>
    %slice3A_1041 = vector.extract_strided_slice %get3A_4 {offsets = [77, 0], sizes = [1, 64], strides = [1, 1]} : vector<200x64xf32> to vector<1x64xf32>
    %squeeze3A_1042 = vector.shape_cast %slice3A_1041 : vector<1x64xf32> to vector<64xf32>
    %broadcast_in_dim3A_1043 = vector.shape_cast %squeeze3A_1042 : vector<64xf32> to vector<64x1xf32>
    %add3A_1044 = vector.broadcast %broadcast_in_dim3A_1043 : vector<64x1xf32> to vector<64x128xf32>
    %add3A_1045 = arith.addf %slice3A_1040, %add3A_1044 : vector<64x128xf32>
    %swap3A_1046 = arith.constant 77 : index
    %swap3A_1047 = arith.constant 0 : index
    %swap3A_1048 = arith.constant 0 : index
    %swap3A_1049 = vector.load %arg3[%swap3A_1046, %swap3A_1047, %swap3A_1048] : memref<200x64x128xf32, #tpu.memory_space<vmem>>, vector<1x64x128xf32>
    %swap3A_1050 = vector.shape_cast %swap3A_1049 : vector<1x64x128xf32> to vector<64x128xf32>
    %swap3A_1051 = vector.shape_cast %add3A_1045 : vector<64x128xf32> to vector<1x64x128xf32>
    tpu.vector_store %arg3[%swap3A_1046, %swap3A_1047, %swap3A_1048], %swap3A_1051 {strides = array<i32>} : memref<200x64x128xf32, #tpu.memory_space<vmem>>, vector<1x64x128xf32>,
    %slice3A_1052 = vector.extract_strided_slice %reshape3A {offsets = [0, 39, 0], sizes = [128, 1, 128], strides = [1, 1, 1]} : vector<128x100x128xf32> to vector<128x1x128xf32>
    %squeeze3A_1053 = vector.shape_cast %slice3A_1052 : vector<128x1x128xf32> to vector<128x128xf32>
    %transpose3A_1054 = tpu.transpose %squeeze3A_1053, [1, 0] : vector<128x128xf32> -> vector<128x128xf32>
    %slice3A_1055 = vector.extract_strided_slice %transpose3A_1054 {offsets = [0, 0], sizes = [64, 128], strides = [1, 1]} : vector<128x128xf32> to vector<64x128xf32>
    %slice3A_1056 = vector.extract_strided_slice %get3A_4 {offsets = [78, 0], sizes = [1, 64], strides = [1, 1]} : vector<200x64xf32> to vector<1x64xf32>
    %squeeze3A_1057 = vector.shape_cast %slice3A_1056 : vector<1x64xf32> to vector<64xf32>
    %broadcast_in_dim3A_1058 = vector.shape_cast %squeeze3A_1057 : vector<64xf32> to vector<64x1xf32>
    %add3A_1059 = vector.broadcast %broadcast_in_dim3A_1058 : vector<64x1xf32> to vector<64x128xf32>
    %add3A_1060 = arith.addf %slice3A_1055, %add3A_1059 : vector<64x128xf32>
    %swap3A_1061 = arith.constant 78 : index
    %swap3A_1062 = arith.constant 0 : index
    %swap3A_1063 = arith.constant 0 : index
    %swap3A_1064 = vector.load %arg3[%swap3A_1061, %swap3A_1062, %swap3A_1063] : memref<200x64x128xf32, #tpu.memory_space<vmem>>, vector<1x64x128xf32>
    %swap3A_1065 = vector.shape_cast %swap3A_1064 : vector<1x64x128xf32> to vector<64x128xf32>
    %swap3A_1066 = vector.shape_cast %add3A_1060 : vector<64x128xf32> to vector<1x64x128xf32>
    tpu.vector_store %arg3[%swap3A_1061, %swap3A_1062, %swap3A_1063], %swap3A_1066 {strides = array<i32>} : memref<200x64x128xf32, #tpu.memory_space<vmem>>, vector<1x64x128xf32>,
    %slice3A_1067 = vector.extract_strided_slice %transpose3A_1054 {offsets = [64, 0], sizes = [64, 128], strides = [1, 1]} : vector<128x128xf32> to vector<64x128xf32>
    %slice3A_1068 = vector.extract_strided_slice %get3A_4 {offsets = [79, 0], sizes = [1, 64], strides = [1, 1]} : vector<200x64xf32> to vector<1x64xf32>
    %squeeze3A_1069 = vector.shape_cast %slice3A_1068 : vector<1x64xf32> to vector<64xf32>
    %broadcast_in_dim3A_1070 = vector.shape_cast %squeeze3A_1069 : vector<64xf32> to vector<64x1xf32>
    %add3A_1071 = vector.broadcast %broadcast_in_dim3A_1070 : vector<64x1xf32> to vector<64x128xf32>
    %add3A_1072 = arith.addf %slice3A_1067, %add3A_1071 : vector<64x128xf32>
    %swap3A_1073 = arith.constant 79 : index
    %swap3A_1074 = arith.constant 0 : index
    %swap3A_1075 = arith.constant 0 : index
    %swap3A_1076 = vector.load %arg3[%swap3A_1073, %swap3A_1074, %swap3A_1075] : memref<200x64x128xf32, #tpu.memory_space<vmem>>, vector<1x64x128xf32>
    %swap3A_1077 = vector.shape_cast %swap3A_1076 : vector<1x64x128xf32> to vector<64x128xf32>
    %swap3A_1078 = vector.shape_cast %add3A_1072 : vector<64x128xf32> to vector<1x64x128xf32>
    tpu.vector_store %arg3[%swap3A_1073, %swap3A_1074, %swap3A_1075], %swap3A_1078 {strides = array<i32>} : memref<200x64x128xf32, #tpu.memory_space<vmem>>, vector<1x64x128xf32>,
    %slice3A_1079 = vector.extract_strided_slice %reshape3A {offsets = [0, 40, 0], sizes = [128, 1, 128], strides = [1, 1, 1]} : vector<128x100x128xf32> to vector<128x1x128xf32>
    %squeeze3A_1080 = vector.shape_cast %slice3A_1079 : vector<128x1x128xf32> to vector<128x128xf32>
    %transpose3A_1081 = tpu.transpose %squeeze3A_1080, [1, 0] : vector<128x128xf32> -> vector<128x128xf32>
    %slice3A_1082 = vector.extract_strided_slice %transpose3A_1081 {offsets = [0, 0], sizes = [64, 128], strides = [1, 1]} : vector<128x128xf32> to vector<64x128xf32>
    %slice3A_1083 = vector.extract_strided_slice %get3A_4 {offsets = [80, 0], sizes = [1, 64], strides = [1, 1]} : vector<200x64xf32> to vector<1x64xf32>
    %squeeze3A_1084 = vector.shape_cast %slice3A_1083 : vector<1x64xf32> to vector<64xf32>
    %broadcast_in_dim3A_1085 = vector.shape_cast %squeeze3A_1084 : vector<64xf32> to vector<64x1xf32>
    %add3A_1086 = vector.broadcast %broadcast_in_dim3A_1085 : vector<64x1xf32> to vector<64x128xf32>
    %add3A_1087 = arith.addf %slice3A_1082, %add3A_1086 : vector<64x128xf32>
    %swap3A_1088 = arith.constant 80 : index
    %swap3A_1089 = arith.constant 0 : index
    %swap3A_1090 = arith.constant 0 : index
    %swap3A_1091 = vector.load %arg3[%swap3A_1088, %swap3A_1089, %swap3A_1090] : memref<200x64x128xf32, #tpu.memory_space<vmem>>, vector<1x64x128xf32>
    %swap3A_1092 = vector.shape_cast %swap3A_1091 : vector<1x64x128xf32> to vector<64x128xf32>
    %swap3A_1093 = vector.shape_cast %add3A_1087 : vector<64x128xf32> to vector<1x64x128xf32>
    tpu.vector_store %arg3[%swap3A_1088, %swap3A_1089, %swap3A_1090], %swap3A_1093 {strides = array<i32>} : memref<200x64x128xf32, #tpu.memory_space<vmem>>, vector<1x64x128xf32>,
    %slice3A_1094 = vector.extract_strided_slice %transpose3A_1081 {offsets = [64, 0], sizes = [64, 128], strides = [1, 1]} : vector<128x128xf32> to vector<64x128xf32>
    %slice3A_1095 = vector.extract_strided_slice %get3A_4 {offsets = [81, 0], sizes = [1, 64], strides = [1, 1]} : vector<200x64xf32> to vector<1x64xf32>
    %squeeze3A_1096 = vector.shape_cast %slice3A_1095 : vector<1x64xf32> to vector<64xf32>
    %broadcast_in_dim3A_1097 = vector.shape_cast %squeeze3A_1096 : vector<64xf32> to vector<64x1xf32>
    %add3A_1098 = vector.broadcast %broadcast_in_dim3A_1097 : vector<64x1xf32> to vector<64x128xf32>
    %add3A_1099 = arith.addf %slice3A_1094, %add3A_1098 : vector<64x128xf32>
    %swap3A_1100 = arith.constant 81 : index
    %swap3A_1101 = arith.constant 0 : index
    %swap3A_1102 = arith.constant 0 : index
    %swap3A_1103 = vector.load %arg3[%swap3A_1100, %swap3A_1101, %swap3A_1102] : memref<200x64x128xf32, #tpu.memory_space<vmem>>, vector<1x64x128xf32>
    %swap3A_1104 = vector.shape_cast %swap3A_1103 : vector<1x64x128xf32> to vector<64x128xf32>
    %swap3A_1105 = vector.shape_cast %add3A_1099 : vector<64x128xf32> to vector<1x64x128xf32>
    tpu.vector_store %arg3[%swap3A_1100, %swap3A_1101, %swap3A_1102], %swap3A_1105 {strides = array<i32>} : memref<200x64x128xf32, #tpu.memory_space<vmem>>, vector<1x64x128xf32>,
    %slice3A_1106 = vector.extract_strided_slice %reshape3A {offsets = [0, 41, 0], sizes = [128, 1, 128], strides = [1, 1, 1]} : vector<128x100x128xf32> to vector<128x1x128xf32>
    %squeeze3A_1107 = vector.shape_cast %slice3A_1106 : vector<128x1x128xf32> to vector<128x128xf32>
    %transpose3A_1108 = tpu.transpose %squeeze3A_1107, [1, 0] : vector<128x128xf32> -> vector<128x128xf32>
    %slice3A_1109 = vector.extract_strided_slice %transpose3A_1108 {offsets = [0, 0], sizes = [64, 128], strides = [1, 1]} : vector<128x128xf32> to vector<64x128xf32>
    %slice3A_1110 = vector.extract_strided_slice %get3A_4 {offsets = [82, 0], sizes = [1, 64], strides = [1, 1]} : vector<200x64xf32> to vector<1x64xf32>
    %squeeze3A_1111 = vector.shape_cast %slice3A_1110 : vector<1x64xf32> to vector<64xf32>
    %broadcast_in_dim3A_1112 = vector.shape_cast %squeeze3A_1111 : vector<64xf32> to vector<64x1xf32>
    %add3A_1113 = vector.broadcast %broadcast_in_dim3A_1112 : vector<64x1xf32> to vector<64x128xf32>
    %add3A_1114 = arith.addf %slice3A_1109, %add3A_1113 : vector<64x128xf32>
    %swap3A_1115 = arith.constant 82 : index
    %swap3A_1116 = arith.constant 0 : index
    %swap3A_1117 = arith.constant 0 : index
    %swap3A_1118 = vector.load %arg3[%swap3A_1115, %swap3A_1116, %swap3A_1117] : memref<200x64x128xf32, #tpu.memory_space<vmem>>, vector<1x64x128xf32>
    %swap3A_1119 = vector.shape_cast %swap3A_1118 : vector<1x64x128xf32> to vector<64x128xf32>
    %swap3A_1120 = vector.shape_cast %add3A_1114 : vector<64x128xf32> to vector<1x64x128xf32>
    tpu.vector_store %arg3[%swap3A_1115, %swap3A_1116, %swap3A_1117], %swap3A_1120 {strides = array<i32>} : memref<200x64x128xf32, #tpu.memory_space<vmem>>, vector<1x64x128xf32>,
    %slice3A_1121 = vector.extract_strided_slice %transpose3A_1108 {offsets = [64, 0], sizes = [64, 128], strides = [1, 1]} : vector<128x128xf32> to vector<64x128xf32>
    %slice3A_1122 = vector.extract_strided_slice %get3A_4 {offsets = [83, 0], sizes = [1, 64], strides = [1, 1]} : vector<200x64xf32> to vector<1x64xf32>
    %squeeze3A_1123 = vector.shape_cast %slice3A_1122 : vector<1x64xf32> to vector<64xf32>
    %broadcast_in_dim3A_1124 = vector.shape_cast %squeeze3A_1123 : vector<64xf32> to vector<64x1xf32>
    %add3A_1125 = vector.broadcast %broadcast_in_dim3A_1124 : vector<64x1xf32> to vector<64x128xf32>
    %add3A_1126 = arith.addf %slice3A_1121, %add3A_1125 : vector<64x128xf32>
    %swap3A_1127 = arith.constant 83 : index
    %swap3A_1128 = arith.constant 0 : index
    %swap3A_1129 = arith.constant 0 : index
    %swap3A_1130 = vector.load %arg3[%swap3A_1127, %swap3A_1128, %swap3A_1129] : memref<200x64x128xf32, #tpu.memory_space<vmem>>, vector<1x64x128xf32>
    %swap3A_1131 = vector.shape_cast %swap3A_1130 : vector<1x64x128xf32> to vector<64x128xf32>
    %swap3A_1132 = vector.shape_cast %add3A_1126 : vector<64x128xf32> to vector<1x64x128xf32>
    tpu.vector_store %arg3[%swap3A_1127, %swap3A_1128, %swap3A_1129], %swap3A_1132 {strides = array<i32>} : memref<200x64x128xf32, #tpu.memory_space<vmem>>, vector<1x64x128xf32>,
    %slice3A_1133 = vector.extract_strided_slice %reshape3A {offsets = [0, 42, 0], sizes = [128, 1, 128], strides = [1, 1, 1]} : vector<128x100x128xf32> to vector<128x1x128xf32>
    %squeeze3A_1134 = vector.shape_cast %slice3A_1133 : vector<128x1x128xf32> to vector<128x128xf32>
    %transpose3A_1135 = tpu.transpose %squeeze3A_1134, [1, 0] : vector<128x128xf32> -> vector<128x128xf32>
    %slice3A_1136 = vector.extract_strided_slice %transpose3A_1135 {offsets = [0, 0], sizes = [64, 128], strides = [1, 1]} : vector<128x128xf32> to vector<64x128xf32>
    %slice3A_1137 = vector.extract_strided_slice %get3A_4 {offsets = [84, 0], sizes = [1, 64], strides = [1, 1]} : vector<200x64xf32> to vector<1x64xf32>
    %squeeze3A_1138 = vector.shape_cast %slice3A_1137 : vector<1x64xf32> to vector<64xf32>
    %broadcast_in_dim3A_1139 = vector.shape_cast %squeeze3A_1138 : vector<64xf32> to vector<64x1xf32>
    %add3A_1140 = vector.broadcast %broadcast_in_dim3A_1139 : vector<64x1xf32> to vector<64x128xf32>
    %add3A_1141 = arith.addf %slice3A_1136, %add3A_1140 : vector<64x128xf32>
    %swap3A_1142 = arith.constant 84 : index
    %swap3A_1143 = arith.constant 0 : index
    %swap3A_1144 = arith.constant 0 : index
    %swap3A_1145 = vector.load %arg3[%swap3A_1142, %swap3A_1143, %swap3A_1144] : memref<200x64x128xf32, #tpu.memory_space<vmem>>, vector<1x64x128xf32>
    %swap3A_1146 = vector.shape_cast %swap3A_1145 : vector<1x64x128xf32> to vector<64x128xf32>
    %swap3A_1147 = vector.shape_cast %add3A_1141 : vector<64x128xf32> to vector<1x64x128xf32>
    tpu.vector_store %arg3[%swap3A_1142, %swap3A_1143, %swap3A_1144], %swap3A_1147 {strides = array<i32>} : memref<200x64x128xf32, #tpu.memory_space<vmem>>, vector<1x64x128xf32>,
    %slice3A_1148 = vector.extract_strided_slice %transpose3A_1135 {offsets = [64, 0], sizes = [64, 128], strides = [1, 1]} : vector<128x128xf32> to vector<64x128xf32>
    %slice3A_1149 = vector.extract_strided_slice %get3A_4 {offsets = [85, 0], sizes = [1, 64], strides = [1, 1]} : vector<200x64xf32> to vector<1x64xf32>
    %squeeze3A_1150 = vector.shape_cast %slice3A_1149 : vector<1x64xf32> to vector<64xf32>
    %broadcast_in_dim3A_1151 = vector.shape_cast %squeeze3A_1150 : vector<64xf32> to vector<64x1xf32>
    %add3A_1152 = vector.broadcast %broadcast_in_dim3A_1151 : vector<64x1xf32> to vector<64x128xf32>
    %add3A_1153 = arith.addf %slice3A_1148, %add3A_1152 : vector<64x128xf32>
    %swap3A_1154 = arith.constant 85 : index
    %swap3A_1155 = arith.constant 0 : index
    %swap3A_1156 = arith.constant 0 : index
    %swap3A_1157 = vector.load %arg3[%swap3A_1154, %swap3A_1155, %swap3A_1156] : memref<200x64x128xf32, #tpu.memory_space<vmem>>, vector<1x64x128xf32>
    %swap3A_1158 = vector.shape_cast %swap3A_1157 : vector<1x64x128xf32> to vector<64x128xf32>
    %swap3A_1159 = vector.shape_cast %add3A_1153 : vector<64x128xf32> to vector<1x64x128xf32>
    tpu.vector_store %arg3[%swap3A_1154, %swap3A_1155, %swap3A_1156], %swap3A_1159 {strides = array<i32>} : memref<200x64x128xf32, #tpu.memory_space<vmem>>, vector<1x64x128xf32>,
    %slice3A_1160 = vector.extract_strided_slice %reshape3A {offsets = [0, 43, 0], sizes = [128, 1, 128], strides = [1, 1, 1]} : vector<128x100x128xf32> to vector<128x1x128xf32>
    %squeeze3A_1161 = vector.shape_cast %slice3A_1160 : vector<128x1x128xf32> to vector<128x128xf32>
    %transpose3A_1162 = tpu.transpose %squeeze3A_1161, [1, 0] : vector<128x128xf32> -> vector<128x128xf32>
    %slice3A_1163 = vector.extract_strided_slice %transpose3A_1162 {offsets = [0, 0], sizes = [64, 128], strides = [1, 1]} : vector<128x128xf32> to vector<64x128xf32>
    %slice3A_1164 = vector.extract_strided_slice %get3A_4 {offsets = [86, 0], sizes = [1, 64], strides = [1, 1]} : vector<200x64xf32> to vector<1x64xf32>
    %squeeze3A_1165 = vector.shape_cast %slice3A_1164 : vector<1x64xf32> to vector<64xf32>
    %broadcast_in_dim3A_1166 = vector.shape_cast %squeeze3A_1165 : vector<64xf32> to vector<64x1xf32>
    %add3A_1167 = vector.broadcast %broadcast_in_dim3A_1166 : vector<64x1xf32> to vector<64x128xf32>
    %add3A_1168 = arith.addf %slice3A_1163, %add3A_1167 : vector<64x128xf32>
    %swap3A_1169 = arith.constant 86 : index
    %swap3A_1170 = arith.constant 0 : index
    %swap3A_1171 = arith.constant 0 : index
    %swap3A_1172 = vector.load %arg3[%swap3A_1169, %swap3A_1170, %swap3A_1171] : memref<200x64x128xf32, #tpu.memory_space<vmem>>, vector<1x64x128xf32>
    %swap3A_1173 = vector.shape_cast %swap3A_1172 : vector<1x64x128xf32> to vector<64x128xf32>
    %swap3A_1174 = vector.shape_cast %add3A_1168 : vector<64x128xf32> to vector<1x64x128xf32>
    tpu.vector_store %arg3[%swap3A_1169, %swap3A_1170, %swap3A_1171], %swap3A_1174 {strides = array<i32>} : memref<200x64x128xf32, #tpu.memory_space<vmem>>, vector<1x64x128xf32>,
    %slice3A_1175 = vector.extract_strided_slice %transpose3A_1162 {offsets = [64, 0], sizes = [64, 128], strides = [1, 1]} : vector<128x128xf32> to vector<64x128xf32>
    %slice3A_1176 = vector.extract_strided_slice %get3A_4 {offsets = [87, 0], sizes = [1, 64], strides = [1, 1]} : vector<200x64xf32> to vector<1x64xf32>
    %squeeze3A_1177 = vector.shape_cast %slice3A_1176 : vector<1x64xf32> to vector<64xf32>
    %broadcast_in_dim3A_1178 = vector.shape_cast %squeeze3A_1177 : vector<64xf32> to vector<64x1xf32>
    %add3A_1179 = vector.broadcast %broadcast_in_dim3A_1178 : vector<64x1xf32> to vector<64x128xf32>
    %add3A_1180 = arith.addf %slice3A_1175, %add3A_1179 : vector<64x128xf32>
    %swap3A_1181 = arith.constant 87 : index
    %swap3A_1182 = arith.constant 0 : index
    %swap3A_1183 = arith.constant 0 : index
    %swap3A_1184 = vector.load %arg3[%swap3A_1181, %swap3A_1182, %swap3A_1183] : memref<200x64x128xf32, #tpu.memory_space<vmem>>, vector<1x64x128xf32>
    %swap3A_1185 = vector.shape_cast %swap3A_1184 : vector<1x64x128xf32> to vector<64x128xf32>
    %swap3A_1186 = vector.shape_cast %add3A_1180 : vector<64x128xf32> to vector<1x64x128xf32>
    tpu.vector_store %arg3[%swap3A_1181, %swap3A_1182, %swap3A_1183], %swap3A_1186 {strides = array<i32>} : memref<200x64x128xf32, #tpu.memory_space<vmem>>, vector<1x64x128xf32>,
    %slice3A_1187 = vector.extract_strided_slice %reshape3A {offsets = [0, 44, 0], sizes = [128, 1, 128], strides = [1, 1, 1]} : vector<128x100x128xf32> to vector<128x1x128xf32>
    %squeeze3A_1188 = vector.shape_cast %slice3A_1187 : vector<128x1x128xf32> to vector<128x128xf32>
    %transpose3A_1189 = tpu.transpose %squeeze3A_1188, [1, 0] : vector<128x128xf32> -> vector<128x128xf32>
    %slice3A_1190 = vector.extract_strided_slice %transpose3A_1189 {offsets = [0, 0], sizes = [64, 128], strides = [1, 1]} : vector<128x128xf32> to vector<64x128xf32>
    %slice3A_1191 = vector.extract_strided_slice %get3A_4 {offsets = [88, 0], sizes = [1, 64], strides = [1, 1]} : vector<200x64xf32> to vector<1x64xf32>
    %squeeze3A_1192 = vector.shape_cast %slice3A_1191 : vector<1x64xf32> to vector<64xf32>
    %broadcast_in_dim3A_1193 = vector.shape_cast %squeeze3A_1192 : vector<64xf32> to vector<64x1xf32>
    %add3A_1194 = vector.broadcast %broadcast_in_dim3A_1193 : vector<64x1xf32> to vector<64x128xf32>
    %add3A_1195 = arith.addf %slice3A_1190, %add3A_1194 : vector<64x128xf32>
    %swap3A_1196 = arith.constant 88 : index
    %swap3A_1197 = arith.constant 0 : index
    %swap3A_1198 = arith.constant 0 : index
    %swap3A_1199 = vector.load %arg3[%swap3A_1196, %swap3A_1197, %swap3A_1198] : memref<200x64x128xf32, #tpu.memory_space<vmem>>, vector<1x64x128xf32>
    %swap3A_1200 = vector.shape_cast %swap3A_1199 : vector<1x64x128xf32> to vector<64x128xf32>
    %swap3A_1201 = vector.shape_cast %add3A_1195 : vector<64x128xf32> to vector<1x64x128xf32>
    tpu.vector_store %arg3[%swap3A_1196, %swap3A_1197, %swap3A_1198], %swap3A_1201 {strides = array<i32>} : memref<200x64x128xf32, #tpu.memory_space<vmem>>, vector<1x64x128xf32>,
    %slice3A_1202 = vector.extract_strided_slice %transpose3A_1189 {offsets = [64, 0], sizes = [64, 128], strides = [1, 1]} : vector<128x128xf32> to vector<64x128xf32>
    %slice3A_1203 = vector.extract_strided_slice %get3A_4 {offsets = [89, 0], sizes = [1, 64], strides = [1, 1]} : vector<200x64xf32> to vector<1x64xf32>
    %squeeze3A_1204 = vector.shape_cast %slice3A_1203 : vector<1x64xf32> to vector<64xf32>
    %broadcast_in_dim3A_1205 = vector.shape_cast %squeeze3A_1204 : vector<64xf32> to vector<64x1xf32>
    %add3A_1206 = vector.broadcast %broadcast_in_dim3A_1205 : vector<64x1xf32> to vector<64x128xf32>
    %add3A_1207 = arith.addf %slice3A_1202, %add3A_1206 : vector<64x128xf32>
    %swap3A_1208 = arith.constant 89 : index
    %swap3A_1209 = arith.constant 0 : index
    %swap3A_1210 = arith.constant 0 : index
    %swap3A_1211 = vector.load %arg3[%swap3A_1208, %swap3A_1209, %swap3A_1210] : memref<200x64x128xf32, #tpu.memory_space<vmem>>, vector<1x64x128xf32>
    %swap3A_1212 = vector.shape_cast %swap3A_1211 : vector<1x64x128xf32> to vector<64x128xf32>
    %swap3A_1213 = vector.shape_cast %add3A_1207 : vector<64x128xf32> to vector<1x64x128xf32>
    tpu.vector_store %arg3[%swap3A_1208, %swap3A_1209, %swap3A_1210], %swap3A_1213 {strides = array<i32>} : memref<200x64x128xf32, #tpu.memory_space<vmem>>, vector<1x64x128xf32>,
    %slice3A_1214 = vector.extract_strided_slice %reshape3A {offsets = [0, 45, 0], sizes = [128, 1, 128], strides = [1, 1, 1]} : vector<128x100x128xf32> to vector<128x1x128xf32>
    %squeeze3A_1215 = vector.shape_cast %slice3A_1214 : vector<128x1x128xf32> to vector<128x128xf32>
    %transpose3A_1216 = tpu.transpose %squeeze3A_1215, [1, 0] : vector<128x128xf32> -> vector<128x128xf32>
    %slice3A_1217 = vector.extract_strided_slice %transpose3A_1216 {offsets = [0, 0], sizes = [64, 128], strides = [1, 1]} : vector<128x128xf32> to vector<64x128xf32>
    %slice3A_1218 = vector.extract_strided_slice %get3A_4 {offsets = [90, 0], sizes = [1, 64], strides = [1, 1]} : vector<200x64xf32> to vector<1x64xf32>
    %squeeze3A_1219 = vector.shape_cast %slice3A_1218 : vector<1x64xf32> to vector<64xf32>
    %broadcast_in_dim3A_1220 = vector.shape_cast %squeeze3A_1219 : vector<64xf32> to vector<64x1xf32>
    %add3A_1221 = vector.broadcast %broadcast_in_dim3A_1220 : vector<64x1xf32> to vector<64x128xf32>
    %add3A_1222 = arith.addf %slice3A_1217, %add3A_1221 : vector<64x128xf32>
    %swap3A_1223 = arith.constant 90 : index
    %swap3A_1224 = arith.constant 0 : index
    %swap3A_1225 = arith.constant 0 : index
    %swap3A_1226 = vector.load %arg3[%swap3A_1223, %swap3A_1224, %swap3A_1225] : memref<200x64x128xf32, #tpu.memory_space<vmem>>, vector<1x64x128xf32>
    %swap3A_1227 = vector.shape_cast %swap3A_1226 : vector<1x64x128xf32> to vector<64x128xf32>
    %swap3A_1228 = vector.shape_cast %add3A_1222 : vector<64x128xf32> to vector<1x64x128xf32>
    tpu.vector_store %arg3[%swap3A_1223, %swap3A_1224, %swap3A_1225], %swap3A_1228 {strides = array<i32>} : memref<200x64x128xf32, #tpu.memory_space<vmem>>, vector<1x64x128xf32>,
    %slice3A_1229 = vector.extract_strided_slice %transpose3A_1216 {offsets = [64, 0], sizes = [64, 128], strides = [1, 1]} : vector<128x128xf32> to vector<64x128xf32>
    %slice3A_1230 = vector.extract_strided_slice %get3A_4 {offsets = [91, 0], sizes = [1, 64], strides = [1, 1]} : vector<200x64xf32> to vector<1x64xf32>
    %squeeze3A_1231 = vector.shape_cast %slice3A_1230 : vector<1x64xf32> to vector<64xf32>
    %broadcast_in_dim3A_1232 = vector.shape_cast %squeeze3A_1231 : vector<64xf32> to vector<64x1xf32>
    %add3A_1233 = vector.broadcast %broadcast_in_dim3A_1232 : vector<64x1xf32> to vector<64x128xf32>
    %add3A_1234 = arith.addf %slice3A_1229, %add3A_1233 : vector<64x128xf32>
    %swap3A_1235 = arith.constant 91 : index
    %swap3A_1236 = arith.constant 0 : index
    %swap3A_1237 = arith.constant 0 : index
    %swap3A_1238 = vector.load %arg3[%swap3A_1235, %swap3A_1236, %swap3A_1237] : memref<200x64x128xf32, #tpu.memory_space<vmem>>, vector<1x64x128xf32>
    %swap3A_1239 = vector.shape_cast %swap3A_1238 : vector<1x64x128xf32> to vector<64x128xf32>
    %swap3A_1240 = vector.shape_cast %add3A_1234 : vector<64x128xf32> to vector<1x64x128xf32>
    tpu.vector_store %arg3[%swap3A_1235, %swap3A_1236, %swap3A_1237], %swap3A_1240 {strides = array<i32>} : memref<200x64x128xf32, #tpu.memory_space<vmem>>, vector<1x64x128xf32>,
    %slice3A_1241 = vector.extract_strided_slice %reshape3A {offsets = [0, 46, 0], sizes = [128, 1, 128], strides = [1, 1, 1]} : vector<128x100x128xf32> to vector<128x1x128xf32>
    %squeeze3A_1242 = vector.shape_cast %slice3A_1241 : vector<128x1x128xf32> to vector<128x128xf32>
    %transpose3A_1243 = tpu.transpose %squeeze3A_1242, [1, 0] : vector<128x128xf32> -> vector<128x128xf32>
    %slice3A_1244 = vector.extract_strided_slice %transpose3A_1243 {offsets = [0, 0], sizes = [64, 128], strides = [1, 1]} : vector<128x128xf32> to vector<64x128xf32>
    %slice3A_1245 = vector.extract_strided_slice %get3A_4 {offsets = [92, 0], sizes = [1, 64], strides = [1, 1]} : vector<200x64xf32> to vector<1x64xf32>
    %squeeze3A_1246 = vector.shape_cast %slice3A_1245 : vector<1x64xf32> to vector<64xf32>
    %broadcast_in_dim3A_1247 = vector.shape_cast %squeeze3A_1246 : vector<64xf32> to vector<64x1xf32>
    %add3A_1248 = vector.broadcast %broadcast_in_dim3A_1247 : vector<64x1xf32> to vector<64x128xf32>
    %add3A_1249 = arith.addf %slice3A_1244, %add3A_1248 : vector<64x128xf32>
    %swap3A_1250 = arith.constant 92 : index
    %swap3A_1251 = arith.constant 0 : index
    %swap3A_1252 = arith.constant 0 : index
    %swap3A_1253 = vector.load %arg3[%swap3A_1250, %swap3A_1251, %swap3A_1252] : memref<200x64x128xf32, #tpu.memory_space<vmem>>, vector<1x64x128xf32>
    %swap3A_1254 = vector.shape_cast %swap3A_1253 : vector<1x64x128xf32> to vector<64x128xf32>
    %swap3A_1255 = vector.shape_cast %add3A_1249 : vector<64x128xf32> to vector<1x64x128xf32>
    tpu.vector_store %arg3[%swap3A_1250, %swap3A_1251, %swap3A_1252], %swap3A_1255 {strides = array<i32>} : memref<200x64x128xf32, #tpu.memory_space<vmem>>, vector<1x64x128xf32>,
    %slice3A_1256 = vector.extract_strided_slice %transpose3A_1243 {offsets = [64, 0], sizes = [64, 128], strides = [1, 1]} : vector<128x128xf32> to vector<64x128xf32>
    %slice3A_1257 = vector.extract_strided_slice %get3A_4 {offsets = [93, 0], sizes = [1, 64], strides = [1, 1]} : vector<200x64xf32> to vector<1x64xf32>
    %squeeze3A_1258 = vector.shape_cast %slice3A_1257 : vector<1x64xf32> to vector<64xf32>
    %broadcast_in_dim3A_1259 = vector.shape_cast %squeeze3A_1258 : vector<64xf32> to vector<64x1xf32>
    %add3A_1260 = vector.broadcast %broadcast_in_dim3A_1259 : vector<64x1xf32> to vector<64x128xf32>
    %add3A_1261 = arith.addf %slice3A_1256, %add3A_1260 : vector<64x128xf32>
    %swap3A_1262 = arith.constant 93 : index
    %swap3A_1263 = arith.constant 0 : index
    %swap3A_1264 = arith.constant 0 : index
    %swap3A_1265 = vector.load %arg3[%swap3A_1262, %swap3A_1263, %swap3A_1264] : memref<200x64x128xf32, #tpu.memory_space<vmem>>, vector<1x64x128xf32>
    %swap3A_1266 = vector.shape_cast %swap3A_1265 : vector<1x64x128xf32> to vector<64x128xf32>
    %swap3A_1267 = vector.shape_cast %add3A_1261 : vector<64x128xf32> to vector<1x64x128xf32>
    tpu.vector_store %arg3[%swap3A_1262, %swap3A_1263, %swap3A_1264], %swap3A_1267 {strides = array<i32>} : memref<200x64x128xf32, #tpu.memory_space<vmem>>, vector<1x64x128xf32>,
    %slice3A_1268 = vector.extract_strided_slice %reshape3A {offsets = [0, 47, 0], sizes = [128, 1, 128], strides = [1, 1, 1]} : vector<128x100x128xf32> to vector<128x1x128xf32>
    %squeeze3A_1269 = vector.shape_cast %slice3A_1268 : vector<128x1x128xf32> to vector<128x128xf32>
    %transpose3A_1270 = tpu.transpose %squeeze3A_1269, [1, 0] : vector<128x128xf32> -> vector<128x128xf32>
    %slice3A_1271 = vector.extract_strided_slice %transpose3A_1270 {offsets = [0, 0], sizes = [64, 128], strides = [1, 1]} : vector<128x128xf32> to vector<64x128xf32>
    %slice3A_1272 = vector.extract_strided_slice %get3A_4 {offsets = [94, 0], sizes = [1, 64], strides = [1, 1]} : vector<200x64xf32> to vector<1x64xf32>
    %squeeze3A_1273 = vector.shape_cast %slice3A_1272 : vector<1x64xf32> to vector<64xf32>
    %broadcast_in_dim3A_1274 = vector.shape_cast %squeeze3A_1273 : vector<64xf32> to vector<64x1xf32>
    %add3A_1275 = vector.broadcast %broadcast_in_dim3A_1274 : vector<64x1xf32> to vector<64x128xf32>
    %add3A_1276 = arith.addf %slice3A_1271, %add3A_1275 : vector<64x128xf32>
    %swap3A_1277 = arith.constant 94 : index
    %swap3A_1278 = arith.constant 0 : index
    %swap3A_1279 = arith.constant 0 : index
    %swap3A_1280 = vector.load %arg3[%swap3A_1277, %swap3A_1278, %swap3A_1279] : memref<200x64x128xf32, #tpu.memory_space<vmem>>, vector<1x64x128xf32>
    %swap3A_1281 = vector.shape_cast %swap3A_1280 : vector<1x64x128xf32> to vector<64x128xf32>
    %swap3A_1282 = vector.shape_cast %add3A_1276 : vector<64x128xf32> to vector<1x64x128xf32>
    tpu.vector_store %arg3[%swap3A_1277, %swap3A_1278, %swap3A_1279], %swap3A_1282 {strides = array<i32>} : memref<200x64x128xf32, #tpu.memory_space<vmem>>, vector<1x64x128xf32>,
    %slice3A_1283 = vector.extract_strided_slice %transpose3A_1270 {offsets = [64, 0], sizes = [64, 128], strides = [1, 1]} : vector<128x128xf32> to vector<64x128xf32>
    %slice3A_1284 = vector.extract_strided_slice %get3A_4 {offsets = [95, 0], sizes = [1, 64], strides = [1, 1]} : vector<200x64xf32> to vector<1x64xf32>
    %squeeze3A_1285 = vector.shape_cast %slice3A_1284 : vector<1x64xf32> to vector<64xf32>
    %broadcast_in_dim3A_1286 = vector.shape_cast %squeeze3A_1285 : vector<64xf32> to vector<64x1xf32>
    %add3A_1287 = vector.broadcast %broadcast_in_dim3A_1286 : vector<64x1xf32> to vector<64x128xf32>
    %add3A_1288 = arith.addf %slice3A_1283, %add3A_1287 : vector<64x128xf32>
    %swap3A_1289 = arith.constant 95 : index
    %swap3A_1290 = arith.constant 0 : index
    %swap3A_1291 = arith.constant 0 : index
    %swap3A_1292 = vector.load %arg3[%swap3A_1289, %swap3A_1290, %swap3A_1291] : memref<200x64x128xf32, #tpu.memory_space<vmem>>, vector<1x64x128xf32>
    %swap3A_1293 = vector.shape_cast %swap3A_1292 : vector<1x64x128xf32> to vector<64x128xf32>
    %swap3A_1294 = vector.shape_cast %add3A_1288 : vector<64x128xf32> to vector<1x64x128xf32>
    tpu.vector_store %arg3[%swap3A_1289, %swap3A_1290, %swap3A_1291], %swap3A_1294 {strides = array<i32>} : memref<200x64x128xf32, #tpu.memory_space<vmem>>, vector<1x64x128xf32>,
    %slice3A_1295 = vector.extract_strided_slice %reshape3A {offsets = [0, 48, 0], sizes = [128, 1, 128], strides = [1, 1, 1]} : vector<128x100x128xf32> to vector<128x1x128xf32>
    %squeeze3A_1296 = vector.shape_cast %slice3A_1295 : vector<128x1x128xf32> to vector<128x128xf32>
    %transpose3A_1297 = tpu.transpose %squeeze3A_1296, [1, 0] : vector<128x128xf32> -> vector<128x128xf32>
    %slice3A_1298 = vector.extract_strided_slice %transpose3A_1297 {offsets = [0, 0], sizes = [64, 128], strides = [1, 1]} : vector<128x128xf32> to vector<64x128xf32>
    %slice3A_1299 = vector.extract_strided_slice %get3A_4 {offsets = [96, 0], sizes = [1, 64], strides = [1, 1]} : vector<200x64xf32> to vector<1x64xf32>
    %squeeze3A_1300 = vector.shape_cast %slice3A_1299 : vector<1x64xf32> to vector<64xf32>
    %broadcast_in_dim3A_1301 = vector.shape_cast %squeeze3A_1300 : vector<64xf32> to vector<64x1xf32>
    %add3A_1302 = vector.broadcast %broadcast_in_dim3A_1301 : vector<64x1xf32> to vector<64x128xf32>
    %add3A_1303 = arith.addf %slice3A_1298, %add3A_1302 : vector<64x128xf32>
    %swap3A_1304 = arith.constant 96 : index
    %swap3A_1305 = arith.constant 0 : index
    %swap3A_1306 = arith.constant 0 : index
    %swap3A_1307 = vector.load %arg3[%swap3A_1304, %swap3A_1305, %swap3A_1306] : memref<200x64x128xf32, #tpu.memory_space<vmem>>, vector<1x64x128xf32>
    %swap3A_1308 = vector.shape_cast %swap3A_1307 : vector<1x64x128xf32> to vector<64x128xf32>
    %swap3A_1309 = vector.shape_cast %add3A_1303 : vector<64x128xf32> to vector<1x64x128xf32>
    tpu.vector_store %arg3[%swap3A_1304, %swap3A_1305, %swap3A_1306], %swap3A_1309 {strides = array<i32>} : memref<200x64x128xf32, #tpu.memory_space<vmem>>, vector<1x64x128xf32>,
    %slice3A_1310 = vector.extract_strided_slice %transpose3A_1297 {offsets = [64, 0], sizes = [64, 128], strides = [1, 1]} : vector<128x128xf32> to vector<64x128xf32>
    %slice3A_1311 = vector.extract_strided_slice %get3A_4 {offsets = [97, 0], sizes = [1, 64], strides = [1, 1]} : vector<200x64xf32> to vector<1x64xf32>
    %squeeze3A_1312 = vector.shape_cast %slice3A_1311 : vector<1x64xf32> to vector<64xf32>
    %broadcast_in_dim3A_1313 = vector.shape_cast %squeeze3A_1312 : vector<64xf32> to vector<64x1xf32>
    %add3A_1314 = vector.broadcast %broadcast_in_dim3A_1313 : vector<64x1xf32> to vector<64x128xf32>
    %add3A_1315 = arith.addf %slice3A_1310, %add3A_1314 : vector<64x128xf32>
    %swap3A_1316 = arith.constant 97 : index
    %swap3A_1317 = arith.constant 0 : index
    %swap3A_1318 = arith.constant 0 : index
    %swap3A_1319 = vector.load %arg3[%swap3A_1316, %swap3A_1317, %swap3A_1318] : memref<200x64x128xf32, #tpu.memory_space<vmem>>, vector<1x64x128xf32>
    %swap3A_1320 = vector.shape_cast %swap3A_1319 : vector<1x64x128xf32> to vector<64x128xf32>
    %swap3A_1321 = vector.shape_cast %add3A_1315 : vector<64x128xf32> to vector<1x64x128xf32>
    tpu.vector_store %arg3[%swap3A_1316, %swap3A_1317, %swap3A_1318], %swap3A_1321 {strides = array<i32>} : memref<200x64x128xf32, #tpu.memory_space<vmem>>, vector<1x64x128xf32>,
    %slice3A_1322 = vector.extract_strided_slice %reshape3A {offsets = [0, 49, 0], sizes = [128, 1, 128], strides = [1, 1, 1]} : vector<128x100x128xf32> to vector<128x1x128xf32>
    %squeeze3A_1323 = vector.shape_cast %slice3A_1322 : vector<128x1x128xf32> to vector<128x128xf32>
    %transpose3A_1324 = tpu.transpose %squeeze3A_1323, [1, 0] : vector<128x128xf32> -> vector<128x128xf32>
    %slice3A_1325 = vector.extract_strided_slice %transpose3A_1324 {offsets = [0, 0], sizes = [64, 128], strides = [1, 1]} : vector<128x128xf32> to vector<64x128xf32>
    %slice3A_1326 = vector.extract_strided_slice %get3A_4 {offsets = [98, 0], sizes = [1, 64], strides = [1, 1]} : vector<200x64xf32> to vector<1x64xf32>
    %squeeze3A_1327 = vector.shape_cast %slice3A_1326 : vector<1x64xf32> to vector<64xf32>
    %broadcast_in_dim3A_1328 = vector.shape_cast %squeeze3A_1327 : vector<64xf32> to vector<64x1xf32>
    %add3A_1329 = vector.broadcast %broadcast_in_dim3A_1328 : vector<64x1xf32> to vector<64x128xf32>
    %add3A_1330 = arith.addf %slice3A_1325, %add3A_1329 : vector<64x128xf32>
    %swap3A_1331 = arith.constant 98 : index
    %swap3A_1332 = arith.constant 0 : index
    %swap3A_1333 = arith.constant 0 : index
    %swap3A_1334 = vector.load %arg3[%swap3A_1331, %swap3A_1332, %swap3A_1333] : memref<200x64x128xf32, #tpu.memory_space<vmem>>, vector<1x64x128xf32>
    %swap3A_1335 = vector.shape_cast %swap3A_1334 : vector<1x64x128xf32> to vector<64x128xf32>
    %swap3A_1336 = vector.shape_cast %add3A_1330 : vector<64x128xf32> to vector<1x64x128xf32>
    tpu.vector_store %arg3[%swap3A_1331, %swap3A_1332, %swap3A_1333], %swap3A_1336 {strides = array<i32>} : memref<200x64x128xf32, #tpu.memory_space<vmem>>, vector<1x64x128xf32>,
    %slice3A_1337 = vector.extract_strided_slice %transpose3A_1324 {offsets = [64, 0], sizes = [64, 128], strides = [1, 1]} : vector<128x128xf32> to vector<64x128xf32>
    %slice3A_1338 = vector.extract_strided_slice %get3A_4 {offsets = [99, 0], sizes = [1, 64], strides = [1, 1]} : vector<200x64xf32> to vector<1x64xf32>
    %squeeze3A_1339 = vector.shape_cast %slice3A_1338 : vector<1x64xf32> to vector<64xf32>
    %broadcast_in_dim3A_1340 = vector.shape_cast %squeeze3A_1339 : vector<64xf32> to vector<64x1xf32>
    %add3A_1341 = vector.broadcast %broadcast_in_dim3A_1340 : vector<64x1xf32> to vector<64x128xf32>
    %add3A_1342 = arith.addf %slice3A_1337, %add3A_1341 : vector<64x128xf32>
    %swap3A_1343 = arith.constant 99 : index
    %swap3A_1344 = arith.constant 0 : index
    %swap3A_1345 = arith.constant 0 : index
    %swap3A_1346 = vector.load %arg3[%swap3A_1343, %swap3A_1344, %swap3A_1345] : memref<200x64x128xf32, #tpu.memory_space<vmem>>, vector<1x64x128xf32>
    %swap3A_1347 = vector.shape_cast %swap3A_1346 : vector<1x64x128xf32> to vector<64x128xf32>
    %swap3A_1348 = vector.shape_cast %add3A_1342 : vector<64x128xf32> to vector<1x64x128xf32>
    tpu.vector_store %arg3[%swap3A_1343, %swap3A_1344, %swap3A_1345], %swap3A_1348 {strides = array<i32>} : memref<200x64x128xf32, #tpu.memory_space<vmem>>, vector<1x64x128xf32>,
    %slice3A_1349 = vector.extract_strided_slice %reshape3A {offsets = [0, 50, 0], sizes = [128, 1, 128], strides = [1, 1, 1]} : vector<128x100x128xf32> to vector<128x1x128xf32>
    %squeeze3A_1350 = vector.shape_cast %slice3A_1349 : vector<128x1x128xf32> to vector<128x128xf32>
    %transpose3A_1351 = tpu.transpose %squeeze3A_1350, [1, 0] : vector<128x128xf32> -> vector<128x128xf32>
    %slice3A_1352 = vector.extract_strided_slice %transpose3A_1351 {offsets = [0, 0], sizes = [64, 128], strides = [1, 1]} : vector<128x128xf32> to vector<64x128xf32>
    %slice3A_1353 = vector.extract_strided_slice %get3A_4 {offsets = [100, 0], sizes = [1, 64], strides = [1, 1]} : vector<200x64xf32> to vector<1x64xf32>
    %squeeze3A_1354 = vector.shape_cast %slice3A_1353 : vector<1x64xf32> to vector<64xf32>
    %broadcast_in_dim3A_1355 = vector.shape_cast %squeeze3A_1354 : vector<64xf32> to vector<64x1xf32>
    %add3A_1356 = vector.broadcast %broadcast_in_dim3A_1355 : vector<64x1xf32> to vector<64x128xf32>
    %add3A_1357 = arith.addf %slice3A_1352, %add3A_1356 : vector<64x128xf32>
    %swap3A_1358 = arith.constant 100 : index
    %swap3A_1359 = arith.constant 0 : index
    %swap3A_1360 = arith.constant 0 : index
    %swap3A_1361 = vector.load %arg3[%swap3A_1358, %swap3A_1359, %swap3A_1360] : memref<200x64x128xf32, #tpu.memory_space<vmem>>, vector<1x64x128xf32>
    %swap3A_1362 = vector.shape_cast %swap3A_1361 : vector<1x64x128xf32> to vector<64x128xf32>
    %swap3A_1363 = vector.shape_cast %add3A_1357 : vector<64x128xf32> to vector<1x64x128xf32>
    tpu.vector_store %arg3[%swap3A_1358, %swap3A_1359, %swap3A_1360], %swap3A_1363 {strides = array<i32>} : memref<200x64x128xf32, #tpu.memory_space<vmem>>, vector<1x64x128xf32>,
    %slice3A_1364 = vector.extract_strided_slice %transpose3A_1351 {offsets = [64, 0], sizes = [64, 128], strides = [1, 1]} : vector<128x128xf32> to vector<64x128xf32>
    %slice3A_1365 = vector.extract_strided_slice %get3A_4 {offsets = [101, 0], sizes = [1, 64], strides = [1, 1]} : vector<200x64xf32> to vector<1x64xf32>
    %squeeze3A_1366 = vector.shape_cast %slice3A_1365 : vector<1x64xf32> to vector<64xf32>
    %broadcast_in_dim3A_1367 = vector.shape_cast %squeeze3A_1366 : vector<64xf32> to vector<64x1xf32>
    %add3A_1368 = vector.broadcast %broadcast_in_dim3A_1367 : vector<64x1xf32> to vector<64x128xf32>
    %add3A_1369 = arith.addf %slice3A_1364, %add3A_1368 : vector<64x128xf32>
    %swap3A_1370 = arith.constant 101 : index
    %swap3A_1371 = arith.constant 0 : index
    %swap3A_1372 = arith.constant 0 : index
    %swap3A_1373 = vector.load %arg3[%swap3A_1370, %swap3A_1371, %swap3A_1372] : memref<200x64x128xf32, #tpu.memory_space<vmem>>, vector<1x64x128xf32>
    %swap3A_1374 = vector.shape_cast %swap3A_1373 : vector<1x64x128xf32> to vector<64x128xf32>
    %swap3A_1375 = vector.shape_cast %add3A_1369 : vector<64x128xf32> to vector<1x64x128xf32>
    tpu.vector_store %arg3[%swap3A_1370, %swap3A_1371, %swap3A_1372], %swap3A_1375 {strides = array<i32>} : memref<200x64x128xf32, #tpu.memory_space<vmem>>, vector<1x64x128xf32>,
    %slice3A_1376 = vector.extract_strided_slice %reshape3A {offsets = [0, 51, 0], sizes = [128, 1, 128], strides = [1, 1, 1]} : vector<128x100x128xf32> to vector<128x1x128xf32>
    %squeeze3A_1377 = vector.shape_cast %slice3A_1376 : vector<128x1x128xf32> to vector<128x128xf32>
    %transpose3A_1378 = tpu.transpose %squeeze3A_1377, [1, 0] : vector<128x128xf32> -> vector<128x128xf32>
    %slice3A_1379 = vector.extract_strided_slice %transpose3A_1378 {offsets = [0, 0], sizes = [64, 128], strides = [1, 1]} : vector<128x128xf32> to vector<64x128xf32>
    %slice3A_1380 = vector.extract_strided_slice %get3A_4 {offsets = [102, 0], sizes = [1, 64], strides = [1, 1]} : vector<200x64xf32> to vector<1x64xf32>
    %squeeze3A_1381 = vector.shape_cast %slice3A_1380 : vector<1x64xf32> to vector<64xf32>
    %broadcast_in_dim3A_1382 = vector.shape_cast %squeeze3A_1381 : vector<64xf32> to vector<64x1xf32>
    %add3A_1383 = vector.broadcast %broadcast_in_dim3A_1382 : vector<64x1xf32> to vector<64x128xf32>
    %add3A_1384 = arith.addf %slice3A_1379, %add3A_1383 : vector<64x128xf32>
    %swap3A_1385 = arith.constant 102 : index
    %swap3A_1386 = arith.constant 0 : index
    %swap3A_1387 = arith.constant 0 : index
    %swap3A_1388 = vector.load %arg3[%swap3A_1385, %swap3A_1386, %swap3A_1387] : memref<200x64x128xf32, #tpu.memory_space<vmem>>, vector<1x64x128xf32>
    %swap3A_1389 = vector.shape_cast %swap3A_1388 : vector<1x64x128xf32> to vector<64x128xf32>
    %swap3A_1390 = vector.shape_cast %add3A_1384 : vector<64x128xf32> to vector<1x64x128xf32>
    tpu.vector_store %arg3[%swap3A_1385, %swap3A_1386, %swap3A_1387], %swap3A_1390 {strides = array<i32>} : memref<200x64x128xf32, #tpu.memory_space<vmem>>, vector<1x64x128xf32>,
    %slice3A_1391 = vector.extract_strided_slice %transpose3A_1378 {offsets = [64, 0], sizes = [64, 128], strides = [1, 1]} : vector<128x128xf32> to vector<64x128xf32>
    %slice3A_1392 = vector.extract_strided_slice %get3A_4 {offsets = [103, 0], sizes = [1, 64], strides = [1, 1]} : vector<200x64xf32> to vector<1x64xf32>
    %squeeze3A_1393 = vector.shape_cast %slice3A_1392 : vector<1x64xf32> to vector<64xf32>
    %broadcast_in_dim3A_1394 = vector.shape_cast %squeeze3A_1393 : vector<64xf32> to vector<64x1xf32>
    %add3A_1395 = vector.broadcast %broadcast_in_dim3A_1394 : vector<64x1xf32> to vector<64x128xf32>
    %add3A_1396 = arith.addf %slice3A_1391, %add3A_1395 : vector<64x128xf32>
    %swap3A_1397 = arith.constant 103 : index
    %swap3A_1398 = arith.constant 0 : index
    %swap3A_1399 = arith.constant 0 : index
    %swap3A_1400 = vector.load %arg3[%swap3A_1397, %swap3A_1398, %swap3A_1399] : memref<200x64x128xf32, #tpu.memory_space<vmem>>, vector<1x64x128xf32>
    %swap3A_1401 = vector.shape_cast %swap3A_1400 : vector<1x64x128xf32> to vector<64x128xf32>
    %swap3A_1402 = vector.shape_cast %add3A_1396 : vector<64x128xf32> to vector<1x64x128xf32>
    tpu.vector_store %arg3[%swap3A_1397, %swap3A_1398, %swap3A_1399], %swap3A_1402 {strides = array<i32>} : memref<200x64x128xf32, #tpu.memory_space<vmem>>, vector<1x64x128xf32>,
    %slice3A_1403 = vector.extract_strided_slice %reshape3A {offsets = [0, 52, 0], sizes = [128, 1, 128], strides = [1, 1, 1]} : vector<128x100x128xf32> to vector<128x1x128xf32>
    %squeeze3A_1404 = vector.shape_cast %slice3A_1403 : vector<128x1x128xf32> to vector<128x128xf32>
    %transpose3A_1405 = tpu.transpose %squeeze3A_1404, [1, 0] : vector<128x128xf32> -> vector<128x128xf32>
    %slice3A_1406 = vector.extract_strided_slice %transpose3A_1405 {offsets = [0, 0], sizes = [64, 128], strides = [1, 1]} : vector<128x128xf32> to vector<64x128xf32>
    %slice3A_1407 = vector.extract_strided_slice %get3A_4 {offsets = [104, 0], sizes = [1, 64], strides = [1, 1]} : vector<200x64xf32> to vector<1x64xf32>
    %squeeze3A_1408 = vector.shape_cast %slice3A_1407 : vector<1x64xf32> to vector<64xf32>
    %broadcast_in_dim3A_1409 = vector.shape_cast %squeeze3A_1408 : vector<64xf32> to vector<64x1xf32>
    %add3A_1410 = vector.broadcast %broadcast_in_dim3A_1409 : vector<64x1xf32> to vector<64x128xf32>
    %add3A_1411 = arith.addf %slice3A_1406, %add3A_1410 : vector<64x128xf32>
    %swap3A_1412 = arith.constant 104 : index
    %swap3A_1413 = arith.constant 0 : index
    %swap3A_1414 = arith.constant 0 : index
    %swap3A_1415 = vector.load %arg3[%swap3A_1412, %swap3A_1413, %swap3A_1414] : memref<200x64x128xf32, #tpu.memory_space<vmem>>, vector<1x64x128xf32>
    %swap3A_1416 = vector.shape_cast %swap3A_1415 : vector<1x64x128xf32> to vector<64x128xf32>
    %swap3A_1417 = vector.shape_cast %add3A_1411 : vector<64x128xf32> to vector<1x64x128xf32>
    tpu.vector_store %arg3[%swap3A_1412, %swap3A_1413, %swap3A_1414], %swap3A_1417 {strides = array<i32>} : memref<200x64x128xf32, #tpu.memory_space<vmem>>, vector<1x64x128xf32>,
    %slice3A_1418 = vector.extract_strided_slice %transpose3A_1405 {offsets = [64, 0], sizes = [64, 128], strides = [1, 1]} : vector<128x128xf32> to vector<64x128xf32>
    %slice3A_1419 = vector.extract_strided_slice %get3A_4 {offsets = [105, 0], sizes = [1, 64], strides = [1, 1]} : vector<200x64xf32> to vector<1x64xf32>
    %squeeze3A_1420 = vector.shape_cast %slice3A_1419 : vector<1x64xf32> to vector<64xf32>
    %broadcast_in_dim3A_1421 = vector.shape_cast %squeeze3A_1420 : vector<64xf32> to vector<64x1xf32>
    %add3A_1422 = vector.broadcast %broadcast_in_dim3A_1421 : vector<64x1xf32> to vector<64x128xf32>
    %add3A_1423 = arith.addf %slice3A_1418, %add3A_1422 : vector<64x128xf32>
    %swap3A_1424 = arith.constant 105 : index
    %swap3A_1425 = arith.constant 0 : index
    %swap3A_1426 = arith.constant 0 : index
    %swap3A_1427 = vector.load %arg3[%swap3A_1424, %swap3A_1425, %swap3A_1426] : memref<200x64x128xf32, #tpu.memory_space<vmem>>, vector<1x64x128xf32>
    %swap3A_1428 = vector.shape_cast %swap3A_1427 : vector<1x64x128xf32> to vector<64x128xf32>
    %swap3A_1429 = vector.shape_cast %add3A_1423 : vector<64x128xf32> to vector<1x64x128xf32>
    tpu.vector_store %arg3[%swap3A_1424, %swap3A_1425, %swap3A_1426], %swap3A_1429 {strides = array<i32>} : memref<200x64x128xf32, #tpu.memory_space<vmem>>, vector<1x64x128xf32>,
    %slice3A_1430 = vector.extract_strided_slice %reshape3A {offsets = [0, 53, 0], sizes = [128, 1, 128], strides = [1, 1, 1]} : vector<128x100x128xf32> to vector<128x1x128xf32>
    %squeeze3A_1431 = vector.shape_cast %slice3A_1430 : vector<128x1x128xf32> to vector<128x128xf32>
    %transpose3A_1432 = tpu.transpose %squeeze3A_1431, [1, 0] : vector<128x128xf32> -> vector<128x128xf32>
    %slice3A_1433 = vector.extract_strided_slice %transpose3A_1432 {offsets = [0, 0], sizes = [64, 128], strides = [1, 1]} : vector<128x128xf32> to vector<64x128xf32>
    %slice3A_1434 = vector.extract_strided_slice %get3A_4 {offsets = [106, 0], sizes = [1, 64], strides = [1, 1]} : vector<200x64xf32> to vector<1x64xf32>
    %squeeze3A_1435 = vector.shape_cast %slice3A_1434 : vector<1x64xf32> to vector<64xf32>
    %broadcast_in_dim3A_1436 = vector.shape_cast %squeeze3A_1435 : vector<64xf32> to vector<64x1xf32>
    %add3A_1437 = vector.broadcast %broadcast_in_dim3A_1436 : vector<64x1xf32> to vector<64x128xf32>
    %add3A_1438 = arith.addf %slice3A_1433, %add3A_1437 : vector<64x128xf32>
    %swap3A_1439 = arith.constant 106 : index
    %swap3A_1440 = arith.constant 0 : index
    %swap3A_1441 = arith.constant 0 : index
    %swap3A_1442 = vector.load %arg3[%swap3A_1439, %swap3A_1440, %swap3A_1441] : memref<200x64x128xf32, #tpu.memory_space<vmem>>, vector<1x64x128xf32>
    %swap3A_1443 = vector.shape_cast %swap3A_1442 : vector<1x64x128xf32> to vector<64x128xf32>
    %swap3A_1444 = vector.shape_cast %add3A_1438 : vector<64x128xf32> to vector<1x64x128xf32>
    tpu.vector_store %arg3[%swap3A_1439, %swap3A_1440, %swap3A_1441], %swap3A_1444 {strides = array<i32>} : memref<200x64x128xf32, #tpu.memory_space<vmem>>, vector<1x64x128xf32>,
    %slice3A_1445 = vector.extract_strided_slice %transpose3A_1432 {offsets = [64, 0], sizes = [64, 128], strides = [1, 1]} : vector<128x128xf32> to vector<64x128xf32>
    %slice3A_1446 = vector.extract_strided_slice %get3A_4 {offsets = [107, 0], sizes = [1, 64], strides = [1, 1]} : vector<200x64xf32> to vector<1x64xf32>
    %squeeze3A_1447 = vector.shape_cast %slice3A_1446 : vector<1x64xf32> to vector<64xf32>
    %broadcast_in_dim3A_1448 = vector.shape_cast %squeeze3A_1447 : vector<64xf32> to vector<64x1xf32>
    %add3A_1449 = vector.broadcast %broadcast_in_dim3A_1448 : vector<64x1xf32> to vector<64x128xf32>
    %add3A_1450 = arith.addf %slice3A_1445, %add3A_1449 : vector<64x128xf32>
    %swap3A_1451 = arith.constant 107 : index
    %swap3A_1452 = arith.constant 0 : index
    %swap3A_1453 = arith.constant 0 : index
    %swap3A_1454 = vector.load %arg3[%swap3A_1451, %swap3A_1452, %swap3A_1453] : memref<200x64x128xf32, #tpu.memory_space<vmem>>, vector<1x64x128xf32>
    %swap3A_1455 = vector.shape_cast %swap3A_1454 : vector<1x64x128xf32> to vector<64x128xf32>
    %swap3A_1456 = vector.shape_cast %add3A_1450 : vector<64x128xf32> to vector<1x64x128xf32>
    tpu.vector_store %arg3[%swap3A_1451, %swap3A_1452, %swap3A_1453], %swap3A_1456 {strides = array<i32>} : memref<200x64x128xf32, #tpu.memory_space<vmem>>, vector<1x64x128xf32>,
    %slice3A_1457 = vector.extract_strided_slice %reshape3A {offsets = [0, 54, 0], sizes = [128, 1, 128], strides = [1, 1, 1]} : vector<128x100x128xf32> to vector<128x1x128xf32>
    %squeeze3A_1458 = vector.shape_cast %slice3A_1457 : vector<128x1x128xf32> to vector<128x128xf32>
    %transpose3A_1459 = tpu.transpose %squeeze3A_1458, [1, 0] : vector<128x128xf32> -> vector<128x128xf32>
    %slice3A_1460 = vector.extract_strided_slice %transpose3A_1459 {offsets = [0, 0], sizes = [64, 128], strides = [1, 1]} : vector<128x128xf32> to vector<64x128xf32>
    %slice3A_1461 = vector.extract_strided_slice %get3A_4 {offsets = [108, 0], sizes = [1, 64], strides = [1, 1]} : vector<200x64xf32> to vector<1x64xf32>
    %squeeze3A_1462 = vector.shape_cast %slice3A_1461 : vector<1x64xf32> to vector<64xf32>
    %broadcast_in_dim3A_1463 = vector.shape_cast %squeeze3A_1462 : vector<64xf32> to vector<64x1xf32>
    %add3A_1464 = vector.broadcast %broadcast_in_dim3A_1463 : vector<64x1xf32> to vector<64x128xf32>
    %add3A_1465 = arith.addf %slice3A_1460, %add3A_1464 : vector<64x128xf32>
    %swap3A_1466 = arith.constant 108 : index
    %swap3A_1467 = arith.constant 0 : index
    %swap3A_1468 = arith.constant 0 : index
    %swap3A_1469 = vector.load %arg3[%swap3A_1466, %swap3A_1467, %swap3A_1468] : memref<200x64x128xf32, #tpu.memory_space<vmem>>, vector<1x64x128xf32>
    %swap3A_1470 = vector.shape_cast %swap3A_1469 : vector<1x64x128xf32> to vector<64x128xf32>
    %swap3A_1471 = vector.shape_cast %add3A_1465 : vector<64x128xf32> to vector<1x64x128xf32>
    tpu.vector_store %arg3[%swap3A_1466, %swap3A_1467, %swap3A_1468], %swap3A_1471 {strides = array<i32>} : memref<200x64x128xf32, #tpu.memory_space<vmem>>, vector<1x64x128xf32>,
    %slice3A_1472 = vector.extract_strided_slice %transpose3A_1459 {offsets = [64, 0], sizes = [64, 128], strides = [1, 1]} : vector<128x128xf32> to vector<64x128xf32>
    %slice3A_1473 = vector.extract_strided_slice %get3A_4 {offsets = [109, 0], sizes = [1, 64], strides = [1, 1]} : vector<200x64xf32> to vector<1x64xf32>
    %squeeze3A_1474 = vector.shape_cast %slice3A_1473 : vector<1x64xf32> to vector<64xf32>
    %broadcast_in_dim3A_1475 = vector.shape_cast %squeeze3A_1474 : vector<64xf32> to vector<64x1xf32>
    %add3A_1476 = vector.broadcast %broadcast_in_dim3A_1475 : vector<64x1xf32> to vector<64x128xf32>
    %add3A_1477 = arith.addf %slice3A_1472, %add3A_1476 : vector<64x128xf32>
    %swap3A_1478 = arith.constant 109 : index
    %swap3A_1479 = arith.constant 0 : index
    %swap3A_1480 = arith.constant 0 : index
    %swap3A_1481 = vector.load %arg3[%swap3A_1478, %swap3A_1479, %swap3A_1480] : memref<200x64x128xf32, #tpu.memory_space<vmem>>, vector<1x64x128xf32>
    %swap3A_1482 = vector.shape_cast %swap3A_1481 : vector<1x64x128xf32> to vector<64x128xf32>
    %swap3A_1483 = vector.shape_cast %add3A_1477 : vector<64x128xf32> to vector<1x64x128xf32>
    tpu.vector_store %arg3[%swap3A_1478, %swap3A_1479, %swap3A_1480], %swap3A_1483 {strides = array<i32>} : memref<200x64x128xf32, #tpu.memory_space<vmem>>, vector<1x64x128xf32>,
    %slice3A_1484 = vector.extract_strided_slice %reshape3A {offsets = [0, 55, 0], sizes = [128, 1, 128], strides = [1, 1, 1]} : vector<128x100x128xf32> to vector<128x1x128xf32>
    %squeeze3A_1485 = vector.shape_cast %slice3A_1484 : vector<128x1x128xf32> to vector<128x128xf32>
    %transpose3A_1486 = tpu.transpose %squeeze3A_1485, [1, 0] : vector<128x128xf32> -> vector<128x128xf32>
    %slice3A_1487 = vector.extract_strided_slice %transpose3A_1486 {offsets = [0, 0], sizes = [64, 128], strides = [1, 1]} : vector<128x128xf32> to vector<64x128xf32>
    %slice3A_1488 = vector.extract_strided_slice %get3A_4 {offsets = [110, 0], sizes = [1, 64], strides = [1, 1]} : vector<200x64xf32> to vector<1x64xf32>
    %squeeze3A_1489 = vector.shape_cast %slice3A_1488 : vector<1x64xf32> to vector<64xf32>
    %broadcast_in_dim3A_1490 = vector.shape_cast %squeeze3A_1489 : vector<64xf32> to vector<64x1xf32>
    %add3A_1491 = vector.broadcast %broadcast_in_dim3A_1490 : vector<64x1xf32> to vector<64x128xf32>
    %add3A_1492 = arith.addf %slice3A_1487, %add3A_1491 : vector<64x128xf32>
    %swap3A_1493 = arith.constant 110 : index
    %swap3A_1494 = arith.constant 0 : index
    %swap3A_1495 = arith.constant 0 : index
    %swap3A_1496 = vector.load %arg3[%swap3A_1493, %swap3A_1494, %swap3A_1495] : memref<200x64x128xf32, #tpu.memory_space<vmem>>, vector<1x64x128xf32>
    %swap3A_1497 = vector.shape_cast %swap3A_1496 : vector<1x64x128xf32> to vector<64x128xf32>
    %swap3A_1498 = vector.shape_cast %add3A_1492 : vector<64x128xf32> to vector<1x64x128xf32>
    tpu.vector_store %arg3[%swap3A_1493, %swap3A_1494, %swap3A_1495], %swap3A_1498 {strides = array<i32>} : memref<200x64x128xf32, #tpu.memory_space<vmem>>, vector<1x64x128xf32>,
    %slice3A_1499 = vector.extract_strided_slice %transpose3A_1486 {offsets = [64, 0], sizes = [64, 128], strides = [1, 1]} : vector<128x128xf32> to vector<64x128xf32>
    %slice3A_1500 = vector.extract_strided_slice %get3A_4 {offsets = [111, 0], sizes = [1, 64], strides = [1, 1]} : vector<200x64xf32> to vector<1x64xf32>
    %squeeze3A_1501 = vector.shape_cast %slice3A_1500 : vector<1x64xf32> to vector<64xf32>
    %broadcast_in_dim3A_1502 = vector.shape_cast %squeeze3A_1501 : vector<64xf32> to vector<64x1xf32>
    %add3A_1503 = vector.broadcast %broadcast_in_dim3A_1502 : vector<64x1xf32> to vector<64x128xf32>
    %add3A_1504 = arith.addf %slice3A_1499, %add3A_1503 : vector<64x128xf32>
    %swap3A_1505 = arith.constant 111 : index
    %swap3A_1506 = arith.constant 0 : index
    %swap3A_1507 = arith.constant 0 : index
    %swap3A_1508 = vector.load %arg3[%swap3A_1505, %swap3A_1506, %swap3A_1507] : memref<200x64x128xf32, #tpu.memory_space<vmem>>, vector<1x64x128xf32>
    %swap3A_1509 = vector.shape_cast %swap3A_1508 : vector<1x64x128xf32> to vector<64x128xf32>
    %swap3A_1510 = vector.shape_cast %add3A_1504 : vector<64x128xf32> to vector<1x64x128xf32>
    tpu.vector_store %arg3[%swap3A_1505, %swap3A_1506, %swap3A_1507], %swap3A_1510 {strides = array<i32>} : memref<200x64x128xf32, #tpu.memory_space<vmem>>, vector<1x64x128xf32>,
    %slice3A_1511 = vector.extract_strided_slice %reshape3A {offsets = [0, 56, 0], sizes = [128, 1, 128], strides = [1, 1, 1]} : vector<128x100x128xf32> to vector<128x1x128xf32>
    %squeeze3A_1512 = vector.shape_cast %slice3A_1511 : vector<128x1x128xf32> to vector<128x128xf32>
    %transpose3A_1513 = tpu.transpose %squeeze3A_1512, [1, 0] : vector<128x128xf32> -> vector<128x128xf32>
    %slice3A_1514 = vector.extract_strided_slice %transpose3A_1513 {offsets = [0, 0], sizes = [64, 128], strides = [1, 1]} : vector<128x128xf32> to vector<64x128xf32>
    %slice3A_1515 = vector.extract_strided_slice %get3A_4 {offsets = [112, 0], sizes = [1, 64], strides = [1, 1]} : vector<200x64xf32> to vector<1x64xf32>
    %squeeze3A_1516 = vector.shape_cast %slice3A_1515 : vector<1x64xf32> to vector<64xf32>
    %broadcast_in_dim3A_1517 = vector.shape_cast %squeeze3A_1516 : vector<64xf32> to vector<64x1xf32>
    %add3A_1518 = vector.broadcast %broadcast_in_dim3A_1517 : vector<64x1xf32> to vector<64x128xf32>
    %add3A_1519 = arith.addf %slice3A_1514, %add3A_1518 : vector<64x128xf32>
    %swap3A_1520 = arith.constant 112 : index
    %swap3A_1521 = arith.constant 0 : index
    %swap3A_1522 = arith.constant 0 : index
    %swap3A_1523 = vector.load %arg3[%swap3A_1520, %swap3A_1521, %swap3A_1522] : memref<200x64x128xf32, #tpu.memory_space<vmem>>, vector<1x64x128xf32>
    %swap3A_1524 = vector.shape_cast %swap3A_1523 : vector<1x64x128xf32> to vector<64x128xf32>
    %swap3A_1525 = vector.shape_cast %add3A_1519 : vector<64x128xf32> to vector<1x64x128xf32>
    tpu.vector_store %arg3[%swap3A_1520, %swap3A_1521, %swap3A_1522], %swap3A_1525 {strides = array<i32>} : memref<200x64x128xf32, #tpu.memory_space<vmem>>, vector<1x64x128xf32>,
    %slice3A_1526 = vector.extract_strided_slice %transpose3A_1513 {offsets = [64, 0], sizes = [64, 128], strides = [1, 1]} : vector<128x128xf32> to vector<64x128xf32>
    %slice3A_1527 = vector.extract_strided_slice %get3A_4 {offsets = [113, 0], sizes = [1, 64], strides = [1, 1]} : vector<200x64xf32> to vector<1x64xf32>
    %squeeze3A_1528 = vector.shape_cast %slice3A_1527 : vector<1x64xf32> to vector<64xf32>
    %broadcast_in_dim3A_1529 = vector.shape_cast %squeeze3A_1528 : vector<64xf32> to vector<64x1xf32>
    %add3A_1530 = vector.broadcast %broadcast_in_dim3A_1529 : vector<64x1xf32> to vector<64x128xf32>
    %add3A_1531 = arith.addf %slice3A_1526, %add3A_1530 : vector<64x128xf32>
    %swap3A_1532 = arith.constant 113 : index
    %swap3A_1533 = arith.constant 0 : index
    %swap3A_1534 = arith.constant 0 : index
    %swap3A_1535 = vector.load %arg3[%swap3A_1532, %swap3A_1533, %swap3A_1534] : memref<200x64x128xf32, #tpu.memory_space<vmem>>, vector<1x64x128xf32>
    %swap3A_1536 = vector.shape_cast %swap3A_1535 : vector<1x64x128xf32> to vector<64x128xf32>
    %swap3A_1537 = vector.shape_cast %add3A_1531 : vector<64x128xf32> to vector<1x64x128xf32>
    tpu.vector_store %arg3[%swap3A_1532, %swap3A_1533, %swap3A_1534], %swap3A_1537 {strides = array<i32>} : memref<200x64x128xf32, #tpu.memory_space<vmem>>, vector<1x64x128xf32>,
    %slice3A_1538 = vector.extract_strided_slice %reshape3A {offsets = [0, 57, 0], sizes = [128, 1, 128], strides = [1, 1, 1]} : vector<128x100x128xf32> to vector<128x1x128xf32>
    %squeeze3A_1539 = vector.shape_cast %slice3A_1538 : vector<128x1x128xf32> to vector<128x128xf32>
    %transpose3A_1540 = tpu.transpose %squeeze3A_1539, [1, 0] : vector<128x128xf32> -> vector<128x128xf32>
    %slice3A_1541 = vector.extract_strided_slice %transpose3A_1540 {offsets = [0, 0], sizes = [64, 128], strides = [1, 1]} : vector<128x128xf32> to vector<64x128xf32>
    %slice3A_1542 = vector.extract_strided_slice %get3A_4 {offsets = [114, 0], sizes = [1, 64], strides = [1, 1]} : vector<200x64xf32> to vector<1x64xf32>
    %squeeze3A_1543 = vector.shape_cast %slice3A_1542 : vector<1x64xf32> to vector<64xf32>
    %broadcast_in_dim3A_1544 = vector.shape_cast %squeeze3A_1543 : vector<64xf32> to vector<64x1xf32>
    %add3A_1545 = vector.broadcast %broadcast_in_dim3A_1544 : vector<64x1xf32> to vector<64x128xf32>
    %add3A_1546 = arith.addf %slice3A_1541, %add3A_1545 : vector<64x128xf32>
    %swap3A_1547 = arith.constant 114 : index
    %swap3A_1548 = arith.constant 0 : index
    %swap3A_1549 = arith.constant 0 : index
    %swap3A_1550 = vector.load %arg3[%swap3A_1547, %swap3A_1548, %swap3A_1549] : memref<200x64x128xf32, #tpu.memory_space<vmem>>, vector<1x64x128xf32>
    %swap3A_1551 = vector.shape_cast %swap3A_1550 : vector<1x64x128xf32> to vector<64x128xf32>
    %swap3A_1552 = vector.shape_cast %add3A_1546 : vector<64x128xf32> to vector<1x64x128xf32>
    tpu.vector_store %arg3[%swap3A_1547, %swap3A_1548, %swap3A_1549], %swap3A_1552 {strides = array<i32>} : memref<200x64x128xf32, #tpu.memory_space<vmem>>, vector<1x64x128xf32>,
    %slice3A_1553 = vector.extract_strided_slice %transpose3A_1540 {offsets = [64, 0], sizes = [64, 128], strides = [1, 1]} : vector<128x128xf32> to vector<64x128xf32>
    %slice3A_1554 = vector.extract_strided_slice %get3A_4 {offsets = [115, 0], sizes = [1, 64], strides = [1, 1]} : vector<200x64xf32> to vector<1x64xf32>
    %squeeze3A_1555 = vector.shape_cast %slice3A_1554 : vector<1x64xf32> to vector<64xf32>
    %broadcast_in_dim3A_1556 = vector.shape_cast %squeeze3A_1555 : vector<64xf32> to vector<64x1xf32>
    %add3A_1557 = vector.broadcast %broadcast_in_dim3A_1556 : vector<64x1xf32> to vector<64x128xf32>
    %add3A_1558 = arith.addf %slice3A_1553, %add3A_1557 : vector<64x128xf32>
    %swap3A_1559 = arith.constant 115 : index
    %swap3A_1560 = arith.constant 0 : index
    %swap3A_1561 = arith.constant 0 : index
    %swap3A_1562 = vector.load %arg3[%swap3A_1559, %swap3A_1560, %swap3A_1561] : memref<200x64x128xf32, #tpu.memory_space<vmem>>, vector<1x64x128xf32>
    %swap3A_1563 = vector.shape_cast %swap3A_1562 : vector<1x64x128xf32> to vector<64x128xf32>
    %swap3A_1564 = vector.shape_cast %add3A_1558 : vector<64x128xf32> to vector<1x64x128xf32>
    tpu.vector_store %arg3[%swap3A_1559, %swap3A_1560, %swap3A_1561], %swap3A_1564 {strides = array<i32>} : memref<200x64x128xf32, #tpu.memory_space<vmem>>, vector<1x64x128xf32>,
    %slice3A_1565 = vector.extract_strided_slice %reshape3A {offsets = [0, 58, 0], sizes = [128, 1, 128], strides = [1, 1, 1]} : vector<128x100x128xf32> to vector<128x1x128xf32>
    %squeeze3A_1566 = vector.shape_cast %slice3A_1565 : vector<128x1x128xf32> to vector<128x128xf32>
    %transpose3A_1567 = tpu.transpose %squeeze3A_1566, [1, 0] : vector<128x128xf32> -> vector<128x128xf32>
    %slice3A_1568 = vector.extract_strided_slice %transpose3A_1567 {offsets = [0, 0], sizes = [64, 128], strides = [1, 1]} : vector<128x128xf32> to vector<64x128xf32>
    %slice3A_1569 = vector.extract_strided_slice %get3A_4 {offsets = [116, 0], sizes = [1, 64], strides = [1, 1]} : vector<200x64xf32> to vector<1x64xf32>
    %squeeze3A_1570 = vector.shape_cast %slice3A_1569 : vector<1x64xf32> to vector<64xf32>
    %broadcast_in_dim3A_1571 = vector.shape_cast %squeeze3A_1570 : vector<64xf32> to vector<64x1xf32>
    %add3A_1572 = vector.broadcast %broadcast_in_dim3A_1571 : vector<64x1xf32> to vector<64x128xf32>
    %add3A_1573 = arith.addf %slice3A_1568, %add3A_1572 : vector<64x128xf32>
    %swap3A_1574 = arith.constant 116 : index
    %swap3A_1575 = arith.constant 0 : index
    %swap3A_1576 = arith.constant 0 : index
    %swap3A_1577 = vector.load %arg3[%swap3A_1574, %swap3A_1575, %swap3A_1576] : memref<200x64x128xf32, #tpu.memory_space<vmem>>, vector<1x64x128xf32>
    %swap3A_1578 = vector.shape_cast %swap3A_1577 : vector<1x64x128xf32> to vector<64x128xf32>
    %swap3A_1579 = vector.shape_cast %add3A_1573 : vector<64x128xf32> to vector<1x64x128xf32>
    tpu.vector_store %arg3[%swap3A_1574, %swap3A_1575, %swap3A_1576], %swap3A_1579 {strides = array<i32>} : memref<200x64x128xf32, #tpu.memory_space<vmem>>, vector<1x64x128xf32>,
    %slice3A_1580 = vector.extract_strided_slice %transpose3A_1567 {offsets = [64, 0], sizes = [64, 128], strides = [1, 1]} : vector<128x128xf32> to vector<64x128xf32>
    %slice3A_1581 = vector.extract_strided_slice %get3A_4 {offsets = [117, 0], sizes = [1, 64], strides = [1, 1]} : vector<200x64xf32> to vector<1x64xf32>
    %squeeze3A_1582 = vector.shape_cast %slice3A_1581 : vector<1x64xf32> to vector<64xf32>
    %broadcast_in_dim3A_1583 = vector.shape_cast %squeeze3A_1582 : vector<64xf32> to vector<64x1xf32>
    %add3A_1584 = vector.broadcast %broadcast_in_dim3A_1583 : vector<64x1xf32> to vector<64x128xf32>
    %add3A_1585 = arith.addf %slice3A_1580, %add3A_1584 : vector<64x128xf32>
    %swap3A_1586 = arith.constant 117 : index
    %swap3A_1587 = arith.constant 0 : index
    %swap3A_1588 = arith.constant 0 : index
    %swap3A_1589 = vector.load %arg3[%swap3A_1586, %swap3A_1587, %swap3A_1588] : memref<200x64x128xf32, #tpu.memory_space<vmem>>, vector<1x64x128xf32>
    %swap3A_1590 = vector.shape_cast %swap3A_1589 : vector<1x64x128xf32> to vector<64x128xf32>
    %swap3A_1591 = vector.shape_cast %add3A_1585 : vector<64x128xf32> to vector<1x64x128xf32>
    tpu.vector_store %arg3[%swap3A_1586, %swap3A_1587, %swap3A_1588], %swap3A_1591 {strides = array<i32>} : memref<200x64x128xf32, #tpu.memory_space<vmem>>, vector<1x64x128xf32>,
    %slice3A_1592 = vector.extract_strided_slice %reshape3A {offsets = [0, 59, 0], sizes = [128, 1, 128], strides = [1, 1, 1]} : vector<128x100x128xf32> to vector<128x1x128xf32>
    %squeeze3A_1593 = vector.shape_cast %slice3A_1592 : vector<128x1x128xf32> to vector<128x128xf32>
    %transpose3A_1594 = tpu.transpose %squeeze3A_1593, [1, 0] : vector<128x128xf32> -> vector<128x128xf32>
    %slice3A_1595 = vector.extract_strided_slice %transpose3A_1594 {offsets = [0, 0], sizes = [64, 128], strides = [1, 1]} : vector<128x128xf32> to vector<64x128xf32>
    %slice3A_1596 = vector.extract_strided_slice %get3A_4 {offsets = [118, 0], sizes = [1, 64], strides = [1, 1]} : vector<200x64xf32> to vector<1x64xf32>
    %squeeze3A_1597 = vector.shape_cast %slice3A_1596 : vector<1x64xf32> to vector<64xf32>
    %broadcast_in_dim3A_1598 = vector.shape_cast %squeeze3A_1597 : vector<64xf32> to vector<64x1xf32>
    %add3A_1599 = vector.broadcast %broadcast_in_dim3A_1598 : vector<64x1xf32> to vector<64x128xf32>
    %add3A_1600 = arith.addf %slice3A_1595, %add3A_1599 : vector<64x128xf32>
    %swap3A_1601 = arith.constant 118 : index
    %swap3A_1602 = arith.constant 0 : index
    %swap3A_1603 = arith.constant 0 : index
    %swap3A_1604 = vector.load %arg3[%swap3A_1601, %swap3A_1602, %swap3A_1603] : memref<200x64x128xf32, #tpu.memory_space<vmem>>, vector<1x64x128xf32>
    %swap3A_1605 = vector.shape_cast %swap3A_1604 : vector<1x64x128xf32> to vector<64x128xf32>
    %swap3A_1606 = vector.shape_cast %add3A_1600 : vector<64x128xf32> to vector<1x64x128xf32>
    tpu.vector_store %arg3[%swap3A_1601, %swap3A_1602, %swap3A_1603], %swap3A_1606 {strides = array<i32>} : memref<200x64x128xf32, #tpu.memory_space<vmem>>, vector<1x64x128xf32>,
    %slice3A_1607 = vector.extract_strided_slice %transpose3A_1594 {offsets = [64, 0], sizes = [64, 128], strides = [1, 1]} : vector<128x128xf32> to vector<64x128xf32>
    %slice3A_1608 = vector.extract_strided_slice %get3A_4 {offsets = [119, 0], sizes = [1, 64], strides = [1, 1]} : vector<200x64xf32> to vector<1x64xf32>
    %squeeze3A_1609 = vector.shape_cast %slice3A_1608 : vector<1x64xf32> to vector<64xf32>
    %broadcast_in_dim3A_1610 = vector.shape_cast %squeeze3A_1609 : vector<64xf32> to vector<64x1xf32>
    %add3A_1611 = vector.broadcast %broadcast_in_dim3A_1610 : vector<64x1xf32> to vector<64x128xf32>
    %add3A_1612 = arith.addf %slice3A_1607, %add3A_1611 : vector<64x128xf32>
    %swap3A_1613 = arith.constant 119 : index
    %swap3A_1614 = arith.constant 0 : index
    %swap3A_1615 = arith.constant 0 : index
    %swap3A_1616 = vector.load %arg3[%swap3A_1613, %swap3A_1614, %swap3A_1615] : memref<200x64x128xf32, #tpu.memory_space<vmem>>, vector<1x64x128xf32>
    %swap3A_1617 = vector.shape_cast %swap3A_1616 : vector<1x64x128xf32> to vector<64x128xf32>
    %swap3A_1618 = vector.shape_cast %add3A_1612 : vector<64x128xf32> to vector<1x64x128xf32>
    tpu.vector_store %arg3[%swap3A_1613, %swap3A_1614, %swap3A_1615], %swap3A_1618 {strides = array<i32>} : memref<200x64x128xf32, #tpu.memory_space<vmem>>, vector<1x64x128xf32>,
    %slice3A_1619 = vector.extract_strided_slice %reshape3A {offsets = [0, 60, 0], sizes = [128, 1, 128], strides = [1, 1, 1]} : vector<128x100x128xf32> to vector<128x1x128xf32>
    %squeeze3A_1620 = vector.shape_cast %slice3A_1619 : vector<128x1x128xf32> to vector<128x128xf32>
    %transpose3A_1621 = tpu.transpose %squeeze3A_1620, [1, 0] : vector<128x128xf32> -> vector<128x128xf32>
    %slice3A_1622 = vector.extract_strided_slice %transpose3A_1621 {offsets = [0, 0], sizes = [64, 128], strides = [1, 1]} : vector<128x128xf32> to vector<64x128xf32>
    %slice3A_1623 = vector.extract_strided_slice %get3A_4 {offsets = [120, 0], sizes = [1, 64], strides = [1, 1]} : vector<200x64xf32> to vector<1x64xf32>
    %squeeze3A_1624 = vector.shape_cast %slice3A_1623 : vector<1x64xf32> to vector<64xf32>
    %broadcast_in_dim3A_1625 = vector.shape_cast %squeeze3A_1624 : vector<64xf32> to vector<64x1xf32>
    %add3A_1626 = vector.broadcast %broadcast_in_dim3A_1625 : vector<64x1xf32> to vector<64x128xf32>
    %add3A_1627 = arith.addf %slice3A_1622, %add3A_1626 : vector<64x128xf32>
    %swap3A_1628 = arith.constant 120 : index
    %swap3A_1629 = arith.constant 0 : index
    %swap3A_1630 = arith.constant 0 : index
    %swap3A_1631 = vector.load %arg3[%swap3A_1628, %swap3A_1629, %swap3A_1630] : memref<200x64x128xf32, #tpu.memory_space<vmem>>, vector<1x64x128xf32>
    %swap3A_1632 = vector.shape_cast %swap3A_1631 : vector<1x64x128xf32> to vector<64x128xf32>
    %swap3A_1633 = vector.shape_cast %add3A_1627 : vector<64x128xf32> to vector<1x64x128xf32>
    tpu.vector_store %arg3[%swap3A_1628, %swap3A_1629, %swap3A_1630], %swap3A_1633 {strides = array<i32>} : memref<200x64x128xf32, #tpu.memory_space<vmem>>, vector<1x64x128xf32>,
    %slice3A_1634 = vector.extract_strided_slice %transpose3A_1621 {offsets = [64, 0], sizes = [64, 128], strides = [1, 1]} : vector<128x128xf32> to vector<64x128xf32>
    %slice3A_1635 = vector.extract_strided_slice %get3A_4 {offsets = [121, 0], sizes = [1, 64], strides = [1, 1]} : vector<200x64xf32> to vector<1x64xf32>
    %squeeze3A_1636 = vector.shape_cast %slice3A_1635 : vector<1x64xf32> to vector<64xf32>
    %broadcast_in_dim3A_1637 = vector.shape_cast %squeeze3A_1636 : vector<64xf32> to vector<64x1xf32>
    %add3A_1638 = vector.broadcast %broadcast_in_dim3A_1637 : vector<64x1xf32> to vector<64x128xf32>
    %add3A_1639 = arith.addf %slice3A_1634, %add3A_1638 : vector<64x128xf32>
    %swap3A_1640 = arith.constant 121 : index
    %swap3A_1641 = arith.constant 0 : index
    %swap3A_1642 = arith.constant 0 : index
    %swap3A_1643 = vector.load %arg3[%swap3A_1640, %swap3A_1641, %swap3A_1642] : memref<200x64x128xf32, #tpu.memory_space<vmem>>, vector<1x64x128xf32>
    %swap3A_1644 = vector.shape_cast %swap3A_1643 : vector<1x64x128xf32> to vector<64x128xf32>
    %swap3A_1645 = vector.shape_cast %add3A_1639 : vector<64x128xf32> to vector<1x64x128xf32>
    tpu.vector_store %arg3[%swap3A_1640, %swap3A_1641, %swap3A_1642], %swap3A_1645 {strides = array<i32>} : memref<200x64x128xf32, #tpu.memory_space<vmem>>, vector<1x64x128xf32>,
    %slice3A_1646 = vector.extract_strided_slice %reshape3A {offsets = [0, 61, 0], sizes = [128, 1, 128], strides = [1, 1, 1]} : vector<128x100x128xf32> to vector<128x1x128xf32>
    %squeeze3A_1647 = vector.shape_cast %slice3A_1646 : vector<128x1x128xf32> to vector<128x128xf32>
    %transpose3A_1648 = tpu.transpose %squeeze3A_1647, [1, 0] : vector<128x128xf32> -> vector<128x128xf32>
    %slice3A_1649 = vector.extract_strided_slice %transpose3A_1648 {offsets = [0, 0], sizes = [64, 128], strides = [1, 1]} : vector<128x128xf32> to vector<64x128xf32>
    %slice3A_1650 = vector.extract_strided_slice %get3A_4 {offsets = [122, 0], sizes = [1, 64], strides = [1, 1]} : vector<200x64xf32> to vector<1x64xf32>
    %squeeze3A_1651 = vector.shape_cast %slice3A_1650 : vector<1x64xf32> to vector<64xf32>
    %broadcast_in_dim3A_1652 = vector.shape_cast %squeeze3A_1651 : vector<64xf32> to vector<64x1xf32>
    %add3A_1653 = vector.broadcast %broadcast_in_dim3A_1652 : vector<64x1xf32> to vector<64x128xf32>
    %add3A_1654 = arith.addf %slice3A_1649, %add3A_1653 : vector<64x128xf32>
    %swap3A_1655 = arith.constant 122 : index
    %swap3A_1656 = arith.constant 0 : index
    %swap3A_1657 = arith.constant 0 : index
    %swap3A_1658 = vector.load %arg3[%swap3A_1655, %swap3A_1656, %swap3A_1657] : memref<200x64x128xf32, #tpu.memory_space<vmem>>, vector<1x64x128xf32>
    %swap3A_1659 = vector.shape_cast %swap3A_1658 : vector<1x64x128xf32> to vector<64x128xf32>
    %swap3A_1660 = vector.shape_cast %add3A_1654 : vector<64x128xf32> to vector<1x64x128xf32>
    tpu.vector_store %arg3[%swap3A_1655, %swap3A_1656, %swap3A_1657], %swap3A_1660 {strides = array<i32>} : memref<200x64x128xf32, #tpu.memory_space<vmem>>, vector<1x64x128xf32>,
    %slice3A_1661 = vector.extract_strided_slice %transpose3A_1648 {offsets = [64, 0], sizes = [64, 128], strides = [1, 1]} : vector<128x128xf32> to vector<64x128xf32>
    %slice3A_1662 = vector.extract_strided_slice %get3A_4 {offsets = [123, 0], sizes = [1, 64], strides = [1, 1]} : vector<200x64xf32> to vector<1x64xf32>
    %squeeze3A_1663 = vector.shape_cast %slice3A_1662 : vector<1x64xf32> to vector<64xf32>
    %broadcast_in_dim3A_1664 = vector.shape_cast %squeeze3A_1663 : vector<64xf32> to vector<64x1xf32>
    %add3A_1665 = vector.broadcast %broadcast_in_dim3A_1664 : vector<64x1xf32> to vector<64x128xf32>
    %add3A_1666 = arith.addf %slice3A_1661, %add3A_1665 : vector<64x128xf32>
    %swap3A_1667 = arith.constant 123 : index
    %swap3A_1668 = arith.constant 0 : index
    %swap3A_1669 = arith.constant 0 : index
    %swap3A_1670 = vector.load %arg3[%swap3A_1667, %swap3A_1668, %swap3A_1669] : memref<200x64x128xf32, #tpu.memory_space<vmem>>, vector<1x64x128xf32>
    %swap3A_1671 = vector.shape_cast %swap3A_1670 : vector<1x64x128xf32> to vector<64x128xf32>
    %swap3A_1672 = vector.shape_cast %add3A_1666 : vector<64x128xf32> to vector<1x64x128xf32>
    tpu.vector_store %arg3[%swap3A_1667, %swap3A_1668, %swap3A_1669], %swap3A_1672 {strides = array<i32>} : memref<200x64x128xf32, #tpu.memory_space<vmem>>, vector<1x64x128xf32>,
    %slice3A_1673 = vector.extract_strided_slice %reshape3A {offsets = [0, 62, 0], sizes = [128, 1, 128], strides = [1, 1, 1]} : vector<128x100x128xf32> to vector<128x1x128xf32>
    %squeeze3A_1674 = vector.shape_cast %slice3A_1673 : vector<128x1x128xf32> to vector<128x128xf32>
    %transpose3A_1675 = tpu.transpose %squeeze3A_1674, [1, 0] : vector<128x128xf32> -> vector<128x128xf32>
    %slice3A_1676 = vector.extract_strided_slice %transpose3A_1675 {offsets = [0, 0], sizes = [64, 128], strides = [1, 1]} : vector<128x128xf32> to vector<64x128xf32>
    %slice3A_1677 = vector.extract_strided_slice %get3A_4 {offsets = [124, 0], sizes = [1, 64], strides = [1, 1]} : vector<200x64xf32> to vector<1x64xf32>
    %squeeze3A_1678 = vector.shape_cast %slice3A_1677 : vector<1x64xf32> to vector<64xf32>
    %broadcast_in_dim3A_1679 = vector.shape_cast %squeeze3A_1678 : vector<64xf32> to vector<64x1xf32>
    %add3A_1680 = vector.broadcast %broadcast_in_dim3A_1679 : vector<64x1xf32> to vector<64x128xf32>
    %add3A_1681 = arith.addf %slice3A_1676, %add3A_1680 : vector<64x128xf32>
    %swap3A_1682 = arith.constant 124 : index
    %swap3A_1683 = arith.constant 0 : index
    %swap3A_1684 = arith.constant 0 : index
    %swap3A_1685 = vector.load %arg3[%swap3A_1682, %swap3A_1683, %swap3A_1684] : memref<200x64x128xf32, #tpu.memory_space<vmem>>, vector<1x64x128xf32>
    %swap3A_1686 = vector.shape_cast %swap3A_1685 : vector<1x64x128xf32> to vector<64x128xf32>
    %swap3A_1687 = vector.shape_cast %add3A_1681 : vector<64x128xf32> to vector<1x64x128xf32>
    tpu.vector_store %arg3[%swap3A_1682, %swap3A_1683, %swap3A_1684], %swap3A_1687 {strides = array<i32>} : memref<200x64x128xf32, #tpu.memory_space<vmem>>, vector<1x64x128xf32>,
    %slice3A_1688 = vector.extract_strided_slice %transpose3A_1675 {offsets = [64, 0], sizes = [64, 128], strides = [1, 1]} : vector<128x128xf32> to vector<64x128xf32>
    %slice3A_1689 = vector.extract_strided_slice %get3A_4 {offsets = [125, 0], sizes = [1, 64], strides = [1, 1]} : vector<200x64xf32> to vector<1x64xf32>
    %squeeze3A_1690 = vector.shape_cast %slice3A_1689 : vector<1x64xf32> to vector<64xf32>
    %broadcast_in_dim3A_1691 = vector.shape_cast %squeeze3A_1690 : vector<64xf32> to vector<64x1xf32>
    %add3A_1692 = vector.broadcast %broadcast_in_dim3A_1691 : vector<64x1xf32> to vector<64x128xf32>
    %add3A_1693 = arith.addf %slice3A_1688, %add3A_1692 : vector<64x128xf32>
    %swap3A_1694 = arith.constant 125 : index
    %swap3A_1695 = arith.constant 0 : index
    %swap3A_1696 = arith.constant 0 : index
    %swap3A_1697 = vector.load %arg3[%swap3A_1694, %swap3A_1695, %swap3A_1696] : memref<200x64x128xf32, #tpu.memory_space<vmem>>, vector<1x64x128xf32>
    %swap3A_1698 = vector.shape_cast %swap3A_1697 : vector<1x64x128xf32> to vector<64x128xf32>
    %swap3A_1699 = vector.shape_cast %add3A_1693 : vector<64x128xf32> to vector<1x64x128xf32>
    tpu.vector_store %arg3[%swap3A_1694, %swap3A_1695, %swap3A_1696], %swap3A_1699 {strides = array<i32>} : memref<200x64x128xf32, #tpu.memory_space<vmem>>, vector<1x64x128xf32>,
    %slice3A_1700 = vector.extract_strided_slice %reshape3A {offsets = [0, 63, 0], sizes = [128, 1, 128], strides = [1, 1, 1]} : vector<128x100x128xf32> to vector<128x1x128xf32>
    %squeeze3A_1701 = vector.shape_cast %slice3A_1700 : vector<128x1x128xf32> to vector<128x128xf32>
    %transpose3A_1702 = tpu.transpose %squeeze3A_1701, [1, 0] : vector<128x128xf32> -> vector<128x128xf32>
    %slice3A_1703 = vector.extract_strided_slice %transpose3A_1702 {offsets = [0, 0], sizes = [64, 128], strides = [1, 1]} : vector<128x128xf32> to vector<64x128xf32>
    %slice3A_1704 = vector.extract_strided_slice %get3A_4 {offsets = [126, 0], sizes = [1, 64], strides = [1, 1]} : vector<200x64xf32> to vector<1x64xf32>
    %squeeze3A_1705 = vector.shape_cast %slice3A_1704 : vector<1x64xf32> to vector<64xf32>
    %broadcast_in_dim3A_1706 = vector.shape_cast %squeeze3A_1705 : vector<64xf32> to vector<64x1xf32>
    %add3A_1707 = vector.broadcast %broadcast_in_dim3A_1706 : vector<64x1xf32> to vector<64x128xf32>
    %add3A_1708 = arith.addf %slice3A_1703, %add3A_1707 : vector<64x128xf32>
    %swap3A_1709 = arith.constant 126 : index
    %swap3A_1710 = arith.constant 0 : index
    %swap3A_1711 = arith.constant 0 : index
    %swap3A_1712 = vector.load %arg3[%swap3A_1709, %swap3A_1710, %swap3A_1711] : memref<200x64x128xf32, #tpu.memory_space<vmem>>, vector<1x64x128xf32>
    %swap3A_1713 = vector.shape_cast %swap3A_1712 : vector<1x64x128xf32> to vector<64x128xf32>
    %swap3A_1714 = vector.shape_cast %add3A_1708 : vector<64x128xf32> to vector<1x64x128xf32>
    tpu.vector_store %arg3[%swap3A_1709, %swap3A_1710, %swap3A_1711], %swap3A_1714 {strides = array<i32>} : memref<200x64x128xf32, #tpu.memory_space<vmem>>, vector<1x64x128xf32>,
    %slice3A_1715 = vector.extract_strided_slice %transpose3A_1702 {offsets = [64, 0], sizes = [64, 128], strides = [1, 1]} : vector<128x128xf32> to vector<64x128xf32>
    %slice3A_1716 = vector.extract_strided_slice %get3A_4 {offsets = [127, 0], sizes = [1, 64], strides = [1, 1]} : vector<200x64xf32> to vector<1x64xf32>
    %squeeze3A_1717 = vector.shape_cast %slice3A_1716 : vector<1x64xf32> to vector<64xf32>
    %broadcast_in_dim3A_1718 = vector.shape_cast %squeeze3A_1717 : vector<64xf32> to vector<64x1xf32>
    %add3A_1719 = vector.broadcast %broadcast_in_dim3A_1718 : vector<64x1xf32> to vector<64x128xf32>
    %add3A_1720 = arith.addf %slice3A_1715, %add3A_1719 : vector<64x128xf32>
    %swap3A_1721 = arith.constant 127 : index
    %swap3A_1722 = arith.constant 0 : index
    %swap3A_1723 = arith.constant 0 : index
    %swap3A_1724 = vector.load %arg3[%swap3A_1721, %swap3A_1722, %swap3A_1723] : memref<200x64x128xf32, #tpu.memory_space<vmem>>, vector<1x64x128xf32>
    %swap3A_1725 = vector.shape_cast %swap3A_1724 : vector<1x64x128xf32> to vector<64x128xf32>
    %swap3A_1726 = vector.shape_cast %add3A_1720 : vector<64x128xf32> to vector<1x64x128xf32>
    tpu.vector_store %arg3[%swap3A_1721, %swap3A_1722, %swap3A_1723], %swap3A_1726 {strides = array<i32>} : memref<200x64x128xf32, #tpu.memory_space<vmem>>, vector<1x64x128xf32>,
    %slice3A_1727 = vector.extract_strided_slice %reshape3A {offsets = [0, 64, 0], sizes = [128, 1, 128], strides = [1, 1, 1]} : vector<128x100x128xf32> to vector<128x1x128xf32>
    %squeeze3A_1728 = vector.shape_cast %slice3A_1727 : vector<128x1x128xf32> to vector<128x128xf32>
    %transpose3A_1729 = tpu.transpose %squeeze3A_1728, [1, 0] : vector<128x128xf32> -> vector<128x128xf32>
    %slice3A_1730 = vector.extract_strided_slice %transpose3A_1729 {offsets = [0, 0], sizes = [64, 128], strides = [1, 1]} : vector<128x128xf32> to vector<64x128xf32>
    %slice3A_1731 = vector.extract_strided_slice %get3A_4 {offsets = [128, 0], sizes = [1, 64], strides = [1, 1]} : vector<200x64xf32> to vector<1x64xf32>
    %squeeze3A_1732 = vector.shape_cast %slice3A_1731 : vector<1x64xf32> to vector<64xf32>
    %broadcast_in_dim3A_1733 = vector.shape_cast %squeeze3A_1732 : vector<64xf32> to vector<64x1xf32>
    %add3A_1734 = vector.broadcast %broadcast_in_dim3A_1733 : vector<64x1xf32> to vector<64x128xf32>
    %add3A_1735 = arith.addf %slice3A_1730, %add3A_1734 : vector<64x128xf32>
    %swap3A_1736 = arith.constant 128 : index
    %swap3A_1737 = arith.constant 0 : index
    %swap3A_1738 = arith.constant 0 : index
    %swap3A_1739 = vector.load %arg3[%swap3A_1736, %swap3A_1737, %swap3A_1738] : memref<200x64x128xf32, #tpu.memory_space<vmem>>, vector<1x64x128xf32>
    %swap3A_1740 = vector.shape_cast %swap3A_1739 : vector<1x64x128xf32> to vector<64x128xf32>
    %swap3A_1741 = vector.shape_cast %add3A_1735 : vector<64x128xf32> to vector<1x64x128xf32>
    tpu.vector_store %arg3[%swap3A_1736, %swap3A_1737, %swap3A_1738], %swap3A_1741 {strides = array<i32>} : memref<200x64x128xf32, #tpu.memory_space<vmem>>, vector<1x64x128xf32>,
    %slice3A_1742 = vector.extract_strided_slice %transpose3A_1729 {offsets = [64, 0], sizes = [64, 128], strides = [1, 1]} : vector<128x128xf32> to vector<64x128xf32>
    %slice3A_1743 = vector.extract_strided_slice %get3A_4 {offsets = [129, 0], sizes = [1, 64], strides = [1, 1]} : vector<200x64xf32> to vector<1x64xf32>
    %squeeze3A_1744 = vector.shape_cast %slice3A_1743 : vector<1x64xf32> to vector<64xf32>
    %broadcast_in_dim3A_1745 = vector.shape_cast %squeeze3A_1744 : vector<64xf32> to vector<64x1xf32>
    %add3A_1746 = vector.broadcast %broadcast_in_dim3A_1745 : vector<64x1xf32> to vector<64x128xf32>
    %add3A_1747 = arith.addf %slice3A_1742, %add3A_1746 : vector<64x128xf32>
    %swap3A_1748 = arith.constant 129 : index
    %swap3A_1749 = arith.constant 0 : index
    %swap3A_1750 = arith.constant 0 : index
    %swap3A_1751 = vector.load %arg3[%swap3A_1748, %swap3A_1749, %swap3A_1750] : memref<200x64x128xf32, #tpu.memory_space<vmem>>, vector<1x64x128xf32>
    %swap3A_1752 = vector.shape_cast %swap3A_1751 : vector<1x64x128xf32> to vector<64x128xf32>
    %swap3A_1753 = vector.shape_cast %add3A_1747 : vector<64x128xf32> to vector<1x64x128xf32>
    tpu.vector_store %arg3[%swap3A_1748, %swap3A_1749, %swap3A_1750], %swap3A_1753 {strides = array<i32>} : memref<200x64x128xf32, #tpu.memory_space<vmem>>, vector<1x64x128xf32>,
    %slice3A_1754 = vector.extract_strided_slice %reshape3A {offsets = [0, 65, 0], sizes = [128, 1, 128], strides = [1, 1, 1]} : vector<128x100x128xf32> to vector<128x1x128xf32>
    %squeeze3A_1755 = vector.shape_cast %slice3A_1754 : vector<128x1x128xf32> to vector<128x128xf32>
    %transpose3A_1756 = tpu.transpose %squeeze3A_1755, [1, 0] : vector<128x128xf32> -> vector<128x128xf32>
    %slice3A_1757 = vector.extract_strided_slice %transpose3A_1756 {offsets = [0, 0], sizes = [64, 128], strides = [1, 1]} : vector<128x128xf32> to vector<64x128xf32>
    %slice3A_1758 = vector.extract_strided_slice %get3A_4 {offsets = [130, 0], sizes = [1, 64], strides = [1, 1]} : vector<200x64xf32> to vector<1x64xf32>
    %squeeze3A_1759 = vector.shape_cast %slice3A_1758 : vector<1x64xf32> to vector<64xf32>
    %broadcast_in_dim3A_1760 = vector.shape_cast %squeeze3A_1759 : vector<64xf32> to vector<64x1xf32>
    %add3A_1761 = vector.broadcast %broadcast_in_dim3A_1760 : vector<64x1xf32> to vector<64x128xf32>
    %add3A_1762 = arith.addf %slice3A_1757, %add3A_1761 : vector<64x128xf32>
    %swap3A_1763 = arith.constant 130 : index
    %swap3A_1764 = arith.constant 0 : index
    %swap3A_1765 = arith.constant 0 : index
    %swap3A_1766 = vector.load %arg3[%swap3A_1763, %swap3A_1764, %swap3A_1765] : memref<200x64x128xf32, #tpu.memory_space<vmem>>, vector<1x64x128xf32>
    %swap3A_1767 = vector.shape_cast %swap3A_1766 : vector<1x64x128xf32> to vector<64x128xf32>
    %swap3A_1768 = vector.shape_cast %add3A_1762 : vector<64x128xf32> to vector<1x64x128xf32>
    tpu.vector_store %arg3[%swap3A_1763, %swap3A_1764, %swap3A_1765], %swap3A_1768 {strides = array<i32>} : memref<200x64x128xf32, #tpu.memory_space<vmem>>, vector<1x64x128xf32>,
    %slice3A_1769 = vector.extract_strided_slice %transpose3A_1756 {offsets = [64, 0], sizes = [64, 128], strides = [1, 1]} : vector<128x128xf32> to vector<64x128xf32>
    %slice3A_1770 = vector.extract_strided_slice %get3A_4 {offsets = [131, 0], sizes = [1, 64], strides = [1, 1]} : vector<200x64xf32> to vector<1x64xf32>
    %squeeze3A_1771 = vector.shape_cast %slice3A_1770 : vector<1x64xf32> to vector<64xf32>
    %broadcast_in_dim3A_1772 = vector.shape_cast %squeeze3A_1771 : vector<64xf32> to vector<64x1xf32>
    %add3A_1773 = vector.broadcast %broadcast_in_dim3A_1772 : vector<64x1xf32> to vector<64x128xf32>
    %add3A_1774 = arith.addf %slice3A_1769, %add3A_1773 : vector<64x128xf32>
    %swap3A_1775 = arith.constant 131 : index
    %swap3A_1776 = arith.constant 0 : index
    %swap3A_1777 = arith.constant 0 : index
    %swap3A_1778 = vector.load %arg3[%swap3A_1775, %swap3A_1776, %swap3A_1777] : memref<200x64x128xf32, #tpu.memory_space<vmem>>, vector<1x64x128xf32>
    %swap3A_1779 = vector.shape_cast %swap3A_1778 : vector<1x64x128xf32> to vector<64x128xf32>
    %swap3A_1780 = vector.shape_cast %add3A_1774 : vector<64x128xf32> to vector<1x64x128xf32>
    tpu.vector_store %arg3[%swap3A_1775, %swap3A_1776, %swap3A_1777], %swap3A_1780 {strides = array<i32>} : memref<200x64x128xf32, #tpu.memory_space<vmem>>, vector<1x64x128xf32>,
    %slice3A_1781 = vector.extract_strided_slice %reshape3A {offsets = [0, 66, 0], sizes = [128, 1, 128], strides = [1, 1, 1]} : vector<128x100x128xf32> to vector<128x1x128xf32>
    %squeeze3A_1782 = vector.shape_cast %slice3A_1781 : vector<128x1x128xf32> to vector<128x128xf32>
    %transpose3A_1783 = tpu.transpose %squeeze3A_1782, [1, 0] : vector<128x128xf32> -> vector<128x128xf32>
    %slice3A_1784 = vector.extract_strided_slice %transpose3A_1783 {offsets = [0, 0], sizes = [64, 128], strides = [1, 1]} : vector<128x128xf32> to vector<64x128xf32>
    %slice3A_1785 = vector.extract_strided_slice %get3A_4 {offsets = [132, 0], sizes = [1, 64], strides = [1, 1]} : vector<200x64xf32> to vector<1x64xf32>
    %squeeze3A_1786 = vector.shape_cast %slice3A_1785 : vector<1x64xf32> to vector<64xf32>
    %broadcast_in_dim3A_1787 = vector.shape_cast %squeeze3A_1786 : vector<64xf32> to vector<64x1xf32>
    %add3A_1788 = vector.broadcast %broadcast_in_dim3A_1787 : vector<64x1xf32> to vector<64x128xf32>
    %add3A_1789 = arith.addf %slice3A_1784, %add3A_1788 : vector<64x128xf32>
    %swap3A_1790 = arith.constant 132 : index
    %swap3A_1791 = arith.constant 0 : index
    %swap3A_1792 = arith.constant 0 : index
    %swap3A_1793 = vector.load %arg3[%swap3A_1790, %swap3A_1791, %swap3A_1792] : memref<200x64x128xf32, #tpu.memory_space<vmem>>, vector<1x64x128xf32>
    %swap3A_1794 = vector.shape_cast %swap3A_1793 : vector<1x64x128xf32> to vector<64x128xf32>
    %swap3A_1795 = vector.shape_cast %add3A_1789 : vector<64x128xf32> to vector<1x64x128xf32>
    tpu.vector_store %arg3[%swap3A_1790, %swap3A_1791, %swap3A_1792], %swap3A_1795 {strides = array<i32>} : memref<200x64x128xf32, #tpu.memory_space<vmem>>, vector<1x64x128xf32>,
    %slice3A_1796 = vector.extract_strided_slice %transpose3A_1783 {offsets = [64, 0], sizes = [64, 128], strides = [1, 1]} : vector<128x128xf32> to vector<64x128xf32>
    %slice3A_1797 = vector.extract_strided_slice %get3A_4 {offsets = [133, 0], sizes = [1, 64], strides = [1, 1]} : vector<200x64xf32> to vector<1x64xf32>
    %squeeze3A_1798 = vector.shape_cast %slice3A_1797 : vector<1x64xf32> to vector<64xf32>
    %broadcast_in_dim3A_1799 = vector.shape_cast %squeeze3A_1798 : vector<64xf32> to vector<64x1xf32>
    %add3A_1800 = vector.broadcast %broadcast_in_dim3A_1799 : vector<64x1xf32> to vector<64x128xf32>
    %add3A_1801 = arith.addf %slice3A_1796, %add3A_1800 : vector<64x128xf32>
    %swap3A_1802 = arith.constant 133 : index
    %swap3A_1803 = arith.constant 0 : index
    %swap3A_1804 = arith.constant 0 : index
    %swap3A_1805 = vector.load %arg3[%swap3A_1802, %swap3A_1803, %swap3A_1804] : memref<200x64x128xf32, #tpu.memory_space<vmem>>, vector<1x64x128xf32>
    %swap3A_1806 = vector.shape_cast %swap3A_1805 : vector<1x64x128xf32> to vector<64x128xf32>
    %swap3A_1807 = vector.shape_cast %add3A_1801 : vector<64x128xf32> to vector<1x64x128xf32>
    tpu.vector_store %arg3[%swap3A_1802, %swap3A_1803, %swap3A_1804], %swap3A_1807 {strides = array<i32>} : memref<200x64x128xf32, #tpu.memory_space<vmem>>, vector<1x64x128xf32>,
    %slice3A_1808 = vector.extract_strided_slice %reshape3A {offsets = [0, 67, 0], sizes = [128, 1, 128], strides = [1, 1, 1]} : vector<128x100x128xf32> to vector<128x1x128xf32>
    %squeeze3A_1809 = vector.shape_cast %slice3A_1808 : vector<128x1x128xf32> to vector<128x128xf32>
    %transpose3A_1810 = tpu.transpose %squeeze3A_1809, [1, 0] : vector<128x128xf32> -> vector<128x128xf32>
    %slice3A_1811 = vector.extract_strided_slice %transpose3A_1810 {offsets = [0, 0], sizes = [64, 128], strides = [1, 1]} : vector<128x128xf32> to vector<64x128xf32>
    %slice3A_1812 = vector.extract_strided_slice %get3A_4 {offsets = [134, 0], sizes = [1, 64], strides = [1, 1]} : vector<200x64xf32> to vector<1x64xf32>
    %squeeze3A_1813 = vector.shape_cast %slice3A_1812 : vector<1x64xf32> to vector<64xf32>
    %broadcast_in_dim3A_1814 = vector.shape_cast %squeeze3A_1813 : vector<64xf32> to vector<64x1xf32>
    %add3A_1815 = vector.broadcast %broadcast_in_dim3A_1814 : vector<64x1xf32> to vector<64x128xf32>
    %add3A_1816 = arith.addf %slice3A_1811, %add3A_1815 : vector<64x128xf32>
    %swap3A_1817 = arith.constant 134 : index
    %swap3A_1818 = arith.constant 0 : index
    %swap3A_1819 = arith.constant 0 : index
    %swap3A_1820 = vector.load %arg3[%swap3A_1817, %swap3A_1818, %swap3A_1819] : memref<200x64x128xf32, #tpu.memory_space<vmem>>, vector<1x64x128xf32>
    %swap3A_1821 = vector.shape_cast %swap3A_1820 : vector<1x64x128xf32> to vector<64x128xf32>
    %swap3A_1822 = vector.shape_cast %add3A_1816 : vector<64x128xf32> to vector<1x64x128xf32>
    tpu.vector_store %arg3[%swap3A_1817, %swap3A_1818, %swap3A_1819], %swap3A_1822 {strides = array<i32>} : memref<200x64x128xf32, #tpu.memory_space<vmem>>, vector<1x64x128xf32>,
    %slice3A_1823 = vector.extract_strided_slice %transpose3A_1810 {offsets = [64, 0], sizes = [64, 128], strides = [1, 1]} : vector<128x128xf32> to vector<64x128xf32>
    %slice3A_1824 = vector.extract_strided_slice %get3A_4 {offsets = [135, 0], sizes = [1, 64], strides = [1, 1]} : vector<200x64xf32> to vector<1x64xf32>
    %squeeze3A_1825 = vector.shape_cast %slice3A_1824 : vector<1x64xf32> to vector<64xf32>
    %broadcast_in_dim3A_1826 = vector.shape_cast %squeeze3A_1825 : vector<64xf32> to vector<64x1xf32>
    %add3A_1827 = vector.broadcast %broadcast_in_dim3A_1826 : vector<64x1xf32> to vector<64x128xf32>
    %add3A_1828 = arith.addf %slice3A_1823, %add3A_1827 : vector<64x128xf32>
    %swap3A_1829 = arith.constant 135 : index
    %swap3A_1830 = arith.constant 0 : index
    %swap3A_1831 = arith.constant 0 : index
    %swap3A_1832 = vector.load %arg3[%swap3A_1829, %swap3A_1830, %swap3A_1831] : memref<200x64x128xf32, #tpu.memory_space<vmem>>, vector<1x64x128xf32>
    %swap3A_1833 = vector.shape_cast %swap3A_1832 : vector<1x64x128xf32> to vector<64x128xf32>
    %swap3A_1834 = vector.shape_cast %add3A_1828 : vector<64x128xf32> to vector<1x64x128xf32>
    tpu.vector_store %arg3[%swap3A_1829, %swap3A_1830, %swap3A_1831], %swap3A_1834 {strides = array<i32>} : memref<200x64x128xf32, #tpu.memory_space<vmem>>, vector<1x64x128xf32>,
    %slice3A_1835 = vector.extract_strided_slice %reshape3A {offsets = [0, 68, 0], sizes = [128, 1, 128], strides = [1, 1, 1]} : vector<128x100x128xf32> to vector<128x1x128xf32>
    %squeeze3A_1836 = vector.shape_cast %slice3A_1835 : vector<128x1x128xf32> to vector<128x128xf32>
    %transpose3A_1837 = tpu.transpose %squeeze3A_1836, [1, 0] : vector<128x128xf32> -> vector<128x128xf32>
    %slice3A_1838 = vector.extract_strided_slice %transpose3A_1837 {offsets = [0, 0], sizes = [64, 128], strides = [1, 1]} : vector<128x128xf32> to vector<64x128xf32>
    %slice3A_1839 = vector.extract_strided_slice %get3A_4 {offsets = [136, 0], sizes = [1, 64], strides = [1, 1]} : vector<200x64xf32> to vector<1x64xf32>
    %squeeze3A_1840 = vector.shape_cast %slice3A_1839 : vector<1x64xf32> to vector<64xf32>
    %broadcast_in_dim3A_1841 = vector.shape_cast %squeeze3A_1840 : vector<64xf32> to vector<64x1xf32>
    %add3A_1842 = vector.broadcast %broadcast_in_dim3A_1841 : vector<64x1xf32> to vector<64x128xf32>
    %add3A_1843 = arith.addf %slice3A_1838, %add3A_1842 : vector<64x128xf32>
    %swap3A_1844 = arith.constant 136 : index
    %swap3A_1845 = arith.constant 0 : index
    %swap3A_1846 = arith.constant 0 : index
    %swap3A_1847 = vector.load %arg3[%swap3A_1844, %swap3A_1845, %swap3A_1846] : memref<200x64x128xf32, #tpu.memory_space<vmem>>, vector<1x64x128xf32>
    %swap3A_1848 = vector.shape_cast %swap3A_1847 : vector<1x64x128xf32> to vector<64x128xf32>
    %swap3A_1849 = vector.shape_cast %add3A_1843 : vector<64x128xf32> to vector<1x64x128xf32>
    tpu.vector_store %arg3[%swap3A_1844, %swap3A_1845, %swap3A_1846], %swap3A_1849 {strides = array<i32>} : memref<200x64x128xf32, #tpu.memory_space<vmem>>, vector<1x64x128xf32>,
    %slice3A_1850 = vector.extract_strided_slice %transpose3A_1837 {offsets = [64, 0], sizes = [64, 128], strides = [1, 1]} : vector<128x128xf32> to vector<64x128xf32>
    %slice3A_1851 = vector.extract_strided_slice %get3A_4 {offsets = [137, 0], sizes = [1, 64], strides = [1, 1]} : vector<200x64xf32> to vector<1x64xf32>
    %squeeze3A_1852 = vector.shape_cast %slice3A_1851 : vector<1x64xf32> to vector<64xf32>
    %broadcast_in_dim3A_1853 = vector.shape_cast %squeeze3A_1852 : vector<64xf32> to vector<64x1xf32>
    %add3A_1854 = vector.broadcast %broadcast_in_dim3A_1853 : vector<64x1xf32> to vector<64x128xf32>
    %add3A_1855 = arith.addf %slice3A_1850, %add3A_1854 : vector<64x128xf32>
    %swap3A_1856 = arith.constant 137 : index
    %swap3A_1857 = arith.constant 0 : index
    %swap3A_1858 = arith.constant 0 : index
    %swap3A_1859 = vector.load %arg3[%swap3A_1856, %swap3A_1857, %swap3A_1858] : memref<200x64x128xf32, #tpu.memory_space<vmem>>, vector<1x64x128xf32>
    %swap3A_1860 = vector.shape_cast %swap3A_1859 : vector<1x64x128xf32> to vector<64x128xf32>
    %swap3A_1861 = vector.shape_cast %add3A_1855 : vector<64x128xf32> to vector<1x64x128xf32>
    tpu.vector_store %arg3[%swap3A_1856, %swap3A_1857, %swap3A_1858], %swap3A_1861 {strides = array<i32>} : memref<200x64x128xf32, #tpu.memory_space<vmem>>, vector<1x64x128xf32>,
    %slice3A_1862 = vector.extract_strided_slice %reshape3A {offsets = [0, 69, 0], sizes = [128, 1, 128], strides = [1, 1, 1]} : vector<128x100x128xf32> to vector<128x1x128xf32>
    %squeeze3A_1863 = vector.shape_cast %slice3A_1862 : vector<128x1x128xf32> to vector<128x128xf32>
    %transpose3A_1864 = tpu.transpose %squeeze3A_1863, [1, 0] : vector<128x128xf32> -> vector<128x128xf32>
    %slice3A_1865 = vector.extract_strided_slice %transpose3A_1864 {offsets = [0, 0], sizes = [64, 128], strides = [1, 1]} : vector<128x128xf32> to vector<64x128xf32>
    %slice3A_1866 = vector.extract_strided_slice %get3A_4 {offsets = [138, 0], sizes = [1, 64], strides = [1, 1]} : vector<200x64xf32> to vector<1x64xf32>
    %squeeze3A_1867 = vector.shape_cast %slice3A_1866 : vector<1x64xf32> to vector<64xf32>
    %broadcast_in_dim3A_1868 = vector.shape_cast %squeeze3A_1867 : vector<64xf32> to vector<64x1xf32>
    %add3A_1869 = vector.broadcast %broadcast_in_dim3A_1868 : vector<64x1xf32> to vector<64x128xf32>
    %add3A_1870 = arith.addf %slice3A_1865, %add3A_1869 : vector<64x128xf32>
    %swap3A_1871 = arith.constant 138 : index
    %swap3A_1872 = arith.constant 0 : index
    %swap3A_1873 = arith.constant 0 : index
    %swap3A_1874 = vector.load %arg3[%swap3A_1871, %swap3A_1872, %swap3A_1873] : memref<200x64x128xf32, #tpu.memory_space<vmem>>, vector<1x64x128xf32>
    %swap3A_1875 = vector.shape_cast %swap3A_1874 : vector<1x64x128xf32> to vector<64x128xf32>
    %swap3A_1876 = vector.shape_cast %add3A_1870 : vector<64x128xf32> to vector<1x64x128xf32>
    tpu.vector_store %arg3[%swap3A_1871, %swap3A_1872, %swap3A_1873], %swap3A_1876 {strides = array<i32>} : memref<200x64x128xf32, #tpu.memory_space<vmem>>, vector<1x64x128xf32>,
    %slice3A_1877 = vector.extract_strided_slice %transpose3A_1864 {offsets = [64, 0], sizes = [64, 128], strides = [1, 1]} : vector<128x128xf32> to vector<64x128xf32>
    %slice3A_1878 = vector.extract_strided_slice %get3A_4 {offsets = [139, 0], sizes = [1, 64], strides = [1, 1]} : vector<200x64xf32> to vector<1x64xf32>
    %squeeze3A_1879 = vector.shape_cast %slice3A_1878 : vector<1x64xf32> to vector<64xf32>
    %broadcast_in_dim3A_1880 = vector.shape_cast %squeeze3A_1879 : vector<64xf32> to vector<64x1xf32>
    %add3A_1881 = vector.broadcast %broadcast_in_dim3A_1880 : vector<64x1xf32> to vector<64x128xf32>
    %add3A_1882 = arith.addf %slice3A_1877, %add3A_1881 : vector<64x128xf32>
    %swap3A_1883 = arith.constant 139 : index
    %swap3A_1884 = arith.constant 0 : index
    %swap3A_1885 = arith.constant 0 : index
    %swap3A_1886 = vector.load %arg3[%swap3A_1883, %swap3A_1884, %swap3A_1885] : memref<200x64x128xf32, #tpu.memory_space<vmem>>, vector<1x64x128xf32>
    %swap3A_1887 = vector.shape_cast %swap3A_1886 : vector<1x64x128xf32> to vector<64x128xf32>
    %swap3A_1888 = vector.shape_cast %add3A_1882 : vector<64x128xf32> to vector<1x64x128xf32>
    tpu.vector_store %arg3[%swap3A_1883, %swap3A_1884, %swap3A_1885], %swap3A_1888 {strides = array<i32>} : memref<200x64x128xf32, #tpu.memory_space<vmem>>, vector<1x64x128xf32>,
    %slice3A_1889 = vector.extract_strided_slice %reshape3A {offsets = [0, 70, 0], sizes = [128, 1, 128], strides = [1, 1, 1]} : vector<128x100x128xf32> to vector<128x1x128xf32>
    %squeeze3A_1890 = vector.shape_cast %slice3A_1889 : vector<128x1x128xf32> to vector<128x128xf32>
    %transpose3A_1891 = tpu.transpose %squeeze3A_1890, [1, 0] : vector<128x128xf32> -> vector<128x128xf32>
    %slice3A_1892 = vector.extract_strided_slice %transpose3A_1891 {offsets = [0, 0], sizes = [64, 128], strides = [1, 1]} : vector<128x128xf32> to vector<64x128xf32>
    %slice3A_1893 = vector.extract_strided_slice %get3A_4 {offsets = [140, 0], sizes = [1, 64], strides = [1, 1]} : vector<200x64xf32> to vector<1x64xf32>
    %squeeze3A_1894 = vector.shape_cast %slice3A_1893 : vector<1x64xf32> to vector<64xf32>
    %broadcast_in_dim3A_1895 = vector.shape_cast %squeeze3A_1894 : vector<64xf32> to vector<64x1xf32>
    %add3A_1896 = vector.broadcast %broadcast_in_dim3A_1895 : vector<64x1xf32> to vector<64x128xf32>
    %add3A_1897 = arith.addf %slice3A_1892, %add3A_1896 : vector<64x128xf32>
    %swap3A_1898 = arith.constant 140 : index
    %swap3A_1899 = arith.constant 0 : index
    %swap3A_1900 = arith.constant 0 : index
    %swap3A_1901 = vector.load %arg3[%swap3A_1898, %swap3A_1899, %swap3A_1900] : memref<200x64x128xf32, #tpu.memory_space<vmem>>, vector<1x64x128xf32>
    %swap3A_1902 = vector.shape_cast %swap3A_1901 : vector<1x64x128xf32> to vector<64x128xf32>
    %swap3A_1903 = vector.shape_cast %add3A_1897 : vector<64x128xf32> to vector<1x64x128xf32>
    tpu.vector_store %arg3[%swap3A_1898, %swap3A_1899, %swap3A_1900], %swap3A_1903 {strides = array<i32>} : memref<200x64x128xf32, #tpu.memory_space<vmem>>, vector<1x64x128xf32>,
    %slice3A_1904 = vector.extract_strided_slice %transpose3A_1891 {offsets = [64, 0], sizes = [64, 128], strides = [1, 1]} : vector<128x128xf32> to vector<64x128xf32>
    %slice3A_1905 = vector.extract_strided_slice %get3A_4 {offsets = [141, 0], sizes = [1, 64], strides = [1, 1]} : vector<200x64xf32> to vector<1x64xf32>
    %squeeze3A_1906 = vector.shape_cast %slice3A_1905 : vector<1x64xf32> to vector<64xf32>
    %broadcast_in_dim3A_1907 = vector.shape_cast %squeeze3A_1906 : vector<64xf32> to vector<64x1xf32>
    %add3A_1908 = vector.broadcast %broadcast_in_dim3A_1907 : vector<64x1xf32> to vector<64x128xf32>
    %add3A_1909 = arith.addf %slice3A_1904, %add3A_1908 : vector<64x128xf32>
    %swap3A_1910 = arith.constant 141 : index
    %swap3A_1911 = arith.constant 0 : index
    %swap3A_1912 = arith.constant 0 : index
    %swap3A_1913 = vector.load %arg3[%swap3A_1910, %swap3A_1911, %swap3A_1912] : memref<200x64x128xf32, #tpu.memory_space<vmem>>, vector<1x64x128xf32>
    %swap3A_1914 = vector.shape_cast %swap3A_1913 : vector<1x64x128xf32> to vector<64x128xf32>
    %swap3A_1915 = vector.shape_cast %add3A_1909 : vector<64x128xf32> to vector<1x64x128xf32>
    tpu.vector_store %arg3[%swap3A_1910, %swap3A_1911, %swap3A_1912], %swap3A_1915 {strides = array<i32>} : memref<200x64x128xf32, #tpu.memory_space<vmem>>, vector<1x64x128xf32>,
    %slice3A_1916 = vector.extract_strided_slice %reshape3A {offsets = [0, 71, 0], sizes = [128, 1, 128], strides = [1, 1, 1]} : vector<128x100x128xf32> to vector<128x1x128xf32>
    %squeeze3A_1917 = vector.shape_cast %slice3A_1916 : vector<128x1x128xf32> to vector<128x128xf32>
    %transpose3A_1918 = tpu.transpose %squeeze3A_1917, [1, 0] : vector<128x128xf32> -> vector<128x128xf32>
    %slice3A_1919 = vector.extract_strided_slice %transpose3A_1918 {offsets = [0, 0], sizes = [64, 128], strides = [1, 1]} : vector<128x128xf32> to vector<64x128xf32>
    %slice3A_1920 = vector.extract_strided_slice %get3A_4 {offsets = [142, 0], sizes = [1, 64], strides = [1, 1]} : vector<200x64xf32> to vector<1x64xf32>
    %squeeze3A_1921 = vector.shape_cast %slice3A_1920 : vector<1x64xf32> to vector<64xf32>
    %broadcast_in_dim3A_1922 = vector.shape_cast %squeeze3A_1921 : vector<64xf32> to vector<64x1xf32>
    %add3A_1923 = vector.broadcast %broadcast_in_dim3A_1922 : vector<64x1xf32> to vector<64x128xf32>
    %add3A_1924 = arith.addf %slice3A_1919, %add3A_1923 : vector<64x128xf32>
    %swap3A_1925 = arith.constant 142 : index
    %swap3A_1926 = arith.constant 0 : index
    %swap3A_1927 = arith.constant 0 : index
    %swap3A_1928 = vector.load %arg3[%swap3A_1925, %swap3A_1926, %swap3A_1927] : memref<200x64x128xf32, #tpu.memory_space<vmem>>, vector<1x64x128xf32>
    %swap3A_1929 = vector.shape_cast %swap3A_1928 : vector<1x64x128xf32> to vector<64x128xf32>
    %swap3A_1930 = vector.shape_cast %add3A_1924 : vector<64x128xf32> to vector<1x64x128xf32>
    tpu.vector_store %arg3[%swap3A_1925, %swap3A_1926, %swap3A_1927], %swap3A_1930 {strides = array<i32>} : memref<200x64x128xf32, #tpu.memory_space<vmem>>, vector<1x64x128xf32>,
    %slice3A_1931 = vector.extract_strided_slice %transpose3A_1918 {offsets = [64, 0], sizes = [64, 128], strides = [1, 1]} : vector<128x128xf32> to vector<64x128xf32>
    %slice3A_1932 = vector.extract_strided_slice %get3A_4 {offsets = [143, 0], sizes = [1, 64], strides = [1, 1]} : vector<200x64xf32> to vector<1x64xf32>
    %squeeze3A_1933 = vector.shape_cast %slice3A_1932 : vector<1x64xf32> to vector<64xf32>
    %broadcast_in_dim3A_1934 = vector.shape_cast %squeeze3A_1933 : vector<64xf32> to vector<64x1xf32>
    %add3A_1935 = vector.broadcast %broadcast_in_dim3A_1934 : vector<64x1xf32> to vector<64x128xf32>
    %add3A_1936 = arith.addf %slice3A_1931, %add3A_1935 : vector<64x128xf32>
    %swap3A_1937 = arith.constant 143 : index
    %swap3A_1938 = arith.constant 0 : index
    %swap3A_1939 = arith.constant 0 : index
    %swap3A_1940 = vector.load %arg3[%swap3A_1937, %swap3A_1938, %swap3A_1939] : memref<200x64x128xf32, #tpu.memory_space<vmem>>, vector<1x64x128xf32>
    %swap3A_1941 = vector.shape_cast %swap3A_1940 : vector<1x64x128xf32> to vector<64x128xf32>
    %swap3A_1942 = vector.shape_cast %add3A_1936 : vector<64x128xf32> to vector<1x64x128xf32>
    tpu.vector_store %arg3[%swap3A_1937, %swap3A_1938, %swap3A_1939], %swap3A_1942 {strides = array<i32>} : memref<200x64x128xf32, #tpu.memory_space<vmem>>, vector<1x64x128xf32>,
    %slice3A_1943 = vector.extract_strided_slice %reshape3A {offsets = [0, 72, 0], sizes = [128, 1, 128], strides = [1, 1, 1]} : vector<128x100x128xf32> to vector<128x1x128xf32>
    %squeeze3A_1944 = vector.shape_cast %slice3A_1943 : vector<128x1x128xf32> to vector<128x128xf32>
    %transpose3A_1945 = tpu.transpose %squeeze3A_1944, [1, 0] : vector<128x128xf32> -> vector<128x128xf32>
    %slice3A_1946 = vector.extract_strided_slice %transpose3A_1945 {offsets = [0, 0], sizes = [64, 128], strides = [1, 1]} : vector<128x128xf32> to vector<64x128xf32>
    %slice3A_1947 = vector.extract_strided_slice %get3A_4 {offsets = [144, 0], sizes = [1, 64], strides = [1, 1]} : vector<200x64xf32> to vector<1x64xf32>
    %squeeze3A_1948 = vector.shape_cast %slice3A_1947 : vector<1x64xf32> to vector<64xf32>
    %broadcast_in_dim3A_1949 = vector.shape_cast %squeeze3A_1948 : vector<64xf32> to vector<64x1xf32>
    %add3A_1950 = vector.broadcast %broadcast_in_dim3A_1949 : vector<64x1xf32> to vector<64x128xf32>
    %add3A_1951 = arith.addf %slice3A_1946, %add3A_1950 : vector<64x128xf32>
    %swap3A_1952 = arith.constant 144 : index
    %swap3A_1953 = arith.constant 0 : index
    %swap3A_1954 = arith.constant 0 : index
    %swap3A_1955 = vector.load %arg3[%swap3A_1952, %swap3A_1953, %swap3A_1954] : memref<200x64x128xf32, #tpu.memory_space<vmem>>, vector<1x64x128xf32>
    %swap3A_1956 = vector.shape_cast %swap3A_1955 : vector<1x64x128xf32> to vector<64x128xf32>
    %swap3A_1957 = vector.shape_cast %add3A_1951 : vector<64x128xf32> to vector<1x64x128xf32>
    tpu.vector_store %arg3[%swap3A_1952, %swap3A_1953, %swap3A_1954], %swap3A_1957 {strides = array<i32>} : memref<200x64x128xf32, #tpu.memory_space<vmem>>, vector<1x64x128xf32>,
    %slice3A_1958 = vector.extract_strided_slice %transpose3A_1945 {offsets = [64, 0], sizes = [64, 128], strides = [1, 1]} : vector<128x128xf32> to vector<64x128xf32>
    %slice3A_1959 = vector.extract_strided_slice %get3A_4 {offsets = [145, 0], sizes = [1, 64], strides = [1, 1]} : vector<200x64xf32> to vector<1x64xf32>
    %squeeze3A_1960 = vector.shape_cast %slice3A_1959 : vector<1x64xf32> to vector<64xf32>
    %broadcast_in_dim3A_1961 = vector.shape_cast %squeeze3A_1960 : vector<64xf32> to vector<64x1xf32>
    %add3A_1962 = vector.broadcast %broadcast_in_dim3A_1961 : vector<64x1xf32> to vector<64x128xf32>
    %add3A_1963 = arith.addf %slice3A_1958, %add3A_1962 : vector<64x128xf32>
    %swap3A_1964 = arith.constant 145 : index
    %swap3A_1965 = arith.constant 0 : index
    %swap3A_1966 = arith.constant 0 : index
    %swap3A_1967 = vector.load %arg3[%swap3A_1964, %swap3A_1965, %swap3A_1966] : memref<200x64x128xf32, #tpu.memory_space<vmem>>, vector<1x64x128xf32>
    %swap3A_1968 = vector.shape_cast %swap3A_1967 : vector<1x64x128xf32> to vector<64x128xf32>
    %swap3A_1969 = vector.shape_cast %add3A_1963 : vector<64x128xf32> to vector<1x64x128xf32>
    tpu.vector_store %arg3[%swap3A_1964, %swap3A_1965, %swap3A_1966], %swap3A_1969 {strides = array<i32>} : memref<200x64x128xf32, #tpu.memory_space<vmem>>, vector<1x64x128xf32>,
    %slice3A_1970 = vector.extract_strided_slice %reshape3A {offsets = [0, 73, 0], sizes = [128, 1, 128], strides = [1, 1, 1]} : vector<128x100x128xf32> to vector<128x1x128xf32>
    %squeeze3A_1971 = vector.shape_cast %slice3A_1970 : vector<128x1x128xf32> to vector<128x128xf32>
    %transpose3A_1972 = tpu.transpose %squeeze3A_1971, [1, 0] : vector<128x128xf32> -> vector<128x128xf32>
    %slice3A_1973 = vector.extract_strided_slice %transpose3A_1972 {offsets = [0, 0], sizes = [64, 128], strides = [1, 1]} : vector<128x128xf32> to vector<64x128xf32>
    %slice3A_1974 = vector.extract_strided_slice %get3A_4 {offsets = [146, 0], sizes = [1, 64], strides = [1, 1]} : vector<200x64xf32> to vector<1x64xf32>
    %squeeze3A_1975 = vector.shape_cast %slice3A_1974 : vector<1x64xf32> to vector<64xf32>
    %broadcast_in_dim3A_1976 = vector.shape_cast %squeeze3A_1975 : vector<64xf32> to vector<64x1xf32>
    %add3A_1977 = vector.broadcast %broadcast_in_dim3A_1976 : vector<64x1xf32> to vector<64x128xf32>
    %add3A_1978 = arith.addf %slice3A_1973, %add3A_1977 : vector<64x128xf32>
    %swap3A_1979 = arith.constant 146 : index
    %swap3A_1980 = arith.constant 0 : index
    %swap3A_1981 = arith.constant 0 : index
    %swap3A_1982 = vector.load %arg3[%swap3A_1979, %swap3A_1980, %swap3A_1981] : memref<200x64x128xf32, #tpu.memory_space<vmem>>, vector<1x64x128xf32>
    %swap3A_1983 = vector.shape_cast %swap3A_1982 : vector<1x64x128xf32> to vector<64x128xf32>
    %swap3A_1984 = vector.shape_cast %add3A_1978 : vector<64x128xf32> to vector<1x64x128xf32>
    tpu.vector_store %arg3[%swap3A_1979, %swap3A_1980, %swap3A_1981], %swap3A_1984 {strides = array<i32>} : memref<200x64x128xf32, #tpu.memory_space<vmem>>, vector<1x64x128xf32>,
    %slice3A_1985 = vector.extract_strided_slice %transpose3A_1972 {offsets = [64, 0], sizes = [64, 128], strides = [1, 1]} : vector<128x128xf32> to vector<64x128xf32>
    %slice3A_1986 = vector.extract_strided_slice %get3A_4 {offsets = [147, 0], sizes = [1, 64], strides = [1, 1]} : vector<200x64xf32> to vector<1x64xf32>
    %squeeze3A_1987 = vector.shape_cast %slice3A_1986 : vector<1x64xf32> to vector<64xf32>
    %broadcast_in_dim3A_1988 = vector.shape_cast %squeeze3A_1987 : vector<64xf32> to vector<64x1xf32>
    %add3A_1989 = vector.broadcast %broadcast_in_dim3A_1988 : vector<64x1xf32> to vector<64x128xf32>
    %add3A_1990 = arith.addf %slice3A_1985, %add3A_1989 : vector<64x128xf32>
    %swap3A_1991 = arith.constant 147 : index
    %swap3A_1992 = arith.constant 0 : index
    %swap3A_1993 = arith.constant 0 : index
    %swap3A_1994 = vector.load %arg3[%swap3A_1991, %swap3A_1992, %swap3A_1993] : memref<200x64x128xf32, #tpu.memory_space<vmem>>, vector<1x64x128xf32>
    %swap3A_1995 = vector.shape_cast %swap3A_1994 : vector<1x64x128xf32> to vector<64x128xf32>
    %swap3A_1996 = vector.shape_cast %add3A_1990 : vector<64x128xf32> to vector<1x64x128xf32>
    tpu.vector_store %arg3[%swap3A_1991, %swap3A_1992, %swap3A_1993], %swap3A_1996 {strides = array<i32>} : memref<200x64x128xf32, #tpu.memory_space<vmem>>, vector<1x64x128xf32>,
    %slice3A_1997 = vector.extract_strided_slice %reshape3A {offsets = [0, 74, 0], sizes = [128, 1, 128], strides = [1, 1, 1]} : vector<128x100x128xf32> to vector<128x1x128xf32>
    %squeeze3A_1998 = vector.shape_cast %slice3A_1997 : vector<128x1x128xf32> to vector<128x128xf32>
    %transpose3A_1999 = tpu.transpose %squeeze3A_1998, [1, 0] : vector<128x128xf32> -> vector<128x128xf32>
    %slice3A_2000 = vector.extract_strided_slice %transpose3A_1999 {offsets = [0, 0], sizes = [64, 128], strides = [1, 1]} : vector<128x128xf32> to vector<64x128xf32>
    %slice3A_2001 = vector.extract_strided_slice %get3A_4 {offsets = [148, 0], sizes = [1, 64], strides = [1, 1]} : vector<200x64xf32> to vector<1x64xf32>
    %squeeze3A_2002 = vector.shape_cast %slice3A_2001 : vector<1x64xf32> to vector<64xf32>
    %broadcast_in_dim3A_2003 = vector.shape_cast %squeeze3A_2002 : vector<64xf32> to vector<64x1xf32>
    %add3A_2004 = vector.broadcast %broadcast_in_dim3A_2003 : vector<64x1xf32> to vector<64x128xf32>
    %add3A_2005 = arith.addf %slice3A_2000, %add3A_2004 : vector<64x128xf32>
    %swap3A_2006 = arith.constant 148 : index
    %swap3A_2007 = arith.constant 0 : index
    %swap3A_2008 = arith.constant 0 : index
    %swap3A_2009 = vector.load %arg3[%swap3A_2006, %swap3A_2007, %swap3A_2008] : memref<200x64x128xf32, #tpu.memory_space<vmem>>, vector<1x64x128xf32>
    %swap3A_2010 = vector.shape_cast %swap3A_2009 : vector<1x64x128xf32> to vector<64x128xf32>
    %swap3A_2011 = vector.shape_cast %add3A_2005 : vector<64x128xf32> to vector<1x64x128xf32>
    tpu.vector_store %arg3[%swap3A_2006, %swap3A_2007, %swap3A_2008], %swap3A_2011 {strides = array<i32>} : memref<200x64x128xf32, #tpu.memory_space<vmem>>, vector<1x64x128xf32>,
    %slice3A_2012 = vector.extract_strided_slice %transpose3A_1999 {offsets = [64, 0], sizes = [64, 128], strides = [1, 1]} : vector<128x128xf32> to vector<64x128xf32>
    %slice3A_2013 = vector.extract_strided_slice %get3A_4 {offsets = [149, 0], sizes = [1, 64], strides = [1, 1]} : vector<200x64xf32> to vector<1x64xf32>
    %squeeze3A_2014 = vector.shape_cast %slice3A_2013 : vector<1x64xf32> to vector<64xf32>
    %broadcast_in_dim3A_2015 = vector.shape_cast %squeeze3A_2014 : vector<64xf32> to vector<64x1xf32>
    %add3A_2016 = vector.broadcast %broadcast_in_dim3A_2015 : vector<64x1xf32> to vector<64x128xf32>
    %add3A_2017 = arith.addf %slice3A_2012, %add3A_2016 : vector<64x128xf32>
    %swap3A_2018 = arith.constant 149 : index
    %swap3A_2019 = arith.constant 0 : index
    %swap3A_2020 = arith.constant 0 : index
    %swap3A_2021 = vector.load %arg3[%swap3A_2018, %swap3A_2019, %swap3A_2020] : memref<200x64x128xf32, #tpu.memory_space<vmem>>, vector<1x64x128xf32>
    %swap3A_2022 = vector.shape_cast %swap3A_2021 : vector<1x64x128xf32> to vector<64x128xf32>
    %swap3A_2023 = vector.shape_cast %add3A_2017 : vector<64x128xf32> to vector<1x64x128xf32>
    tpu.vector_store %arg3[%swap3A_2018, %swap3A_2019, %swap3A_2020], %swap3A_2023 {strides = array<i32>} : memref<200x64x128xf32, #tpu.memory_space<vmem>>, vector<1x64x128xf32>,
    %slice3A_2024 = vector.extract_strided_slice %reshape3A {offsets = [0, 75, 0], sizes = [128, 1, 128], strides = [1, 1, 1]} : vector<128x100x128xf32> to vector<128x1x128xf32>
    %squeeze3A_2025 = vector.shape_cast %slice3A_2024 : vector<128x1x128xf32> to vector<128x128xf32>
    %transpose3A_2026 = tpu.transpose %squeeze3A_2025, [1, 0] : vector<128x128xf32> -> vector<128x128xf32>
    %slice3A_2027 = vector.extract_strided_slice %transpose3A_2026 {offsets = [0, 0], sizes = [64, 128], strides = [1, 1]} : vector<128x128xf32> to vector<64x128xf32>
    %slice3A_2028 = vector.extract_strided_slice %get3A_4 {offsets = [150, 0], sizes = [1, 64], strides = [1, 1]} : vector<200x64xf32> to vector<1x64xf32>
    %squeeze3A_2029 = vector.shape_cast %slice3A_2028 : vector<1x64xf32> to vector<64xf32>
    %broadcast_in_dim3A_2030 = vector.shape_cast %squeeze3A_2029 : vector<64xf32> to vector<64x1xf32>
    %add3A_2031 = vector.broadcast %broadcast_in_dim3A_2030 : vector<64x1xf32> to vector<64x128xf32>
    %add3A_2032 = arith.addf %slice3A_2027, %add3A_2031 : vector<64x128xf32>
    %swap3A_2033 = arith.constant 150 : index
    %swap3A_2034 = arith.constant 0 : index
    %swap3A_2035 = arith.constant 0 : index
    %swap3A_2036 = vector.load %arg3[%swap3A_2033, %swap3A_2034, %swap3A_2035] : memref<200x64x128xf32, #tpu.memory_space<vmem>>, vector<1x64x128xf32>
    %swap3A_2037 = vector.shape_cast %swap3A_2036 : vector<1x64x128xf32> to vector<64x128xf32>
    %swap3A_2038 = vector.shape_cast %add3A_2032 : vector<64x128xf32> to vector<1x64x128xf32>
    tpu.vector_store %arg3[%swap3A_2033, %swap3A_2034, %swap3A_2035], %swap3A_2038 {strides = array<i32>} : memref<200x64x128xf32, #tpu.memory_space<vmem>>, vector<1x64x128xf32>,
    %slice3A_2039 = vector.extract_strided_slice %transpose3A_2026 {offsets = [64, 0], sizes = [64, 128], strides = [1, 1]} : vector<128x128xf32> to vector<64x128xf32>
    %slice3A_2040 = vector.extract_strided_slice %get3A_4 {offsets = [151, 0], sizes = [1, 64], strides = [1, 1]} : vector<200x64xf32> to vector<1x64xf32>
    %squeeze3A_2041 = vector.shape_cast %slice3A_2040 : vector<1x64xf32> to vector<64xf32>
    %broadcast_in_dim3A_2042 = vector.shape_cast %squeeze3A_2041 : vector<64xf32> to vector<64x1xf32>
    %add3A_2043 = vector.broadcast %broadcast_in_dim3A_2042 : vector<64x1xf32> to vector<64x128xf32>
    %add3A_2044 = arith.addf %slice3A_2039, %add3A_2043 : vector<64x128xf32>
    %swap3A_2045 = arith.constant 151 : index
    %swap3A_2046 = arith.constant 0 : index
    %swap3A_2047 = arith.constant 0 : index
    %swap3A_2048 = vector.load %arg3[%swap3A_2045, %swap3A_2046, %swap3A_2047] : memref<200x64x128xf32, #tpu.memory_space<vmem>>, vector<1x64x128xf32>
    %swap3A_2049 = vector.shape_cast %swap3A_2048 : vector<1x64x128xf32> to vector<64x128xf32>
    %swap3A_2050 = vector.shape_cast %add3A_2044 : vector<64x128xf32> to vector<1x64x128xf32>
    tpu.vector_store %arg3[%swap3A_2045, %swap3A_2046, %swap3A_2047], %swap3A_2050 {strides = array<i32>} : memref<200x64x128xf32, #tpu.memory_space<vmem>>, vector<1x64x128xf32>,
    %slice3A_2051 = vector.extract_strided_slice %reshape3A {offsets = [0, 76, 0], sizes = [128, 1, 128], strides = [1, 1, 1]} : vector<128x100x128xf32> to vector<128x1x128xf32>
    %squeeze3A_2052 = vector.shape_cast %slice3A_2051 : vector<128x1x128xf32> to vector<128x128xf32>
    %transpose3A_2053 = tpu.transpose %squeeze3A_2052, [1, 0] : vector<128x128xf32> -> vector<128x128xf32>
    %slice3A_2054 = vector.extract_strided_slice %transpose3A_2053 {offsets = [0, 0], sizes = [64, 128], strides = [1, 1]} : vector<128x128xf32> to vector<64x128xf32>
    %slice3A_2055 = vector.extract_strided_slice %get3A_4 {offsets = [152, 0], sizes = [1, 64], strides = [1, 1]} : vector<200x64xf32> to vector<1x64xf32>
    %squeeze3A_2056 = vector.shape_cast %slice3A_2055 : vector<1x64xf32> to vector<64xf32>
    %broadcast_in_dim3A_2057 = vector.shape_cast %squeeze3A_2056 : vector<64xf32> to vector<64x1xf32>
    %add3A_2058 = vector.broadcast %broadcast_in_dim3A_2057 : vector<64x1xf32> to vector<64x128xf32>
    %add3A_2059 = arith.addf %slice3A_2054, %add3A_2058 : vector<64x128xf32>
    %swap3A_2060 = arith.constant 152 : index
    %swap3A_2061 = arith.constant 0 : index
    %swap3A_2062 = arith.constant 0 : index
    %swap3A_2063 = vector.load %arg3[%swap3A_2060, %swap3A_2061, %swap3A_2062] : memref<200x64x128xf32, #tpu.memory_space<vmem>>, vector<1x64x128xf32>
    %swap3A_2064 = vector.shape_cast %swap3A_2063 : vector<1x64x128xf32> to vector<64x128xf32>
    %swap3A_2065 = vector.shape_cast %add3A_2059 : vector<64x128xf32> to vector<1x64x128xf32>
    tpu.vector_store %arg3[%swap3A_2060, %swap3A_2061, %swap3A_2062], %swap3A_2065 {strides = array<i32>} : memref<200x64x128xf32, #tpu.memory_space<vmem>>, vector<1x64x128xf32>,
    %slice3A_2066 = vector.extract_strided_slice %transpose3A_2053 {offsets = [64, 0], sizes = [64, 128], strides = [1, 1]} : vector<128x128xf32> to vector<64x128xf32>
    %slice3A_2067 = vector.extract_strided_slice %get3A_4 {offsets = [153, 0], sizes = [1, 64], strides = [1, 1]} : vector<200x64xf32> to vector<1x64xf32>
    %squeeze3A_2068 = vector.shape_cast %slice3A_2067 : vector<1x64xf32> to vector<64xf32>
    %broadcast_in_dim3A_2069 = vector.shape_cast %squeeze3A_2068 : vector<64xf32> to vector<64x1xf32>
    %add3A_2070 = vector.broadcast %broadcast_in_dim3A_2069 : vector<64x1xf32> to vector<64x128xf32>
    %add3A_2071 = arith.addf %slice3A_2066, %add3A_2070 : vector<64x128xf32>
    %swap3A_2072 = arith.constant 153 : index
    %swap3A_2073 = arith.constant 0 : index
    %swap3A_2074 = arith.constant 0 : index
    %swap3A_2075 = vector.load %arg3[%swap3A_2072, %swap3A_2073, %swap3A_2074] : memref<200x64x128xf32, #tpu.memory_space<vmem>>, vector<1x64x128xf32>
    %swap3A_2076 = vector.shape_cast %swap3A_2075 : vector<1x64x128xf32> to vector<64x128xf32>
    %swap3A_2077 = vector.shape_cast %add3A_2071 : vector<64x128xf32> to vector<1x64x128xf32>
    tpu.vector_store %arg3[%swap3A_2072, %swap3A_2073, %swap3A_2074], %swap3A_2077 {strides = array<i32>} : memref<200x64x128xf32, #tpu.memory_space<vmem>>, vector<1x64x128xf32>,
    %slice3A_2078 = vector.extract_strided_slice %reshape3A {offsets = [0, 77, 0], sizes = [128, 1, 128], strides = [1, 1, 1]} : vector<128x100x128xf32> to vector<128x1x128xf32>
    %squeeze3A_2079 = vector.shape_cast %slice3A_2078 : vector<128x1x128xf32> to vector<128x128xf32>
    %transpose3A_2080 = tpu.transpose %squeeze3A_2079, [1, 0] : vector<128x128xf32> -> vector<128x128xf32>
    %slice3A_2081 = vector.extract_strided_slice %transpose3A_2080 {offsets = [0, 0], sizes = [64, 128], strides = [1, 1]} : vector<128x128xf32> to vector<64x128xf32>
    %slice3A_2082 = vector.extract_strided_slice %get3A_4 {offsets = [154, 0], sizes = [1, 64], strides = [1, 1]} : vector<200x64xf32> to vector<1x64xf32>
    %squeeze3A_2083 = vector.shape_cast %slice3A_2082 : vector<1x64xf32> to vector<64xf32>
    %broadcast_in_dim3A_2084 = vector.shape_cast %squeeze3A_2083 : vector<64xf32> to vector<64x1xf32>
    %add3A_2085 = vector.broadcast %broadcast_in_dim3A_2084 : vector<64x1xf32> to vector<64x128xf32>
    %add3A_2086 = arith.addf %slice3A_2081, %add3A_2085 : vector<64x128xf32>
    %swap3A_2087 = arith.constant 154 : index
    %swap3A_2088 = arith.constant 0 : index
    %swap3A_2089 = arith.constant 0 : index
    %swap3A_2090 = vector.load %arg3[%swap3A_2087, %swap3A_2088, %swap3A_2089] : memref<200x64x128xf32, #tpu.memory_space<vmem>>, vector<1x64x128xf32>
    %swap3A_2091 = vector.shape_cast %swap3A_2090 : vector<1x64x128xf32> to vector<64x128xf32>
    %swap3A_2092 = vector.shape_cast %add3A_2086 : vector<64x128xf32> to vector<1x64x128xf32>
    tpu.vector_store %arg3[%swap3A_2087, %swap3A_2088, %swap3A_2089], %swap3A_2092 {strides = array<i32>} : memref<200x64x128xf32, #tpu.memory_space<vmem>>, vector<1x64x128xf32>,
    %slice3A_2093 = vector.extract_strided_slice %transpose3A_2080 {offsets = [64, 0], sizes = [64, 128], strides = [1, 1]} : vector<128x128xf32> to vector<64x128xf32>
    %slice3A_2094 = vector.extract_strided_slice %get3A_4 {offsets = [155, 0], sizes = [1, 64], strides = [1, 1]} : vector<200x64xf32> to vector<1x64xf32>
    %squeeze3A_2095 = vector.shape_cast %slice3A_2094 : vector<1x64xf32> to vector<64xf32>
    %broadcast_in_dim3A_2096 = vector.shape_cast %squeeze3A_2095 : vector<64xf32> to vector<64x1xf32>
    %add3A_2097 = vector.broadcast %broadcast_in_dim3A_2096 : vector<64x1xf32> to vector<64x128xf32>
    %add3A_2098 = arith.addf %slice3A_2093, %add3A_2097 : vector<64x128xf32>
    %swap3A_2099 = arith.constant 155 : index
    %swap3A_2100 = arith.constant 0 : index
    %swap3A_2101 = arith.constant 0 : index
    %swap3A_2102 = vector.load %arg3[%swap3A_2099, %swap3A_2100, %swap3A_2101] : memref<200x64x128xf32, #tpu.memory_space<vmem>>, vector<1x64x128xf32>
    %swap3A_2103 = vector.shape_cast %swap3A_2102 : vector<1x64x128xf32> to vector<64x128xf32>
    %swap3A_2104 = vector.shape_cast %add3A_2098 : vector<64x128xf32> to vector<1x64x128xf32>
    tpu.vector_store %arg3[%swap3A_2099, %swap3A_2100, %swap3A_2101], %swap3A_2104 {strides = array<i32>} : memref<200x64x128xf32, #tpu.memory_space<vmem>>, vector<1x64x128xf32>,
    %slice3A_2105 = vector.extract_strided_slice %reshape3A {offsets = [0, 78, 0], sizes = [128, 1, 128], strides = [1, 1, 1]} : vector<128x100x128xf32> to vector<128x1x128xf32>
    %squeeze3A_2106 = vector.shape_cast %slice3A_2105 : vector<128x1x128xf32> to vector<128x128xf32>
    %transpose3A_2107 = tpu.transpose %squeeze3A_2106, [1, 0] : vector<128x128xf32> -> vector<128x128xf32>
    %slice3A_2108 = vector.extract_strided_slice %transpose3A_2107 {offsets = [0, 0], sizes = [64, 128], strides = [1, 1]} : vector<128x128xf32> to vector<64x128xf32>
    %slice3A_2109 = vector.extract_strided_slice %get3A_4 {offsets = [156, 0], sizes = [1, 64], strides = [1, 1]} : vector<200x64xf32> to vector<1x64xf32>
    %squeeze3A_2110 = vector.shape_cast %slice3A_2109 : vector<1x64xf32> to vector<64xf32>
    %broadcast_in_dim3A_2111 = vector.shape_cast %squeeze3A_2110 : vector<64xf32> to vector<64x1xf32>
    %add3A_2112 = vector.broadcast %broadcast_in_dim3A_2111 : vector<64x1xf32> to vector<64x128xf32>
    %add3A_2113 = arith.addf %slice3A_2108, %add3A_2112 : vector<64x128xf32>
    %swap3A_2114 = arith.constant 156 : index
    %swap3A_2115 = arith.constant 0 : index
    %swap3A_2116 = arith.constant 0 : index
    %swap3A_2117 = vector.load %arg3[%swap3A_2114, %swap3A_2115, %swap3A_2116] : memref<200x64x128xf32, #tpu.memory_space<vmem>>, vector<1x64x128xf32>
    %swap3A_2118 = vector.shape_cast %swap3A_2117 : vector<1x64x128xf32> to vector<64x128xf32>
    %swap3A_2119 = vector.shape_cast %add3A_2113 : vector<64x128xf32> to vector<1x64x128xf32>
    tpu.vector_store %arg3[%swap3A_2114, %swap3A_2115, %swap3A_2116], %swap3A_2119 {strides = array<i32>} : memref<200x64x128xf32, #tpu.memory_space<vmem>>, vector<1x64x128xf32>,
    %slice3A_2120 = vector.extract_strided_slice %transpose3A_2107 {offsets = [64, 0], sizes = [64, 128], strides = [1, 1]} : vector<128x128xf32> to vector<64x128xf32>
    %slice3A_2121 = vector.extract_strided_slice %get3A_4 {offsets = [157, 0], sizes = [1, 64], strides = [1, 1]} : vector<200x64xf32> to vector<1x64xf32>
    %squeeze3A_2122 = vector.shape_cast %slice3A_2121 : vector<1x64xf32> to vector<64xf32>
    %broadcast_in_dim3A_2123 = vector.shape_cast %squeeze3A_2122 : vector<64xf32> to vector<64x1xf32>
    %add3A_2124 = vector.broadcast %broadcast_in_dim3A_2123 : vector<64x1xf32> to vector<64x128xf32>
    %add3A_2125 = arith.addf %slice3A_2120, %add3A_2124 : vector<64x128xf32>
    %swap3A_2126 = arith.constant 157 : index
    %swap3A_2127 = arith.constant 0 : index
    %swap3A_2128 = arith.constant 0 : index
    %swap3A_2129 = vector.load %arg3[%swap3A_2126, %swap3A_2127, %swap3A_2128] : memref<200x64x128xf32, #tpu.memory_space<vmem>>, vector<1x64x128xf32>
    %swap3A_2130 = vector.shape_cast %swap3A_2129 : vector<1x64x128xf32> to vector<64x128xf32>
    %swap3A_2131 = vector.shape_cast %add3A_2125 : vector<64x128xf32> to vector<1x64x128xf32>
    tpu.vector_store %arg3[%swap3A_2126, %swap3A_2127, %swap3A_2128], %swap3A_2131 {strides = array<i32>} : memref<200x64x128xf32, #tpu.memory_space<vmem>>, vector<1x64x128xf32>,
    %slice3A_2132 = vector.extract_strided_slice %reshape3A {offsets = [0, 79, 0], sizes = [128, 1, 128], strides = [1, 1, 1]} : vector<128x100x128xf32> to vector<128x1x128xf32>
    %squeeze3A_2133 = vector.shape_cast %slice3A_2132 : vector<128x1x128xf32> to vector<128x128xf32>
    %transpose3A_2134 = tpu.transpose %squeeze3A_2133, [1, 0] : vector<128x128xf32> -> vector<128x128xf32>
    %slice3A_2135 = vector.extract_strided_slice %transpose3A_2134 {offsets = [0, 0], sizes = [64, 128], strides = [1, 1]} : vector<128x128xf32> to vector<64x128xf32>
    %slice3A_2136 = vector.extract_strided_slice %get3A_4 {offsets = [158, 0], sizes = [1, 64], strides = [1, 1]} : vector<200x64xf32> to vector<1x64xf32>
    %squeeze3A_2137 = vector.shape_cast %slice3A_2136 : vector<1x64xf32> to vector<64xf32>
    %broadcast_in_dim3A_2138 = vector.shape_cast %squeeze3A_2137 : vector<64xf32> to vector<64x1xf32>
    %add3A_2139 = vector.broadcast %broadcast_in_dim3A_2138 : vector<64x1xf32> to vector<64x128xf32>
    %add3A_2140 = arith.addf %slice3A_2135, %add3A_2139 : vector<64x128xf32>
    %swap3A_2141 = arith.constant 158 : index
    %swap3A_2142 = arith.constant 0 : index
    %swap3A_2143 = arith.constant 0 : index
    %swap3A_2144 = vector.load %arg3[%swap3A_2141, %swap3A_2142, %swap3A_2143] : memref<200x64x128xf32, #tpu.memory_space<vmem>>, vector<1x64x128xf32>
    %swap3A_2145 = vector.shape_cast %swap3A_2144 : vector<1x64x128xf32> to vector<64x128xf32>
    %swap3A_2146 = vector.shape_cast %add3A_2140 : vector<64x128xf32> to vector<1x64x128xf32>
    tpu.vector_store %arg3[%swap3A_2141, %swap3A_2142, %swap3A_2143], %swap3A_2146 {strides = array<i32>} : memref<200x64x128xf32, #tpu.memory_space<vmem>>, vector<1x64x128xf32>,
    %slice3A_2147 = vector.extract_strided_slice %transpose3A_2134 {offsets = [64, 0], sizes = [64, 128], strides = [1, 1]} : vector<128x128xf32> to vector<64x128xf32>
    %slice3A_2148 = vector.extract_strided_slice %get3A_4 {offsets = [159, 0], sizes = [1, 64], strides = [1, 1]} : vector<200x64xf32> to vector<1x64xf32>
    %squeeze3A_2149 = vector.shape_cast %slice3A_2148 : vector<1x64xf32> to vector<64xf32>
    %broadcast_in_dim3A_2150 = vector.shape_cast %squeeze3A_2149 : vector<64xf32> to vector<64x1xf32>
    %add3A_2151 = vector.broadcast %broadcast_in_dim3A_2150 : vector<64x1xf32> to vector<64x128xf32>
    %add3A_2152 = arith.addf %slice3A_2147, %add3A_2151 : vector<64x128xf32>
    %swap3A_2153 = arith.constant 159 : index
    %swap3A_2154 = arith.constant 0 : index
    %swap3A_2155 = arith.constant 0 : index
    %swap3A_2156 = vector.load %arg3[%swap3A_2153, %swap3A_2154, %swap3A_2155] : memref<200x64x128xf32, #tpu.memory_space<vmem>>, vector<1x64x128xf32>
    %swap3A_2157 = vector.shape_cast %swap3A_2156 : vector<1x64x128xf32> to vector<64x128xf32>
    %swap3A_2158 = vector.shape_cast %add3A_2152 : vector<64x128xf32> to vector<1x64x128xf32>
    tpu.vector_store %arg3[%swap3A_2153, %swap3A_2154, %swap3A_2155], %swap3A_2158 {strides = array<i32>} : memref<200x64x128xf32, #tpu.memory_space<vmem>>, vector<1x64x128xf32>,
    %slice3A_2159 = vector.extract_strided_slice %reshape3A {offsets = [0, 80, 0], sizes = [128, 1, 128], strides = [1, 1, 1]} : vector<128x100x128xf32> to vector<128x1x128xf32>
    %squeeze3A_2160 = vector.shape_cast %slice3A_2159 : vector<128x1x128xf32> to vector<128x128xf32>
    %transpose3A_2161 = tpu.transpose %squeeze3A_2160, [1, 0] : vector<128x128xf32> -> vector<128x128xf32>
    %slice3A_2162 = vector.extract_strided_slice %transpose3A_2161 {offsets = [0, 0], sizes = [64, 128], strides = [1, 1]} : vector<128x128xf32> to vector<64x128xf32>
    %slice3A_2163 = vector.extract_strided_slice %get3A_4 {offsets = [160, 0], sizes = [1, 64], strides = [1, 1]} : vector<200x64xf32> to vector<1x64xf32>
    %squeeze3A_2164 = vector.shape_cast %slice3A_2163 : vector<1x64xf32> to vector<64xf32>
    %broadcast_in_dim3A_2165 = vector.shape_cast %squeeze3A_2164 : vector<64xf32> to vector<64x1xf32>
    %add3A_2166 = vector.broadcast %broadcast_in_dim3A_2165 : vector<64x1xf32> to vector<64x128xf32>
    %add3A_2167 = arith.addf %slice3A_2162, %add3A_2166 : vector<64x128xf32>
    %swap3A_2168 = arith.constant 160 : index
    %swap3A_2169 = arith.constant 0 : index
    %swap3A_2170 = arith.constant 0 : index
    %swap3A_2171 = vector.load %arg3[%swap3A_2168, %swap3A_2169, %swap3A_2170] : memref<200x64x128xf32, #tpu.memory_space<vmem>>, vector<1x64x128xf32>
    %swap3A_2172 = vector.shape_cast %swap3A_2171 : vector<1x64x128xf32> to vector<64x128xf32>
    %swap3A_2173 = vector.shape_cast %add3A_2167 : vector<64x128xf32> to vector<1x64x128xf32>
    tpu.vector_store %arg3[%swap3A_2168, %swap3A_2169, %swap3A_2170], %swap3A_2173 {strides = array<i32>} : memref<200x64x128xf32, #tpu.memory_space<vmem>>, vector<1x64x128xf32>,
    %slice3A_2174 = vector.extract_strided_slice %transpose3A_2161 {offsets = [64, 0], sizes = [64, 128], strides = [1, 1]} : vector<128x128xf32> to vector<64x128xf32>
    %slice3A_2175 = vector.extract_strided_slice %get3A_4 {offsets = [161, 0], sizes = [1, 64], strides = [1, 1]} : vector<200x64xf32> to vector<1x64xf32>
    %squeeze3A_2176 = vector.shape_cast %slice3A_2175 : vector<1x64xf32> to vector<64xf32>
    %broadcast_in_dim3A_2177 = vector.shape_cast %squeeze3A_2176 : vector<64xf32> to vector<64x1xf32>
    %add3A_2178 = vector.broadcast %broadcast_in_dim3A_2177 : vector<64x1xf32> to vector<64x128xf32>
    %add3A_2179 = arith.addf %slice3A_2174, %add3A_2178 : vector<64x128xf32>
    %swap3A_2180 = arith.constant 161 : index
    %swap3A_2181 = arith.constant 0 : index
    %swap3A_2182 = arith.constant 0 : index
    %swap3A_2183 = vector.load %arg3[%swap3A_2180, %swap3A_2181, %swap3A_2182] : memref<200x64x128xf32, #tpu.memory_space<vmem>>, vector<1x64x128xf32>
    %swap3A_2184 = vector.shape_cast %swap3A_2183 : vector<1x64x128xf32> to vector<64x128xf32>
    %swap3A_2185 = vector.shape_cast %add3A_2179 : vector<64x128xf32> to vector<1x64x128xf32>
    tpu.vector_store %arg3[%swap3A_2180, %swap3A_2181, %swap3A_2182], %swap3A_2185 {strides = array<i32>} : memref<200x64x128xf32, #tpu.memory_space<vmem>>, vector<1x64x128xf32>,
    %slice3A_2186 = vector.extract_strided_slice %reshape3A {offsets = [0, 81, 0], sizes = [128, 1, 128], strides = [1, 1, 1]} : vector<128x100x128xf32> to vector<128x1x128xf32>
    %squeeze3A_2187 = vector.shape_cast %slice3A_2186 : vector<128x1x128xf32> to vector<128x128xf32>
    %transpose3A_2188 = tpu.transpose %squeeze3A_2187, [1, 0] : vector<128x128xf32> -> vector<128x128xf32>
    %slice3A_2189 = vector.extract_strided_slice %transpose3A_2188 {offsets = [0, 0], sizes = [64, 128], strides = [1, 1]} : vector<128x128xf32> to vector<64x128xf32>
    %slice3A_2190 = vector.extract_strided_slice %get3A_4 {offsets = [162, 0], sizes = [1, 64], strides = [1, 1]} : vector<200x64xf32> to vector<1x64xf32>
    %squeeze3A_2191 = vector.shape_cast %slice3A_2190 : vector<1x64xf32> to vector<64xf32>
    %broadcast_in_dim3A_2192 = vector.shape_cast %squeeze3A_2191 : vector<64xf32> to vector<64x1xf32>
    %add3A_2193 = vector.broadcast %broadcast_in_dim3A_2192 : vector<64x1xf32> to vector<64x128xf32>
    %add3A_2194 = arith.addf %slice3A_2189, %add3A_2193 : vector<64x128xf32>
    %swap3A_2195 = arith.constant 162 : index
    %swap3A_2196 = arith.constant 0 : index
    %swap3A_2197 = arith.constant 0 : index
    %swap3A_2198 = vector.load %arg3[%swap3A_2195, %swap3A_2196, %swap3A_2197] : memref<200x64x128xf32, #tpu.memory_space<vmem>>, vector<1x64x128xf32>
    %swap3A_2199 = vector.shape_cast %swap3A_2198 : vector<1x64x128xf32> to vector<64x128xf32>
    %swap3A_2200 = vector.shape_cast %add3A_2194 : vector<64x128xf32> to vector<1x64x128xf32>
    tpu.vector_store %arg3[%swap3A_2195, %swap3A_2196, %swap3A_2197], %swap3A_2200 {strides = array<i32>} : memref<200x64x128xf32, #tpu.memory_space<vmem>>, vector<1x64x128xf32>,
    %slice3A_2201 = vector.extract_strided_slice %transpose3A_2188 {offsets = [64, 0], sizes = [64, 128], strides = [1, 1]} : vector<128x128xf32> to vector<64x128xf32>
    %slice3A_2202 = vector.extract_strided_slice %get3A_4 {offsets = [163, 0], sizes = [1, 64], strides = [1, 1]} : vector<200x64xf32> to vector<1x64xf32>
    %squeeze3A_2203 = vector.shape_cast %slice3A_2202 : vector<1x64xf32> to vector<64xf32>
    %broadcast_in_dim3A_2204 = vector.shape_cast %squeeze3A_2203 : vector<64xf32> to vector<64x1xf32>
    %add3A_2205 = vector.broadcast %broadcast_in_dim3A_2204 : vector<64x1xf32> to vector<64x128xf32>
    %add3A_2206 = arith.addf %slice3A_2201, %add3A_2205 : vector<64x128xf32>
    %swap3A_2207 = arith.constant 163 : index
    %swap3A_2208 = arith.constant 0 : index
    %swap3A_2209 = arith.constant 0 : index
    %swap3A_2210 = vector.load %arg3[%swap3A_2207, %swap3A_2208, %swap3A_2209] : memref<200x64x128xf32, #tpu.memory_space<vmem>>, vector<1x64x128xf32>
    %swap3A_2211 = vector.shape_cast %swap3A_2210 : vector<1x64x128xf32> to vector<64x128xf32>
    %swap3A_2212 = vector.shape_cast %add3A_2206 : vector<64x128xf32> to vector<1x64x128xf32>
    tpu.vector_store %arg3[%swap3A_2207, %swap3A_2208, %swap3A_2209], %swap3A_2212 {strides = array<i32>} : memref<200x64x128xf32, #tpu.memory_space<vmem>>, vector<1x64x128xf32>,
    %slice3A_2213 = vector.extract_strided_slice %reshape3A {offsets = [0, 82, 0], sizes = [128, 1, 128], strides = [1, 1, 1]} : vector<128x100x128xf32> to vector<128x1x128xf32>
    %squeeze3A_2214 = vector.shape_cast %slice3A_2213 : vector<128x1x128xf32> to vector<128x128xf32>
    %transpose3A_2215 = tpu.transpose %squeeze3A_2214, [1, 0] : vector<128x128xf32> -> vector<128x128xf32>
    %slice3A_2216 = vector.extract_strided_slice %transpose3A_2215 {offsets = [0, 0], sizes = [64, 128], strides = [1, 1]} : vector<128x128xf32> to vector<64x128xf32>
    %slice3A_2217 = vector.extract_strided_slice %get3A_4 {offsets = [164, 0], sizes = [1, 64], strides = [1, 1]} : vector<200x64xf32> to vector<1x64xf32>
    %squeeze3A_2218 = vector.shape_cast %slice3A_2217 : vector<1x64xf32> to vector<64xf32>
    %broadcast_in_dim3A_2219 = vector.shape_cast %squeeze3A_2218 : vector<64xf32> to vector<64x1xf32>
    %add3A_2220 = vector.broadcast %broadcast_in_dim3A_2219 : vector<64x1xf32> to vector<64x128xf32>
    %add3A_2221 = arith.addf %slice3A_2216, %add3A_2220 : vector<64x128xf32>
    %swap3A_2222 = arith.constant 164 : index
    %swap3A_2223 = arith.constant 0 : index
    %swap3A_2224 = arith.constant 0 : index
    %swap3A_2225 = vector.load %arg3[%swap3A_2222, %swap3A_2223, %swap3A_2224] : memref<200x64x128xf32, #tpu.memory_space<vmem>>, vector<1x64x128xf32>
    %swap3A_2226 = vector.shape_cast %swap3A_2225 : vector<1x64x128xf32> to vector<64x128xf32>
    %swap3A_2227 = vector.shape_cast %add3A_2221 : vector<64x128xf32> to vector<1x64x128xf32>
    tpu.vector_store %arg3[%swap3A_2222, %swap3A_2223, %swap3A_2224], %swap3A_2227 {strides = array<i32>} : memref<200x64x128xf32, #tpu.memory_space<vmem>>, vector<1x64x128xf32>,
    %slice3A_2228 = vector.extract_strided_slice %transpose3A_2215 {offsets = [64, 0], sizes = [64, 128], strides = [1, 1]} : vector<128x128xf32> to vector<64x128xf32>
    %slice3A_2229 = vector.extract_strided_slice %get3A_4 {offsets = [165, 0], sizes = [1, 64], strides = [1, 1]} : vector<200x64xf32> to vector<1x64xf32>
    %squeeze3A_2230 = vector.shape_cast %slice3A_2229 : vector<1x64xf32> to vector<64xf32>
    %broadcast_in_dim3A_2231 = vector.shape_cast %squeeze3A_2230 : vector<64xf32> to vector<64x1xf32>
    %add3A_2232 = vector.broadcast %broadcast_in_dim3A_2231 : vector<64x1xf32> to vector<64x128xf32>
    %add3A_2233 = arith.addf %slice3A_2228, %add3A_2232 : vector<64x128xf32>
    %swap3A_2234 = arith.constant 165 : index
    %swap3A_2235 = arith.constant 0 : index
    %swap3A_2236 = arith.constant 0 : index
    %swap3A_2237 = vector.load %arg3[%swap3A_2234, %swap3A_2235, %swap3A_2236] : memref<200x64x128xf32, #tpu.memory_space<vmem>>, vector<1x64x128xf32>
    %swap3A_2238 = vector.shape_cast %swap3A_2237 : vector<1x64x128xf32> to vector<64x128xf32>
    %swap3A_2239 = vector.shape_cast %add3A_2233 : vector<64x128xf32> to vector<1x64x128xf32>
    tpu.vector_store %arg3[%swap3A_2234, %swap3A_2235, %swap3A_2236], %swap3A_2239 {strides = array<i32>} : memref<200x64x128xf32, #tpu.memory_space<vmem>>, vector<1x64x128xf32>,
    %slice3A_2240 = vector.extract_strided_slice %reshape3A {offsets = [0, 83, 0], sizes = [128, 1, 128], strides = [1, 1, 1]} : vector<128x100x128xf32> to vector<128x1x128xf32>
    %squeeze3A_2241 = vector.shape_cast %slice3A_2240 : vector<128x1x128xf32> to vector<128x128xf32>
    %transpose3A_2242 = tpu.transpose %squeeze3A_2241, [1, 0] : vector<128x128xf32> -> vector<128x128xf32>
    %slice3A_2243 = vector.extract_strided_slice %transpose3A_2242 {offsets = [0, 0], sizes = [64, 128], strides = [1, 1]} : vector<128x128xf32> to vector<64x128xf32>
    %slice3A_2244 = vector.extract_strided_slice %get3A_4 {offsets = [166, 0], sizes = [1, 64], strides = [1, 1]} : vector<200x64xf32> to vector<1x64xf32>
    %squeeze3A_2245 = vector.shape_cast %slice3A_2244 : vector<1x64xf32> to vector<64xf32>
    %broadcast_in_dim3A_2246 = vector.shape_cast %squeeze3A_2245 : vector<64xf32> to vector<64x1xf32>
    %add3A_2247 = vector.broadcast %broadcast_in_dim3A_2246 : vector<64x1xf32> to vector<64x128xf32>
    %add3A_2248 = arith.addf %slice3A_2243, %add3A_2247 : vector<64x128xf32>
    %swap3A_2249 = arith.constant 166 : index
    %swap3A_2250 = arith.constant 0 : index
    %swap3A_2251 = arith.constant 0 : index
    %swap3A_2252 = vector.load %arg3[%swap3A_2249, %swap3A_2250, %swap3A_2251] : memref<200x64x128xf32, #tpu.memory_space<vmem>>, vector<1x64x128xf32>
    %swap3A_2253 = vector.shape_cast %swap3A_2252 : vector<1x64x128xf32> to vector<64x128xf32>
    %swap3A_2254 = vector.shape_cast %add3A_2248 : vector<64x128xf32> to vector<1x64x128xf32>
    tpu.vector_store %arg3[%swap3A_2249, %swap3A_2250, %swap3A_2251], %swap3A_2254 {strides = array<i32>} : memref<200x64x128xf32, #tpu.memory_space<vmem>>, vector<1x64x128xf32>,
    %slice3A_2255 = vector.extract_strided_slice %transpose3A_2242 {offsets = [64, 0], sizes = [64, 128], strides = [1, 1]} : vector<128x128xf32> to vector<64x128xf32>
    %slice3A_2256 = vector.extract_strided_slice %get3A_4 {offsets = [167, 0], sizes = [1, 64], strides = [1, 1]} : vector<200x64xf32> to vector<1x64xf32>
    %squeeze3A_2257 = vector.shape_cast %slice3A_2256 : vector<1x64xf32> to vector<64xf32>
    %broadcast_in_dim3A_2258 = vector.shape_cast %squeeze3A_2257 : vector<64xf32> to vector<64x1xf32>
    %add3A_2259 = vector.broadcast %broadcast_in_dim3A_2258 : vector<64x1xf32> to vector<64x128xf32>
    %add3A_2260 = arith.addf %slice3A_2255, %add3A_2259 : vector<64x128xf32>
    %swap3A_2261 = arith.constant 167 : index
    %swap3A_2262 = arith.constant 0 : index
    %swap3A_2263 = arith.constant 0 : index
    %swap3A_2264 = vector.load %arg3[%swap3A_2261, %swap3A_2262, %swap3A_2263] : memref<200x64x128xf32, #tpu.memory_space<vmem>>, vector<1x64x128xf32>
    %swap3A_2265 = vector.shape_cast %swap3A_2264 : vector<1x64x128xf32> to vector<64x128xf32>
    %swap3A_2266 = vector.shape_cast %add3A_2260 : vector<64x128xf32> to vector<1x64x128xf32>
    tpu.vector_store %arg3[%swap3A_2261, %swap3A_2262, %swap3A_2263], %swap3A_2266 {strides = array<i32>} : memref<200x64x128xf32, #tpu.memory_space<vmem>>, vector<1x64x128xf32>,
    %slice3A_2267 = vector.extract_strided_slice %reshape3A {offsets = [0, 84, 0], sizes = [128, 1, 128], strides = [1, 1, 1]} : vector<128x100x128xf32> to vector<128x1x128xf32>
    %squeeze3A_2268 = vector.shape_cast %slice3A_2267 : vector<128x1x128xf32> to vector<128x128xf32>
    %transpose3A_2269 = tpu.transpose %squeeze3A_2268, [1, 0] : vector<128x128xf32> -> vector<128x128xf32>
    %slice3A_2270 = vector.extract_strided_slice %transpose3A_2269 {offsets = [0, 0], sizes = [64, 128], strides = [1, 1]} : vector<128x128xf32> to vector<64x128xf32>
    %slice3A_2271 = vector.extract_strided_slice %get3A_4 {offsets = [168, 0], sizes = [1, 64], strides = [1, 1]} : vector<200x64xf32> to vector<1x64xf32>
    %squeeze3A_2272 = vector.shape_cast %slice3A_2271 : vector<1x64xf32> to vector<64xf32>
    %broadcast_in_dim3A_2273 = vector.shape_cast %squeeze3A_2272 : vector<64xf32> to vector<64x1xf32>
    %add3A_2274 = vector.broadcast %broadcast_in_dim3A_2273 : vector<64x1xf32> to vector<64x128xf32>
    %add3A_2275 = arith.addf %slice3A_2270, %add3A_2274 : vector<64x128xf32>
    %swap3A_2276 = arith.constant 168 : index
    %swap3A_2277 = arith.constant 0 : index
    %swap3A_2278 = arith.constant 0 : index
    %swap3A_2279 = vector.load %arg3[%swap3A_2276, %swap3A_2277, %swap3A_2278] : memref<200x64x128xf32, #tpu.memory_space<vmem>>, vector<1x64x128xf32>
    %swap3A_2280 = vector.shape_cast %swap3A_2279 : vector<1x64x128xf32> to vector<64x128xf32>
    %swap3A_2281 = vector.shape_cast %add3A_2275 : vector<64x128xf32> to vector<1x64x128xf32>
    tpu.vector_store %arg3[%swap3A_2276, %swap3A_2277, %swap3A_2278], %swap3A_2281 {strides = array<i32>} : memref<200x64x128xf32, #tpu.memory_space<vmem>>, vector<1x64x128xf32>,
    %slice3A_2282 = vector.extract_strided_slice %transpose3A_2269 {offsets = [64, 0], sizes = [64, 128], strides = [1, 1]} : vector<128x128xf32> to vector<64x128xf32>
    %slice3A_2283 = vector.extract_strided_slice %get3A_4 {offsets = [169, 0], sizes = [1, 64], strides = [1, 1]} : vector<200x64xf32> to vector<1x64xf32>
    %squeeze3A_2284 = vector.shape_cast %slice3A_2283 : vector<1x64xf32> to vector<64xf32>
    %broadcast_in_dim3A_2285 = vector.shape_cast %squeeze3A_2284 : vector<64xf32> to vector<64x1xf32>
    %add3A_2286 = vector.broadcast %broadcast_in_dim3A_2285 : vector<64x1xf32> to vector<64x128xf32>
    %add3A_2287 = arith.addf %slice3A_2282, %add3A_2286 : vector<64x128xf32>
    %swap3A_2288 = arith.constant 169 : index
    %swap3A_2289 = arith.constant 0 : index
    %swap3A_2290 = arith.constant 0 : index
    %swap3A_2291 = vector.load %arg3[%swap3A_2288, %swap3A_2289, %swap3A_2290] : memref<200x64x128xf32, #tpu.memory_space<vmem>>, vector<1x64x128xf32>
    %swap3A_2292 = vector.shape_cast %swap3A_2291 : vector<1x64x128xf32> to vector<64x128xf32>
    %swap3A_2293 = vector.shape_cast %add3A_2287 : vector<64x128xf32> to vector<1x64x128xf32>
    tpu.vector_store %arg3[%swap3A_2288, %swap3A_2289, %swap3A_2290], %swap3A_2293 {strides = array<i32>} : memref<200x64x128xf32, #tpu.memory_space<vmem>>, vector<1x64x128xf32>,
    %slice3A_2294 = vector.extract_strided_slice %reshape3A {offsets = [0, 85, 0], sizes = [128, 1, 128], strides = [1, 1, 1]} : vector<128x100x128xf32> to vector<128x1x128xf32>
    %squeeze3A_2295 = vector.shape_cast %slice3A_2294 : vector<128x1x128xf32> to vector<128x128xf32>
    %transpose3A_2296 = tpu.transpose %squeeze3A_2295, [1, 0] : vector<128x128xf32> -> vector<128x128xf32>
    %slice3A_2297 = vector.extract_strided_slice %transpose3A_2296 {offsets = [0, 0], sizes = [64, 128], strides = [1, 1]} : vector<128x128xf32> to vector<64x128xf32>
    %slice3A_2298 = vector.extract_strided_slice %get3A_4 {offsets = [170, 0], sizes = [1, 64], strides = [1, 1]} : vector<200x64xf32> to vector<1x64xf32>
    %squeeze3A_2299 = vector.shape_cast %slice3A_2298 : vector<1x64xf32> to vector<64xf32>
    %broadcast_in_dim3A_2300 = vector.shape_cast %squeeze3A_2299 : vector<64xf32> to vector<64x1xf32>
    %add3A_2301 = vector.broadcast %broadcast_in_dim3A_2300 : vector<64x1xf32> to vector<64x128xf32>
    %add3A_2302 = arith.addf %slice3A_2297, %add3A_2301 : vector<64x128xf32>
    %swap3A_2303 = arith.constant 170 : index
    %swap3A_2304 = arith.constant 0 : index
    %swap3A_2305 = arith.constant 0 : index
    %swap3A_2306 = vector.load %arg3[%swap3A_2303, %swap3A_2304, %swap3A_2305] : memref<200x64x128xf32, #tpu.memory_space<vmem>>, vector<1x64x128xf32>
    %swap3A_2307 = vector.shape_cast %swap3A_2306 : vector<1x64x128xf32> to vector<64x128xf32>
    %swap3A_2308 = vector.shape_cast %add3A_2302 : vector<64x128xf32> to vector<1x64x128xf32>
    tpu.vector_store %arg3[%swap3A_2303, %swap3A_2304, %swap3A_2305], %swap3A_2308 {strides = array<i32>} : memref<200x64x128xf32, #tpu.memory_space<vmem>>, vector<1x64x128xf32>,
    %slice3A_2309 = vector.extract_strided_slice %transpose3A_2296 {offsets = [64, 0], sizes = [64, 128], strides = [1, 1]} : vector<128x128xf32> to vector<64x128xf32>
    %slice3A_2310 = vector.extract_strided_slice %get3A_4 {offsets = [171, 0], sizes = [1, 64], strides = [1, 1]} : vector<200x64xf32> to vector<1x64xf32>
    %squeeze3A_2311 = vector.shape_cast %slice3A_2310 : vector<1x64xf32> to vector<64xf32>
    %broadcast_in_dim3A_2312 = vector.shape_cast %squeeze3A_2311 : vector<64xf32> to vector<64x1xf32>
    %add3A_2313 = vector.broadcast %broadcast_in_dim3A_2312 : vector<64x1xf32> to vector<64x128xf32>
    %add3A_2314 = arith.addf %slice3A_2309, %add3A_2313 : vector<64x128xf32>
    %swap3A_2315 = arith.constant 171 : index
    %swap3A_2316 = arith.constant 0 : index
    %swap3A_2317 = arith.constant 0 : index
    %swap3A_2318 = vector.load %arg3[%swap3A_2315, %swap3A_2316, %swap3A_2317] : memref<200x64x128xf32, #tpu.memory_space<vmem>>, vector<1x64x128xf32>
    %swap3A_2319 = vector.shape_cast %swap3A_2318 : vector<1x64x128xf32> to vector<64x128xf32>
    %swap3A_2320 = vector.shape_cast %add3A_2314 : vector<64x128xf32> to vector<1x64x128xf32>
    tpu.vector_store %arg3[%swap3A_2315, %swap3A_2316, %swap3A_2317], %swap3A_2320 {strides = array<i32>} : memref<200x64x128xf32, #tpu.memory_space<vmem>>, vector<1x64x128xf32>,
    %slice3A_2321 = vector.extract_strided_slice %reshape3A {offsets = [0, 86, 0], sizes = [128, 1, 128], strides = [1, 1, 1]} : vector<128x100x128xf32> to vector<128x1x128xf32>
    %squeeze3A_2322 = vector.shape_cast %slice3A_2321 : vector<128x1x128xf32> to vector<128x128xf32>
    %transpose3A_2323 = tpu.transpose %squeeze3A_2322, [1, 0] : vector<128x128xf32> -> vector<128x128xf32>
    %slice3A_2324 = vector.extract_strided_slice %transpose3A_2323 {offsets = [0, 0], sizes = [64, 128], strides = [1, 1]} : vector<128x128xf32> to vector<64x128xf32>
    %slice3A_2325 = vector.extract_strided_slice %get3A_4 {offsets = [172, 0], sizes = [1, 64], strides = [1, 1]} : vector<200x64xf32> to vector<1x64xf32>
    %squeeze3A_2326 = vector.shape_cast %slice3A_2325 : vector<1x64xf32> to vector<64xf32>
    %broadcast_in_dim3A_2327 = vector.shape_cast %squeeze3A_2326 : vector<64xf32> to vector<64x1xf32>
    %add3A_2328 = vector.broadcast %broadcast_in_dim3A_2327 : vector<64x1xf32> to vector<64x128xf32>
    %add3A_2329 = arith.addf %slice3A_2324, %add3A_2328 : vector<64x128xf32>
    %swap3A_2330 = arith.constant 172 : index
    %swap3A_2331 = arith.constant 0 : index
    %swap3A_2332 = arith.constant 0 : index
    %swap3A_2333 = vector.load %arg3[%swap3A_2330, %swap3A_2331, %swap3A_2332] : memref<200x64x128xf32, #tpu.memory_space<vmem>>, vector<1x64x128xf32>
    %swap3A_2334 = vector.shape_cast %swap3A_2333 : vector<1x64x128xf32> to vector<64x128xf32>
    %swap3A_2335 = vector.shape_cast %add3A_2329 : vector<64x128xf32> to vector<1x64x128xf32>
    tpu.vector_store %arg3[%swap3A_2330, %swap3A_2331, %swap3A_2332], %swap3A_2335 {strides = array<i32>} : memref<200x64x128xf32, #tpu.memory_space<vmem>>, vector<1x64x128xf32>,
    %slice3A_2336 = vector.extract_strided_slice %transpose3A_2323 {offsets = [64, 0], sizes = [64, 128], strides = [1, 1]} : vector<128x128xf32> to vector<64x128xf32>
    %slice3A_2337 = vector.extract_strided_slice %get3A_4 {offsets = [173, 0], sizes = [1, 64], strides = [1, 1]} : vector<200x64xf32> to vector<1x64xf32>
    %squeeze3A_2338 = vector.shape_cast %slice3A_2337 : vector<1x64xf32> to vector<64xf32>
    %broadcast_in_dim3A_2339 = vector.shape_cast %squeeze3A_2338 : vector<64xf32> to vector<64x1xf32>
    %add3A_2340 = vector.broadcast %broadcast_in_dim3A_2339 : vector<64x1xf32> to vector<64x128xf32>
    %add3A_2341 = arith.addf %slice3A_2336, %add3A_2340 : vector<64x128xf32>
    %swap3A_2342 = arith.constant 173 : index
    %swap3A_2343 = arith.constant 0 : index
    %swap3A_2344 = arith.constant 0 : index
    %swap3A_2345 = vector.load %arg3[%swap3A_2342, %swap3A_2343, %swap3A_2344] : memref<200x64x128xf32, #tpu.memory_space<vmem>>, vector<1x64x128xf32>
    %swap3A_2346 = vector.shape_cast %swap3A_2345 : vector<1x64x128xf32> to vector<64x128xf32>
    %swap3A_2347 = vector.shape_cast %add3A_2341 : vector<64x128xf32> to vector<1x64x128xf32>
    tpu.vector_store %arg3[%swap3A_2342, %swap3A_2343, %swap3A_2344], %swap3A_2347 {strides = array<i32>} : memref<200x64x128xf32, #tpu.memory_space<vmem>>, vector<1x64x128xf32>,
    %slice3A_2348 = vector.extract_strided_slice %reshape3A {offsets = [0, 87, 0], sizes = [128, 1, 128], strides = [1, 1, 1]} : vector<128x100x128xf32> to vector<128x1x128xf32>
    %squeeze3A_2349 = vector.shape_cast %slice3A_2348 : vector<128x1x128xf32> to vector<128x128xf32>
    %transpose3A_2350 = tpu.transpose %squeeze3A_2349, [1, 0] : vector<128x128xf32> -> vector<128x128xf32>
    %slice3A_2351 = vector.extract_strided_slice %transpose3A_2350 {offsets = [0, 0], sizes = [64, 128], strides = [1, 1]} : vector<128x128xf32> to vector<64x128xf32>
    %slice3A_2352 = vector.extract_strided_slice %get3A_4 {offsets = [174, 0], sizes = [1, 64], strides = [1, 1]} : vector<200x64xf32> to vector<1x64xf32>
    %squeeze3A_2353 = vector.shape_cast %slice3A_2352 : vector<1x64xf32> to vector<64xf32>
    %broadcast_in_dim3A_2354 = vector.shape_cast %squeeze3A_2353 : vector<64xf32> to vector<64x1xf32>
    %add3A_2355 = vector.broadcast %broadcast_in_dim3A_2354 : vector<64x1xf32> to vector<64x128xf32>
    %add3A_2356 = arith.addf %slice3A_2351, %add3A_2355 : vector<64x128xf32>
    %swap3A_2357 = arith.constant 174 : index
    %swap3A_2358 = arith.constant 0 : index
    %swap3A_2359 = arith.constant 0 : index
    %swap3A_2360 = vector.load %arg3[%swap3A_2357, %swap3A_2358, %swap3A_2359] : memref<200x64x128xf32, #tpu.memory_space<vmem>>, vector<1x64x128xf32>
    %swap3A_2361 = vector.shape_cast %swap3A_2360 : vector<1x64x128xf32> to vector<64x128xf32>
    %swap3A_2362 = vector.shape_cast %add3A_2356 : vector<64x128xf32> to vector<1x64x128xf32>
    tpu.vector_store %arg3[%swap3A_2357, %swap3A_2358, %swap3A_2359], %swap3A_2362 {strides = array<i32>} : memref<200x64x128xf32, #tpu.memory_space<vmem>>, vector<1x64x128xf32>,
    %slice3A_2363 = vector.extract_strided_slice %transpose3A_2350 {offsets = [64, 0], sizes = [64, 128], strides = [1, 1]} : vector<128x128xf32> to vector<64x128xf32>
    %slice3A_2364 = vector.extract_strided_slice %get3A_4 {offsets = [175, 0], sizes = [1, 64], strides = [1, 1]} : vector<200x64xf32> to vector<1x64xf32>
    %squeeze3A_2365 = vector.shape_cast %slice3A_2364 : vector<1x64xf32> to vector<64xf32>
    %broadcast_in_dim3A_2366 = vector.shape_cast %squeeze3A_2365 : vector<64xf32> to vector<64x1xf32>
    %add3A_2367 = vector.broadcast %broadcast_in_dim3A_2366 : vector<64x1xf32> to vector<64x128xf32>
    %add3A_2368 = arith.addf %slice3A_2363, %add3A_2367 : vector<64x128xf32>
    %swap3A_2369 = arith.constant 175 : index
    %swap3A_2370 = arith.constant 0 : index
    %swap3A_2371 = arith.constant 0 : index
    %swap3A_2372 = vector.load %arg3[%swap3A_2369, %swap3A_2370, %swap3A_2371] : memref<200x64x128xf32, #tpu.memory_space<vmem>>, vector<1x64x128xf32>
    %swap3A_2373 = vector.shape_cast %swap3A_2372 : vector<1x64x128xf32> to vector<64x128xf32>
    %swap3A_2374 = vector.shape_cast %add3A_2368 : vector<64x128xf32> to vector<1x64x128xf32>
    tpu.vector_store %arg3[%swap3A_2369, %swap3A_2370, %swap3A_2371], %swap3A_2374 {strides = array<i32>} : memref<200x64x128xf32, #tpu.memory_space<vmem>>, vector<1x64x128xf32>,
    %slice3A_2375 = vector.extract_strided_slice %reshape3A {offsets = [0, 88, 0], sizes = [128, 1, 128], strides = [1, 1, 1]} : vector<128x100x128xf32> to vector<128x1x128xf32>
    %squeeze3A_2376 = vector.shape_cast %slice3A_2375 : vector<128x1x128xf32> to vector<128x128xf32>
    %transpose3A_2377 = tpu.transpose %squeeze3A_2376, [1, 0] : vector<128x128xf32> -> vector<128x128xf32>
    %slice3A_2378 = vector.extract_strided_slice %transpose3A_2377 {offsets = [0, 0], sizes = [64, 128], strides = [1, 1]} : vector<128x128xf32> to vector<64x128xf32>
    %slice3A_2379 = vector.extract_strided_slice %get3A_4 {offsets = [176, 0], sizes = [1, 64], strides = [1, 1]} : vector<200x64xf32> to vector<1x64xf32>
    %squeeze3A_2380 = vector.shape_cast %slice3A_2379 : vector<1x64xf32> to vector<64xf32>
    %broadcast_in_dim3A_2381 = vector.shape_cast %squeeze3A_2380 : vector<64xf32> to vector<64x1xf32>
    %add3A_2382 = vector.broadcast %broadcast_in_dim3A_2381 : vector<64x1xf32> to vector<64x128xf32>
    %add3A_2383 = arith.addf %slice3A_2378, %add3A_2382 : vector<64x128xf32>
    %swap3A_2384 = arith.constant 176 : index
    %swap3A_2385 = arith.constant 0 : index
    %swap3A_2386 = arith.constant 0 : index
    %swap3A_2387 = vector.load %arg3[%swap3A_2384, %swap3A_2385, %swap3A_2386] : memref<200x64x128xf32, #tpu.memory_space<vmem>>, vector<1x64x128xf32>
    %swap3A_2388 = vector.shape_cast %swap3A_2387 : vector<1x64x128xf32> to vector<64x128xf32>
    %swap3A_2389 = vector.shape_cast %add3A_2383 : vector<64x128xf32> to vector<1x64x128xf32>
    tpu.vector_store %arg3[%swap3A_2384, %swap3A_2385, %swap3A_2386], %swap3A_2389 {strides = array<i32>} : memref<200x64x128xf32, #tpu.memory_space<vmem>>, vector<1x64x128xf32>,
    %slice3A_2390 = vector.extract_strided_slice %transpose3A_2377 {offsets = [64, 0], sizes = [64, 128], strides = [1, 1]} : vector<128x128xf32> to vector<64x128xf32>
    %slice3A_2391 = vector.extract_strided_slice %get3A_4 {offsets = [177, 0], sizes = [1, 64], strides = [1, 1]} : vector<200x64xf32> to vector<1x64xf32>
    %squeeze3A_2392 = vector.shape_cast %slice3A_2391 : vector<1x64xf32> to vector<64xf32>
    %broadcast_in_dim3A_2393 = vector.shape_cast %squeeze3A_2392 : vector<64xf32> to vector<64x1xf32>
    %add3A_2394 = vector.broadcast %broadcast_in_dim3A_2393 : vector<64x1xf32> to vector<64x128xf32>
    %add3A_2395 = arith.addf %slice3A_2390, %add3A_2394 : vector<64x128xf32>
    %swap3A_2396 = arith.constant 177 : index
    %swap3A_2397 = arith.constant 0 : index
    %swap3A_2398 = arith.constant 0 : index
    %swap3A_2399 = vector.load %arg3[%swap3A_2396, %swap3A_2397, %swap3A_2398] : memref<200x64x128xf32, #tpu.memory_space<vmem>>, vector<1x64x128xf32>
    %swap3A_2400 = vector.shape_cast %swap3A_2399 : vector<1x64x128xf32> to vector<64x128xf32>
    %swap3A_2401 = vector.shape_cast %add3A_2395 : vector<64x128xf32> to vector<1x64x128xf32>
    tpu.vector_store %arg3[%swap3A_2396, %swap3A_2397, %swap3A_2398], %swap3A_2401 {strides = array<i32>} : memref<200x64x128xf32, #tpu.memory_space<vmem>>, vector<1x64x128xf32>,
    %slice3A_2402 = vector.extract_strided_slice %reshape3A {offsets = [0, 89, 0], sizes = [128, 1, 128], strides = [1, 1, 1]} : vector<128x100x128xf32> to vector<128x1x128xf32>
    %squeeze3A_2403 = vector.shape_cast %slice3A_2402 : vector<128x1x128xf32> to vector<128x128xf32>
    %transpose3A_2404 = tpu.transpose %squeeze3A_2403, [1, 0] : vector<128x128xf32> -> vector<128x128xf32>
    %slice3A_2405 = vector.extract_strided_slice %transpose3A_2404 {offsets = [0, 0], sizes = [64, 128], strides = [1, 1]} : vector<128x128xf32> to vector<64x128xf32>
    %slice3A_2406 = vector.extract_strided_slice %get3A_4 {offsets = [178, 0], sizes = [1, 64], strides = [1, 1]} : vector<200x64xf32> to vector<1x64xf32>
    %squeeze3A_2407 = vector.shape_cast %slice3A_2406 : vector<1x64xf32> to vector<64xf32>
    %broadcast_in_dim3A_2408 = vector.shape_cast %squeeze3A_2407 : vector<64xf32> to vector<64x1xf32>
    %add3A_2409 = vector.broadcast %broadcast_in_dim3A_2408 : vector<64x1xf32> to vector<64x128xf32>
    %add3A_2410 = arith.addf %slice3A_2405, %add3A_2409 : vector<64x128xf32>
    %swap3A_2411 = arith.constant 178 : index
    %swap3A_2412 = arith.constant 0 : index
    %swap3A_2413 = arith.constant 0 : index
    %swap3A_2414 = vector.load %arg3[%swap3A_2411, %swap3A_2412, %swap3A_2413] : memref<200x64x128xf32, #tpu.memory_space<vmem>>, vector<1x64x128xf32>
    %swap3A_2415 = vector.shape_cast %swap3A_2414 : vector<1x64x128xf32> to vector<64x128xf32>
    %swap3A_2416 = vector.shape_cast %add3A_2410 : vector<64x128xf32> to vector<1x64x128xf32>
    tpu.vector_store %arg3[%swap3A_2411, %swap3A_2412, %swap3A_2413], %swap3A_2416 {strides = array<i32>} : memref<200x64x128xf32, #tpu.memory_space<vmem>>, vector<1x64x128xf32>,
    %slice3A_2417 = vector.extract_strided_slice %transpose3A_2404 {offsets = [64, 0], sizes = [64, 128], strides = [1, 1]} : vector<128x128xf32> to vector<64x128xf32>
    %slice3A_2418 = vector.extract_strided_slice %get3A_4 {offsets = [179, 0], sizes = [1, 64], strides = [1, 1]} : vector<200x64xf32> to vector<1x64xf32>
    %squeeze3A_2419 = vector.shape_cast %slice3A_2418 : vector<1x64xf32> to vector<64xf32>
    %broadcast_in_dim3A_2420 = vector.shape_cast %squeeze3A_2419 : vector<64xf32> to vector<64x1xf32>
    %add3A_2421 = vector.broadcast %broadcast_in_dim3A_2420 : vector<64x1xf32> to vector<64x128xf32>
    %add3A_2422 = arith.addf %slice3A_2417, %add3A_2421 : vector<64x128xf32>
    %swap3A_2423 = arith.constant 179 : index
    %swap3A_2424 = arith.constant 0 : index
    %swap3A_2425 = arith.constant 0 : index
    %swap3A_2426 = vector.load %arg3[%swap3A_2423, %swap3A_2424, %swap3A_2425] : memref<200x64x128xf32, #tpu.memory_space<vmem>>, vector<1x64x128xf32>
    %swap3A_2427 = vector.shape_cast %swap3A_2426 : vector<1x64x128xf32> to vector<64x128xf32>
    %swap3A_2428 = vector.shape_cast %add3A_2422 : vector<64x128xf32> to vector<1x64x128xf32>
    tpu.vector_store %arg3[%swap3A_2423, %swap3A_2424, %swap3A_2425], %swap3A_2428 {strides = array<i32>} : memref<200x64x128xf32, #tpu.memory_space<vmem>>, vector<1x64x128xf32>,
    %slice3A_2429 = vector.extract_strided_slice %reshape3A {offsets = [0, 90, 0], sizes = [128, 1, 128], strides = [1, 1, 1]} : vector<128x100x128xf32> to vector<128x1x128xf32>
    %squeeze3A_2430 = vector.shape_cast %slice3A_2429 : vector<128x1x128xf32> to vector<128x128xf32>
    %transpose3A_2431 = tpu.transpose %squeeze3A_2430, [1, 0] : vector<128x128xf32> -> vector<128x128xf32>
    %slice3A_2432 = vector.extract_strided_slice %transpose3A_2431 {offsets = [0, 0], sizes = [64, 128], strides = [1, 1]} : vector<128x128xf32> to vector<64x128xf32>
    %slice3A_2433 = vector.extract_strided_slice %get3A_4 {offsets = [180, 0], sizes = [1, 64], strides = [1, 1]} : vector<200x64xf32> to vector<1x64xf32>
    %squeeze3A_2434 = vector.shape_cast %slice3A_2433 : vector<1x64xf32> to vector<64xf32>
    %broadcast_in_dim3A_2435 = vector.shape_cast %squeeze3A_2434 : vector<64xf32> to vector<64x1xf32>
    %add3A_2436 = vector.broadcast %broadcast_in_dim3A_2435 : vector<64x1xf32> to vector<64x128xf32>
    %add3A_2437 = arith.addf %slice3A_2432, %add3A_2436 : vector<64x128xf32>
    %swap3A_2438 = arith.constant 180 : index
    %swap3A_2439 = arith.constant 0 : index
    %swap3A_2440 = arith.constant 0 : index
    %swap3A_2441 = vector.load %arg3[%swap3A_2438, %swap3A_2439, %swap3A_2440] : memref<200x64x128xf32, #tpu.memory_space<vmem>>, vector<1x64x128xf32>
    %swap3A_2442 = vector.shape_cast %swap3A_2441 : vector<1x64x128xf32> to vector<64x128xf32>
    %swap3A_2443 = vector.shape_cast %add3A_2437 : vector<64x128xf32> to vector<1x64x128xf32>
    tpu.vector_store %arg3[%swap3A_2438, %swap3A_2439, %swap3A_2440], %swap3A_2443 {strides = array<i32>} : memref<200x64x128xf32, #tpu.memory_space<vmem>>, vector<1x64x128xf32>,
    %slice3A_2444 = vector.extract_strided_slice %transpose3A_2431 {offsets = [64, 0], sizes = [64, 128], strides = [1, 1]} : vector<128x128xf32> to vector<64x128xf32>
    %slice3A_2445 = vector.extract_strided_slice %get3A_4 {offsets = [181, 0], sizes = [1, 64], strides = [1, 1]} : vector<200x64xf32> to vector<1x64xf32>
    %squeeze3A_2446 = vector.shape_cast %slice3A_2445 : vector<1x64xf32> to vector<64xf32>
    %broadcast_in_dim3A_2447 = vector.shape_cast %squeeze3A_2446 : vector<64xf32> to vector<64x1xf32>
    %add3A_2448 = vector.broadcast %broadcast_in_dim3A_2447 : vector<64x1xf32> to vector<64x128xf32>
    %add3A_2449 = arith.addf %slice3A_2444, %add3A_2448 : vector<64x128xf32>
    %swap3A_2450 = arith.constant 181 : index
    %swap3A_2451 = arith.constant 0 : index
    %swap3A_2452 = arith.constant 0 : index
    %swap3A_2453 = vector.load %arg3[%swap3A_2450, %swap3A_2451, %swap3A_2452] : memref<200x64x128xf32, #tpu.memory_space<vmem>>, vector<1x64x128xf32>
    %swap3A_2454 = vector.shape_cast %swap3A_2453 : vector<1x64x128xf32> to vector<64x128xf32>
    %swap3A_2455 = vector.shape_cast %add3A_2449 : vector<64x128xf32> to vector<1x64x128xf32>
    tpu.vector_store %arg3[%swap3A_2450, %swap3A_2451, %swap3A_2452], %swap3A_2455 {strides = array<i32>} : memref<200x64x128xf32, #tpu.memory_space<vmem>>, vector<1x64x128xf32>,
    %slice3A_2456 = vector.extract_strided_slice %reshape3A {offsets = [0, 91, 0], sizes = [128, 1, 128], strides = [1, 1, 1]} : vector<128x100x128xf32> to vector<128x1x128xf32>
    %squeeze3A_2457 = vector.shape_cast %slice3A_2456 : vector<128x1x128xf32> to vector<128x128xf32>
    %transpose3A_2458 = tpu.transpose %squeeze3A_2457, [1, 0] : vector<128x128xf32> -> vector<128x128xf32>
    %slice3A_2459 = vector.extract_strided_slice %transpose3A_2458 {offsets = [0, 0], sizes = [64, 128], strides = [1, 1]} : vector<128x128xf32> to vector<64x128xf32>
    %slice3A_2460 = vector.extract_strided_slice %get3A_4 {offsets = [182, 0], sizes = [1, 64], strides = [1, 1]} : vector<200x64xf32> to vector<1x64xf32>
    %squeeze3A_2461 = vector.shape_cast %slice3A_2460 : vector<1x64xf32> to vector<64xf32>
    %broadcast_in_dim3A_2462 = vector.shape_cast %squeeze3A_2461 : vector<64xf32> to vector<64x1xf32>
    %add3A_2463 = vector.broadcast %broadcast_in_dim3A_2462 : vector<64x1xf32> to vector<64x128xf32>
    %add3A_2464 = arith.addf %slice3A_2459, %add3A_2463 : vector<64x128xf32>
    %swap3A_2465 = arith.constant 182 : index
    %swap3A_2466 = arith.constant 0 : index
    %swap3A_2467 = arith.constant 0 : index
    %swap3A_2468 = vector.load %arg3[%swap3A_2465, %swap3A_2466, %swap3A_2467] : memref<200x64x128xf32, #tpu.memory_space<vmem>>, vector<1x64x128xf32>
    %swap3A_2469 = vector.shape_cast %swap3A_2468 : vector<1x64x128xf32> to vector<64x128xf32>
    %swap3A_2470 = vector.shape_cast %add3A_2464 : vector<64x128xf32> to vector<1x64x128xf32>
    tpu.vector_store %arg3[%swap3A_2465, %swap3A_2466, %swap3A_2467], %swap3A_2470 {strides = array<i32>} : memref<200x64x128xf32, #tpu.memory_space<vmem>>, vector<1x64x128xf32>,
    %slice3A_2471 = vector.extract_strided_slice %transpose3A_2458 {offsets = [64, 0], sizes = [64, 128], strides = [1, 1]} : vector<128x128xf32> to vector<64x128xf32>
    %slice3A_2472 = vector.extract_strided_slice %get3A_4 {offsets = [183, 0], sizes = [1, 64], strides = [1, 1]} : vector<200x64xf32> to vector<1x64xf32>
    %squeeze3A_2473 = vector.shape_cast %slice3A_2472 : vector<1x64xf32> to vector<64xf32>
    %broadcast_in_dim3A_2474 = vector.shape_cast %squeeze3A_2473 : vector<64xf32> to vector<64x1xf32>
    %add3A_2475 = vector.broadcast %broadcast_in_dim3A_2474 : vector<64x1xf32> to vector<64x128xf32>
    %add3A_2476 = arith.addf %slice3A_2471, %add3A_2475 : vector<64x128xf32>
    %swap3A_2477 = arith.constant 183 : index
    %swap3A_2478 = arith.constant 0 : index
    %swap3A_2479 = arith.constant 0 : index
    %swap3A_2480 = vector.load %arg3[%swap3A_2477, %swap3A_2478, %swap3A_2479] : memref<200x64x128xf32, #tpu.memory_space<vmem>>, vector<1x64x128xf32>
    %swap3A_2481 = vector.shape_cast %swap3A_2480 : vector<1x64x128xf32> to vector<64x128xf32>
    %swap3A_2482 = vector.shape_cast %add3A_2476 : vector<64x128xf32> to vector<1x64x128xf32>
    tpu.vector_store %arg3[%swap3A_2477, %swap3A_2478, %swap3A_2479], %swap3A_2482 {strides = array<i32>} : memref<200x64x128xf32, #tpu.memory_space<vmem>>, vector<1x64x128xf32>,
    %slice3A_2483 = vector.extract_strided_slice %reshape3A {offsets = [0, 92, 0], sizes = [128, 1, 128], strides = [1, 1, 1]} : vector<128x100x128xf32> to vector<128x1x128xf32>
    %squeeze3A_2484 = vector.shape_cast %slice3A_2483 : vector<128x1x128xf32> to vector<128x128xf32>
    %transpose3A_2485 = tpu.transpose %squeeze3A_2484, [1, 0] : vector<128x128xf32> -> vector<128x128xf32>
    %slice3A_2486 = vector.extract_strided_slice %transpose3A_2485 {offsets = [0, 0], sizes = [64, 128], strides = [1, 1]} : vector<128x128xf32> to vector<64x128xf32>
    %slice3A_2487 = vector.extract_strided_slice %get3A_4 {offsets = [184, 0], sizes = [1, 64], strides = [1, 1]} : vector<200x64xf32> to vector<1x64xf32>
    %squeeze3A_2488 = vector.shape_cast %slice3A_2487 : vector<1x64xf32> to vector<64xf32>
    %broadcast_in_dim3A_2489 = vector.shape_cast %squeeze3A_2488 : vector<64xf32> to vector<64x1xf32>
    %add3A_2490 = vector.broadcast %broadcast_in_dim3A_2489 : vector<64x1xf32> to vector<64x128xf32>
    %add3A_2491 = arith.addf %slice3A_2486, %add3A_2490 : vector<64x128xf32>
    %swap3A_2492 = arith.constant 184 : index
    %swap3A_2493 = arith.constant 0 : index
    %swap3A_2494 = arith.constant 0 : index
    %swap3A_2495 = vector.load %arg3[%swap3A_2492, %swap3A_2493, %swap3A_2494] : memref<200x64x128xf32, #tpu.memory_space<vmem>>, vector<1x64x128xf32>
    %swap3A_2496 = vector.shape_cast %swap3A_2495 : vector<1x64x128xf32> to vector<64x128xf32>
    %swap3A_2497 = vector.shape_cast %add3A_2491 : vector<64x128xf32> to vector<1x64x128xf32>
    tpu.vector_store %arg3[%swap3A_2492, %swap3A_2493, %swap3A_2494], %swap3A_2497 {strides = array<i32>} : memref<200x64x128xf32, #tpu.memory_space<vmem>>, vector<1x64x128xf32>,
    %slice3A_2498 = vector.extract_strided_slice %transpose3A_2485 {offsets = [64, 0], sizes = [64, 128], strides = [1, 1]} : vector<128x128xf32> to vector<64x128xf32>
    %slice3A_2499 = vector.extract_strided_slice %get3A_4 {offsets = [185, 0], sizes = [1, 64], strides = [1, 1]} : vector<200x64xf32> to vector<1x64xf32>
    %squeeze3A_2500 = vector.shape_cast %slice3A_2499 : vector<1x64xf32> to vector<64xf32>
    %broadcast_in_dim3A_2501 = vector.shape_cast %squeeze3A_2500 : vector<64xf32> to vector<64x1xf32>
    %add3A_2502 = vector.broadcast %broadcast_in_dim3A_2501 : vector<64x1xf32> to vector<64x128xf32>
    %add3A_2503 = arith.addf %slice3A_2498, %add3A_2502 : vector<64x128xf32>
    %swap3A_2504 = arith.constant 185 : index
    %swap3A_2505 = arith.constant 0 : index
    %swap3A_2506 = arith.constant 0 : index
    %swap3A_2507 = vector.load %arg3[%swap3A_2504, %swap3A_2505, %swap3A_2506] : memref<200x64x128xf32, #tpu.memory_space<vmem>>, vector<1x64x128xf32>
    %swap3A_2508 = vector.shape_cast %swap3A_2507 : vector<1x64x128xf32> to vector<64x128xf32>
    %swap3A_2509 = vector.shape_cast %add3A_2503 : vector<64x128xf32> to vector<1x64x128xf32>
    tpu.vector_store %arg3[%swap3A_2504, %swap3A_2505, %swap3A_2506], %swap3A_2509 {strides = array<i32>} : memref<200x64x128xf32, #tpu.memory_space<vmem>>, vector<1x64x128xf32>,
    %slice3A_2510 = vector.extract_strided_slice %reshape3A {offsets = [0, 93, 0], sizes = [128, 1, 128], strides = [1, 1, 1]} : vector<128x100x128xf32> to vector<128x1x128xf32>
    %squeeze3A_2511 = vector.shape_cast %slice3A_2510 : vector<128x1x128xf32> to vector<128x128xf32>
    %transpose3A_2512 = tpu.transpose %squeeze3A_2511, [1, 0] : vector<128x128xf32> -> vector<128x128xf32>
    %slice3A_2513 = vector.extract_strided_slice %transpose3A_2512 {offsets = [0, 0], sizes = [64, 128], strides = [1, 1]} : vector<128x128xf32> to vector<64x128xf32>
    %slice3A_2514 = vector.extract_strided_slice %get3A_4 {offsets = [186, 0], sizes = [1, 64], strides = [1, 1]} : vector<200x64xf32> to vector<1x64xf32>
    %squeeze3A_2515 = vector.shape_cast %slice3A_2514 : vector<1x64xf32> to vector<64xf32>
    %broadcast_in_dim3A_2516 = vector.shape_cast %squeeze3A_2515 : vector<64xf32> to vector<64x1xf32>
    %add3A_2517 = vector.broadcast %broadcast_in_dim3A_2516 : vector<64x1xf32> to vector<64x128xf32>
    %add3A_2518 = arith.addf %slice3A_2513, %add3A_2517 : vector<64x128xf32>
    %swap3A_2519 = arith.constant 186 : index
    %swap3A_2520 = arith.constant 0 : index
    %swap3A_2521 = arith.constant 0 : index
    %swap3A_2522 = vector.load %arg3[%swap3A_2519, %swap3A_2520, %swap3A_2521] : memref<200x64x128xf32, #tpu.memory_space<vmem>>, vector<1x64x128xf32>
    %swap3A_2523 = vector.shape_cast %swap3A_2522 : vector<1x64x128xf32> to vector<64x128xf32>
    %swap3A_2524 = vector.shape_cast %add3A_2518 : vector<64x128xf32> to vector<1x64x128xf32>
    tpu.vector_store %arg3[%swap3A_2519, %swap3A_2520, %swap3A_2521], %swap3A_2524 {strides = array<i32>} : memref<200x64x128xf32, #tpu.memory_space<vmem>>, vector<1x64x128xf32>,
    %slice3A_2525 = vector.extract_strided_slice %transpose3A_2512 {offsets = [64, 0], sizes = [64, 128], strides = [1, 1]} : vector<128x128xf32> to vector<64x128xf32>
    %slice3A_2526 = vector.extract_strided_slice %get3A_4 {offsets = [187, 0], sizes = [1, 64], strides = [1, 1]} : vector<200x64xf32> to vector<1x64xf32>
    %squeeze3A_2527 = vector.shape_cast %slice3A_2526 : vector<1x64xf32> to vector<64xf32>
    %broadcast_in_dim3A_2528 = vector.shape_cast %squeeze3A_2527 : vector<64xf32> to vector<64x1xf32>
    %add3A_2529 = vector.broadcast %broadcast_in_dim3A_2528 : vector<64x1xf32> to vector<64x128xf32>
    %add3A_2530 = arith.addf %slice3A_2525, %add3A_2529 : vector<64x128xf32>
    %swap3A_2531 = arith.constant 187 : index
    %swap3A_2532 = arith.constant 0 : index
    %swap3A_2533 = arith.constant 0 : index
    %swap3A_2534 = vector.load %arg3[%swap3A_2531, %swap3A_2532, %swap3A_2533] : memref<200x64x128xf32, #tpu.memory_space<vmem>>, vector<1x64x128xf32>
    %swap3A_2535 = vector.shape_cast %swap3A_2534 : vector<1x64x128xf32> to vector<64x128xf32>
    %swap3A_2536 = vector.shape_cast %add3A_2530 : vector<64x128xf32> to vector<1x64x128xf32>
    tpu.vector_store %arg3[%swap3A_2531, %swap3A_2532, %swap3A_2533], %swap3A_2536 {strides = array<i32>} : memref<200x64x128xf32, #tpu.memory_space<vmem>>, vector<1x64x128xf32>,
    %slice3A_2537 = vector.extract_strided_slice %reshape3A {offsets = [0, 94, 0], sizes = [128, 1, 128], strides = [1, 1, 1]} : vector<128x100x128xf32> to vector<128x1x128xf32>
    %squeeze3A_2538 = vector.shape_cast %slice3A_2537 : vector<128x1x128xf32> to vector<128x128xf32>
    %transpose3A_2539 = tpu.transpose %squeeze3A_2538, [1, 0] : vector<128x128xf32> -> vector<128x128xf32>
    %slice3A_2540 = vector.extract_strided_slice %transpose3A_2539 {offsets = [0, 0], sizes = [64, 128], strides = [1, 1]} : vector<128x128xf32> to vector<64x128xf32>
    %slice3A_2541 = vector.extract_strided_slice %get3A_4 {offsets = [188, 0], sizes = [1, 64], strides = [1, 1]} : vector<200x64xf32> to vector<1x64xf32>
    %squeeze3A_2542 = vector.shape_cast %slice3A_2541 : vector<1x64xf32> to vector<64xf32>
    %broadcast_in_dim3A_2543 = vector.shape_cast %squeeze3A_2542 : vector<64xf32> to vector<64x1xf32>
    %add3A_2544 = vector.broadcast %broadcast_in_dim3A_2543 : vector<64x1xf32> to vector<64x128xf32>
    %add3A_2545 = arith.addf %slice3A_2540, %add3A_2544 : vector<64x128xf32>
    %swap3A_2546 = arith.constant 188 : index
    %swap3A_2547 = arith.constant 0 : index
    %swap3A_2548 = arith.constant 0 : index
    %swap3A_2549 = vector.load %arg3[%swap3A_2546, %swap3A_2547, %swap3A_2548] : memref<200x64x128xf32, #tpu.memory_space<vmem>>, vector<1x64x128xf32>
    %swap3A_2550 = vector.shape_cast %swap3A_2549 : vector<1x64x128xf32> to vector<64x128xf32>
    %swap3A_2551 = vector.shape_cast %add3A_2545 : vector<64x128xf32> to vector<1x64x128xf32>
    tpu.vector_store %arg3[%swap3A_2546, %swap3A_2547, %swap3A_2548], %swap3A_2551 {strides = array<i32>} : memref<200x64x128xf32, #tpu.memory_space<vmem>>, vector<1x64x128xf32>,
    %slice3A_2552 = vector.extract_strided_slice %transpose3A_2539 {offsets = [64, 0], sizes = [64, 128], strides = [1, 1]} : vector<128x128xf32> to vector<64x128xf32>
    %slice3A_2553 = vector.extract_strided_slice %get3A_4 {offsets = [189, 0], sizes = [1, 64], strides = [1, 1]} : vector<200x64xf32> to vector<1x64xf32>
    %squeeze3A_2554 = vector.shape_cast %slice3A_2553 : vector<1x64xf32> to vector<64xf32>
    %broadcast_in_dim3A_2555 = vector.shape_cast %squeeze3A_2554 : vector<64xf32> to vector<64x1xf32>
    %add3A_2556 = vector.broadcast %broadcast_in_dim3A_2555 : vector<64x1xf32> to vector<64x128xf32>
    %add3A_2557 = arith.addf %slice3A_2552, %add3A_2556 : vector<64x128xf32>
    %swap3A_2558 = arith.constant 189 : index
    %swap3A_2559 = arith.constant 0 : index
    %swap3A_2560 = arith.constant 0 : index
    %swap3A_2561 = vector.load %arg3[%swap3A_2558, %swap3A_2559, %swap3A_2560] : memref<200x64x128xf32, #tpu.memory_space<vmem>>, vector<1x64x128xf32>
    %swap3A_2562 = vector.shape_cast %swap3A_2561 : vector<1x64x128xf32> to vector<64x128xf32>
    %swap3A_2563 = vector.shape_cast %add3A_2557 : vector<64x128xf32> to vector<1x64x128xf32>
    tpu.vector_store %arg3[%swap3A_2558, %swap3A_2559, %swap3A_2560], %swap3A_2563 {strides = array<i32>} : memref<200x64x128xf32, #tpu.memory_space<vmem>>, vector<1x64x128xf32>,
    %slice3A_2564 = vector.extract_strided_slice %reshape3A {offsets = [0, 95, 0], sizes = [128, 1, 128], strides = [1, 1, 1]} : vector<128x100x128xf32> to vector<128x1x128xf32>
    %squeeze3A_2565 = vector.shape_cast %slice3A_2564 : vector<128x1x128xf32> to vector<128x128xf32>
    %transpose3A_2566 = tpu.transpose %squeeze3A_2565, [1, 0] : vector<128x128xf32> -> vector<128x128xf32>
    %slice3A_2567 = vector.extract_strided_slice %transpose3A_2566 {offsets = [0, 0], sizes = [64, 128], strides = [1, 1]} : vector<128x128xf32> to vector<64x128xf32>
    %slice3A_2568 = vector.extract_strided_slice %get3A_4 {offsets = [190, 0], sizes = [1, 64], strides = [1, 1]} : vector<200x64xf32> to vector<1x64xf32>
    %squeeze3A_2569 = vector.shape_cast %slice3A_2568 : vector<1x64xf32> to vector<64xf32>
    %broadcast_in_dim3A_2570 = vector.shape_cast %squeeze3A_2569 : vector<64xf32> to vector<64x1xf32>
    %add3A_2571 = vector.broadcast %broadcast_in_dim3A_2570 : vector<64x1xf32> to vector<64x128xf32>
    %add3A_2572 = arith.addf %slice3A_2567, %add3A_2571 : vector<64x128xf32>
    %swap3A_2573 = arith.constant 190 : index
    %swap3A_2574 = arith.constant 0 : index
    %swap3A_2575 = arith.constant 0 : index
    %swap3A_2576 = vector.load %arg3[%swap3A_2573, %swap3A_2574, %swap3A_2575] : memref<200x64x128xf32, #tpu.memory_space<vmem>>, vector<1x64x128xf32>
    %swap3A_2577 = vector.shape_cast %swap3A_2576 : vector<1x64x128xf32> to vector<64x128xf32>
    %swap3A_2578 = vector.shape_cast %add3A_2572 : vector<64x128xf32> to vector<1x64x128xf32>
    tpu.vector_store %arg3[%swap3A_2573, %swap3A_2574, %swap3A_2575], %swap3A_2578 {strides = array<i32>} : memref<200x64x128xf32, #tpu.memory_space<vmem>>, vector<1x64x128xf32>,
    %slice3A_2579 = vector.extract_strided_slice %transpose3A_2566 {offsets = [64, 0], sizes = [64, 128], strides = [1, 1]} : vector<128x128xf32> to vector<64x128xf32>
    %slice3A_2580 = vector.extract_strided_slice %get3A_4 {offsets = [191, 0], sizes = [1, 64], strides = [1, 1]} : vector<200x64xf32> to vector<1x64xf32>
    %squeeze3A_2581 = vector.shape_cast %slice3A_2580 : vector<1x64xf32> to vector<64xf32>
    %broadcast_in_dim3A_2582 = vector.shape_cast %squeeze3A_2581 : vector<64xf32> to vector<64x1xf32>
    %add3A_2583 = vector.broadcast %broadcast_in_dim3A_2582 : vector<64x1xf32> to vector<64x128xf32>
    %add3A_2584 = arith.addf %slice3A_2579, %add3A_2583 : vector<64x128xf32>
    %swap3A_2585 = arith.constant 191 : index
    %swap3A_2586 = arith.constant 0 : index
    %swap3A_2587 = arith.constant 0 : index
    %swap3A_2588 = vector.load %arg3[%swap3A_2585, %swap3A_2586, %swap3A_2587] : memref<200x64x128xf32, #tpu.memory_space<vmem>>, vector<1x64x128xf32>
    %swap3A_2589 = vector.shape_cast %swap3A_2588 : vector<1x64x128xf32> to vector<64x128xf32>
    %swap3A_2590 = vector.shape_cast %add3A_2584 : vector<64x128xf32> to vector<1x64x128xf32>
    tpu.vector_store %arg3[%swap3A_2585, %swap3A_2586, %swap3A_2587], %swap3A_2590 {strides = array<i32>} : memref<200x64x128xf32, #tpu.memory_space<vmem>>, vector<1x64x128xf32>,
    %slice3A_2591 = vector.extract_strided_slice %reshape3A {offsets = [0, 96, 0], sizes = [128, 1, 128], strides = [1, 1, 1]} : vector<128x100x128xf32> to vector<128x1x128xf32>
    %squeeze3A_2592 = vector.shape_cast %slice3A_2591 : vector<128x1x128xf32> to vector<128x128xf32>
    %transpose3A_2593 = tpu.transpose %squeeze3A_2592, [1, 0] : vector<128x128xf32> -> vector<128x128xf32>
    %slice3A_2594 = vector.extract_strided_slice %transpose3A_2593 {offsets = [0, 0], sizes = [64, 128], strides = [1, 1]} : vector<128x128xf32> to vector<64x128xf32>
    %slice3A_2595 = vector.extract_strided_slice %get3A_4 {offsets = [192, 0], sizes = [1, 64], strides = [1, 1]} : vector<200x64xf32> to vector<1x64xf32>
    %squeeze3A_2596 = vector.shape_cast %slice3A_2595 : vector<1x64xf32> to vector<64xf32>
    %broadcast_in_dim3A_2597 = vector.shape_cast %squeeze3A_2596 : vector<64xf32> to vector<64x1xf32>
    %add3A_2598 = vector.broadcast %broadcast_in_dim3A_2597 : vector<64x1xf32> to vector<64x128xf32>
    %add3A_2599 = arith.addf %slice3A_2594, %add3A_2598 : vector<64x128xf32>
    %swap3A_2600 = arith.constant 192 : index
    %swap3A_2601 = arith.constant 0 : index
    %swap3A_2602 = arith.constant 0 : index
    %swap3A_2603 = vector.load %arg3[%swap3A_2600, %swap3A_2601, %swap3A_2602] : memref<200x64x128xf32, #tpu.memory_space<vmem>>, vector<1x64x128xf32>
    %swap3A_2604 = vector.shape_cast %swap3A_2603 : vector<1x64x128xf32> to vector<64x128xf32>
    %swap3A_2605 = vector.shape_cast %add3A_2599 : vector<64x128xf32> to vector<1x64x128xf32>
    tpu.vector_store %arg3[%swap3A_2600, %swap3A_2601, %swap3A_2602], %swap3A_2605 {strides = array<i32>} : memref<200x64x128xf32, #tpu.memory_space<vmem>>, vector<1x64x128xf32>,
    %slice3A_2606 = vector.extract_strided_slice %transpose3A_2593 {offsets = [64, 0], sizes = [64, 128], strides = [1, 1]} : vector<128x128xf32> to vector<64x128xf32>
    %slice3A_2607 = vector.extract_strided_slice %get3A_4 {offsets = [193, 0], sizes = [1, 64], strides = [1, 1]} : vector<200x64xf32> to vector<1x64xf32>
    %squeeze3A_2608 = vector.shape_cast %slice3A_2607 : vector<1x64xf32> to vector<64xf32>
    %broadcast_in_dim3A_2609 = vector.shape_cast %squeeze3A_2608 : vector<64xf32> to vector<64x1xf32>
    %add3A_2610 = vector.broadcast %broadcast_in_dim3A_2609 : vector<64x1xf32> to vector<64x128xf32>
    %add3A_2611 = arith.addf %slice3A_2606, %add3A_2610 : vector<64x128xf32>
    %swap3A_2612 = arith.constant 193 : index
    %swap3A_2613 = arith.constant 0 : index
    %swap3A_2614 = arith.constant 0 : index
    %swap3A_2615 = vector.load %arg3[%swap3A_2612, %swap3A_2613, %swap3A_2614] : memref<200x64x128xf32, #tpu.memory_space<vmem>>, vector<1x64x128xf32>
    %swap3A_2616 = vector.shape_cast %swap3A_2615 : vector<1x64x128xf32> to vector<64x128xf32>
    %swap3A_2617 = vector.shape_cast %add3A_2611 : vector<64x128xf32> to vector<1x64x128xf32>
    tpu.vector_store %arg3[%swap3A_2612, %swap3A_2613, %swap3A_2614], %swap3A_2617 {strides = array<i32>} : memref<200x64x128xf32, #tpu.memory_space<vmem>>, vector<1x64x128xf32>,
    %slice3A_2618 = vector.extract_strided_slice %reshape3A {offsets = [0, 97, 0], sizes = [128, 1, 128], strides = [1, 1, 1]} : vector<128x100x128xf32> to vector<128x1x128xf32>
    %squeeze3A_2619 = vector.shape_cast %slice3A_2618 : vector<128x1x128xf32> to vector<128x128xf32>
    %transpose3A_2620 = tpu.transpose %squeeze3A_2619, [1, 0] : vector<128x128xf32> -> vector<128x128xf32>
    %slice3A_2621 = vector.extract_strided_slice %transpose3A_2620 {offsets = [0, 0], sizes = [64, 128], strides = [1, 1]} : vector<128x128xf32> to vector<64x128xf32>
    %slice3A_2622 = vector.extract_strided_slice %get3A_4 {offsets = [194, 0], sizes = [1, 64], strides = [1, 1]} : vector<200x64xf32> to vector<1x64xf32>
    %squeeze3A_2623 = vector.shape_cast %slice3A_2622 : vector<1x64xf32> to vector<64xf32>
    %broadcast_in_dim3A_2624 = vector.shape_cast %squeeze3A_2623 : vector<64xf32> to vector<64x1xf32>
    %add3A_2625 = vector.broadcast %broadcast_in_dim3A_2624 : vector<64x1xf32> to vector<64x128xf32>
    %add3A_2626 = arith.addf %slice3A_2621, %add3A_2625 : vector<64x128xf32>
    %swap3A_2627 = arith.constant 194 : index
    %swap3A_2628 = arith.constant 0 : index
    %swap3A_2629 = arith.constant 0 : index
    %swap3A_2630 = vector.load %arg3[%swap3A_2627, %swap3A_2628, %swap3A_2629] : memref<200x64x128xf32, #tpu.memory_space<vmem>>, vector<1x64x128xf32>
    %swap3A_2631 = vector.shape_cast %swap3A_2630 : vector<1x64x128xf32> to vector<64x128xf32>
    %swap3A_2632 = vector.shape_cast %add3A_2626 : vector<64x128xf32> to vector<1x64x128xf32>
    tpu.vector_store %arg3[%swap3A_2627, %swap3A_2628, %swap3A_2629], %swap3A_2632 {strides = array<i32>} : memref<200x64x128xf32, #tpu.memory_space<vmem>>, vector<1x64x128xf32>,
    %slice3A_2633 = vector.extract_strided_slice %transpose3A_2620 {offsets = [64, 0], sizes = [64, 128], strides = [1, 1]} : vector<128x128xf32> to vector<64x128xf32>
    %slice3A_2634 = vector.extract_strided_slice %get3A_4 {offsets = [195, 0], sizes = [1, 64], strides = [1, 1]} : vector<200x64xf32> to vector<1x64xf32>
    %squeeze3A_2635 = vector.shape_cast %slice3A_2634 : vector<1x64xf32> to vector<64xf32>
    %broadcast_in_dim3A_2636 = vector.shape_cast %squeeze3A_2635 : vector<64xf32> to vector<64x1xf32>
    %add3A_2637 = vector.broadcast %broadcast_in_dim3A_2636 : vector<64x1xf32> to vector<64x128xf32>
    %add3A_2638 = arith.addf %slice3A_2633, %add3A_2637 : vector<64x128xf32>
    %swap3A_2639 = arith.constant 195 : index
    %swap3A_2640 = arith.constant 0 : index
    %swap3A_2641 = arith.constant 0 : index
    %swap3A_2642 = vector.load %arg3[%swap3A_2639, %swap3A_2640, %swap3A_2641] : memref<200x64x128xf32, #tpu.memory_space<vmem>>, vector<1x64x128xf32>
    %swap3A_2643 = vector.shape_cast %swap3A_2642 : vector<1x64x128xf32> to vector<64x128xf32>
    %swap3A_2644 = vector.shape_cast %add3A_2638 : vector<64x128xf32> to vector<1x64x128xf32>
    tpu.vector_store %arg3[%swap3A_2639, %swap3A_2640, %swap3A_2641], %swap3A_2644 {strides = array<i32>} : memref<200x64x128xf32, #tpu.memory_space<vmem>>, vector<1x64x128xf32>,
    %slice3A_2645 = vector.extract_strided_slice %reshape3A {offsets = [0, 98, 0], sizes = [128, 1, 128], strides = [1, 1, 1]} : vector<128x100x128xf32> to vector<128x1x128xf32>
    %squeeze3A_2646 = vector.shape_cast %slice3A_2645 : vector<128x1x128xf32> to vector<128x128xf32>
    %transpose3A_2647 = tpu.transpose %squeeze3A_2646, [1, 0] : vector<128x128xf32> -> vector<128x128xf32>
    %slice3A_2648 = vector.extract_strided_slice %transpose3A_2647 {offsets = [0, 0], sizes = [64, 128], strides = [1, 1]} : vector<128x128xf32> to vector<64x128xf32>
    %slice3A_2649 = vector.extract_strided_slice %get3A_4 {offsets = [196, 0], sizes = [1, 64], strides = [1, 1]} : vector<200x64xf32> to vector<1x64xf32>
    %squeeze3A_2650 = vector.shape_cast %slice3A_2649 : vector<1x64xf32> to vector<64xf32>
    %broadcast_in_dim3A_2651 = vector.shape_cast %squeeze3A_2650 : vector<64xf32> to vector<64x1xf32>
    %add3A_2652 = vector.broadcast %broadcast_in_dim3A_2651 : vector<64x1xf32> to vector<64x128xf32>
    %add3A_2653 = arith.addf %slice3A_2648, %add3A_2652 : vector<64x128xf32>
    %swap3A_2654 = arith.constant 196 : index
    %swap3A_2655 = arith.constant 0 : index
    %swap3A_2656 = arith.constant 0 : index
    %swap3A_2657 = vector.load %arg3[%swap3A_2654, %swap3A_2655, %swap3A_2656] : memref<200x64x128xf32, #tpu.memory_space<vmem>>, vector<1x64x128xf32>
    %swap3A_2658 = vector.shape_cast %swap3A_2657 : vector<1x64x128xf32> to vector<64x128xf32>
    %swap3A_2659 = vector.shape_cast %add3A_2653 : vector<64x128xf32> to vector<1x64x128xf32>
    tpu.vector_store %arg3[%swap3A_2654, %swap3A_2655, %swap3A_2656], %swap3A_2659 {strides = array<i32>} : memref<200x64x128xf32, #tpu.memory_space<vmem>>, vector<1x64x128xf32>,
    %slice3A_2660 = vector.extract_strided_slice %transpose3A_2647 {offsets = [64, 0], sizes = [64, 128], strides = [1, 1]} : vector<128x128xf32> to vector<64x128xf32>
    %slice3A_2661 = vector.extract_strided_slice %get3A_4 {offsets = [197, 0], sizes = [1, 64], strides = [1, 1]} : vector<200x64xf32> to vector<1x64xf32>
    %squeeze3A_2662 = vector.shape_cast %slice3A_2661 : vector<1x64xf32> to vector<64xf32>
    %broadcast_in_dim3A_2663 = vector.shape_cast %squeeze3A_2662 : vector<64xf32> to vector<64x1xf32>
    %add3A_2664 = vector.broadcast %broadcast_in_dim3A_2663 : vector<64x1xf32> to vector<64x128xf32>
    %add3A_2665 = arith.addf %slice3A_2660, %add3A_2664 : vector<64x128xf32>
    %swap3A_2666 = arith.constant 197 : index
    %swap3A_2667 = arith.constant 0 : index
    %swap3A_2668 = arith.constant 0 : index
    %swap3A_2669 = vector.load %arg3[%swap3A_2666, %swap3A_2667, %swap3A_2668] : memref<200x64x128xf32, #tpu.memory_space<vmem>>, vector<1x64x128xf32>
    %swap3A_2670 = vector.shape_cast %swap3A_2669 : vector<1x64x128xf32> to vector<64x128xf32>
    %swap3A_2671 = vector.shape_cast %add3A_2665 : vector<64x128xf32> to vector<1x64x128xf32>
    tpu.vector_store %arg3[%swap3A_2666, %swap3A_2667, %swap3A_2668], %swap3A_2671 {strides = array<i32>} : memref<200x64x128xf32, #tpu.memory_space<vmem>>, vector<1x64x128xf32>,
    %slice3A_2672 = vector.extract_strided_slice %reshape3A {offsets = [0, 99, 0], sizes = [128, 1, 128], strides = [1, 1, 1]} : vector<128x100x128xf32> to vector<128x1x128xf32>
    %squeeze3A_2673 = vector.shape_cast %slice3A_2672 : vector<128x1x128xf32> to vector<128x128xf32>
    %transpose3A_2674 = tpu.transpose %squeeze3A_2673, [1, 0] : vector<128x128xf32> -> vector<128x128xf32>
    %slice3A_2675 = vector.extract_strided_slice %transpose3A_2674 {offsets = [0, 0], sizes = [64, 128], strides = [1, 1]} : vector<128x128xf32> to vector<64x128xf32>
    %slice3A_2676 = vector.extract_strided_slice %get3A_4 {offsets = [198, 0], sizes = [1, 64], strides = [1, 1]} : vector<200x64xf32> to vector<1x64xf32>
    %squeeze3A_2677 = vector.shape_cast %slice3A_2676 : vector<1x64xf32> to vector<64xf32>
    %broadcast_in_dim3A_2678 = vector.shape_cast %squeeze3A_2677 : vector<64xf32> to vector<64x1xf32>
    %add3A_2679 = vector.broadcast %broadcast_in_dim3A_2678 : vector<64x1xf32> to vector<64x128xf32>
    %add3A_2680 = arith.addf %slice3A_2675, %add3A_2679 : vector<64x128xf32>
    %swap3A_2681 = arith.constant 198 : index
    %swap3A_2682 = arith.constant 0 : index
    %swap3A_2683 = arith.constant 0 : index
    %swap3A_2684 = vector.load %arg3[%swap3A_2681, %swap3A_2682, %swap3A_2683] : memref<200x64x128xf32, #tpu.memory_space<vmem>>, vector<1x64x128xf32>
    %swap3A_2685 = vector.shape_cast %swap3A_2684 : vector<1x64x128xf32> to vector<64x128xf32>
    %swap3A_2686 = vector.shape_cast %add3A_2680 : vector<64x128xf32> to vector<1x64x128xf32>
    tpu.vector_store %arg3[%swap3A_2681, %swap3A_2682, %swap3A_2683], %swap3A_2686 {strides = array<i32>} : memref<200x64x128xf32, #tpu.memory_space<vmem>>, vector<1x64x128xf32>,
    %slice3A_2687 = vector.extract_strided_slice %transpose3A_2674 {offsets = [64, 0], sizes = [64, 128], strides = [1, 1]} : vector<128x128xf32> to vector<64x128xf32>
    %slice3A_2688 = vector.extract_strided_slice %get3A_4 {offsets = [199, 0], sizes = [1, 64], strides = [1, 1]} : vector<200x64xf32> to vector<1x64xf32>
    %squeeze3A_2689 = vector.shape_cast %slice3A_2688 : vector<1x64xf32> to vector<64xf32>
    %broadcast_in_dim3A_2690 = vector.shape_cast %squeeze3A_2689 : vector<64xf32> to vector<64x1xf32>
    %add3A_2691 = vector.broadcast %broadcast_in_dim3A_2690 : vector<64x1xf32> to vector<64x128xf32>
    %add3A_2692 = arith.addf %slice3A_2687, %add3A_2691 : vector<64x128xf32>
    %swap3A_2693 = arith.constant 199 : index
    %swap3A_2694 = arith.constant 0 : index
    %swap3A_2695 = arith.constant 0 : index
    %swap3A_2696 = vector.load %arg3[%swap3A_2693, %swap3A_2694, %swap3A_2695] : memref<200x64x128xf32, #tpu.memory_space<vmem>>, vector<1x64x128xf32>
    %swap3A_2697 = vector.shape_cast %swap3A_2696 : vector<1x64x128xf32> to vector<64x128xf32>
    %swap3A_2698 = vector.shape_cast %add3A_2692 : vector<64x128xf32> to vector<1x64x128xf32>
    tpu.vector_store %arg3[%swap3A_2693, %swap3A_2694, %swap3A_2695], %swap3A_2698 {strides = array<i32>} : memref<200x64x128xf32, #tpu.memory_space<vmem>>, vector<1x64x128xf32>,
    return
  }
  func.func @transform_0(%arg0: i32) -> (i32, i32) {
    %c0_i32 = arith.constant 0 : i32
    %c0_i32_0 = arith.constant 0 : i32
    return %arg0, %c0_i32 : i32, i32
  }
  func.func @transform_1(%arg0: i32) -> (i32, i32) {
    %c0_i32 = arith.constant 0 : i32
    %c0_i32_0 = arith.constant 0 : i32
    %c0_i32_1 = arith.constant 0 : i32
    return %c0_i32, %c0_i32_0 : i32, i32
  }
  func.func @transform_2(%arg0: i32) -> (i32, i32, i32) {
    %c0_i32 = arith.constant 0 : i32
    %c0_i32_0 = arith.constant 0 : i32
    %c0_i32_1 = arith.constant 0 : i32
    return %c0_i32, %c0_i32_0, %arg0 : i32, i32, i32
  }
}

</mosaic_0001>

<sc_bundles>
// kernel: kernel.5.cloned.1.call-start
scs
__scs_entry_jumppad:
0x0: {  	(pc) =	sbr.rel $0x88, $3  }
0x1: {  	(tag) =	ssettag $0x0;
	lr =	simm.s32 $0x1  }
0x2: {  	[smem:$0x3F9E] =	sst lr;
	_ =	strace $0xD0000000  }
0x3: {  	_ = 	snop  }
0x4: {  	_ = 	snop  }
0x5: {  	_ = 	snop  }
0x6: {  	_ = 	snop  }
0x7: {  	_ = 	snop  }
__scs_overlays_trampoline_lowered:
0x8: {  	[smem:$0x3FAD] =	sst s0  }
0x9: {  	[smem:$0x3FAE] =	sst s1  }
0xa: {  	[smem:$0x3FAF] =	sst s2  }
0xb: {  	[smem:$0x3FB0] =	sst s3  }
0xc: {  	[smem:$0x3FB1] =	sst s4  }
0xd: {  	[smem:$0x3FB2] =	sst s5  }
0xe: {  	[smem:$0x3FB3] =	sst s6  }
0xf: {  	[smem:$0x3FB4] =	sst s7  }
0x10: {  	[smem:$0x3FB5] =	sst s8  }
0x11: {  	[smem:$0x3FB6] =	sst s9;
	s0 =	simm.s32 @!p0 $0x0  }
0x12: {  	s1 =	sld [smem:$0x3F9C];
	s0 =	simm.s32 @p0 $0x1  }
0x13: {  	[smem:$0x3FB7] =	sst s0;
	s0 =	simm.s32 @!p1 $0x0  }
0x14: {  	s2 =	sld [smem:$0x3F9B];
	s0 =	simm.s32 @p1 $0x1  }
0x15: {  	[smem:$0x3FB8] =	sst s0;
	s0 =	simm.s32 @!p2 $0x0  }
0x16: {  	s3 =	sld [smem:$0x3FDB];
	s0 =	simm.s32 @p2 $0x1  }
0x17: {  	s4 =	simm.s32 $0x1BF5;
	[smem:$0x3FBA] =	sst s0  }
0x18: {  	s0 =	sld [smem:$0x3F9D];
	_ =	swait.ge [sflag:s4], $0x0  }
0x19: {  	s7 =	sld [smem:$0x3F9E]  }
0x1a: {  	s8 =	sadd.s32 $0xFFFFE003, lr  }
0x1b: {  	s9 =	sadd.s32 $0xFFFFFEF7, lr;
	s5 =	simm.s32 $0xFFFFFFFF;
	p2 =	slt.u32 s8, $0xFFFFF086  }
0x1c: {  	p1 =	slt.u32 s9, $0xF7A;
	s5 =	simm.s32 @!p2 $0x0  }
0x1d: {  	s5 =	simm.s32 @p1 $0x1;
	p0 =	seq.s32 s7, s2  }
0x1e: {  	s7 =	smul.u32 @!p0 $0xF7A, s2;
	p2 =	seq.s32 @!p0 s5, $0x0  }
0x1f: {  	s9 =	smul.u32 $0xF7A, s1;
	s8 =	simm.s32 @!p0 $0x1BF5;
	p2 =	por !p2, p0  }
0x20: {  	[sflag:s8] =	ssyncset.s32 @!p0 $0xFFFFF086;
	s6 =	sadd.s32 @!p0 s3, s7;
	s7 =	simm.s32 @!p0 $0x108  }
0x21: {  	s3 =	sadd.s32 s3, s9;
	s6 =	sadd.s32 @!p0 $0x88, s6;
	s7 =	simm.s32 @p2 $0x1082  }
0x22: {  	[simem:s7], [sflag:s8] =	dma.local @!p0 [hbm:s6], $0xF7A  }
0x23: {  	s9 =	sor.u32 $0xD0000000, s2;
	s6 =	simm.s32 $0x108;
	_ =	swait.ge @!p0 [sflag:s8], $0x0  }
0x24: {  	s3 =	sadd.s32 $0x88, s3;
	s6 =	simm.s32 @!p1 $0x1082;
	[sflag:s4] =	ssyncset.s32 $0xFFFFF086  }
0x25: {  	[simem:s6], [sflag:s4] =	dma.local [hbm:s3], $0xF7A  }
0x26: {  	[smem:$0x3F9E] =	sst s1;
	(tag) =	ssettag s2;
	_ =	strace s9  }
0x27: {  	s1 =	sld [smem:$0x3FAE]  }
0x28: {  	s2 =	sld [smem:$0x3FAF]  }
0x29: {  	s4 =	sld [smem:$0x3FB1]  }
0x2a: {  	p0 =	seq.s32 s5, $0x0;
	s5 =	sld [smem:$0x3FB2]  }
0x2b: {  	s6 =	sld [smem:$0x3FB3]  }
0x2c: {  	s7 =	sld [smem:$0x3FB4]  }
0x2d: {  	s3 =	simm.s32 $0x108;
	s8 =	sld [smem:$0x3FB5]  }
0x2e: {  	s3 =	simm.s32 @!p0 $0x1082;
	s9 =	sld [smem:$0x3FB6]  }
0x2f: {  	lr =	sadd.s32 s0, s3;
	s0 =	sld [smem:$0x3FAD]  }
0x30: {  	s3 =	sld [smem:$0x3FB0]  }
0x31: {  	[smem:$0x3FB9] =	sst s10  }
0x32: {  	s10 =	sld [smem:$0x3FB7];
	_ =	sdelay $0x3  }
0x33: {  	p0 =	seq.s32 s10, $0x1;
	s10 =	sld [smem:$0x3FB9];
	_ =	sdelay $0x3  }
0x34: {  	[smem:$0x3FB9] =	sst s10  }
0x35: {  	s10 =	sld [smem:$0x3FB8];
	_ =	sdelay $0x3  }
0x36: {  	p1 =	seq.s32 s10, $0x1;
	s10 =	sld [smem:$0x3FB9];
	_ =	sdelay $0x3  }
0x37: {  	[smem:$0x3FB9] =	sst s10  }
0x38: {  	s10 =	sld [smem:$0x3FBA]  }
0x39: {  	_ = 	snop;
	(pc) =	sbr.ind lr, $3  }
0x3a: {  	_ = 	snop  }
0x3b: {  	_ = 	snop  }
0x3c: {  	p2 =	seq.s32 s10, $0x1;
	s10 =	sld [smem:$0x3FB9]  }
0x3d: {  	_ =	shalt  }
0x3e: {  	_ =	shalt  }
0x3f: {  	_ =	shalt  }
0x40: {  	_ =	shalt  }
0x41: {  	_ =	shalt  }
0x42: {  	_ =	shalt  }
0x43: {  	_ =	shalt  }
0x44: {  	_ =	shalt  }
0x45: {  	_ =	shalt  }
0x46: {  	_ =	shalt  }
0x47: {  	_ =	shalt  }
0x48: {  	_ =	shalt  }
0x49: {  	_ =	shalt  }
0x4a: {  	_ =	shalt  }
0x4b: {  	_ =	shalt  }
0x4c: {  	_ =	shalt  }
0x4d: {  	_ =	shalt  }
0x4e: {  	_ =	shalt  }
0x4f: {  	_ =	shalt  }
0x50: {  	_ =	shalt  }
0x51: {  	_ =	shalt  }
0x52: {  	_ =	shalt  }
0x53: {  	_ =	shalt  }
0x54: {  	_ =	shalt  }
0x55: {  	_ =	shalt  }
0x56: {  	_ =	shalt  }
0x57: {  	_ =	shalt  }
0x58: {  	_ =	shalt  }
0x59: {  	_ =	shalt  }
0x5a: {  	_ =	shalt  }
0x5b: {  	_ =	shalt  }
0x5c: {  	_ =	shalt  }
0x5d: {  	_ =	shalt  }
0x5e: {  	_ =	shalt  }
0x5f: {  	_ =	shalt  }
0x60: {  	_ =	shalt  }
0x61: {  	_ =	shalt  }
0x62: {  	_ =	shalt  }
0x63: {  	_ =	shalt  }
0x64: {  	_ =	shalt  }
0x65: {  	_ =	shalt  }
0x66: {  	_ =	shalt  }
0x67: {  	_ =	shalt  }
0x68: {  	_ =	shalt  }
0x69: {  	_ =	shalt  }
0x6a: {  	_ =	shalt  }
0x6b: {  	_ =	shalt  }
0x6c: {  	_ =	shalt  }
0x6d: {  	_ =	shalt  }
0x6e: {  	_ =	shalt  }
0x6f: {  	_ =	shalt  }
0x70: {  	_ =	shalt  }
0x71: {  	_ =	shalt  }
0x72: {  	_ =	shalt  }
0x73: {  	_ =	shalt  }
0x74: {  	_ =	shalt  }
0x75: {  	_ =	shalt  }
0x76: {  	_ =	shalt  }
0x77: {  	_ =	shalt  }
0x78: {  	_ =	shalt  }
0x79: {  	_ =	shalt  }
0x7a: {  	_ =	shalt  }
0x7b: {  	_ =	shalt  }
0x7c: {  	_ =	shalt  }
0x7d: {  	_ =	shalt  }
0x7e: {  	_ =	shalt  }
0x7f: {  	_ =	shalt  }
0x80: {  	_ =	shalt  }
0x81: {  	_ =	shalt  }
0x82: {  	_ =	shalt  }
0x83: {  	_ =	shalt  }
0x84: {  	_ =	shalt  }
0x85: {  	_ =	shalt  }
0x86: {  	_ =	shalt  }
0x87: {  	_ =	shalt  }
.Lfunc_end0:
.L_simem_size_0:
called_computation_lowered:
.L_overlay_start_0:
0x88: {  	s2 =	sld [smem:$0x3FD9]  }
0x89: {  	s3 =	sld [smem:$0x3FFE];
	_ =	sdelay $0x1  }
0x8a: {  	s1 =	srdreg.scid  }
0x8b: {  	s0 =	sand.u32 $0x1, s1  }
0x8c: {  	s17 =	sshll.u32 s0, $0xA;
	s2 =	sadd.s32 s3, s2  }
0x8d: {  	s2 =	sadd.s32 s2, s17  }
0x8e: {  	[smem:$0x3FC5] =	sst s2  }
0x8f: {  	_ = 	snop  }
0x90: {  	s2 =	sld [smem:$0x3FD0];
	(tm) =	ssettm $0x1  }
0x91: {  	s18 =	sld [smem:$0x3FFB];
	_ =	sdelay $0x3  }
0x92: {  	_ =	strace s18  }
0x93: {  	s3 =	sld [smem:$0x3FFC];
	_ =	sdelay $0x3  }
0x94: {  	_ =	strace s3  }
0x95: {  	s3 =	sld [smem:$0x3FFD];
	_ =	sdelay $0x3  }
0x96: {  	_ =	strace s3  }
0x97: {  	_ =	strace $0x8FFFFFFF  }
0x98: {  	s19 =	sld [smem:$0x3FDB];
	_ =	sdelay $0x1  }
0x99: {  	s4 =	simm.s32 $_scs_section_size  }
0x9a: {  	s5 =	simm.s32 $_size__tile_overlayer_lowered;
	s6 =	simm.s32 $_tile_overlayer_lowered  }
0x9b: {  	s22 =	simm.s32 $0x1BFF;
	s21 =	sshll.u32 s6, $0x1;
	s3 =	sadd.s32 s4, s19  }
0x9c: {  	s7 =	simm.s32 $0x0;
	s20 =	sshll.u32 s5, $0x1;
	s5 =	sadd.s32 s21, s3  }
0x9d: {  	[timem:s7], [sflag:s22] =	dma.local [hbm:s5], s20  }
0x9e: {  	_ =	swait.ge [sflag:s22], s20  }
0x9f: {  	s4 =	ssub.s32 $0x0, s20;
	[sflag:s22] =	ssyncset.done $0x0  }
0xa0: {  	[sflag:s22] =	ssyncadd.s32 s4;
	_ =	sdelay $0x1  }
0xa1: {  	s23 =	simm.s32 $0x1B8B  }
0xa2: {  	_ =	swait.ge [sflag:s23], $0x1  }
0xa3: {  	[sflag:s23] =	ssyncset.done $0x0  }
0xa4: {  	s25 =	simm.s32 $0x1B8E;
	s24 =	sld [smem:$0x3FFE];
	[sflag:s23] =	ssyncadd.s32 $0xFFFFFFFF  }
0xa5: {  	s26 =	simm.s32 $execute0_lowered;
	[smem:$0x3FD2] =	sst s25  }
0xa6: {  	s5 =	sshll.u32 s26, $0x1;
	_ =	strace $0x80000046;
	[dreg:$0x1] =	wrdreg $0xFFFFFFFF  }
0xa7: {  	s28 =	simm.s32 $_size_execute0_lowered;
	s3 =	sadd.s32 s3, s5;
	[dreg:$0x0] =	wrdreg $0x0  }
0xa8: {  	s5 =	sshll.u32 s28, $0x1;
	[dreg:$0x2] =	wrdreg s3  }
0xa9: {  	[dreg:$0x3] =	wrdreg s5  }
0xaa: {  	[dreg:$0x4] =	wrdreg $0xC0  }
0xab: {  	_ =	task [dreg:s7], $0x5FFFF  }
0xac: {  	[dreg:$0x1] =	wrdreg $0xFFFFFFFF  }
0xad: {  	[dreg:$0x0] =	wrdreg $0x60  }
0xae: {  	[dreg:$0x2] =	wrdreg s2  }
0xaf: {  	[dreg:$0x3] =	wrdreg s24  }
0xb0: {  	[dreg:$0x4] =	wrdreg $0x9  }
0xb1: {  	_ =	task.clear_ibuf [dreg:s7], $0x5FFFF;
	_ =	strace $0x90000046  }
0xb2: {  	s29 =	simm.s32 $0x9;
	_ =	strace $0x80000048  }
0xb3: {  	_ =	swait.ge [sflag:s29], $0x1  }
0xb4: {  	[sflag:s29] =	ssyncadd.s32 $0xFFFFFFFF  }
0xb5: {  	_ =	strace $0x90000048  }
0xb6: {  	_ =	sfence  }
0xb7: {  	s30 =	sld [smem:$0x0];
	_ =	sdelay $0x2  }
0xb8: {  	s31 =	sshll.u32 s1, $0xD;
	s1 =	sshrl.u32 s1, $0x2  }
0xb9: {  	s3 =	sand.u32 $0x4000, s31;
	s1 =	sadd.s32 s1, s30  }
0xba: {  	s0 =	sor.u32 s3, s0;
	s1 =	sshll.u32 s1, $0x11  }
0xbb: {  	s0 =	sor.u32 s1, s0  }
0xbc: {  	s0 =	sadd.s32 $0x8F2B, s0  }
0xbd: {  	[sflag:s0] =	ssyncadd.remote.s32 $0x1  }
0xbe: {  	_ =	sfence.sel $0xFFFF  }
0xbf: {  	[dreg:$0x0] =	wrdreg $0xFFFFFFFF;
	(pc) =	sbr.abs _section_cstart, $3  }
0xc0: {  	[dreg:$0x1] =	wrdreg $0xFFFFFFFF  }
0xc1: {  	_ =	task.clear_ibuf [dreg:s7], $0x2FFFF;
	_ =	strace $0x9FFFFFFF  }
0xc2: {  	(tm) =	ssettm $0x7FFFFFFF  }
0xc3: {  	_ =	shalt  }
tec
execute0_lowered:
.L_overlay_start_1:
0x0: {  	(tag) =	ssettag $0x1  }
0x1: {  	s15 =	rddreg [dreg:$0x0]  }
0x2: {  	s4 =	rddreg [dreg:$0x1]  }
0x3: {  	s3 =	srdreg.scid;
	s0 =	stileid.u32;
	s2 =	simm.s32 $0x0  }
0x4: {  	s19 =	simm.s32 $0x640;
	s20 =	simm.s32 $0x2;
	s21 =	simm.s32 $0xCE40  }
0x5: {  	s22 =	simm.s32 $0x3;
	s23 =	simm.s32 $0x5;
	s24 =	simm.s32 $0x4  }
0x6: {  	s7 =	sand.u32 $0x1, s3;
	s28 =	sshll.u32 s0, $0x1;
	s12 =	smul.u32 $0xC800, s0  }
0x7: {  	s25 =	simm.s32 $0x6;
	s5 =	sor.u32 s7, s28;
	s14 =	smul.u32 $0x6400, s7  }
0x8: {  	s26 =	simm.s32 $0x0;
	[smem:$0x7FF] =	sst s2;
	s6 =	smul.u32 $0x6400, s5  }
0x9: {  	s3 =	sadd.s32 $0xA00, s4;
	s29 =	ssub.s32 $0x2, s7;
	s9 =	smul.u32 $0x190000, s5  }
0xa: {  	s13 =	sadd.s32 $0x7A8A00, s4;
	s8 =	sshrl.u32 s29, $0x1;
	s30 =	smul.u32 $0x32000, s5  }
0xb: {  	_ =	strace $0x80000047;
	s10 =	ssub.s32 s29, s8;
	s14 =	sadd.s32 s14, s12  }
0xc: {  	s6 =	sshrl.u32 s6, $0x3;
	s9 =	sshrl.u32 s9, $0x3;
	s7 =	sadd.s32 s13, s30  }
0xd: {  	s16 =	sadd.s32 $0xC80, s14;
	s17 =	sshll.u32 s14, $0x3;
	s18 =	sadd.s32 $0x960, s14  }
0xe: {  	s4 =	sadd.s32 s15, s6;
	s9 =	sadd.s32 s13, s9;
	s11 =	sadd.s32 $0x2D500, s7  }
0xf: {  	s12 =	sadd.s32 $0x2EE00, s7;
	s16 =	sshrl.u32 s16, $0x3;
	s17 =	sadd.s32 s13, s17  }
0x10: {  	s31 =	sshrl.u32 s18, $0x3;
	s18 =	simm.s32 $0x320;
	s5 =	sadd.s32 $0x64, s4  }
0x11: {  	s6 =	sadd.s32 $0xC8, s4;
	s8 =	sadd.s32 $0x30700, s9;
	s9 =	smax.u32 s10, $0x1  }
0x12: {  	s10 =	sadd.s32 $0xC1C, s4;
	s13 =	sadd.s32 s16, s15;
	s14 =	sadd.s32 $0x1900, s17  }
0x13: {  	s15 =	sadd.s32 s31, s15;
	s16 =	sadd.s32 $0x3200, s17;
	s17 =	simm.s32 $0x1  }
.LBB2_1:
0x14: {  	[tilespmem:s2], [sflag:$0x1] =	stream.linear.gather [hbm4b:s4+s2], $0x320, $0x38;
	[tilespmem:$0x19640] =	vst v63  }
0x15: {  	_ =	swait.ge [sflag:s17], $0x320  }
0x16: {  	[sflag:s17] =	ssyncset.done $0x0  }
0x17: {  	[sflag:s17] =	ssyncadd.s32 $0xFFFFFCE0  }
0x18: {  	[tilespmem:s19], [sflag:$0x3] =	stream.indirect.gather [hbm4b:s3+s18], $0x40, s2, s18, $0xb8;
	[tilespmem:$0x19640] =	vst v63  }
0x19: {  	_ = 	snop  }
0x1a: {  	[tilespmem:s18], [sflag:$0x2] =	stream.linear.gather [hbm4b:s5+s2], $0x320, $0x38;
	[tilespmem:$0x19640] =	vst v63  }
0x1b: {  	_ =	swait.ge [sflag:s20], $0x320  }
0x1c: {  	[sflag:s20] =	ssyncset.done $0x0  }
0x1d: {  	[sflag:s20] =	ssyncadd.s32 $0xFFFFFCE0  }
0x1e: {  	[tilespmem:s21], [sflag:$0x4] =	stream.indirect.gather [hbm4b:s3+s18], $0x40, s18, s18, $0xb8;
	[tilespmem:$0x19640] =	vst v63  }
0x1f: {  	_ =	swait.ge [sflag:s22], $0xC800  }
0x20: {  	[sflag:s22] =	ssyncset.done $0x0  }
0x21: {  	[sflag:s22] =	ssyncadd.s32 $0xFFFF3800  }
0x22: {  	[tilespmem:s2], [sflag:$0x1] =	stream.linear.gather [hbm4b:s6+s2], $0x320, $0x38;
	[tilespmem:$0x19640] =	vst v63  }
0x23: {  	_ = 	snop  }
0x24: {  	[hbm4b:s7+s2] =	stream.linear.scatter [tilespmem:s19], [sflag:$0x5], $0xC800, $0x38;
	[tilespmem:$0x19640] =	vst v63  }
0x25: {  	_ =	swait.ge [sflag:s23], $0xC800  }
0x26: {  	[sflag:s23] =	ssyncset.done $0x0  }
0x27: {  	[sflag:s23] =	ssyncadd.s32 $0xFFFF3800  }
0x28: {  	_ =	swait.ge [sflag:s17], $0x320  }
0x29: {  	[sflag:s17] =	ssyncset.done $0x0  }
0x2a: {  	[sflag:s17] =	ssyncadd.s32 $0xFFFFFCE0  }
0x2b: {  	[tilespmem:s19], [sflag:$0x3] =	stream.indirect.gather [hbm4b:s3+s18], $0x40, s2, s18, $0xb8;
	[tilespmem:$0x19640] =	vst v63  }
0x2c: {  	_ =	swait.ge [sflag:s24], $0xC800  }
0x2d: {  	[sflag:s24] =	ssyncset.done $0x0  }
0x2e: {  	s28 =	sadd.s32 $0x0, s15;
	[sflag:s24] =	ssyncadd.s32 $0xFFFF3800  }
0x2f: {  	[tilespmem:s18], [sflag:$0x2] =	stream.linear.gather [hbm4b:s28+s2], $0x320, $0x38;
	[tilespmem:$0x19640] =	vst v63  }
0x30: {  	_ = 	snop  }
0x31: {  	[hbm4b:s14+s2] =	stream.linear.scatter [tilespmem:s21], [sflag:$0x6], $0xC800, $0x38;
	[tilespmem:$0x19640] =	vst v63  }
0x32: {  	_ =	swait.ge [sflag:s25], $0xC800  }
0x33: {  	[sflag:s25] =	ssyncset.done $0x0  }
0x34: {  	[sflag:s25] =	ssyncadd.s32 $0xFFFF3800  }
0x35: {  	_ =	swait.ge [sflag:s20], $0x320  }
0x36: {  	[sflag:s20] =	ssyncset.done $0x0  }
0x37: {  	[sflag:s20] =	ssyncadd.s32 $0xFFFFFCE0  }
0x38: {  	[tilespmem:s21], [sflag:$0x4] =	stream.indirect.gather [hbm4b:s3+s18], $0x40, s18, s18, $0xb8;
	[tilespmem:$0x19640] =	vst v63  }
0x39: {  	_ =	swait.ge [sflag:s22], $0xC800  }
0x3a: {  	[sflag:s22] =	ssyncset.done $0x0  }
0x3b: {  	s29 =	sadd.s32 $0x3200, s14;
	s28 =	sadd.s32 $0x0, s13;
	[sflag:s22] =	ssyncadd.s32 $0xFFFF3800  }
0x3c: {  	[tilespmem:s2], [sflag:$0x1] =	stream.linear.gather [hbm4b:s28+s2], $0x320, $0x38;
	[tilespmem:$0x19640] =	vst v63  }
0x3d: {  	s30 =	sadd.s32 $0x3200, s16;
	s31 =	smov.u32 s16;
	s28 =	simm.s32 $0xC8  }
.LBB2_2:
0x3e: {  	[hbm4b:s31+s2] =	stream.linear.scatter [tilespmem:s19], [sflag:$0x5], $0xC800, $0x38;
	[tilespmem:$0x19640] =	vst v63  }
0x3f: {  	s0 =	smov.u32 s28;
	s31 =	smov.u32 s30  }
0x40: {  	p0 =	sne.s32 s28, $0xA28;
	s28 =	sadd.s32 $0xC8, s28;
	_ =	swait.ge [sflag:s23], $0xC800  }
0x41: {  	[sflag:s23] =	ssyncset.done $0x0  }
0x42: {  	[sflag:s23] =	ssyncadd.s32 $0xFFFF3800  }
0x43: {  	_ =	swait.ge [sflag:s17], $0x320  }
0x44: {  	[sflag:s17] =	ssyncset.done $0x0  }
0x45: {  	[sflag:s17] =	ssyncadd.s32 $0xFFFFFCE0  }
0x46: {  	[tilespmem:s19], [sflag:$0x3] =	stream.indirect.gather [hbm4b:s3+s18], $0x40, s2, s18, $0xb8;
	[tilespmem:$0x19640] =	vst v63  }
0x47: {  	_ =	swait.ge [sflag:s24], $0xC800  }
0x48: {  	[sflag:s24] =	ssyncset.done $0x0  }
0x49: {  	s1 =	sadd.s32 s0, s15;
	[sflag:s24] =	ssyncadd.s32 $0xFFFF3800  }
0x4a: {  	[tilespmem:s18], [sflag:$0x2] =	stream.linear.gather [hbm4b:s1+s2], $0x320, $0x38;
	[tilespmem:$0x19640] =	vst v63  }
0x4b: {  	_ = 	snop  }
0x4c: {  	[hbm4b:s29+s2] =	stream.linear.scatter [tilespmem:s21], [sflag:$0x6], $0xC800, $0x38;
	[tilespmem:$0x19640] =	vst v63  }
0x4d: {  	_ =	swait.ge [sflag:s25], $0xC800  }
0x4e: {  	[sflag:s25] =	ssyncset.done $0x0  }
0x4f: {  	[sflag:s25] =	ssyncadd.s32 $0xFFFF3800  }
0x50: {  	_ =	swait.ge [sflag:s20], $0x320  }
0x51: {  	[sflag:s20] =	ssyncset.done $0x0  }
0x52: {  	[sflag:s20] =	ssyncadd.s32 $0xFFFFFCE0  }
0x53: {  	[tilespmem:s21], [sflag:$0x4] =	stream.indirect.gather [hbm4b:s3+s18], $0x40, s18, s18, $0xb8;
	[tilespmem:$0x19640] =	vst v63  }
.Ltmp0:
0x54: {  	_ =	swait.ge [sflag:s22], $0xC800;
	(pc) =	sbr.rel @p0 .LBB2_2-.Ltmp0, $4  }
0x55: {  	[sflag:s22] =	ssyncset.done $0x0  }
0x56: {  	s0 =	sadd.s32 s0, s13;
	[sflag:s22] =	ssyncadd.s32 $0xFFFF3800  }
0x57: {  	[tilespmem:s2], [sflag:$0x1] =	stream.linear.gather [hbm4b:s0+s2], $0x320, $0x38;
	[tilespmem:$0x19640] =	vst v63  }
0x58: {  	s30 =	sadd.s32 $0x3200, s30;
	s29 =	sadd.s32 $0x3200, s29  }
0x59: {  	[hbm4b:s31+s2] =	stream.linear.scatter [tilespmem:s19], [sflag:$0x5], $0xC800, $0x38;
	[tilespmem:$0x19640] =	vst v63  }
0x5a: {  	_ =	swait.ge [sflag:s23], $0xC800  }
0x5b: {  	[sflag:s23] =	ssyncset.done $0x0  }
0x5c: {  	[sflag:s23] =	ssyncadd.s32 $0xFFFF3800  }
0x5d: {  	_ =	swait.ge [sflag:s17], $0x320  }
0x5e: {  	[sflag:s17] =	ssyncset.done $0x0  }
0x5f: {  	[sflag:s17] =	ssyncadd.s32 $0xFFFFFCE0  }
0x60: {  	[tilespmem:s19], [sflag:$0x3] =	stream.indirect.gather [hbm4b:s3+s18], $0x40, s2, s18, $0xb8;
	[tilespmem:$0x19640] =	vst v63  }
0x61: {  	_ =	swait.ge [sflag:s24], $0xC800  }
0x62: {  	[sflag:s24] =	ssyncset.done $0x0  }
0x63: {  	[sflag:s24] =	ssyncadd.s32 $0xFFFF3800  }
0x64: {  	[tilespmem:s18], [sflag:$0x2] =	stream.linear.gather [hbm4b:s10+s2], $0x320, $0x38;
	[tilespmem:$0x19640] =	vst v63  }
0x65: {  	_ = 	snop  }
0x66: {  	[hbm4b:s11+s2] =	stream.linear.scatter [tilespmem:s21], [sflag:$0x6], $0xC800, $0x38;
	[tilespmem:$0x19640] =	vst v63  }
0x67: {  	_ =	swait.ge [sflag:s25], $0xC800  }
0x68: {  	[sflag:s25] =	ssyncset.done $0x0  }
0x69: {  	[sflag:s25] =	ssyncadd.s32 $0xFFFF3800  }
0x6a: {  	_ =	swait.ge [sflag:s20], $0x320  }
0x6b: {  	[sflag:s20] =	ssyncset.done $0x0  }
0x6c: {  	[sflag:s20] =	ssyncadd.s32 $0xFFFFFCE0  }
0x6d: {  	[tilespmem:s21], [sflag:$0x4] =	stream.indirect.gather [hbm4b:s3+s18], $0x40, s18, s18, $0xb8;
	[tilespmem:$0x19640] =	vst v63  }
0x6e: {  	_ =	swait.ge [sflag:s22], $0xC800  }
0x6f: {  	[sflag:s22] =	ssyncset.done $0x0  }
0x70: {  	[sflag:s22] =	ssyncadd.s32 $0xFFFF3800  }
0x71: {  	[hbm4b:s12+s2] =	stream.linear.scatter [tilespmem:s19], [sflag:$0x5], $0xC800, $0x38;
	[tilespmem:$0x19640] =	vst v63  }
0x72: {  	_ =	swait.ge [sflag:s24], $0xC800  }
0x73: {  	[sflag:s24] =	ssyncset.done $0x0  }
0x74: {  	s26 =	sadd.s32 $0x1, s26;
	[sflag:s24] =	ssyncadd.s32 $0xFFFF3800  }
0x75: {  	[hbm4b:s8+s2] =	stream.linear.scatter [tilespmem:s21], [sflag:$0x6], $0xC800, $0x38;
	[tilespmem:$0x19640] =	vst v63  }
0x76: {  	p0 =	sne.s32 s26, s9;
	_ =	swait.ge [sflag:s23], $0xC800  }
.Ltmp1:
0x77: {  	[sflag:s23] =	ssyncset.done $0x0;
	(pc) =	sbr.rel @p0 .LBB2_1-.Ltmp1, $4  }
0x78: {  	[sflag:s23] =	ssyncadd.s32 $0xFFFF3800  }
0x79: {  	_ =	swait.ge [sflag:s25], $0xC800  }
0x7a: {  	[sflag:s25] =	ssyncset.done $0x0  }
0x7b: {  	[sflag:s25] =	ssyncadd.s32 $0xFFFF3800  }
0x7c: {  	_ =	sfence.sel $0x180000  }
0x7d: {  	[bflag:$0x0] =	sbarrier.arrive $0xFFFF  }
0x7e: {  	_ =	strace $0x90000047  }
0x7f: {  	s0 =	stileid.u32;
	[bflag:$0x2] =	sbarrier.arrive $0xFFFF  }
0x80: {  	p0 =	sne.s32 s0, $0x0;
	s0 =	rddreg [dreg:$0x2]  }
0x81: {  	s0 =	sadd.s32 @!p0 $0x100000, s0  }
0x82: {  	[sflag:s0] =	ssyncadd.tile.s32 @!p0 $0x1;
	_ =	shalt  }
.Lfunc_end2:
_tile_overlayer_lowered:
.L_overlay_start_2:
0x83: {  	(tag) =	ssettag $0x2  }
0x84: {  	s0 =	rddreg [dreg:$0x0];
	s2 =	stileid.u32  }
0x85: {  	s1 =	rddreg [dreg:$0x1];
	p0 =	sne.s32 s2, $0x0  }
0x86: {  	s3 =	rddreg [dreg:$0x2];
	[bflag:$0x3] =	sbarrier.arrive $0xFFFF;
	s2 =	simm.s32 @!p0 $0x1C07  }
0x87: {  	[timem:s3], [sflag:s2] =	dma.local @!p0 [hbm:s0], s1  }
0x88: {  	s0 =	simm.s32 @!p0 $0x7  }
0x89: {  	_ =	swait.ge @!p0 [sflag:s0], s1  }
0x8a: {  	s1 =	ssub.s32 @!p0 $0x0, s1;
	[sflag:s0] =	ssyncset.done @!p0 $0x0  }
0x8b: {  	[sflag:s0] =	ssyncadd.s32 @!p0 s1  }
0x8c: {  	[bflag:$0x3] =	sbarrier.arrive $0xFFFF  }
0x8d: {  	_ =	shalt  }

</sc_bundles>
